<compile_context>
chip_gen: v7x
topology: tpu7x:2x2x1
jax: 0.10.2.dev20260603
libtpu: 0.0.44.dev20260713+nightly
codegen_flags: <defaults>
</compile_context>

<pallas_src>
import functools

import jax
import jax.numpy as jnp
from jax import lax
from jax.experimental import pallas as pl
from jax.experimental.pallas import tpu as pltpu
from jax.experimental.pallas import tpu_sc as plsc

_B, _C, _H, _W = 4, 96, 384, 384
_HW = _H * _W
_NF = 128
_K = 3
_BH = 64
_ROWS = _HW // 128
_NB2 = _ROWS // 8
_NEG = float("-inf")



def _cmax_body(x_ref, o_ref):
    o_ref[0] = jnp.max(x_ref[0], axis=0)


def _topk_body(cm_ref, o_ref, bm):
    scr = cm_ref
    c3 = scr[...].reshape(_B * _NB2, 8, 128)
    bm[...] = jnp.max(c3, axis=(1, 2))[None, :]
    li = jax.lax.broadcasted_iota(jnp.int32, (1, _NF), 1)
    bi = jax.lax.broadcasted_iota(jnp.int32, (1, _NB2), 1)
    bi4 = jax.lax.broadcasted_iota(jnp.int32, (1, _B * _NB2), 1)
    ri = jax.lax.broadcasted_iota(jnp.int32, (8, 128), 0)
    ci = jax.lax.broadcasted_iota(jnp.int32, (8, 128), 1)
    fl = ri * 128 + ci

    def body(i, res):
        bmv = bm[...]
        bmnew = bmv
        out = []
        for b in range(_B):
            bmb = bmv[:, b * _NB2:(b + 1) * _NB2]
            g = jnp.max(bmb)
            blk = jnp.min(jnp.where(bmb == g, bi, _NB2))
            start = pl.multiple_of((b * _NB2 + blk) * 8, 8)
            rows = scr[pl.ds(start, 8), :]
            loc = jnp.min(jnp.where(rows == g, fl, _HW))
            gidx = blk * 1024 + loc
            nrows = jnp.where(fl == loc, _NEG, rows)
            scr[pl.ds(start, 8), :] = nrows
            bmnew = jnp.where(bi4 == b * _NB2 + blk, jnp.max(nrows), bmnew)
            out.append(jnp.where(li == i, gidx, res[b]))
        bm[...] = bmnew
        return tuple(out)

    init = tuple(jnp.zeros((1, _NF), jnp.int32) for _ in range(_B))
    res = jax.lax.fori_loop(0, _NF, body, init)
    for b in range(_B):
        o_ref[b] = res[b]


def _sc_body(xflat, idxn_hbm, outv_hbm, outi_hbm,
             pvec, idxbuf, vals, redv, redi, sem):
    wid = lax.axis_index("s") * 2 + lax.axis_index("c")
    b = wid // 8
    chunk = wid % 8
    pltpu.sync_copy(idxn_hbm.at[b, pl.ds(chunk * 16, 16)], pvec)
    p = pvec[...]
    for c in range(_C):
        r, cc = divmod(c, 8)
        idxbuf[r, pl.ds(cc * 16, 16)] = p + (b * _C + c) * _HW
    cps = [pltpu.async_copy(xflat.at[idxbuf.at[r]], vals.at[r], sem)
           for r in range(12)]
    for cp in cps:
        cp.wait()
    neg = jnp.full((16,), _NEG, jnp.float32)
    zero = jnp.zeros((16,), jnp.int32)
    m1, m2, m3 = neg, neg, neg
    i1, i2, i3 = zero, zero, zero
    for c in range(_C):
        r, cc = divmod(c, 8)
        v = vals[r, pl.ds(cc * 16, 16)]
        cv = jnp.full((16,), c, jnp.int32)
        gt1 = v > m1
        gt2 = v > m2
        gt3 = v > m3
        m3 = jnp.where(gt3, jnp.where(gt2, m2, v), m3)
        i3 = jnp.where(gt3, jnp.where(gt2, i2, cv), i3)
        m2 = jnp.where(gt2, jnp.where(gt1, m1, v), m2)
        i2 = jnp.where(gt2, jnp.where(gt1, i1, cv), i2)
        m1 = jnp.where(gt1, v, m1)
        i1 = jnp.where(gt1, cv, i1)
    redv[0, :] = m1
    redv[1, :] = m2
    redv[2, :] = m3
    redi[0, :] = i1.astype(jnp.float32)
    redi[1, :] = i2.astype(jnp.float32)
    redi[2, :] = i3.astype(jnp.float32)
    for r2 in range(_K):
        pltpu.sync_copy(redv.at[r2], outv_hbm.at[b, r2, pl.ds(chunk * 16, 16)])
        pltpu.sync_copy(redi.at[r2], outi_hbm.at[b, r2, pl.ds(chunk * 16, 16)])


@functools.cache
def _sc_gather_top3():
    return functools.partial(
        pl.kernel,
        out_type=[jax.ShapeDtypeStruct((_B, _K, _NF), jnp.float32),
                  jax.ShapeDtypeStruct((_B, _K, _NF), jnp.float32)],
        mesh=plsc.VectorSubcoreMesh(core_axis_name="c", subcore_axis_name="s"),
        scratch_types=[pltpu.VMEM((16,), jnp.int32),
                       pltpu.VMEM((12, 128), jnp.int32),
                       pltpu.VMEM((12, 128), jnp.float32),
                       pltpu.VMEM((_K, 16), jnp.float32),
                       pltpu.VMEM((_K, 16), jnp.float32),
                       pltpu.SemaphoreType.DMA],
    )(_sc_body)


def kernel(x):
    B, C, H, W = x.shape

    cm = pl.pallas_call(
        _cmax_body,
        grid=(B, H // _BH),
        in_specs=[pl.BlockSpec((1, C, _BH, W), lambda b, j: (b, 0, j, 0))],
        out_specs=pl.BlockSpec((1, _BH, W), lambda b, j: (b, j, 0)),
        out_shape=jax.ShapeDtypeStruct((B, H, W), jnp.float32),
    )(x)

    idxn = pl.pallas_call(
        _topk_body,
        out_shape=jax.ShapeDtypeStruct((B, 1, _NF), jnp.int32),
        scratch_shapes=[pltpu.VMEM((1, B * _NB2), jnp.float32)],
    )(cm.reshape(B * _ROWS, 128))

    outv, outi = _sc_gather_top3()(x.reshape(-1), idxn.reshape(B, _NF))
    return (outi, outv, idxn)

# --- scband reference (transcript-rebuilt; emitter-appended) ---
"""Pipeline reference for scband-pixel-perfect-70274254897153 (READ-ONLY COPY).

The authoritative reference and input builder live on the scoring server;
editing this copy changes nothing except your own understanding.
"""

import jax, jax.numpy as jnp
import numpy as np

N_FEATURES = 128
K_VALS = 3

def setup_inputs(seed: int = 0) -> dict:
    key = jax.random.key(seed)
    x = jax.random.normal(key, (4, 96, 384, 384), dtype=jnp.float32)
    return {"x": x}

def reference(x):
    B, C, H, W = x.shape
    # channel-last: [B, H, W, C]
    cl = jnp.transpose(x, (0, 2, 3, 1))
    # top-k over channels
    topk_vals, idxk = jax.lax.top_k(cl, K_VALS)            # [B, H, W, k]
    topk = jnp.transpose(topk_vals, (0, 3, 1, 2))          # [B, k, H, W]
    idxk_t = jnp.transpose(idxk, (0, 3, 1, 2))             # [B, k, H, W]
    # MaxPool3d kernel (3,1,1), stride 1, ceil_mode over depth dim k.
    # With k_vals == 3 the depth-output size is ceil((3-3)/1)+1 = 1, i.e. a full max over the k dimension.
    max_vals = jnp.max(topk, axis=1, keepdims=True)        # [B, 1, H, W]
    max_flat = max_vals.reshape(B, 1, H * W)               # [B, 1, H*W]
    _, idxn = jax.lax.top_k(max_flat, N_FEATURES)          # [B, 1, n_features]
    flat_topk = topk.reshape(B, 1, K_VALS, H * W)          # [B, 1, k, H*W]
    flat_idxk = idxk_t.reshape(B, 1, K_VALS, H * W)        # [B, 1, k, H*W]
    idx_b = jnp.broadcast_to(idxn[:, :, None, :], (B, 1, K_VALS, N_FEATURES))
    # per-batch index_select along the flattened spatial dim, then cat over batch -> [B, k, n_features]
    reduced_topk = jnp.take_along_axis(flat_topk, idx_b, axis=3)[:, 0]
    reduced_idxk = jnp.take_along_axis(flat_idxk, idx_b, axis=3)[:, 0].astype(jnp.float32)
    return (reduced_idxk, reduced_topk, idxn)

if __name__ == "__main__":
    import jax
    _d = setup_inputs()
    print(jax.jit(kernel)(*tuple(_d.values())))

</pallas_src>

<mosaic_0001>
#map = affine_map<(d0, d1) -> (0)>
#map1 = affine_map<(d0, d1) -> (0, 0)>
#map2 = affine_map<(d0, d1) -> (0, 0, 0)>
module attributes {stable_mosaic.version = 14 : i64} {
  func.func @_sc_body(%arg0: i32, %arg1: i32, %arg2: memref<56623104xf32, #tpu.memory_space<hbm>>, %arg3: memref<4x128xi32, #tpu.memory_space<hbm>>, %arg4: memref<4x3x128xf32, #tpu.memory_space<hbm>>, %arg5: memref<4x3x128xf32, #tpu.memory_space<hbm>>, %arg6: memref<16xi32, #tpu.memory_space<vmem>>, %arg7: memref<12x128xi32, #tpu.memory_space<vmem>>, %arg8: memref<12x128xf32, #tpu.memory_space<vmem>>, %arg9: memref<3x16xf32, #tpu.memory_space<vmem>>, %arg10: memref<3x16xf32, #tpu.memory_space<vmem>>, %arg11: memref<!tpu.dma_semaphore, #tpu.memory_space<semaphore_mem>>) attributes {dimension_semantics = [#tpu.dimension_semantics<core_parallel>, #tpu.dimension_semantics<subcore_parallel>], iteration_bounds = array<i64: 2, 16>, scalar_prefetch = 0 : i64, scratch_operands = 6 : i64, tpu.core_type = #tpu.core_type<sc_vector_subcore>, window_params = [{transform_indices = #map}, {transform_indices = #map1}, {transform_indices = #map2}, {transform_indices = #map2}]} {
    %mul3A = arith.constant 2 : i32
    %mul3A_0 = arith.muli %arg1, %mul3A : i32
    %add3A = arith.addi %mul3A_0, %arg0 : i32
    %jit3A = arith.constant 8 : i32
    %div3A = arith.divsi %add3A, %jit3A : i32
    %sign3A = arith.constant 0 : i32
    %sign3A_1 = arith.cmpi sgt, %add3A, %sign3A : i32
    %sign3A_2 = arith.extui %sign3A_1 : i1 to i32
    %sign3A_3 = arith.constant 0 : i32
    %sign3A_4 = arith.cmpi slt, %add3A, %sign3A_3 : i32
    %sign3A_5 = arith.extui %sign3A_4 : i1 to i32
    %sign3A_6 = arith.subi %sign3A_2, %sign3A_5 : i32
    %sign3A_7 = arith.constant 0 : i32
    %sign3A_8 = arith.cmpi sgt, %jit3A, %sign3A_7 : i32
    %sign3A_9 = arith.extui %sign3A_8 : i1 to i32
    %sign3A_10 = arith.constant 0 : i32
    %sign3A_11 = arith.cmpi slt, %jit3A, %sign3A_10 : i32
    %sign3A_12 = arith.extui %sign3A_11 : i1 to i32
    %sign3A_13 = arith.subi %sign3A_9, %sign3A_12 : i32
    %ne3A = arith.cmpi ne, %sign3A_6, %sign3A_13 : i32
    %rem3A = arith.remsi %add3A, %jit3A : i32
    %ne3A_14 = arith.constant 0 : i32
    %ne3A_15 = arith.cmpi ne, %rem3A, %ne3A_14 : i32
    %and3A = arith.andi %ne3A, %ne3A_15 : i1
    %sub3A = arith.constant 1 : i32
    %sub3A_16 = arith.subi %div3A, %sub3A : i32
    %select_n3A = arith.select %and3A, %sub3A_16, %div3A : i32
    %jit3A_17 = arith.constant 8 : i32
    %eq3A = arith.constant 0 : i32
    %eq3A_18 = arith.cmpi eq, %jit3A_17, %eq3A : i32
    %jit3A_19 = arith.constant 1 : i32
    %select_n3A_20 = arith.select %eq3A_18, %jit3A_19, %jit3A_17 : i32
    %rem3A_21 = arith.remsi %add3A, %select_n3A_20 : i32
    %ne3A_22 = arith.constant 0 : i32
    %ne3A_23 = arith.cmpi ne, %rem3A_21, %ne3A_22 : i32
    %lt3A = arith.constant 0 : i32
    %lt3A_24 = arith.cmpi slt, %rem3A_21, %lt3A : i32
    %lt3A_25 = arith.constant 0 : i32
    %lt3A_26 = arith.cmpi slt, %select_n3A_20, %lt3A_25 : i32
    %ne3A_27 = arith.xori %lt3A_24, %lt3A_26 : i1
    %and3A_28 = arith.andi %ne3A_27, %ne3A_23 : i1
    %add3A_29 = arith.addi %rem3A_21, %select_n3A_20 : i32
    %select_n3A_30 = arith.select %and3A_28, %add3A_29, %rem3A_21 : i32
    %mul3A_31 = arith.constant 16 : i32
    %mul3A_32 = arith.muli %select_n3A_30, %mul3A_31 : i32
    "tpu.region"() ({
      %run_scoped3A_3599 = tpu.sem_alloc : memref<!tpu.dma_semaphore, #tpu.memory_space<semaphore_mem>>
      %dma_start3A_3600 = tpu.memref_slice %arg3[%select_n3A, %mul3A_32] : memref<4x128xi32, #tpu.memory_space<hbm>> -> memref<1x16xi32, #tpu.memory_space<hbm>>
      %dma_start3A_3601 = tpu.memref_squeeze %dma_start3A_3600 : memref<1x16xi32, #tpu.memory_space<hbm>> -> memref<16xi32, #tpu.memory_space<hbm>>
      %dma_start3A_3602 = tpu.memref_slice %arg3[%select_n3A, %mul3A_32] : memref<4x128xi32, #tpu.memory_space<hbm>> -> memref<1x16xi32, #tpu.memory_space<hbm>>
      %dma_start3A_3603 = tpu.memref_squeeze %dma_start3A_3602 : memref<1x16xi32, #tpu.memory_space<hbm>> -> memref<16xi32, #tpu.memory_space<hbm>>
      tpu.enqueue_dma source(%dma_start3A_3603 : memref<16xi32, #tpu.memory_space<hbm>>) target(%arg6 : memref<16xi32, #tpu.memory_space<vmem>>) target_semaphore(%run_scoped3A_3599 : memref<!tpu.dma_semaphore, #tpu.memory_space<semaphore_mem>>)
      %dma_wait3A_3604 = tpu.memref_slice %arg3[%select_n3A, %mul3A_32] : memref<4x128xi32, #tpu.memory_space<hbm>> -> memref<1x16xi32, #tpu.memory_space<hbm>>
      %dma_wait3A_3605 = tpu.memref_squeeze %dma_wait3A_3604 : memref<1x16xi32, #tpu.memory_space<hbm>> -> memref<16xi32, #tpu.memory_space<hbm>>
      %dma_wait3A_3606 = tpu.memref_slice %arg3[%select_n3A, %mul3A_32] : memref<4x128xi32, #tpu.memory_space<hbm>> -> memref<1x16xi32, #tpu.memory_space<hbm>>
      %dma_wait3A_3607 = tpu.memref_squeeze %dma_wait3A_3606 : memref<1x16xi32, #tpu.memory_space<hbm>> -> memref<16xi32, #tpu.memory_space<hbm>>
      tpu.wait_dma2 semaphore(%run_scoped3A_3599 : memref<!tpu.dma_semaphore, #tpu.memory_space<semaphore_mem>>) src(%dma_wait3A_3607 : memref<16xi32, #tpu.memory_space<hbm>>) dst(%arg6 : memref<16xi32, #tpu.memory_space<vmem>>)
      tpu.yield
    }) : () -> ()
    %get3A = arith.constant 0 : index
    %get3A_33 = tpu.vector_load %arg6[%get3A] {strides = array<i32>} : memref<16xi32, #tpu.memory_space<vmem>>, vector<16xi32>,
    %get3A_34 = vector.shape_cast %get3A_33 : vector<16xi32> to vector<16xi32>
    %mul3A_35 = arith.constant 96 : i32
    %mul3A_36 = arith.muli %select_n3A, %mul3A_35 : i32
    %add3A_37 = arith.constant 0 : i32
    %add3A_38 = arith.addi %mul3A_36, %add3A_37 : i32
    %mul3A_39 = arith.constant 147456 : i32
    %mul3A_40 = arith.muli %add3A_38, %mul3A_39 : i32
    %add3A_41 = vector.broadcast %mul3A_40 : i32 to vector<16xi32>
    %add3A_42 = arith.addi %get3A_34, %add3A_41 : vector<16xi32>
    %swap3A = arith.constant 0 : i32
    %swap3A_43 = arith.index_cast %swap3A : i32 to index
    %swap3A_44 = arith.constant 0 : index
    %swap3A_45 = tpu.vector_load %arg7[%swap3A_43, %swap3A_44] {strides = array<i32>} : memref<12x128xi32, #tpu.memory_space<vmem>>, vector<1x16xi32>,
    %swap3A_46 = vector.shape_cast %swap3A_45 : vector<1x16xi32> to vector<16xi32>
    %swap3A_47 = vector.shape_cast %add3A_42 : vector<16xi32> to vector<1x16xi32>
    tpu.vector_store %arg7[%swap3A_43, %swap3A_44], %swap3A_47 {strides = array<i32>} : memref<12x128xi32, #tpu.memory_space<vmem>>, vector<1x16xi32>,
    %mul3A_48 = arith.constant 96 : i32
    %mul3A_49 = arith.muli %select_n3A, %mul3A_48 : i32
    %add3A_50 = arith.constant 1 : i32
    %add3A_51 = arith.addi %mul3A_49, %add3A_50 : i32
    %mul3A_52 = arith.constant 147456 : i32
    %mul3A_53 = arith.muli %add3A_51, %mul3A_52 : i32
    %add3A_54 = vector.broadcast %mul3A_53 : i32 to vector<16xi32>
    %add3A_55 = arith.addi %get3A_34, %add3A_54 : vector<16xi32>
    %swap3A_56 = arith.constant 0 : i32
    %swap3A_57 = arith.index_cast %swap3A_56 : i32 to index
    %swap3A_58 = arith.constant 16 : index
    %swap3A_59 = tpu.vector_load %arg7[%swap3A_57, %swap3A_58] {strides = array<i32>} : memref<12x128xi32, #tpu.memory_space<vmem>>, vector<1x16xi32>,
    %swap3A_60 = vector.shape_cast %swap3A_59 : vector<1x16xi32> to vector<16xi32>
    %swap3A_61 = vector.shape_cast %add3A_55 : vector<16xi32> to vector<1x16xi32>
    tpu.vector_store %arg7[%swap3A_57, %swap3A_58], %swap3A_61 {strides = array<i32>} : memref<12x128xi32, #tpu.memory_space<vmem>>, vector<1x16xi32>,
    %mul3A_62 = arith.constant 96 : i32
    %mul3A_63 = arith.muli %select_n3A, %mul3A_62 : i32
    %add3A_64 = arith.constant 2 : i32
    %add3A_65 = arith.addi %mul3A_63, %add3A_64 : i32
    %mul3A_66 = arith.constant 147456 : i32
    %mul3A_67 = arith.muli %add3A_65, %mul3A_66 : i32
    %add3A_68 = vector.broadcast %mul3A_67 : i32 to vector<16xi32>
    %add3A_69 = arith.addi %get3A_34, %add3A_68 : vector<16xi32>
    %swap3A_70 = arith.constant 0 : i32
    %swap3A_71 = arith.index_cast %swap3A_70 : i32 to index
    %swap3A_72 = arith.constant 32 : index
    %swap3A_73 = tpu.vector_load %arg7[%swap3A_71, %swap3A_72] {strides = array<i32>} : memref<12x128xi32, #tpu.memory_space<vmem>>, vector<1x16xi32>,
    %swap3A_74 = vector.shape_cast %swap3A_73 : vector<1x16xi32> to vector<16xi32>
    %swap3A_75 = vector.shape_cast %add3A_69 : vector<16xi32> to vector<1x16xi32>
    tpu.vector_store %arg7[%swap3A_71, %swap3A_72], %swap3A_75 {strides = array<i32>} : memref<12x128xi32, #tpu.memory_space<vmem>>, vector<1x16xi32>,
    %mul3A_76 = arith.constant 96 : i32
    %mul3A_77 = arith.muli %select_n3A, %mul3A_76 : i32
    %add3A_78 = arith.constant 3 : i32
    %add3A_79 = arith.addi %mul3A_77, %add3A_78 : i32
    %mul3A_80 = arith.constant 147456 : i32
    %mul3A_81 = arith.muli %add3A_79, %mul3A_80 : i32
    %add3A_82 = vector.broadcast %mul3A_81 : i32 to vector<16xi32>
    %add3A_83 = arith.addi %get3A_34, %add3A_82 : vector<16xi32>
    %swap3A_84 = arith.constant 0 : i32
    %swap3A_85 = arith.index_cast %swap3A_84 : i32 to index
    %swap3A_86 = arith.constant 48 : index
    %swap3A_87 = tpu.vector_load %arg7[%swap3A_85, %swap3A_86] {strides = array<i32>} : memref<12x128xi32, #tpu.memory_space<vmem>>, vector<1x16xi32>,
    %swap3A_88 = vector.shape_cast %swap3A_87 : vector<1x16xi32> to vector<16xi32>
    %swap3A_89 = vector.shape_cast %add3A_83 : vector<16xi32> to vector<1x16xi32>
    tpu.vector_store %arg7[%swap3A_85, %swap3A_86], %swap3A_89 {strides = array<i32>} : memref<12x128xi32, #tpu.memory_space<vmem>>, vector<1x16xi32>,
    %mul3A_90 = arith.constant 96 : i32
    %mul3A_91 = arith.muli %select_n3A, %mul3A_90 : i32
    %add3A_92 = arith.constant 4 : i32
    %add3A_93 = arith.addi %mul3A_91, %add3A_92 : i32
    %mul3A_94 = arith.constant 147456 : i32
    %mul3A_95 = arith.muli %add3A_93, %mul3A_94 : i32
    %add3A_96 = vector.broadcast %mul3A_95 : i32 to vector<16xi32>
    %add3A_97 = arith.addi %get3A_34, %add3A_96 : vector<16xi32>
    %swap3A_98 = arith.constant 0 : i32
    %swap3A_99 = arith.index_cast %swap3A_98 : i32 to index
    %swap3A_100 = arith.constant 64 : index
    %swap3A_101 = tpu.vector_load %arg7[%swap3A_99, %swap3A_100] {strides = array<i32>} : memref<12x128xi32, #tpu.memory_space<vmem>>, vector<1x16xi32>,
    %swap3A_102 = vector.shape_cast %swap3A_101 : vector<1x16xi32> to vector<16xi32>
    %swap3A_103 = vector.shape_cast %add3A_97 : vector<16xi32> to vector<1x16xi32>
    tpu.vector_store %arg7[%swap3A_99, %swap3A_100], %swap3A_103 {strides = array<i32>} : memref<12x128xi32, #tpu.memory_space<vmem>>, vector<1x16xi32>,
    %mul3A_104 = arith.constant 96 : i32
    %mul3A_105 = arith.muli %select_n3A, %mul3A_104 : i32
    %add3A_106 = arith.constant 5 : i32
    %add3A_107 = arith.addi %mul3A_105, %add3A_106 : i32
    %mul3A_108 = arith.constant 147456 : i32
    %mul3A_109 = arith.muli %add3A_107, %mul3A_108 : i32
    %add3A_110 = vector.broadcast %mul3A_109 : i32 to vector<16xi32>
    %add3A_111 = arith.addi %get3A_34, %add3A_110 : vector<16xi32>
    %swap3A_112 = arith.constant 0 : i32
    %swap3A_113 = arith.index_cast %swap3A_112 : i32 to index
    %swap3A_114 = arith.constant 80 : index
    %swap3A_115 = tpu.vector_load %arg7[%swap3A_113, %swap3A_114] {strides = array<i32>} : memref<12x128xi32, #tpu.memory_space<vmem>>, vector<1x16xi32>,
    %swap3A_116 = vector.shape_cast %swap3A_115 : vector<1x16xi32> to vector<16xi32>
    %swap3A_117 = vector.shape_cast %add3A_111 : vector<16xi32> to vector<1x16xi32>
    tpu.vector_store %arg7[%swap3A_113, %swap3A_114], %swap3A_117 {strides = array<i32>} : memref<12x128xi32, #tpu.memory_space<vmem>>, vector<1x16xi32>,
    %mul3A_118 = arith.constant 96 : i32
    %mul3A_119 = arith.muli %select_n3A, %mul3A_118 : i32
    %add3A_120 = arith.constant 6 : i32
    %add3A_121 = arith.addi %mul3A_119, %add3A_120 : i32
    %mul3A_122 = arith.constant 147456 : i32
    %mul3A_123 = arith.muli %add3A_121, %mul3A_122 : i32
    %add3A_124 = vector.broadcast %mul3A_123 : i32 to vector<16xi32>
    %add3A_125 = arith.addi %get3A_34, %add3A_124 : vector<16xi32>
    %swap3A_126 = arith.constant 0 : i32
    %swap3A_127 = arith.index_cast %swap3A_126 : i32 to index
    %swap3A_128 = arith.constant 96 : index
    %swap3A_129 = tpu.vector_load %arg7[%swap3A_127, %swap3A_128] {strides = array<i32>} : memref<12x128xi32, #tpu.memory_space<vmem>>, vector<1x16xi32>,
    %swap3A_130 = vector.shape_cast %swap3A_129 : vector<1x16xi32> to vector<16xi32>
    %swap3A_131 = vector.shape_cast %add3A_125 : vector<16xi32> to vector<1x16xi32>
    tpu.vector_store %arg7[%swap3A_127, %swap3A_128], %swap3A_131 {strides = array<i32>} : memref<12x128xi32, #tpu.memory_space<vmem>>, vector<1x16xi32>,
    %mul3A_132 = arith.constant 96 : i32
    %mul3A_133 = arith.muli %select_n3A, %mul3A_132 : i32
    %add3A_134 = arith.constant 7 : i32
    %add3A_135 = arith.addi %mul3A_133, %add3A_134 : i32
    %mul3A_136 = arith.constant 147456 : i32
    %mul3A_137 = arith.muli %add3A_135, %mul3A_136 : i32
    %add3A_138 = vector.broadcast %mul3A_137 : i32 to vector<16xi32>
    %add3A_139 = arith.addi %get3A_34, %add3A_138 : vector<16xi32>
    %swap3A_140 = arith.constant 0 : i32
    %swap3A_141 = arith.index_cast %swap3A_140 : i32 to index
    %swap3A_142 = arith.constant 112 : index
    %swap3A_143 = tpu.vector_load %arg7[%swap3A_141, %swap3A_142] {strides = array<i32>} : memref<12x128xi32, #tpu.memory_space<vmem>>, vector<1x16xi32>,
    %swap3A_144 = vector.shape_cast %swap3A_143 : vector<1x16xi32> to vector<16xi32>
    %swap3A_145 = vector.shape_cast %add3A_139 : vector<16xi32> to vector<1x16xi32>
    tpu.vector_store %arg7[%swap3A_141, %swap3A_142], %swap3A_145 {strides = array<i32>} : memref<12x128xi32, #tpu.memory_space<vmem>>, vector<1x16xi32>,
    %mul3A_146 = arith.constant 96 : i32
    %mul3A_147 = arith.muli %select_n3A, %mul3A_146 : i32
    %add3A_148 = arith.constant 8 : i32
    %add3A_149 = arith.addi %mul3A_147, %add3A_148 : i32
    %mul3A_150 = arith.constant 147456 : i32
    %mul3A_151 = arith.muli %add3A_149, %mul3A_150 : i32
    %add3A_152 = vector.broadcast %mul3A_151 : i32 to vector<16xi32>
    %add3A_153 = arith.addi %get3A_34, %add3A_152 : vector<16xi32>
    %swap3A_154 = arith.constant 1 : i32
    %swap3A_155 = arith.index_cast %swap3A_154 : i32 to index
    %swap3A_156 = arith.constant 0 : index
    %swap3A_157 = tpu.vector_load %arg7[%swap3A_155, %swap3A_156] {strides = array<i32>} : memref<12x128xi32, #tpu.memory_space<vmem>>, vector<1x16xi32>,
    %swap3A_158 = vector.shape_cast %swap3A_157 : vector<1x16xi32> to vector<16xi32>
    %swap3A_159 = vector.shape_cast %add3A_153 : vector<16xi32> to vector<1x16xi32>
    tpu.vector_store %arg7[%swap3A_155, %swap3A_156], %swap3A_159 {strides = array<i32>} : memref<12x128xi32, #tpu.memory_space<vmem>>, vector<1x16xi32>,
    %mul3A_160 = arith.constant 96 : i32
    %mul3A_161 = arith.muli %select_n3A, %mul3A_160 : i32
    %add3A_162 = arith.constant 9 : i32
    %add3A_163 = arith.addi %mul3A_161, %add3A_162 : i32
    %mul3A_164 = arith.constant 147456 : i32
    %mul3A_165 = arith.muli %add3A_163, %mul3A_164 : i32
    %add3A_166 = vector.broadcast %mul3A_165 : i32 to vector<16xi32>
    %add3A_167 = arith.addi %get3A_34, %add3A_166 : vector<16xi32>
    %swap3A_168 = arith.constant 1 : i32
    %swap3A_169 = arith.index_cast %swap3A_168 : i32 to index
    %swap3A_170 = arith.constant 16 : index
    %swap3A_171 = tpu.vector_load %arg7[%swap3A_169, %swap3A_170] {strides = array<i32>} : memref<12x128xi32, #tpu.memory_space<vmem>>, vector<1x16xi32>,
    %swap3A_172 = vector.shape_cast %swap3A_171 : vector<1x16xi32> to vector<16xi32>
    %swap3A_173 = vector.shape_cast %add3A_167 : vector<16xi32> to vector<1x16xi32>
    tpu.vector_store %arg7[%swap3A_169, %swap3A_170], %swap3A_173 {strides = array<i32>} : memref<12x128xi32, #tpu.memory_space<vmem>>, vector<1x16xi32>,
    %mul3A_174 = arith.constant 96 : i32
    %mul3A_175 = arith.muli %select_n3A, %mul3A_174 : i32
    %add3A_176 = arith.constant 10 : i32
    %add3A_177 = arith.addi %mul3A_175, %add3A_176 : i32
    %mul3A_178 = arith.constant 147456 : i32
    %mul3A_179 = arith.muli %add3A_177, %mul3A_178 : i32
    %add3A_180 = vector.broadcast %mul3A_179 : i32 to vector<16xi32>
    %add3A_181 = arith.addi %get3A_34, %add3A_180 : vector<16xi32>
    %swap3A_182 = arith.constant 1 : i32
    %swap3A_183 = arith.index_cast %swap3A_182 : i32 to index
    %swap3A_184 = arith.constant 32 : index
    %swap3A_185 = tpu.vector_load %arg7[%swap3A_183, %swap3A_184] {strides = array<i32>} : memref<12x128xi32, #tpu.memory_space<vmem>>, vector<1x16xi32>,
    %swap3A_186 = vector.shape_cast %swap3A_185 : vector<1x16xi32> to vector<16xi32>
    %swap3A_187 = vector.shape_cast %add3A_181 : vector<16xi32> to vector<1x16xi32>
    tpu.vector_store %arg7[%swap3A_183, %swap3A_184], %swap3A_187 {strides = array<i32>} : memref<12x128xi32, #tpu.memory_space<vmem>>, vector<1x16xi32>,
    %mul3A_188 = arith.constant 96 : i32
    %mul3A_189 = arith.muli %select_n3A, %mul3A_188 : i32
    %add3A_190 = arith.constant 11 : i32
    %add3A_191 = arith.addi %mul3A_189, %add3A_190 : i32
    %mul3A_192 = arith.constant 147456 : i32
    %mul3A_193 = arith.muli %add3A_191, %mul3A_192 : i32
    %add3A_194 = vector.broadcast %mul3A_193 : i32 to vector<16xi32>
    %add3A_195 = arith.addi %get3A_34, %add3A_194 : vector<16xi32>
    %swap3A_196 = arith.constant 1 : i32
    %swap3A_197 = arith.index_cast %swap3A_196 : i32 to index
    %swap3A_198 = arith.constant 48 : index
    %swap3A_199 = tpu.vector_load %arg7[%swap3A_197, %swap3A_198] {strides = array<i32>} : memref<12x128xi32, #tpu.memory_space<vmem>>, vector<1x16xi32>,
    %swap3A_200 = vector.shape_cast %swap3A_199 : vector<1x16xi32> to vector<16xi32>
    %swap3A_201 = vector.shape_cast %add3A_195 : vector<16xi32> to vector<1x16xi32>
    tpu.vector_store %arg7[%swap3A_197, %swap3A_198], %swap3A_201 {strides = array<i32>} : memref<12x128xi32, #tpu.memory_space<vmem>>, vector<1x16xi32>,
    %mul3A_202 = arith.constant 96 : i32
    %mul3A_203 = arith.muli %select_n3A, %mul3A_202 : i32
    %add3A_204 = arith.constant 12 : i32
    %add3A_205 = arith.addi %mul3A_203, %add3A_204 : i32
    %mul3A_206 = arith.constant 147456 : i32
    %mul3A_207 = arith.muli %add3A_205, %mul3A_206 : i32
    %add3A_208 = vector.broadcast %mul3A_207 : i32 to vector<16xi32>
    %add3A_209 = arith.addi %get3A_34, %add3A_208 : vector<16xi32>
    %swap3A_210 = arith.constant 1 : i32
    %swap3A_211 = arith.index_cast %swap3A_210 : i32 to index
    %swap3A_212 = arith.constant 64 : index
    %swap3A_213 = tpu.vector_load %arg7[%swap3A_211, %swap3A_212] {strides = array<i32>} : memref<12x128xi32, #tpu.memory_space<vmem>>, vector<1x16xi32>,
    %swap3A_214 = vector.shape_cast %swap3A_213 : vector<1x16xi32> to vector<16xi32>
    %swap3A_215 = vector.shape_cast %add3A_209 : vector<16xi32> to vector<1x16xi32>
    tpu.vector_store %arg7[%swap3A_211, %swap3A_212], %swap3A_215 {strides = array<i32>} : memref<12x128xi32, #tpu.memory_space<vmem>>, vector<1x16xi32>,
    %mul3A_216 = arith.constant 96 : i32
    %mul3A_217 = arith.muli %select_n3A, %mul3A_216 : i32
    %add3A_218 = arith.constant 13 : i32
    %add3A_219 = arith.addi %mul3A_217, %add3A_218 : i32
    %mul3A_220 = arith.constant 147456 : i32
    %mul3A_221 = arith.muli %add3A_219, %mul3A_220 : i32
    %add3A_222 = vector.broadcast %mul3A_221 : i32 to vector<16xi32>
    %add3A_223 = arith.addi %get3A_34, %add3A_222 : vector<16xi32>
    %swap3A_224 = arith.constant 1 : i32
    %swap3A_225 = arith.index_cast %swap3A_224 : i32 to index
    %swap3A_226 = arith.constant 80 : index
    %swap3A_227 = tpu.vector_load %arg7[%swap3A_225, %swap3A_226] {strides = array<i32>} : memref<12x128xi32, #tpu.memory_space<vmem>>, vector<1x16xi32>,
    %swap3A_228 = vector.shape_cast %swap3A_227 : vector<1x16xi32> to vector<16xi32>
    %swap3A_229 = vector.shape_cast %add3A_223 : vector<16xi32> to vector<1x16xi32>
    tpu.vector_store %arg7[%swap3A_225, %swap3A_226], %swap3A_229 {strides = array<i32>} : memref<12x128xi32, #tpu.memory_space<vmem>>, vector<1x16xi32>,
    %mul3A_230 = arith.constant 96 : i32
    %mul3A_231 = arith.muli %select_n3A, %mul3A_230 : i32
    %add3A_232 = arith.constant 14 : i32
    %add3A_233 = arith.addi %mul3A_231, %add3A_232 : i32
    %mul3A_234 = arith.constant 147456 : i32
    %mul3A_235 = arith.muli %add3A_233, %mul3A_234 : i32
    %add3A_236 = vector.broadcast %mul3A_235 : i32 to vector<16xi32>
    %add3A_237 = arith.addi %get3A_34, %add3A_236 : vector<16xi32>
    %swap3A_238 = arith.constant 1 : i32
    %swap3A_239 = arith.index_cast %swap3A_238 : i32 to index
    %swap3A_240 = arith.constant 96 : index
    %swap3A_241 = tpu.vector_load %arg7[%swap3A_239, %swap3A_240] {strides = array<i32>} : memref<12x128xi32, #tpu.memory_space<vmem>>, vector<1x16xi32>,
    %swap3A_242 = vector.shape_cast %swap3A_241 : vector<1x16xi32> to vector<16xi32>
    %swap3A_243 = vector.shape_cast %add3A_237 : vector<16xi32> to vector<1x16xi32>
    tpu.vector_store %arg7[%swap3A_239, %swap3A_240], %swap3A_243 {strides = array<i32>} : memref<12x128xi32, #tpu.memory_space<vmem>>, vector<1x16xi32>,
    %mul3A_244 = arith.constant 96 : i32
    %mul3A_245 = arith.muli %select_n3A, %mul3A_244 : i32
    %add3A_246 = arith.constant 15 : i32
    %add3A_247 = arith.addi %mul3A_245, %add3A_246 : i32
    %mul3A_248 = arith.constant 147456 : i32
    %mul3A_249 = arith.muli %add3A_247, %mul3A_248 : i32
    %add3A_250 = vector.broadcast %mul3A_249 : i32 to vector<16xi32>
    %add3A_251 = arith.addi %get3A_34, %add3A_250 : vector<16xi32>
    %swap3A_252 = arith.constant 1 : i32
    %swap3A_253 = arith.index_cast %swap3A_252 : i32 to index
    %swap3A_254 = arith.constant 112 : index
    %swap3A_255 = tpu.vector_load %arg7[%swap3A_253, %swap3A_254] {strides = array<i32>} : memref<12x128xi32, #tpu.memory_space<vmem>>, vector<1x16xi32>,
    %swap3A_256 = vector.shape_cast %swap3A_255 : vector<1x16xi32> to vector<16xi32>
    %swap3A_257 = vector.shape_cast %add3A_251 : vector<16xi32> to vector<1x16xi32>
    tpu.vector_store %arg7[%swap3A_253, %swap3A_254], %swap3A_257 {strides = array<i32>} : memref<12x128xi32, #tpu.memory_space<vmem>>, vector<1x16xi32>,
    %mul3A_258 = arith.constant 96 : i32
    %mul3A_259 = arith.muli %select_n3A, %mul3A_258 : i32
    %add3A_260 = arith.constant 16 : i32
    %add3A_261 = arith.addi %mul3A_259, %add3A_260 : i32
    %mul3A_262 = arith.constant 147456 : i32
    %mul3A_263 = arith.muli %add3A_261, %mul3A_262 : i32
    %add3A_264 = vector.broadcast %mul3A_263 : i32 to vector<16xi32>
    %add3A_265 = arith.addi %get3A_34, %add3A_264 : vector<16xi32>
    %swap3A_266 = arith.constant 2 : i32
    %swap3A_267 = arith.index_cast %swap3A_266 : i32 to index
    %swap3A_268 = arith.constant 0 : index
    %swap3A_269 = tpu.vector_load %arg7[%swap3A_267, %swap3A_268] {strides = array<i32>} : memref<12x128xi32, #tpu.memory_space<vmem>>, vector<1x16xi32>,
    %swap3A_270 = vector.shape_cast %swap3A_269 : vector<1x16xi32> to vector<16xi32>
    %swap3A_271 = vector.shape_cast %add3A_265 : vector<16xi32> to vector<1x16xi32>
    tpu.vector_store %arg7[%swap3A_267, %swap3A_268], %swap3A_271 {strides = array<i32>} : memref<12x128xi32, #tpu.memory_space<vmem>>, vector<1x16xi32>,
    %mul3A_272 = arith.constant 96 : i32
    %mul3A_273 = arith.muli %select_n3A, %mul3A_272 : i32
    %add3A_274 = arith.constant 17 : i32
    %add3A_275 = arith.addi %mul3A_273, %add3A_274 : i32
    %mul3A_276 = arith.constant 147456 : i32
    %mul3A_277 = arith.muli %add3A_275, %mul3A_276 : i32
    %add3A_278 = vector.broadcast %mul3A_277 : i32 to vector<16xi32>
    %add3A_279 = arith.addi %get3A_34, %add3A_278 : vector<16xi32>
    %swap3A_280 = arith.constant 2 : i32
    %swap3A_281 = arith.index_cast %swap3A_280 : i32 to index
    %swap3A_282 = arith.constant 16 : index
    %swap3A_283 = tpu.vector_load %arg7[%swap3A_281, %swap3A_282] {strides = array<i32>} : memref<12x128xi32, #tpu.memory_space<vmem>>, vector<1x16xi32>,
    %swap3A_284 = vector.shape_cast %swap3A_283 : vector<1x16xi32> to vector<16xi32>
    %swap3A_285 = vector.shape_cast %add3A_279 : vector<16xi32> to vector<1x16xi32>
    tpu.vector_store %arg7[%swap3A_281, %swap3A_282], %swap3A_285 {strides = array<i32>} : memref<12x128xi32, #tpu.memory_space<vmem>>, vector<1x16xi32>,
    %mul3A_286 = arith.constant 96 : i32
    %mul3A_287 = arith.muli %select_n3A, %mul3A_286 : i32
    %add3A_288 = arith.constant 18 : i32
    %add3A_289 = arith.addi %mul3A_287, %add3A_288 : i32
    %mul3A_290 = arith.constant 147456 : i32
    %mul3A_291 = arith.muli %add3A_289, %mul3A_290 : i32
    %add3A_292 = vector.broadcast %mul3A_291 : i32 to vector<16xi32>
    %add3A_293 = arith.addi %get3A_34, %add3A_292 : vector<16xi32>
    %swap3A_294 = arith.constant 2 : i32
    %swap3A_295 = arith.index_cast %swap3A_294 : i32 to index
    %swap3A_296 = arith.constant 32 : index
    %swap3A_297 = tpu.vector_load %arg7[%swap3A_295, %swap3A_296] {strides = array<i32>} : memref<12x128xi32, #tpu.memory_space<vmem>>, vector<1x16xi32>,
    %swap3A_298 = vector.shape_cast %swap3A_297 : vector<1x16xi32> to vector<16xi32>
    %swap3A_299 = vector.shape_cast %add3A_293 : vector<16xi32> to vector<1x16xi32>
    tpu.vector_store %arg7[%swap3A_295, %swap3A_296], %swap3A_299 {strides = array<i32>} : memref<12x128xi32, #tpu.memory_space<vmem>>, vector<1x16xi32>,
    %mul3A_300 = arith.constant 96 : i32
    %mul3A_301 = arith.muli %select_n3A, %mul3A_300 : i32
    %add3A_302 = arith.constant 19 : i32
    %add3A_303 = arith.addi %mul3A_301, %add3A_302 : i32
    %mul3A_304 = arith.constant 147456 : i32
    %mul3A_305 = arith.muli %add3A_303, %mul3A_304 : i32
    %add3A_306 = vector.broadcast %mul3A_305 : i32 to vector<16xi32>
    %add3A_307 = arith.addi %get3A_34, %add3A_306 : vector<16xi32>
    %swap3A_308 = arith.constant 2 : i32
    %swap3A_309 = arith.index_cast %swap3A_308 : i32 to index
    %swap3A_310 = arith.constant 48 : index
    %swap3A_311 = tpu.vector_load %arg7[%swap3A_309, %swap3A_310] {strides = array<i32>} : memref<12x128xi32, #tpu.memory_space<vmem>>, vector<1x16xi32>,
    %swap3A_312 = vector.shape_cast %swap3A_311 : vector<1x16xi32> to vector<16xi32>
    %swap3A_313 = vector.shape_cast %add3A_307 : vector<16xi32> to vector<1x16xi32>
    tpu.vector_store %arg7[%swap3A_309, %swap3A_310], %swap3A_313 {strides = array<i32>} : memref<12x128xi32, #tpu.memory_space<vmem>>, vector<1x16xi32>,
    %mul3A_314 = arith.constant 96 : i32
    %mul3A_315 = arith.muli %select_n3A, %mul3A_314 : i32
    %add3A_316 = arith.constant 20 : i32
    %add3A_317 = arith.addi %mul3A_315, %add3A_316 : i32
    %mul3A_318 = arith.constant 147456 : i32
    %mul3A_319 = arith.muli %add3A_317, %mul3A_318 : i32
    %add3A_320 = vector.broadcast %mul3A_319 : i32 to vector<16xi32>
    %add3A_321 = arith.addi %get3A_34, %add3A_320 : vector<16xi32>
    %swap3A_322 = arith.constant 2 : i32
    %swap3A_323 = arith.index_cast %swap3A_322 : i32 to index
    %swap3A_324 = arith.constant 64 : index
    %swap3A_325 = tpu.vector_load %arg7[%swap3A_323, %swap3A_324] {strides = array<i32>} : memref<12x128xi32, #tpu.memory_space<vmem>>, vector<1x16xi32>,
    %swap3A_326 = vector.shape_cast %swap3A_325 : vector<1x16xi32> to vector<16xi32>
    %swap3A_327 = vector.shape_cast %add3A_321 : vector<16xi32> to vector<1x16xi32>
    tpu.vector_store %arg7[%swap3A_323, %swap3A_324], %swap3A_327 {strides = array<i32>} : memref<12x128xi32, #tpu.memory_space<vmem>>, vector<1x16xi32>,
    %mul3A_328 = arith.constant 96 : i32
    %mul3A_329 = arith.muli %select_n3A, %mul3A_328 : i32
    %add3A_330 = arith.constant 21 : i32
    %add3A_331 = arith.addi %mul3A_329, %add3A_330 : i32
    %mul3A_332 = arith.constant 147456 : i32
    %mul3A_333 = arith.muli %add3A_331, %mul3A_332 : i32
    %add3A_334 = vector.broadcast %mul3A_333 : i32 to vector<16xi32>
    %add3A_335 = arith.addi %get3A_34, %add3A_334 : vector<16xi32>
    %swap3A_336 = arith.constant 2 : i32
    %swap3A_337 = arith.index_cast %swap3A_336 : i32 to index
    %swap3A_338 = arith.constant 80 : index
    %swap3A_339 = tpu.vector_load %arg7[%swap3A_337, %swap3A_338] {strides = array<i32>} : memref<12x128xi32, #tpu.memory_space<vmem>>, vector<1x16xi32>,
    %swap3A_340 = vector.shape_cast %swap3A_339 : vector<1x16xi32> to vector<16xi32>
    %swap3A_341 = vector.shape_cast %add3A_335 : vector<16xi32> to vector<1x16xi32>
    tpu.vector_store %arg7[%swap3A_337, %swap3A_338], %swap3A_341 {strides = array<i32>} : memref<12x128xi32, #tpu.memory_space<vmem>>, vector<1x16xi32>,
    %mul3A_342 = arith.constant 96 : i32
    %mul3A_343 = arith.muli %select_n3A, %mul3A_342 : i32
    %add3A_344 = arith.constant 22 : i32
    %add3A_345 = arith.addi %mul3A_343, %add3A_344 : i32
    %mul3A_346 = arith.constant 147456 : i32
    %mul3A_347 = arith.muli %add3A_345, %mul3A_346 : i32
    %add3A_348 = vector.broadcast %mul3A_347 : i32 to vector<16xi32>
    %add3A_349 = arith.addi %get3A_34, %add3A_348 : vector<16xi32>
    %swap3A_350 = arith.constant 2 : i32
    %swap3A_351 = arith.index_cast %swap3A_350 : i32 to index
    %swap3A_352 = arith.constant 96 : index
    %swap3A_353 = tpu.vector_load %arg7[%swap3A_351, %swap3A_352] {strides = array<i32>} : memref<12x128xi32, #tpu.memory_space<vmem>>, vector<1x16xi32>,
    %swap3A_354 = vector.shape_cast %swap3A_353 : vector<1x16xi32> to vector<16xi32>
    %swap3A_355 = vector.shape_cast %add3A_349 : vector<16xi32> to vector<1x16xi32>
    tpu.vector_store %arg7[%swap3A_351, %swap3A_352], %swap3A_355 {strides = array<i32>} : memref<12x128xi32, #tpu.memory_space<vmem>>, vector<1x16xi32>,
    %mul3A_356 = arith.constant 96 : i32
    %mul3A_357 = arith.muli %select_n3A, %mul3A_356 : i32
    %add3A_358 = arith.constant 23 : i32
    %add3A_359 = arith.addi %mul3A_357, %add3A_358 : i32
    %mul3A_360 = arith.constant 147456 : i32
    %mul3A_361 = arith.muli %add3A_359, %mul3A_360 : i32
    %add3A_362 = vector.broadcast %mul3A_361 : i32 to vector<16xi32>
    %add3A_363 = arith.addi %get3A_34, %add3A_362 : vector<16xi32>
    %swap3A_364 = arith.constant 2 : i32
    %swap3A_365 = arith.index_cast %swap3A_364 : i32 to index
    %swap3A_366 = arith.constant 112 : index
    %swap3A_367 = tpu.vector_load %arg7[%swap3A_365, %swap3A_366] {strides = array<i32>} : memref<12x128xi32, #tpu.memory_space<vmem>>, vector<1x16xi32>,
    %swap3A_368 = vector.shape_cast %swap3A_367 : vector<1x16xi32> to vector<16xi32>
    %swap3A_369 = vector.shape_cast %add3A_363 : vector<16xi32> to vector<1x16xi32>
    tpu.vector_store %arg7[%swap3A_365, %swap3A_366], %swap3A_369 {strides = array<i32>} : memref<12x128xi32, #tpu.memory_space<vmem>>, vector<1x16xi32>,
    %mul3A_370 = arith.constant 96 : i32
    %mul3A_371 = arith.muli %select_n3A, %mul3A_370 : i32
    %add3A_372 = arith.constant 24 : i32
    %add3A_373 = arith.addi %mul3A_371, %add3A_372 : i32
    %mul3A_374 = arith.constant 147456 : i32
    %mul3A_375 = arith.muli %add3A_373, %mul3A_374 : i32
    %add3A_376 = vector.broadcast %mul3A_375 : i32 to vector<16xi32>
    %add3A_377 = arith.addi %get3A_34, %add3A_376 : vector<16xi32>
    %swap3A_378 = arith.constant 3 : i32
    %swap3A_379 = arith.index_cast %swap3A_378 : i32 to index
    %swap3A_380 = arith.constant 0 : index
    %swap3A_381 = tpu.vector_load %arg7[%swap3A_379, %swap3A_380] {strides = array<i32>} : memref<12x128xi32, #tpu.memory_space<vmem>>, vector<1x16xi32>,
    %swap3A_382 = vector.shape_cast %swap3A_381 : vector<1x16xi32> to vector<16xi32>
    %swap3A_383 = vector.shape_cast %add3A_377 : vector<16xi32> to vector<1x16xi32>
    tpu.vector_store %arg7[%swap3A_379, %swap3A_380], %swap3A_383 {strides = array<i32>} : memref<12x128xi32, #tpu.memory_space<vmem>>, vector<1x16xi32>,
    %mul3A_384 = arith.constant 96 : i32
    %mul3A_385 = arith.muli %select_n3A, %mul3A_384 : i32
    %add3A_386 = arith.constant 25 : i32
    %add3A_387 = arith.addi %mul3A_385, %add3A_386 : i32
    %mul3A_388 = arith.constant 147456 : i32
    %mul3A_389 = arith.muli %add3A_387, %mul3A_388 : i32
    %add3A_390 = vector.broadcast %mul3A_389 : i32 to vector<16xi32>
    %add3A_391 = arith.addi %get3A_34, %add3A_390 : vector<16xi32>
    %swap3A_392 = arith.constant 3 : i32
    %swap3A_393 = arith.index_cast %swap3A_392 : i32 to index
    %swap3A_394 = arith.constant 16 : index
    %swap3A_395 = tpu.vector_load %arg7[%swap3A_393, %swap3A_394] {strides = array<i32>} : memref<12x128xi32, #tpu.memory_space<vmem>>, vector<1x16xi32>,
    %swap3A_396 = vector.shape_cast %swap3A_395 : vector<1x16xi32> to vector<16xi32>
    %swap3A_397 = vector.shape_cast %add3A_391 : vector<16xi32> to vector<1x16xi32>
    tpu.vector_store %arg7[%swap3A_393, %swap3A_394], %swap3A_397 {strides = array<i32>} : memref<12x128xi32, #tpu.memory_space<vmem>>, vector<1x16xi32>,
    %mul3A_398 = arith.constant 96 : i32
    %mul3A_399 = arith.muli %select_n3A, %mul3A_398 : i32
    %add3A_400 = arith.constant 26 : i32
    %add3A_401 = arith.addi %mul3A_399, %add3A_400 : i32
    %mul3A_402 = arith.constant 147456 : i32
    %mul3A_403 = arith.muli %add3A_401, %mul3A_402 : i32
    %add3A_404 = vector.broadcast %mul3A_403 : i32 to vector<16xi32>
    %add3A_405 = arith.addi %get3A_34, %add3A_404 : vector<16xi32>
    %swap3A_406 = arith.constant 3 : i32
    %swap3A_407 = arith.index_cast %swap3A_406 : i32 to index
    %swap3A_408 = arith.constant 32 : index
    %swap3A_409 = tpu.vector_load %arg7[%swap3A_407, %swap3A_408] {strides = array<i32>} : memref<12x128xi32, #tpu.memory_space<vmem>>, vector<1x16xi32>,
    %swap3A_410 = vector.shape_cast %swap3A_409 : vector<1x16xi32> to vector<16xi32>
    %swap3A_411 = vector.shape_cast %add3A_405 : vector<16xi32> to vector<1x16xi32>
    tpu.vector_store %arg7[%swap3A_407, %swap3A_408], %swap3A_411 {strides = array<i32>} : memref<12x128xi32, #tpu.memory_space<vmem>>, vector<1x16xi32>,
    %mul3A_412 = arith.constant 96 : i32
    %mul3A_413 = arith.muli %select_n3A, %mul3A_412 : i32
    %add3A_414 = arith.constant 27 : i32
    %add3A_415 = arith.addi %mul3A_413, %add3A_414 : i32
    %mul3A_416 = arith.constant 147456 : i32
    %mul3A_417 = arith.muli %add3A_415, %mul3A_416 : i32
    %add3A_418 = vector.broadcast %mul3A_417 : i32 to vector<16xi32>
    %add3A_419 = arith.addi %get3A_34, %add3A_418 : vector<16xi32>
    %swap3A_420 = arith.constant 3 : i32
    %swap3A_421 = arith.index_cast %swap3A_420 : i32 to index
    %swap3A_422 = arith.constant 48 : index
    %swap3A_423 = tpu.vector_load %arg7[%swap3A_421, %swap3A_422] {strides = array<i32>} : memref<12x128xi32, #tpu.memory_space<vmem>>, vector<1x16xi32>,
    %swap3A_424 = vector.shape_cast %swap3A_423 : vector<1x16xi32> to vector<16xi32>
    %swap3A_425 = vector.shape_cast %add3A_419 : vector<16xi32> to vector<1x16xi32>
    tpu.vector_store %arg7[%swap3A_421, %swap3A_422], %swap3A_425 {strides = array<i32>} : memref<12x128xi32, #tpu.memory_space<vmem>>, vector<1x16xi32>,
    %mul3A_426 = arith.constant 96 : i32
    %mul3A_427 = arith.muli %select_n3A, %mul3A_426 : i32
    %add3A_428 = arith.constant 28 : i32
    %add3A_429 = arith.addi %mul3A_427, %add3A_428 : i32
    %mul3A_430 = arith.constant 147456 : i32
    %mul3A_431 = arith.muli %add3A_429, %mul3A_430 : i32
    %add3A_432 = vector.broadcast %mul3A_431 : i32 to vector<16xi32>
    %add3A_433 = arith.addi %get3A_34, %add3A_432 : vector<16xi32>
    %swap3A_434 = arith.constant 3 : i32
    %swap3A_435 = arith.index_cast %swap3A_434 : i32 to index
    %swap3A_436 = arith.constant 64 : index
    %swap3A_437 = tpu.vector_load %arg7[%swap3A_435, %swap3A_436] {strides = array<i32>} : memref<12x128xi32, #tpu.memory_space<vmem>>, vector<1x16xi32>,
    %swap3A_438 = vector.shape_cast %swap3A_437 : vector<1x16xi32> to vector<16xi32>
    %swap3A_439 = vector.shape_cast %add3A_433 : vector<16xi32> to vector<1x16xi32>
    tpu.vector_store %arg7[%swap3A_435, %swap3A_436], %swap3A_439 {strides = array<i32>} : memref<12x128xi32, #tpu.memory_space<vmem>>, vector<1x16xi32>,
    %mul3A_440 = arith.constant 96 : i32
    %mul3A_441 = arith.muli %select_n3A, %mul3A_440 : i32
    %add3A_442 = arith.constant 29 : i32
    %add3A_443 = arith.addi %mul3A_441, %add3A_442 : i32
    %mul3A_444 = arith.constant 147456 : i32
    %mul3A_445 = arith.muli %add3A_443, %mul3A_444 : i32
    %add3A_446 = vector.broadcast %mul3A_445 : i32 to vector<16xi32>
    %add3A_447 = arith.addi %get3A_34, %add3A_446 : vector<16xi32>
    %swap3A_448 = arith.constant 3 : i32
    %swap3A_449 = arith.index_cast %swap3A_448 : i32 to index
    %swap3A_450 = arith.constant 80 : index
    %swap3A_451 = tpu.vector_load %arg7[%swap3A_449, %swap3A_450] {strides = array<i32>} : memref<12x128xi32, #tpu.memory_space<vmem>>, vector<1x16xi32>,
    %swap3A_452 = vector.shape_cast %swap3A_451 : vector<1x16xi32> to vector<16xi32>
    %swap3A_453 = vector.shape_cast %add3A_447 : vector<16xi32> to vector<1x16xi32>
    tpu.vector_store %arg7[%swap3A_449, %swap3A_450], %swap3A_453 {strides = array<i32>} : memref<12x128xi32, #tpu.memory_space<vmem>>, vector<1x16xi32>,
    %mul3A_454 = arith.constant 96 : i32
    %mul3A_455 = arith.muli %select_n3A, %mul3A_454 : i32
    %add3A_456 = arith.constant 30 : i32
    %add3A_457 = arith.addi %mul3A_455, %add3A_456 : i32
    %mul3A_458 = arith.constant 147456 : i32
    %mul3A_459 = arith.muli %add3A_457, %mul3A_458 : i32
    %add3A_460 = vector.broadcast %mul3A_459 : i32 to vector<16xi32>
    %add3A_461 = arith.addi %get3A_34, %add3A_460 : vector<16xi32>
    %swap3A_462 = arith.constant 3 : i32
    %swap3A_463 = arith.index_cast %swap3A_462 : i32 to index
    %swap3A_464 = arith.constant 96 : index
    %swap3A_465 = tpu.vector_load %arg7[%swap3A_463, %swap3A_464] {strides = array<i32>} : memref<12x128xi32, #tpu.memory_space<vmem>>, vector<1x16xi32>,
    %swap3A_466 = vector.shape_cast %swap3A_465 : vector<1x16xi32> to vector<16xi32>
    %swap3A_467 = vector.shape_cast %add3A_461 : vector<16xi32> to vector<1x16xi32>
    tpu.vector_store %arg7[%swap3A_463, %swap3A_464], %swap3A_467 {strides = array<i32>} : memref<12x128xi32, #tpu.memory_space<vmem>>, vector<1x16xi32>,
    %mul3A_468 = arith.constant 96 : i32
    %mul3A_469 = arith.muli %select_n3A, %mul3A_468 : i32
    %add3A_470 = arith.constant 31 : i32
    %add3A_471 = arith.addi %mul3A_469, %add3A_470 : i32
    %mul3A_472 = arith.constant 147456 : i32
    %mul3A_473 = arith.muli %add3A_471, %mul3A_472 : i32
    %add3A_474 = vector.broadcast %mul3A_473 : i32 to vector<16xi32>
    %add3A_475 = arith.addi %get3A_34, %add3A_474 : vector<16xi32>
    %swap3A_476 = arith.constant 3 : i32
    %swap3A_477 = arith.index_cast %swap3A_476 : i32 to index
    %swap3A_478 = arith.constant 112 : index
    %swap3A_479 = tpu.vector_load %arg7[%swap3A_477, %swap3A_478] {strides = array<i32>} : memref<12x128xi32, #tpu.memory_space<vmem>>, vector<1x16xi32>,
    %swap3A_480 = vector.shape_cast %swap3A_479 : vector<1x16xi32> to vector<16xi32>
    %swap3A_481 = vector.shape_cast %add3A_475 : vector<16xi32> to vector<1x16xi32>
    tpu.vector_store %arg7[%swap3A_477, %swap3A_478], %swap3A_481 {strides = array<i32>} : memref<12x128xi32, #tpu.memory_space<vmem>>, vector<1x16xi32>,
    %mul3A_482 = arith.constant 96 : i32
    %mul3A_483 = arith.muli %select_n3A, %mul3A_482 : i32
    %add3A_484 = arith.constant 32 : i32
    %add3A_485 = arith.addi %mul3A_483, %add3A_484 : i32
    %mul3A_486 = arith.constant 147456 : i32
    %mul3A_487 = arith.muli %add3A_485, %mul3A_486 : i32
    %add3A_488 = vector.broadcast %mul3A_487 : i32 to vector<16xi32>
    %add3A_489 = arith.addi %get3A_34, %add3A_488 : vector<16xi32>
    %swap3A_490 = arith.constant 4 : i32
    %swap3A_491 = arith.index_cast %swap3A_490 : i32 to index
    %swap3A_492 = arith.constant 0 : index
    %swap3A_493 = tpu.vector_load %arg7[%swap3A_491, %swap3A_492] {strides = array<i32>} : memref<12x128xi32, #tpu.memory_space<vmem>>, vector<1x16xi32>,
    %swap3A_494 = vector.shape_cast %swap3A_493 : vector<1x16xi32> to vector<16xi32>
    %swap3A_495 = vector.shape_cast %add3A_489 : vector<16xi32> to vector<1x16xi32>
    tpu.vector_store %arg7[%swap3A_491, %swap3A_492], %swap3A_495 {strides = array<i32>} : memref<12x128xi32, #tpu.memory_space<vmem>>, vector<1x16xi32>,
    %mul3A_496 = arith.constant 96 : i32
    %mul3A_497 = arith.muli %select_n3A, %mul3A_496 : i32
    %add3A_498 = arith.constant 33 : i32
    %add3A_499 = arith.addi %mul3A_497, %add3A_498 : i32
    %mul3A_500 = arith.constant 147456 : i32
    %mul3A_501 = arith.muli %add3A_499, %mul3A_500 : i32
    %add3A_502 = vector.broadcast %mul3A_501 : i32 to vector<16xi32>
    %add3A_503 = arith.addi %get3A_34, %add3A_502 : vector<16xi32>
    %swap3A_504 = arith.constant 4 : i32
    %swap3A_505 = arith.index_cast %swap3A_504 : i32 to index
    %swap3A_506 = arith.constant 16 : index
    %swap3A_507 = tpu.vector_load %arg7[%swap3A_505, %swap3A_506] {strides = array<i32>} : memref<12x128xi32, #tpu.memory_space<vmem>>, vector<1x16xi32>,
    %swap3A_508 = vector.shape_cast %swap3A_507 : vector<1x16xi32> to vector<16xi32>
    %swap3A_509 = vector.shape_cast %add3A_503 : vector<16xi32> to vector<1x16xi32>
    tpu.vector_store %arg7[%swap3A_505, %swap3A_506], %swap3A_509 {strides = array<i32>} : memref<12x128xi32, #tpu.memory_space<vmem>>, vector<1x16xi32>,
    %mul3A_510 = arith.constant 96 : i32
    %mul3A_511 = arith.muli %select_n3A, %mul3A_510 : i32
    %add3A_512 = arith.constant 34 : i32
    %add3A_513 = arith.addi %mul3A_511, %add3A_512 : i32
    %mul3A_514 = arith.constant 147456 : i32
    %mul3A_515 = arith.muli %add3A_513, %mul3A_514 : i32
    %add3A_516 = vector.broadcast %mul3A_515 : i32 to vector<16xi32>
    %add3A_517 = arith.addi %get3A_34, %add3A_516 : vector<16xi32>
    %swap3A_518 = arith.constant 4 : i32
    %swap3A_519 = arith.index_cast %swap3A_518 : i32 to index
    %swap3A_520 = arith.constant 32 : index
    %swap3A_521 = tpu.vector_load %arg7[%swap3A_519, %swap3A_520] {strides = array<i32>} : memref<12x128xi32, #tpu.memory_space<vmem>>, vector<1x16xi32>,
    %swap3A_522 = vector.shape_cast %swap3A_521 : vector<1x16xi32> to vector<16xi32>
    %swap3A_523 = vector.shape_cast %add3A_517 : vector<16xi32> to vector<1x16xi32>
    tpu.vector_store %arg7[%swap3A_519, %swap3A_520], %swap3A_523 {strides = array<i32>} : memref<12x128xi32, #tpu.memory_space<vmem>>, vector<1x16xi32>,
    %mul3A_524 = arith.constant 96 : i32
    %mul3A_525 = arith.muli %select_n3A, %mul3A_524 : i32
    %add3A_526 = arith.constant 35 : i32
    %add3A_527 = arith.addi %mul3A_525, %add3A_526 : i32
    %mul3A_528 = arith.constant 147456 : i32
    %mul3A_529 = arith.muli %add3A_527, %mul3A_528 : i32
    %add3A_530 = vector.broadcast %mul3A_529 : i32 to vector<16xi32>
    %add3A_531 = arith.addi %get3A_34, %add3A_530 : vector<16xi32>
    %swap3A_532 = arith.constant 4 : i32
    %swap3A_533 = arith.index_cast %swap3A_532 : i32 to index
    %swap3A_534 = arith.constant 48 : index
    %swap3A_535 = tpu.vector_load %arg7[%swap3A_533, %swap3A_534] {strides = array<i32>} : memref<12x128xi32, #tpu.memory_space<vmem>>, vector<1x16xi32>,
    %swap3A_536 = vector.shape_cast %swap3A_535 : vector<1x16xi32> to vector<16xi32>
    %swap3A_537 = vector.shape_cast %add3A_531 : vector<16xi32> to vector<1x16xi32>
    tpu.vector_store %arg7[%swap3A_533, %swap3A_534], %swap3A_537 {strides = array<i32>} : memref<12x128xi32, #tpu.memory_space<vmem>>, vector<1x16xi32>,
    %mul3A_538 = arith.constant 96 : i32
    %mul3A_539 = arith.muli %select_n3A, %mul3A_538 : i32
    %add3A_540 = arith.constant 36 : i32
    %add3A_541 = arith.addi %mul3A_539, %add3A_540 : i32
    %mul3A_542 = arith.constant 147456 : i32
    %mul3A_543 = arith.muli %add3A_541, %mul3A_542 : i32
    %add3A_544 = vector.broadcast %mul3A_543 : i32 to vector<16xi32>
    %add3A_545 = arith.addi %get3A_34, %add3A_544 : vector<16xi32>
    %swap3A_546 = arith.constant 4 : i32
    %swap3A_547 = arith.index_cast %swap3A_546 : i32 to index
    %swap3A_548 = arith.constant 64 : index
    %swap3A_549 = tpu.vector_load %arg7[%swap3A_547, %swap3A_548] {strides = array<i32>} : memref<12x128xi32, #tpu.memory_space<vmem>>, vector<1x16xi32>,
    %swap3A_550 = vector.shape_cast %swap3A_549 : vector<1x16xi32> to vector<16xi32>
    %swap3A_551 = vector.shape_cast %add3A_545 : vector<16xi32> to vector<1x16xi32>
    tpu.vector_store %arg7[%swap3A_547, %swap3A_548], %swap3A_551 {strides = array<i32>} : memref<12x128xi32, #tpu.memory_space<vmem>>, vector<1x16xi32>,
    %mul3A_552 = arith.constant 96 : i32
    %mul3A_553 = arith.muli %select_n3A, %mul3A_552 : i32
    %add3A_554 = arith.constant 37 : i32
    %add3A_555 = arith.addi %mul3A_553, %add3A_554 : i32
    %mul3A_556 = arith.constant 147456 : i32
    %mul3A_557 = arith.muli %add3A_555, %mul3A_556 : i32
    %add3A_558 = vector.broadcast %mul3A_557 : i32 to vector<16xi32>
    %add3A_559 = arith.addi %get3A_34, %add3A_558 : vector<16xi32>
    %swap3A_560 = arith.constant 4 : i32
    %swap3A_561 = arith.index_cast %swap3A_560 : i32 to index
    %swap3A_562 = arith.constant 80 : index
    %swap3A_563 = tpu.vector_load %arg7[%swap3A_561, %swap3A_562] {strides = array<i32>} : memref<12x128xi32, #tpu.memory_space<vmem>>, vector<1x16xi32>,
    %swap3A_564 = vector.shape_cast %swap3A_563 : vector<1x16xi32> to vector<16xi32>
    %swap3A_565 = vector.shape_cast %add3A_559 : vector<16xi32> to vector<1x16xi32>
    tpu.vector_store %arg7[%swap3A_561, %swap3A_562], %swap3A_565 {strides = array<i32>} : memref<12x128xi32, #tpu.memory_space<vmem>>, vector<1x16xi32>,
    %mul3A_566 = arith.constant 96 : i32
    %mul3A_567 = arith.muli %select_n3A, %mul3A_566 : i32
    %add3A_568 = arith.constant 38 : i32
    %add3A_569 = arith.addi %mul3A_567, %add3A_568 : i32
    %mul3A_570 = arith.constant 147456 : i32
    %mul3A_571 = arith.muli %add3A_569, %mul3A_570 : i32
    %add3A_572 = vector.broadcast %mul3A_571 : i32 to vector<16xi32>
    %add3A_573 = arith.addi %get3A_34, %add3A_572 : vector<16xi32>
    %swap3A_574 = arith.constant 4 : i32
    %swap3A_575 = arith.index_cast %swap3A_574 : i32 to index
    %swap3A_576 = arith.constant 96 : index
    %swap3A_577 = tpu.vector_load %arg7[%swap3A_575, %swap3A_576] {strides = array<i32>} : memref<12x128xi32, #tpu.memory_space<vmem>>, vector<1x16xi32>,
    %swap3A_578 = vector.shape_cast %swap3A_577 : vector<1x16xi32> to vector<16xi32>
    %swap3A_579 = vector.shape_cast %add3A_573 : vector<16xi32> to vector<1x16xi32>
    tpu.vector_store %arg7[%swap3A_575, %swap3A_576], %swap3A_579 {strides = array<i32>} : memref<12x128xi32, #tpu.memory_space<vmem>>, vector<1x16xi32>,
    %mul3A_580 = arith.constant 96 : i32
    %mul3A_581 = arith.muli %select_n3A, %mul3A_580 : i32
    %add3A_582 = arith.constant 39 : i32
    %add3A_583 = arith.addi %mul3A_581, %add3A_582 : i32
    %mul3A_584 = arith.constant 147456 : i32
    %mul3A_585 = arith.muli %add3A_583, %mul3A_584 : i32
    %add3A_586 = vector.broadcast %mul3A_585 : i32 to vector<16xi32>
    %add3A_587 = arith.addi %get3A_34, %add3A_586 : vector<16xi32>
    %swap3A_588 = arith.constant 4 : i32
    %swap3A_589 = arith.index_cast %swap3A_588 : i32 to index
    %swap3A_590 = arith.constant 112 : index
    %swap3A_591 = tpu.vector_load %arg7[%swap3A_589, %swap3A_590] {strides = array<i32>} : memref<12x128xi32, #tpu.memory_space<vmem>>, vector<1x16xi32>,
    %swap3A_592 = vector.shape_cast %swap3A_591 : vector<1x16xi32> to vector<16xi32>
    %swap3A_593 = vector.shape_cast %add3A_587 : vector<16xi32> to vector<1x16xi32>
    tpu.vector_store %arg7[%swap3A_589, %swap3A_590], %swap3A_593 {strides = array<i32>} : memref<12x128xi32, #tpu.memory_space<vmem>>, vector<1x16xi32>,
    %mul3A_594 = arith.constant 96 : i32
    %mul3A_595 = arith.muli %select_n3A, %mul3A_594 : i32
    %add3A_596 = arith.constant 40 : i32
    %add3A_597 = arith.addi %mul3A_595, %add3A_596 : i32
    %mul3A_598 = arith.constant 147456 : i32
    %mul3A_599 = arith.muli %add3A_597, %mul3A_598 : i32
    %add3A_600 = vector.broadcast %mul3A_599 : i32 to vector<16xi32>
    %add3A_601 = arith.addi %get3A_34, %add3A_600 : vector<16xi32>
    %swap3A_602 = arith.constant 5 : i32
    %swap3A_603 = arith.index_cast %swap3A_602 : i32 to index
    %swap3A_604 = arith.constant 0 : index
    %swap3A_605 = tpu.vector_load %arg7[%swap3A_603, %swap3A_604] {strides = array<i32>} : memref<12x128xi32, #tpu.memory_space<vmem>>, vector<1x16xi32>,
    %swap3A_606 = vector.shape_cast %swap3A_605 : vector<1x16xi32> to vector<16xi32>
    %swap3A_607 = vector.shape_cast %add3A_601 : vector<16xi32> to vector<1x16xi32>
    tpu.vector_store %arg7[%swap3A_603, %swap3A_604], %swap3A_607 {strides = array<i32>} : memref<12x128xi32, #tpu.memory_space<vmem>>, vector<1x16xi32>,
    %mul3A_608 = arith.constant 96 : i32
    %mul3A_609 = arith.muli %select_n3A, %mul3A_608 : i32
    %add3A_610 = arith.constant 41 : i32
    %add3A_611 = arith.addi %mul3A_609, %add3A_610 : i32
    %mul3A_612 = arith.constant 147456 : i32
    %mul3A_613 = arith.muli %add3A_611, %mul3A_612 : i32
    %add3A_614 = vector.broadcast %mul3A_613 : i32 to vector<16xi32>
    %add3A_615 = arith.addi %get3A_34, %add3A_614 : vector<16xi32>
    %swap3A_616 = arith.constant 5 : i32
    %swap3A_617 = arith.index_cast %swap3A_616 : i32 to index
    %swap3A_618 = arith.constant 16 : index
    %swap3A_619 = tpu.vector_load %arg7[%swap3A_617, %swap3A_618] {strides = array<i32>} : memref<12x128xi32, #tpu.memory_space<vmem>>, vector<1x16xi32>,
    %swap3A_620 = vector.shape_cast %swap3A_619 : vector<1x16xi32> to vector<16xi32>
    %swap3A_621 = vector.shape_cast %add3A_615 : vector<16xi32> to vector<1x16xi32>
    tpu.vector_store %arg7[%swap3A_617, %swap3A_618], %swap3A_621 {strides = array<i32>} : memref<12x128xi32, #tpu.memory_space<vmem>>, vector<1x16xi32>,
    %mul3A_622 = arith.constant 96 : i32
    %mul3A_623 = arith.muli %select_n3A, %mul3A_622 : i32
    %add3A_624 = arith.constant 42 : i32
    %add3A_625 = arith.addi %mul3A_623, %add3A_624 : i32
    %mul3A_626 = arith.constant 147456 : i32
    %mul3A_627 = arith.muli %add3A_625, %mul3A_626 : i32
    %add3A_628 = vector.broadcast %mul3A_627 : i32 to vector<16xi32>
    %add3A_629 = arith.addi %get3A_34, %add3A_628 : vector<16xi32>
    %swap3A_630 = arith.constant 5 : i32
    %swap3A_631 = arith.index_cast %swap3A_630 : i32 to index
    %swap3A_632 = arith.constant 32 : index
    %swap3A_633 = tpu.vector_load %arg7[%swap3A_631, %swap3A_632] {strides = array<i32>} : memref<12x128xi32, #tpu.memory_space<vmem>>, vector<1x16xi32>,
    %swap3A_634 = vector.shape_cast %swap3A_633 : vector<1x16xi32> to vector<16xi32>
    %swap3A_635 = vector.shape_cast %add3A_629 : vector<16xi32> to vector<1x16xi32>
    tpu.vector_store %arg7[%swap3A_631, %swap3A_632], %swap3A_635 {strides = array<i32>} : memref<12x128xi32, #tpu.memory_space<vmem>>, vector<1x16xi32>,
    %mul3A_636 = arith.constant 96 : i32
    %mul3A_637 = arith.muli %select_n3A, %mul3A_636 : i32
    %add3A_638 = arith.constant 43 : i32
    %add3A_639 = arith.addi %mul3A_637, %add3A_638 : i32
    %mul3A_640 = arith.constant 147456 : i32
    %mul3A_641 = arith.muli %add3A_639, %mul3A_640 : i32
    %add3A_642 = vector.broadcast %mul3A_641 : i32 to vector<16xi32>
    %add3A_643 = arith.addi %get3A_34, %add3A_642 : vector<16xi32>
    %swap3A_644 = arith.constant 5 : i32
    %swap3A_645 = arith.index_cast %swap3A_644 : i32 to index
    %swap3A_646 = arith.constant 48 : index
    %swap3A_647 = tpu.vector_load %arg7[%swap3A_645, %swap3A_646] {strides = array<i32>} : memref<12x128xi32, #tpu.memory_space<vmem>>, vector<1x16xi32>,
    %swap3A_648 = vector.shape_cast %swap3A_647 : vector<1x16xi32> to vector<16xi32>
    %swap3A_649 = vector.shape_cast %add3A_643 : vector<16xi32> to vector<1x16xi32>
    tpu.vector_store %arg7[%swap3A_645, %swap3A_646], %swap3A_649 {strides = array<i32>} : memref<12x128xi32, #tpu.memory_space<vmem>>, vector<1x16xi32>,
    %mul3A_650 = arith.constant 96 : i32
    %mul3A_651 = arith.muli %select_n3A, %mul3A_650 : i32
    %add3A_652 = arith.constant 44 : i32
    %add3A_653 = arith.addi %mul3A_651, %add3A_652 : i32
    %mul3A_654 = arith.constant 147456 : i32
    %mul3A_655 = arith.muli %add3A_653, %mul3A_654 : i32
    %add3A_656 = vector.broadcast %mul3A_655 : i32 to vector<16xi32>
    %add3A_657 = arith.addi %get3A_34, %add3A_656 : vector<16xi32>
    %swap3A_658 = arith.constant 5 : i32
    %swap3A_659 = arith.index_cast %swap3A_658 : i32 to index
    %swap3A_660 = arith.constant 64 : index
    %swap3A_661 = tpu.vector_load %arg7[%swap3A_659, %swap3A_660] {strides = array<i32>} : memref<12x128xi32, #tpu.memory_space<vmem>>, vector<1x16xi32>,
    %swap3A_662 = vector.shape_cast %swap3A_661 : vector<1x16xi32> to vector<16xi32>
    %swap3A_663 = vector.shape_cast %add3A_657 : vector<16xi32> to vector<1x16xi32>
    tpu.vector_store %arg7[%swap3A_659, %swap3A_660], %swap3A_663 {strides = array<i32>} : memref<12x128xi32, #tpu.memory_space<vmem>>, vector<1x16xi32>,
    %mul3A_664 = arith.constant 96 : i32
    %mul3A_665 = arith.muli %select_n3A, %mul3A_664 : i32
    %add3A_666 = arith.constant 45 : i32
    %add3A_667 = arith.addi %mul3A_665, %add3A_666 : i32
    %mul3A_668 = arith.constant 147456 : i32
    %mul3A_669 = arith.muli %add3A_667, %mul3A_668 : i32
    %add3A_670 = vector.broadcast %mul3A_669 : i32 to vector<16xi32>
    %add3A_671 = arith.addi %get3A_34, %add3A_670 : vector<16xi32>
    %swap3A_672 = arith.constant 5 : i32
    %swap3A_673 = arith.index_cast %swap3A_672 : i32 to index
    %swap3A_674 = arith.constant 80 : index
    %swap3A_675 = tpu.vector_load %arg7[%swap3A_673, %swap3A_674] {strides = array<i32>} : memref<12x128xi32, #tpu.memory_space<vmem>>, vector<1x16xi32>,
    %swap3A_676 = vector.shape_cast %swap3A_675 : vector<1x16xi32> to vector<16xi32>
    %swap3A_677 = vector.shape_cast %add3A_671 : vector<16xi32> to vector<1x16xi32>
    tpu.vector_store %arg7[%swap3A_673, %swap3A_674], %swap3A_677 {strides = array<i32>} : memref<12x128xi32, #tpu.memory_space<vmem>>, vector<1x16xi32>,
    %mul3A_678 = arith.constant 96 : i32
    %mul3A_679 = arith.muli %select_n3A, %mul3A_678 : i32
    %add3A_680 = arith.constant 46 : i32
    %add3A_681 = arith.addi %mul3A_679, %add3A_680 : i32
    %mul3A_682 = arith.constant 147456 : i32
    %mul3A_683 = arith.muli %add3A_681, %mul3A_682 : i32
    %add3A_684 = vector.broadcast %mul3A_683 : i32 to vector<16xi32>
    %add3A_685 = arith.addi %get3A_34, %add3A_684 : vector<16xi32>
    %swap3A_686 = arith.constant 5 : i32
    %swap3A_687 = arith.index_cast %swap3A_686 : i32 to index
    %swap3A_688 = arith.constant 96 : index
    %swap3A_689 = tpu.vector_load %arg7[%swap3A_687, %swap3A_688] {strides = array<i32>} : memref<12x128xi32, #tpu.memory_space<vmem>>, vector<1x16xi32>,
    %swap3A_690 = vector.shape_cast %swap3A_689 : vector<1x16xi32> to vector<16xi32>
    %swap3A_691 = vector.shape_cast %add3A_685 : vector<16xi32> to vector<1x16xi32>
    tpu.vector_store %arg7[%swap3A_687, %swap3A_688], %swap3A_691 {strides = array<i32>} : memref<12x128xi32, #tpu.memory_space<vmem>>, vector<1x16xi32>,
    %mul3A_692 = arith.constant 96 : i32
    %mul3A_693 = arith.muli %select_n3A, %mul3A_692 : i32
    %add3A_694 = arith.constant 47 : i32
    %add3A_695 = arith.addi %mul3A_693, %add3A_694 : i32
    %mul3A_696 = arith.constant 147456 : i32
    %mul3A_697 = arith.muli %add3A_695, %mul3A_696 : i32
    %add3A_698 = vector.broadcast %mul3A_697 : i32 to vector<16xi32>
    %add3A_699 = arith.addi %get3A_34, %add3A_698 : vector<16xi32>
    %swap3A_700 = arith.constant 5 : i32
    %swap3A_701 = arith.index_cast %swap3A_700 : i32 to index
    %swap3A_702 = arith.constant 112 : index
    %swap3A_703 = tpu.vector_load %arg7[%swap3A_701, %swap3A_702] {strides = array<i32>} : memref<12x128xi32, #tpu.memory_space<vmem>>, vector<1x16xi32>,
    %swap3A_704 = vector.shape_cast %swap3A_703 : vector<1x16xi32> to vector<16xi32>
    %swap3A_705 = vector.shape_cast %add3A_699 : vector<16xi32> to vector<1x16xi32>
    tpu.vector_store %arg7[%swap3A_701, %swap3A_702], %swap3A_705 {strides = array<i32>} : memref<12x128xi32, #tpu.memory_space<vmem>>, vector<1x16xi32>,
    %mul3A_706 = arith.constant 96 : i32
    %mul3A_707 = arith.muli %select_n3A, %mul3A_706 : i32
    %add3A_708 = arith.constant 48 : i32
    %add3A_709 = arith.addi %mul3A_707, %add3A_708 : i32
    %mul3A_710 = arith.constant 147456 : i32
    %mul3A_711 = arith.muli %add3A_709, %mul3A_710 : i32
    %add3A_712 = vector.broadcast %mul3A_711 : i32 to vector<16xi32>
    %add3A_713 = arith.addi %get3A_34, %add3A_712 : vector<16xi32>
    %swap3A_714 = arith.constant 6 : i32
    %swap3A_715 = arith.index_cast %swap3A_714 : i32 to index
    %swap3A_716 = arith.constant 0 : index
    %swap3A_717 = tpu.vector_load %arg7[%swap3A_715, %swap3A_716] {strides = array<i32>} : memref<12x128xi32, #tpu.memory_space<vmem>>, vector<1x16xi32>,
    %swap3A_718 = vector.shape_cast %swap3A_717 : vector<1x16xi32> to vector<16xi32>
    %swap3A_719 = vector.shape_cast %add3A_713 : vector<16xi32> to vector<1x16xi32>
    tpu.vector_store %arg7[%swap3A_715, %swap3A_716], %swap3A_719 {strides = array<i32>} : memref<12x128xi32, #tpu.memory_space<vmem>>, vector<1x16xi32>,
    %mul3A_720 = arith.constant 96 : i32
    %mul3A_721 = arith.muli %select_n3A, %mul3A_720 : i32
    %add3A_722 = arith.constant 49 : i32
    %add3A_723 = arith.addi %mul3A_721, %add3A_722 : i32
    %mul3A_724 = arith.constant 147456 : i32
    %mul3A_725 = arith.muli %add3A_723, %mul3A_724 : i32
    %add3A_726 = vector.broadcast %mul3A_725 : i32 to vector<16xi32>
    %add3A_727 = arith.addi %get3A_34, %add3A_726 : vector<16xi32>
    %swap3A_728 = arith.constant 6 : i32
    %swap3A_729 = arith.index_cast %swap3A_728 : i32 to index
    %swap3A_730 = arith.constant 16 : index
    %swap3A_731 = tpu.vector_load %arg7[%swap3A_729, %swap3A_730] {strides = array<i32>} : memref<12x128xi32, #tpu.memory_space<vmem>>, vector<1x16xi32>,
    %swap3A_732 = vector.shape_cast %swap3A_731 : vector<1x16xi32> to vector<16xi32>
    %swap3A_733 = vector.shape_cast %add3A_727 : vector<16xi32> to vector<1x16xi32>
    tpu.vector_store %arg7[%swap3A_729, %swap3A_730], %swap3A_733 {strides = array<i32>} : memref<12x128xi32, #tpu.memory_space<vmem>>, vector<1x16xi32>,
    %mul3A_734 = arith.constant 96 : i32
    %mul3A_735 = arith.muli %select_n3A, %mul3A_734 : i32
    %add3A_736 = arith.constant 50 : i32
    %add3A_737 = arith.addi %mul3A_735, %add3A_736 : i32
    %mul3A_738 = arith.constant 147456 : i32
    %mul3A_739 = arith.muli %add3A_737, %mul3A_738 : i32
    %add3A_740 = vector.broadcast %mul3A_739 : i32 to vector<16xi32>
    %add3A_741 = arith.addi %get3A_34, %add3A_740 : vector<16xi32>
    %swap3A_742 = arith.constant 6 : i32
    %swap3A_743 = arith.index_cast %swap3A_742 : i32 to index
    %swap3A_744 = arith.constant 32 : index
    %swap3A_745 = tpu.vector_load %arg7[%swap3A_743, %swap3A_744] {strides = array<i32>} : memref<12x128xi32, #tpu.memory_space<vmem>>, vector<1x16xi32>,
    %swap3A_746 = vector.shape_cast %swap3A_745 : vector<1x16xi32> to vector<16xi32>
    %swap3A_747 = vector.shape_cast %add3A_741 : vector<16xi32> to vector<1x16xi32>
    tpu.vector_store %arg7[%swap3A_743, %swap3A_744], %swap3A_747 {strides = array<i32>} : memref<12x128xi32, #tpu.memory_space<vmem>>, vector<1x16xi32>,
    %mul3A_748 = arith.constant 96 : i32
    %mul3A_749 = arith.muli %select_n3A, %mul3A_748 : i32
    %add3A_750 = arith.constant 51 : i32
    %add3A_751 = arith.addi %mul3A_749, %add3A_750 : i32
    %mul3A_752 = arith.constant 147456 : i32
    %mul3A_753 = arith.muli %add3A_751, %mul3A_752 : i32
    %add3A_754 = vector.broadcast %mul3A_753 : i32 to vector<16xi32>
    %add3A_755 = arith.addi %get3A_34, %add3A_754 : vector<16xi32>
    %swap3A_756 = arith.constant 6 : i32
    %swap3A_757 = arith.index_cast %swap3A_756 : i32 to index
    %swap3A_758 = arith.constant 48 : index
    %swap3A_759 = tpu.vector_load %arg7[%swap3A_757, %swap3A_758] {strides = array<i32>} : memref<12x128xi32, #tpu.memory_space<vmem>>, vector<1x16xi32>,
    %swap3A_760 = vector.shape_cast %swap3A_759 : vector<1x16xi32> to vector<16xi32>
    %swap3A_761 = vector.shape_cast %add3A_755 : vector<16xi32> to vector<1x16xi32>
    tpu.vector_store %arg7[%swap3A_757, %swap3A_758], %swap3A_761 {strides = array<i32>} : memref<12x128xi32, #tpu.memory_space<vmem>>, vector<1x16xi32>,
    %mul3A_762 = arith.constant 96 : i32
    %mul3A_763 = arith.muli %select_n3A, %mul3A_762 : i32
    %add3A_764 = arith.constant 52 : i32
    %add3A_765 = arith.addi %mul3A_763, %add3A_764 : i32
    %mul3A_766 = arith.constant 147456 : i32
    %mul3A_767 = arith.muli %add3A_765, %mul3A_766 : i32
    %add3A_768 = vector.broadcast %mul3A_767 : i32 to vector<16xi32>
    %add3A_769 = arith.addi %get3A_34, %add3A_768 : vector<16xi32>
    %swap3A_770 = arith.constant 6 : i32
    %swap3A_771 = arith.index_cast %swap3A_770 : i32 to index
    %swap3A_772 = arith.constant 64 : index
    %swap3A_773 = tpu.vector_load %arg7[%swap3A_771, %swap3A_772] {strides = array<i32>} : memref<12x128xi32, #tpu.memory_space<vmem>>, vector<1x16xi32>,
    %swap3A_774 = vector.shape_cast %swap3A_773 : vector<1x16xi32> to vector<16xi32>
    %swap3A_775 = vector.shape_cast %add3A_769 : vector<16xi32> to vector<1x16xi32>
    tpu.vector_store %arg7[%swap3A_771, %swap3A_772], %swap3A_775 {strides = array<i32>} : memref<12x128xi32, #tpu.memory_space<vmem>>, vector<1x16xi32>,
    %mul3A_776 = arith.constant 96 : i32
    %mul3A_777 = arith.muli %select_n3A, %mul3A_776 : i32
    %add3A_778 = arith.constant 53 : i32
    %add3A_779 = arith.addi %mul3A_777, %add3A_778 : i32
    %mul3A_780 = arith.constant 147456 : i32
    %mul3A_781 = arith.muli %add3A_779, %mul3A_780 : i32
    %add3A_782 = vector.broadcast %mul3A_781 : i32 to vector<16xi32>
    %add3A_783 = arith.addi %get3A_34, %add3A_782 : vector<16xi32>
    %swap3A_784 = arith.constant 6 : i32
    %swap3A_785 = arith.index_cast %swap3A_784 : i32 to index
    %swap3A_786 = arith.constant 80 : index
    %swap3A_787 = tpu.vector_load %arg7[%swap3A_785, %swap3A_786] {strides = array<i32>} : memref<12x128xi32, #tpu.memory_space<vmem>>, vector<1x16xi32>,
    %swap3A_788 = vector.shape_cast %swap3A_787 : vector<1x16xi32> to vector<16xi32>
    %swap3A_789 = vector.shape_cast %add3A_783 : vector<16xi32> to vector<1x16xi32>
    tpu.vector_store %arg7[%swap3A_785, %swap3A_786], %swap3A_789 {strides = array<i32>} : memref<12x128xi32, #tpu.memory_space<vmem>>, vector<1x16xi32>,
    %mul3A_790 = arith.constant 96 : i32
    %mul3A_791 = arith.muli %select_n3A, %mul3A_790 : i32
    %add3A_792 = arith.constant 54 : i32
    %add3A_793 = arith.addi %mul3A_791, %add3A_792 : i32
    %mul3A_794 = arith.constant 147456 : i32
    %mul3A_795 = arith.muli %add3A_793, %mul3A_794 : i32
    %add3A_796 = vector.broadcast %mul3A_795 : i32 to vector<16xi32>
    %add3A_797 = arith.addi %get3A_34, %add3A_796 : vector<16xi32>
    %swap3A_798 = arith.constant 6 : i32
    %swap3A_799 = arith.index_cast %swap3A_798 : i32 to index
    %swap3A_800 = arith.constant 96 : index
    %swap3A_801 = tpu.vector_load %arg7[%swap3A_799, %swap3A_800] {strides = array<i32>} : memref<12x128xi32, #tpu.memory_space<vmem>>, vector<1x16xi32>,
    %swap3A_802 = vector.shape_cast %swap3A_801 : vector<1x16xi32> to vector<16xi32>
    %swap3A_803 = vector.shape_cast %add3A_797 : vector<16xi32> to vector<1x16xi32>
    tpu.vector_store %arg7[%swap3A_799, %swap3A_800], %swap3A_803 {strides = array<i32>} : memref<12x128xi32, #tpu.memory_space<vmem>>, vector<1x16xi32>,
    %mul3A_804 = arith.constant 96 : i32
    %mul3A_805 = arith.muli %select_n3A, %mul3A_804 : i32
    %add3A_806 = arith.constant 55 : i32
    %add3A_807 = arith.addi %mul3A_805, %add3A_806 : i32
    %mul3A_808 = arith.constant 147456 : i32
    %mul3A_809 = arith.muli %add3A_807, %mul3A_808 : i32
    %add3A_810 = vector.broadcast %mul3A_809 : i32 to vector<16xi32>
    %add3A_811 = arith.addi %get3A_34, %add3A_810 : vector<16xi32>
    %swap3A_812 = arith.constant 6 : i32
    %swap3A_813 = arith.index_cast %swap3A_812 : i32 to index
    %swap3A_814 = arith.constant 112 : index
    %swap3A_815 = tpu.vector_load %arg7[%swap3A_813, %swap3A_814] {strides = array<i32>} : memref<12x128xi32, #tpu.memory_space<vmem>>, vector<1x16xi32>,
    %swap3A_816 = vector.shape_cast %swap3A_815 : vector<1x16xi32> to vector<16xi32>
    %swap3A_817 = vector.shape_cast %add3A_811 : vector<16xi32> to vector<1x16xi32>
    tpu.vector_store %arg7[%swap3A_813, %swap3A_814], %swap3A_817 {strides = array<i32>} : memref<12x128xi32, #tpu.memory_space<vmem>>, vector<1x16xi32>,
    %mul3A_818 = arith.constant 96 : i32
    %mul3A_819 = arith.muli %select_n3A, %mul3A_818 : i32
    %add3A_820 = arith.constant 56 : i32
    %add3A_821 = arith.addi %mul3A_819, %add3A_820 : i32
    %mul3A_822 = arith.constant 147456 : i32
    %mul3A_823 = arith.muli %add3A_821, %mul3A_822 : i32
    %add3A_824 = vector.broadcast %mul3A_823 : i32 to vector<16xi32>
    %add3A_825 = arith.addi %get3A_34, %add3A_824 : vector<16xi32>
    %swap3A_826 = arith.constant 7 : i32
    %swap3A_827 = arith.index_cast %swap3A_826 : i32 to index
    %swap3A_828 = arith.constant 0 : index
    %swap3A_829 = tpu.vector_load %arg7[%swap3A_827, %swap3A_828] {strides = array<i32>} : memref<12x128xi32, #tpu.memory_space<vmem>>, vector<1x16xi32>,
    %swap3A_830 = vector.shape_cast %swap3A_829 : vector<1x16xi32> to vector<16xi32>
    %swap3A_831 = vector.shape_cast %add3A_825 : vector<16xi32> to vector<1x16xi32>
    tpu.vector_store %arg7[%swap3A_827, %swap3A_828], %swap3A_831 {strides = array<i32>} : memref<12x128xi32, #tpu.memory_space<vmem>>, vector<1x16xi32>,
    %mul3A_832 = arith.constant 96 : i32
    %mul3A_833 = arith.muli %select_n3A, %mul3A_832 : i32
    %add3A_834 = arith.constant 57 : i32
    %add3A_835 = arith.addi %mul3A_833, %add3A_834 : i32
    %mul3A_836 = arith.constant 147456 : i32
    %mul3A_837 = arith.muli %add3A_835, %mul3A_836 : i32
    %add3A_838 = vector.broadcast %mul3A_837 : i32 to vector<16xi32>
    %add3A_839 = arith.addi %get3A_34, %add3A_838 : vector<16xi32>
    %swap3A_840 = arith.constant 7 : i32
    %swap3A_841 = arith.index_cast %swap3A_840 : i32 to index
    %swap3A_842 = arith.constant 16 : index
    %swap3A_843 = tpu.vector_load %arg7[%swap3A_841, %swap3A_842] {strides = array<i32>} : memref<12x128xi32, #tpu.memory_space<vmem>>, vector<1x16xi32>,
    %swap3A_844 = vector.shape_cast %swap3A_843 : vector<1x16xi32> to vector<16xi32>
    %swap3A_845 = vector.shape_cast %add3A_839 : vector<16xi32> to vector<1x16xi32>
    tpu.vector_store %arg7[%swap3A_841, %swap3A_842], %swap3A_845 {strides = array<i32>} : memref<12x128xi32, #tpu.memory_space<vmem>>, vector<1x16xi32>,
    %mul3A_846 = arith.constant 96 : i32
    %mul3A_847 = arith.muli %select_n3A, %mul3A_846 : i32
    %add3A_848 = arith.constant 58 : i32
    %add3A_849 = arith.addi %mul3A_847, %add3A_848 : i32
    %mul3A_850 = arith.constant 147456 : i32
    %mul3A_851 = arith.muli %add3A_849, %mul3A_850 : i32
    %add3A_852 = vector.broadcast %mul3A_851 : i32 to vector<16xi32>
    %add3A_853 = arith.addi %get3A_34, %add3A_852 : vector<16xi32>
    %swap3A_854 = arith.constant 7 : i32
    %swap3A_855 = arith.index_cast %swap3A_854 : i32 to index
    %swap3A_856 = arith.constant 32 : index
    %swap3A_857 = tpu.vector_load %arg7[%swap3A_855, %swap3A_856] {strides = array<i32>} : memref<12x128xi32, #tpu.memory_space<vmem>>, vector<1x16xi32>,
    %swap3A_858 = vector.shape_cast %swap3A_857 : vector<1x16xi32> to vector<16xi32>
    %swap3A_859 = vector.shape_cast %add3A_853 : vector<16xi32> to vector<1x16xi32>
    tpu.vector_store %arg7[%swap3A_855, %swap3A_856], %swap3A_859 {strides = array<i32>} : memref<12x128xi32, #tpu.memory_space<vmem>>, vector<1x16xi32>,
    %mul3A_860 = arith.constant 96 : i32
    %mul3A_861 = arith.muli %select_n3A, %mul3A_860 : i32
    %add3A_862 = arith.constant 59 : i32
    %add3A_863 = arith.addi %mul3A_861, %add3A_862 : i32
    %mul3A_864 = arith.constant 147456 : i32
    %mul3A_865 = arith.muli %add3A_863, %mul3A_864 : i32
    %add3A_866 = vector.broadcast %mul3A_865 : i32 to vector<16xi32>
    %add3A_867 = arith.addi %get3A_34, %add3A_866 : vector<16xi32>
    %swap3A_868 = arith.constant 7 : i32
    %swap3A_869 = arith.index_cast %swap3A_868 : i32 to index
    %swap3A_870 = arith.constant 48 : index
    %swap3A_871 = tpu.vector_load %arg7[%swap3A_869, %swap3A_870] {strides = array<i32>} : memref<12x128xi32, #tpu.memory_space<vmem>>, vector<1x16xi32>,
    %swap3A_872 = vector.shape_cast %swap3A_871 : vector<1x16xi32> to vector<16xi32>
    %swap3A_873 = vector.shape_cast %add3A_867 : vector<16xi32> to vector<1x16xi32>
    tpu.vector_store %arg7[%swap3A_869, %swap3A_870], %swap3A_873 {strides = array<i32>} : memref<12x128xi32, #tpu.memory_space<vmem>>, vector<1x16xi32>,
    %mul3A_874 = arith.constant 96 : i32
    %mul3A_875 = arith.muli %select_n3A, %mul3A_874 : i32
    %add3A_876 = arith.constant 60 : i32
    %add3A_877 = arith.addi %mul3A_875, %add3A_876 : i32
    %mul3A_878 = arith.constant 147456 : i32
    %mul3A_879 = arith.muli %add3A_877, %mul3A_878 : i32
    %add3A_880 = vector.broadcast %mul3A_879 : i32 to vector<16xi32>
    %add3A_881 = arith.addi %get3A_34, %add3A_880 : vector<16xi32>
    %swap3A_882 = arith.constant 7 : i32
    %swap3A_883 = arith.index_cast %swap3A_882 : i32 to index
    %swap3A_884 = arith.constant 64 : index
    %swap3A_885 = tpu.vector_load %arg7[%swap3A_883, %swap3A_884] {strides = array<i32>} : memref<12x128xi32, #tpu.memory_space<vmem>>, vector<1x16xi32>,
    %swap3A_886 = vector.shape_cast %swap3A_885 : vector<1x16xi32> to vector<16xi32>
    %swap3A_887 = vector.shape_cast %add3A_881 : vector<16xi32> to vector<1x16xi32>
    tpu.vector_store %arg7[%swap3A_883, %swap3A_884], %swap3A_887 {strides = array<i32>} : memref<12x128xi32, #tpu.memory_space<vmem>>, vector<1x16xi32>,
    %mul3A_888 = arith.constant 96 : i32
    %mul3A_889 = arith.muli %select_n3A, %mul3A_888 : i32
    %add3A_890 = arith.constant 61 : i32
    %add3A_891 = arith.addi %mul3A_889, %add3A_890 : i32
    %mul3A_892 = arith.constant 147456 : i32
    %mul3A_893 = arith.muli %add3A_891, %mul3A_892 : i32
    %add3A_894 = vector.broadcast %mul3A_893 : i32 to vector<16xi32>
    %add3A_895 = arith.addi %get3A_34, %add3A_894 : vector<16xi32>
    %swap3A_896 = arith.constant 7 : i32
    %swap3A_897 = arith.index_cast %swap3A_896 : i32 to index
    %swap3A_898 = arith.constant 80 : index
    %swap3A_899 = tpu.vector_load %arg7[%swap3A_897, %swap3A_898] {strides = array<i32>} : memref<12x128xi32, #tpu.memory_space<vmem>>, vector<1x16xi32>,
    %swap3A_900 = vector.shape_cast %swap3A_899 : vector<1x16xi32> to vector<16xi32>
    %swap3A_901 = vector.shape_cast %add3A_895 : vector<16xi32> to vector<1x16xi32>
    tpu.vector_store %arg7[%swap3A_897, %swap3A_898], %swap3A_901 {strides = array<i32>} : memref<12x128xi32, #tpu.memory_space<vmem>>, vector<1x16xi32>,
    %mul3A_902 = arith.constant 96 : i32
    %mul3A_903 = arith.muli %select_n3A, %mul3A_902 : i32
    %add3A_904 = arith.constant 62 : i32
    %add3A_905 = arith.addi %mul3A_903, %add3A_904 : i32
    %mul3A_906 = arith.constant 147456 : i32
    %mul3A_907 = arith.muli %add3A_905, %mul3A_906 : i32
    %add3A_908 = vector.broadcast %mul3A_907 : i32 to vector<16xi32>
    %add3A_909 = arith.addi %get3A_34, %add3A_908 : vector<16xi32>
    %swap3A_910 = arith.constant 7 : i32
    %swap3A_911 = arith.index_cast %swap3A_910 : i32 to index
    %swap3A_912 = arith.constant 96 : index
    %swap3A_913 = tpu.vector_load %arg7[%swap3A_911, %swap3A_912] {strides = array<i32>} : memref<12x128xi32, #tpu.memory_space<vmem>>, vector<1x16xi32>,
    %swap3A_914 = vector.shape_cast %swap3A_913 : vector<1x16xi32> to vector<16xi32>
    %swap3A_915 = vector.shape_cast %add3A_909 : vector<16xi32> to vector<1x16xi32>
    tpu.vector_store %arg7[%swap3A_911, %swap3A_912], %swap3A_915 {strides = array<i32>} : memref<12x128xi32, #tpu.memory_space<vmem>>, vector<1x16xi32>,
    %mul3A_916 = arith.constant 96 : i32
    %mul3A_917 = arith.muli %select_n3A, %mul3A_916 : i32
    %add3A_918 = arith.constant 63 : i32
    %add3A_919 = arith.addi %mul3A_917, %add3A_918 : i32
    %mul3A_920 = arith.constant 147456 : i32
    %mul3A_921 = arith.muli %add3A_919, %mul3A_920 : i32
    %add3A_922 = vector.broadcast %mul3A_921 : i32 to vector<16xi32>
    %add3A_923 = arith.addi %get3A_34, %add3A_922 : vector<16xi32>
    %swap3A_924 = arith.constant 7 : i32
    %swap3A_925 = arith.index_cast %swap3A_924 : i32 to index
    %swap3A_926 = arith.constant 112 : index
    %swap3A_927 = tpu.vector_load %arg7[%swap3A_925, %swap3A_926] {strides = array<i32>} : memref<12x128xi32, #tpu.memory_space<vmem>>, vector<1x16xi32>,
    %swap3A_928 = vector.shape_cast %swap3A_927 : vector<1x16xi32> to vector<16xi32>
    %swap3A_929 = vector.shape_cast %add3A_923 : vector<16xi32> to vector<1x16xi32>
    tpu.vector_store %arg7[%swap3A_925, %swap3A_926], %swap3A_929 {strides = array<i32>} : memref<12x128xi32, #tpu.memory_space<vmem>>, vector<1x16xi32>,
    %mul3A_930 = arith.constant 96 : i32
    %mul3A_931 = arith.muli %select_n3A, %mul3A_930 : i32
    %add3A_932 = arith.constant 64 : i32
    %add3A_933 = arith.addi %mul3A_931, %add3A_932 : i32
    %mul3A_934 = arith.constant 147456 : i32
    %mul3A_935 = arith.muli %add3A_933, %mul3A_934 : i32
    %add3A_936 = vector.broadcast %mul3A_935 : i32 to vector<16xi32>
    %add3A_937 = arith.addi %get3A_34, %add3A_936 : vector<16xi32>
    %swap3A_938 = arith.constant 8 : i32
    %swap3A_939 = arith.index_cast %swap3A_938 : i32 to index
    %swap3A_940 = arith.constant 0 : index
    %swap3A_941 = tpu.vector_load %arg7[%swap3A_939, %swap3A_940] {strides = array<i32>} : memref<12x128xi32, #tpu.memory_space<vmem>>, vector<1x16xi32>,
    %swap3A_942 = vector.shape_cast %swap3A_941 : vector<1x16xi32> to vector<16xi32>
    %swap3A_943 = vector.shape_cast %add3A_937 : vector<16xi32> to vector<1x16xi32>
    tpu.vector_store %arg7[%swap3A_939, %swap3A_940], %swap3A_943 {strides = array<i32>} : memref<12x128xi32, #tpu.memory_space<vmem>>, vector<1x16xi32>,
    %mul3A_944 = arith.constant 96 : i32
    %mul3A_945 = arith.muli %select_n3A, %mul3A_944 : i32
    %add3A_946 = arith.constant 65 : i32
    %add3A_947 = arith.addi %mul3A_945, %add3A_946 : i32
    %mul3A_948 = arith.constant 147456 : i32
    %mul3A_949 = arith.muli %add3A_947, %mul3A_948 : i32
    %add3A_950 = vector.broadcast %mul3A_949 : i32 to vector<16xi32>
    %add3A_951 = arith.addi %get3A_34, %add3A_950 : vector<16xi32>
    %swap3A_952 = arith.constant 8 : i32
    %swap3A_953 = arith.index_cast %swap3A_952 : i32 to index
    %swap3A_954 = arith.constant 16 : index
    %swap3A_955 = tpu.vector_load %arg7[%swap3A_953, %swap3A_954] {strides = array<i32>} : memref<12x128xi32, #tpu.memory_space<vmem>>, vector<1x16xi32>,
    %swap3A_956 = vector.shape_cast %swap3A_955 : vector<1x16xi32> to vector<16xi32>
    %swap3A_957 = vector.shape_cast %add3A_951 : vector<16xi32> to vector<1x16xi32>
    tpu.vector_store %arg7[%swap3A_953, %swap3A_954], %swap3A_957 {strides = array<i32>} : memref<12x128xi32, #tpu.memory_space<vmem>>, vector<1x16xi32>,
    %mul3A_958 = arith.constant 96 : i32
    %mul3A_959 = arith.muli %select_n3A, %mul3A_958 : i32
    %add3A_960 = arith.constant 66 : i32
    %add3A_961 = arith.addi %mul3A_959, %add3A_960 : i32
    %mul3A_962 = arith.constant 147456 : i32
    %mul3A_963 = arith.muli %add3A_961, %mul3A_962 : i32
    %add3A_964 = vector.broadcast %mul3A_963 : i32 to vector<16xi32>
    %add3A_965 = arith.addi %get3A_34, %add3A_964 : vector<16xi32>
    %swap3A_966 = arith.constant 8 : i32
    %swap3A_967 = arith.index_cast %swap3A_966 : i32 to index
    %swap3A_968 = arith.constant 32 : index
    %swap3A_969 = tpu.vector_load %arg7[%swap3A_967, %swap3A_968] {strides = array<i32>} : memref<12x128xi32, #tpu.memory_space<vmem>>, vector<1x16xi32>,
    %swap3A_970 = vector.shape_cast %swap3A_969 : vector<1x16xi32> to vector<16xi32>
    %swap3A_971 = vector.shape_cast %add3A_965 : vector<16xi32> to vector<1x16xi32>
    tpu.vector_store %arg7[%swap3A_967, %swap3A_968], %swap3A_971 {strides = array<i32>} : memref<12x128xi32, #tpu.memory_space<vmem>>, vector<1x16xi32>,
    %mul3A_972 = arith.constant 96 : i32
    %mul3A_973 = arith.muli %select_n3A, %mul3A_972 : i32
    %add3A_974 = arith.constant 67 : i32
    %add3A_975 = arith.addi %mul3A_973, %add3A_974 : i32
    %mul3A_976 = arith.constant 147456 : i32
    %mul3A_977 = arith.muli %add3A_975, %mul3A_976 : i32
    %add3A_978 = vector.broadcast %mul3A_977 : i32 to vector<16xi32>
    %add3A_979 = arith.addi %get3A_34, %add3A_978 : vector<16xi32>
    %swap3A_980 = arith.constant 8 : i32
    %swap3A_981 = arith.index_cast %swap3A_980 : i32 to index
    %swap3A_982 = arith.constant 48 : index
    %swap3A_983 = tpu.vector_load %arg7[%swap3A_981, %swap3A_982] {strides = array<i32>} : memref<12x128xi32, #tpu.memory_space<vmem>>, vector<1x16xi32>,
    %swap3A_984 = vector.shape_cast %swap3A_983 : vector<1x16xi32> to vector<16xi32>
    %swap3A_985 = vector.shape_cast %add3A_979 : vector<16xi32> to vector<1x16xi32>
    tpu.vector_store %arg7[%swap3A_981, %swap3A_982], %swap3A_985 {strides = array<i32>} : memref<12x128xi32, #tpu.memory_space<vmem>>, vector<1x16xi32>,
    %mul3A_986 = arith.constant 96 : i32
    %mul3A_987 = arith.muli %select_n3A, %mul3A_986 : i32
    %add3A_988 = arith.constant 68 : i32
    %add3A_989 = arith.addi %mul3A_987, %add3A_988 : i32
    %mul3A_990 = arith.constant 147456 : i32
    %mul3A_991 = arith.muli %add3A_989, %mul3A_990 : i32
    %add3A_992 = vector.broadcast %mul3A_991 : i32 to vector<16xi32>
    %add3A_993 = arith.addi %get3A_34, %add3A_992 : vector<16xi32>
    %swap3A_994 = arith.constant 8 : i32
    %swap3A_995 = arith.index_cast %swap3A_994 : i32 to index
    %swap3A_996 = arith.constant 64 : index
    %swap3A_997 = tpu.vector_load %arg7[%swap3A_995, %swap3A_996] {strides = array<i32>} : memref<12x128xi32, #tpu.memory_space<vmem>>, vector<1x16xi32>,
    %swap3A_998 = vector.shape_cast %swap3A_997 : vector<1x16xi32> to vector<16xi32>
    %swap3A_999 = vector.shape_cast %add3A_993 : vector<16xi32> to vector<1x16xi32>
    tpu.vector_store %arg7[%swap3A_995, %swap3A_996], %swap3A_999 {strides = array<i32>} : memref<12x128xi32, #tpu.memory_space<vmem>>, vector<1x16xi32>,
    %mul3A_1000 = arith.constant 96 : i32
    %mul3A_1001 = arith.muli %select_n3A, %mul3A_1000 : i32
    %add3A_1002 = arith.constant 69 : i32
    %add3A_1003 = arith.addi %mul3A_1001, %add3A_1002 : i32
    %mul3A_1004 = arith.constant 147456 : i32
    %mul3A_1005 = arith.muli %add3A_1003, %mul3A_1004 : i32
    %add3A_1006 = vector.broadcast %mul3A_1005 : i32 to vector<16xi32>
    %add3A_1007 = arith.addi %get3A_34, %add3A_1006 : vector<16xi32>
    %swap3A_1008 = arith.constant 8 : i32
    %swap3A_1009 = arith.index_cast %swap3A_1008 : i32 to index
    %swap3A_1010 = arith.constant 80 : index
    %swap3A_1011 = tpu.vector_load %arg7[%swap3A_1009, %swap3A_1010] {strides = array<i32>} : memref<12x128xi32, #tpu.memory_space<vmem>>, vector<1x16xi32>,
    %swap3A_1012 = vector.shape_cast %swap3A_1011 : vector<1x16xi32> to vector<16xi32>
    %swap3A_1013 = vector.shape_cast %add3A_1007 : vector<16xi32> to vector<1x16xi32>
    tpu.vector_store %arg7[%swap3A_1009, %swap3A_1010], %swap3A_1013 {strides = array<i32>} : memref<12x128xi32, #tpu.memory_space<vmem>>, vector<1x16xi32>,
    %mul3A_1014 = arith.constant 96 : i32
    %mul3A_1015 = arith.muli %select_n3A, %mul3A_1014 : i32
    %add3A_1016 = arith.constant 70 : i32
    %add3A_1017 = arith.addi %mul3A_1015, %add3A_1016 : i32
    %mul3A_1018 = arith.constant 147456 : i32
    %mul3A_1019 = arith.muli %add3A_1017, %mul3A_1018 : i32
    %add3A_1020 = vector.broadcast %mul3A_1019 : i32 to vector<16xi32>
    %add3A_1021 = arith.addi %get3A_34, %add3A_1020 : vector<16xi32>
    %swap3A_1022 = arith.constant 8 : i32
    %swap3A_1023 = arith.index_cast %swap3A_1022 : i32 to index
    %swap3A_1024 = arith.constant 96 : index
    %swap3A_1025 = tpu.vector_load %arg7[%swap3A_1023, %swap3A_1024] {strides = array<i32>} : memref<12x128xi32, #tpu.memory_space<vmem>>, vector<1x16xi32>,
    %swap3A_1026 = vector.shape_cast %swap3A_1025 : vector<1x16xi32> to vector<16xi32>
    %swap3A_1027 = vector.shape_cast %add3A_1021 : vector<16xi32> to vector<1x16xi32>
    tpu.vector_store %arg7[%swap3A_1023, %swap3A_1024], %swap3A_1027 {strides = array<i32>} : memref<12x128xi32, #tpu.memory_space<vmem>>, vector<1x16xi32>,
    %mul3A_1028 = arith.constant 96 : i32
    %mul3A_1029 = arith.muli %select_n3A, %mul3A_1028 : i32
    %add3A_1030 = arith.constant 71 : i32
    %add3A_1031 = arith.addi %mul3A_1029, %add3A_1030 : i32
    %mul3A_1032 = arith.constant 147456 : i32
    %mul3A_1033 = arith.muli %add3A_1031, %mul3A_1032 : i32
    %add3A_1034 = vector.broadcast %mul3A_1033 : i32 to vector<16xi32>
    %add3A_1035 = arith.addi %get3A_34, %add3A_1034 : vector<16xi32>
    %swap3A_1036 = arith.constant 8 : i32
    %swap3A_1037 = arith.index_cast %swap3A_1036 : i32 to index
    %swap3A_1038 = arith.constant 112 : index
    %swap3A_1039 = tpu.vector_load %arg7[%swap3A_1037, %swap3A_1038] {strides = array<i32>} : memref<12x128xi32, #tpu.memory_space<vmem>>, vector<1x16xi32>,
    %swap3A_1040 = vector.shape_cast %swap3A_1039 : vector<1x16xi32> to vector<16xi32>
    %swap3A_1041 = vector.shape_cast %add3A_1035 : vector<16xi32> to vector<1x16xi32>
    tpu.vector_store %arg7[%swap3A_1037, %swap3A_1038], %swap3A_1041 {strides = array<i32>} : memref<12x128xi32, #tpu.memory_space<vmem>>, vector<1x16xi32>,
    %mul3A_1042 = arith.constant 96 : i32
    %mul3A_1043 = arith.muli %select_n3A, %mul3A_1042 : i32
    %add3A_1044 = arith.constant 72 : i32
    %add3A_1045 = arith.addi %mul3A_1043, %add3A_1044 : i32
    %mul3A_1046 = arith.constant 147456 : i32
    %mul3A_1047 = arith.muli %add3A_1045, %mul3A_1046 : i32
    %add3A_1048 = vector.broadcast %mul3A_1047 : i32 to vector<16xi32>
    %add3A_1049 = arith.addi %get3A_34, %add3A_1048 : vector<16xi32>
    %swap3A_1050 = arith.constant 9 : i32
    %swap3A_1051 = arith.index_cast %swap3A_1050 : i32 to index
    %swap3A_1052 = arith.constant 0 : index
    %swap3A_1053 = tpu.vector_load %arg7[%swap3A_1051, %swap3A_1052] {strides = array<i32>} : memref<12x128xi32, #tpu.memory_space<vmem>>, vector<1x16xi32>,
    %swap3A_1054 = vector.shape_cast %swap3A_1053 : vector<1x16xi32> to vector<16xi32>
    %swap3A_1055 = vector.shape_cast %add3A_1049 : vector<16xi32> to vector<1x16xi32>
    tpu.vector_store %arg7[%swap3A_1051, %swap3A_1052], %swap3A_1055 {strides = array<i32>} : memref<12x128xi32, #tpu.memory_space<vmem>>, vector<1x16xi32>,
    %mul3A_1056 = arith.constant 96 : i32
    %mul3A_1057 = arith.muli %select_n3A, %mul3A_1056 : i32
    %add3A_1058 = arith.constant 73 : i32
    %add3A_1059 = arith.addi %mul3A_1057, %add3A_1058 : i32
    %mul3A_1060 = arith.constant 147456 : i32
    %mul3A_1061 = arith.muli %add3A_1059, %mul3A_1060 : i32
    %add3A_1062 = vector.broadcast %mul3A_1061 : i32 to vector<16xi32>
    %add3A_1063 = arith.addi %get3A_34, %add3A_1062 : vector<16xi32>
    %swap3A_1064 = arith.constant 9 : i32
    %swap3A_1065 = arith.index_cast %swap3A_1064 : i32 to index
    %swap3A_1066 = arith.constant 16 : index
    %swap3A_1067 = tpu.vector_load %arg7[%swap3A_1065, %swap3A_1066] {strides = array<i32>} : memref<12x128xi32, #tpu.memory_space<vmem>>, vector<1x16xi32>,
    %swap3A_1068 = vector.shape_cast %swap3A_1067 : vector<1x16xi32> to vector<16xi32>
    %swap3A_1069 = vector.shape_cast %add3A_1063 : vector<16xi32> to vector<1x16xi32>
    tpu.vector_store %arg7[%swap3A_1065, %swap3A_1066], %swap3A_1069 {strides = array<i32>} : memref<12x128xi32, #tpu.memory_space<vmem>>, vector<1x16xi32>,
    %mul3A_1070 = arith.constant 96 : i32
    %mul3A_1071 = arith.muli %select_n3A, %mul3A_1070 : i32
    %add3A_1072 = arith.constant 74 : i32
    %add3A_1073 = arith.addi %mul3A_1071, %add3A_1072 : i32
    %mul3A_1074 = arith.constant 147456 : i32
    %mul3A_1075 = arith.muli %add3A_1073, %mul3A_1074 : i32
    %add3A_1076 = vector.broadcast %mul3A_1075 : i32 to vector<16xi32>
    %add3A_1077 = arith.addi %get3A_34, %add3A_1076 : vector<16xi32>
    %swap3A_1078 = arith.constant 9 : i32
    %swap3A_1079 = arith.index_cast %swap3A_1078 : i32 to index
    %swap3A_1080 = arith.constant 32 : index
    %swap3A_1081 = tpu.vector_load %arg7[%swap3A_1079, %swap3A_1080] {strides = array<i32>} : memref<12x128xi32, #tpu.memory_space<vmem>>, vector<1x16xi32>,
    %swap3A_1082 = vector.shape_cast %swap3A_1081 : vector<1x16xi32> to vector<16xi32>
    %swap3A_1083 = vector.shape_cast %add3A_1077 : vector<16xi32> to vector<1x16xi32>
    tpu.vector_store %arg7[%swap3A_1079, %swap3A_1080], %swap3A_1083 {strides = array<i32>} : memref<12x128xi32, #tpu.memory_space<vmem>>, vector<1x16xi32>,
    %mul3A_1084 = arith.constant 96 : i32
    %mul3A_1085 = arith.muli %select_n3A, %mul3A_1084 : i32
    %add3A_1086 = arith.constant 75 : i32
    %add3A_1087 = arith.addi %mul3A_1085, %add3A_1086 : i32
    %mul3A_1088 = arith.constant 147456 : i32
    %mul3A_1089 = arith.muli %add3A_1087, %mul3A_1088 : i32
    %add3A_1090 = vector.broadcast %mul3A_1089 : i32 to vector<16xi32>
    %add3A_1091 = arith.addi %get3A_34, %add3A_1090 : vector<16xi32>
    %swap3A_1092 = arith.constant 9 : i32
    %swap3A_1093 = arith.index_cast %swap3A_1092 : i32 to index
    %swap3A_1094 = arith.constant 48 : index
    %swap3A_1095 = tpu.vector_load %arg7[%swap3A_1093, %swap3A_1094] {strides = array<i32>} : memref<12x128xi32, #tpu.memory_space<vmem>>, vector<1x16xi32>,
    %swap3A_1096 = vector.shape_cast %swap3A_1095 : vector<1x16xi32> to vector<16xi32>
    %swap3A_1097 = vector.shape_cast %add3A_1091 : vector<16xi32> to vector<1x16xi32>
    tpu.vector_store %arg7[%swap3A_1093, %swap3A_1094], %swap3A_1097 {strides = array<i32>} : memref<12x128xi32, #tpu.memory_space<vmem>>, vector<1x16xi32>,
    %mul3A_1098 = arith.constant 96 : i32
    %mul3A_1099 = arith.muli %select_n3A, %mul3A_1098 : i32
    %add3A_1100 = arith.constant 76 : i32
    %add3A_1101 = arith.addi %mul3A_1099, %add3A_1100 : i32
    %mul3A_1102 = arith.constant 147456 : i32
    %mul3A_1103 = arith.muli %add3A_1101, %mul3A_1102 : i32
    %add3A_1104 = vector.broadcast %mul3A_1103 : i32 to vector<16xi32>
    %add3A_1105 = arith.addi %get3A_34, %add3A_1104 : vector<16xi32>
    %swap3A_1106 = arith.constant 9 : i32
    %swap3A_1107 = arith.index_cast %swap3A_1106 : i32 to index
    %swap3A_1108 = arith.constant 64 : index
    %swap3A_1109 = tpu.vector_load %arg7[%swap3A_1107, %swap3A_1108] {strides = array<i32>} : memref<12x128xi32, #tpu.memory_space<vmem>>, vector<1x16xi32>,
    %swap3A_1110 = vector.shape_cast %swap3A_1109 : vector<1x16xi32> to vector<16xi32>
    %swap3A_1111 = vector.shape_cast %add3A_1105 : vector<16xi32> to vector<1x16xi32>
    tpu.vector_store %arg7[%swap3A_1107, %swap3A_1108], %swap3A_1111 {strides = array<i32>} : memref<12x128xi32, #tpu.memory_space<vmem>>, vector<1x16xi32>,
    %mul3A_1112 = arith.constant 96 : i32
    %mul3A_1113 = arith.muli %select_n3A, %mul3A_1112 : i32
    %add3A_1114 = arith.constant 77 : i32
    %add3A_1115 = arith.addi %mul3A_1113, %add3A_1114 : i32
    %mul3A_1116 = arith.constant 147456 : i32
    %mul3A_1117 = arith.muli %add3A_1115, %mul3A_1116 : i32
    %add3A_1118 = vector.broadcast %mul3A_1117 : i32 to vector<16xi32>
    %add3A_1119 = arith.addi %get3A_34, %add3A_1118 : vector<16xi32>
    %swap3A_1120 = arith.constant 9 : i32
    %swap3A_1121 = arith.index_cast %swap3A_1120 : i32 to index
    %swap3A_1122 = arith.constant 80 : index
    %swap3A_1123 = tpu.vector_load %arg7[%swap3A_1121, %swap3A_1122] {strides = array<i32>} : memref<12x128xi32, #tpu.memory_space<vmem>>, vector<1x16xi32>,
    %swap3A_1124 = vector.shape_cast %swap3A_1123 : vector<1x16xi32> to vector<16xi32>
    %swap3A_1125 = vector.shape_cast %add3A_1119 : vector<16xi32> to vector<1x16xi32>
    tpu.vector_store %arg7[%swap3A_1121, %swap3A_1122], %swap3A_1125 {strides = array<i32>} : memref<12x128xi32, #tpu.memory_space<vmem>>, vector<1x16xi32>,
    %mul3A_1126 = arith.constant 96 : i32
    %mul3A_1127 = arith.muli %select_n3A, %mul3A_1126 : i32
    %add3A_1128 = arith.constant 78 : i32
    %add3A_1129 = arith.addi %mul3A_1127, %add3A_1128 : i32
    %mul3A_1130 = arith.constant 147456 : i32
    %mul3A_1131 = arith.muli %add3A_1129, %mul3A_1130 : i32
    %add3A_1132 = vector.broadcast %mul3A_1131 : i32 to vector<16xi32>
    %add3A_1133 = arith.addi %get3A_34, %add3A_1132 : vector<16xi32>
    %swap3A_1134 = arith.constant 9 : i32
    %swap3A_1135 = arith.index_cast %swap3A_1134 : i32 to index
    %swap3A_1136 = arith.constant 96 : index
    %swap3A_1137 = tpu.vector_load %arg7[%swap3A_1135, %swap3A_1136] {strides = array<i32>} : memref<12x128xi32, #tpu.memory_space<vmem>>, vector<1x16xi32>,
    %swap3A_1138 = vector.shape_cast %swap3A_1137 : vector<1x16xi32> to vector<16xi32>
    %swap3A_1139 = vector.shape_cast %add3A_1133 : vector<16xi32> to vector<1x16xi32>
    tpu.vector_store %arg7[%swap3A_1135, %swap3A_1136], %swap3A_1139 {strides = array<i32>} : memref<12x128xi32, #tpu.memory_space<vmem>>, vector<1x16xi32>,
    %mul3A_1140 = arith.constant 96 : i32
    %mul3A_1141 = arith.muli %select_n3A, %mul3A_1140 : i32
    %add3A_1142 = arith.constant 79 : i32
    %add3A_1143 = arith.addi %mul3A_1141, %add3A_1142 : i32
    %mul3A_1144 = arith.constant 147456 : i32
    %mul3A_1145 = arith.muli %add3A_1143, %mul3A_1144 : i32
    %add3A_1146 = vector.broadcast %mul3A_1145 : i32 to vector<16xi32>
    %add3A_1147 = arith.addi %get3A_34, %add3A_1146 : vector<16xi32>
    %swap3A_1148 = arith.constant 9 : i32
    %swap3A_1149 = arith.index_cast %swap3A_1148 : i32 to index
    %swap3A_1150 = arith.constant 112 : index
    %swap3A_1151 = tpu.vector_load %arg7[%swap3A_1149, %swap3A_1150] {strides = array<i32>} : memref<12x128xi32, #tpu.memory_space<vmem>>, vector<1x16xi32>,
    %swap3A_1152 = vector.shape_cast %swap3A_1151 : vector<1x16xi32> to vector<16xi32>
    %swap3A_1153 = vector.shape_cast %add3A_1147 : vector<16xi32> to vector<1x16xi32>
    tpu.vector_store %arg7[%swap3A_1149, %swap3A_1150], %swap3A_1153 {strides = array<i32>} : memref<12x128xi32, #tpu.memory_space<vmem>>, vector<1x16xi32>,
    %mul3A_1154 = arith.constant 96 : i32
    %mul3A_1155 = arith.muli %select_n3A, %mul3A_1154 : i32
    %add3A_1156 = arith.constant 80 : i32
    %add3A_1157 = arith.addi %mul3A_1155, %add3A_1156 : i32
    %mul3A_1158 = arith.constant 147456 : i32
    %mul3A_1159 = arith.muli %add3A_1157, %mul3A_1158 : i32
    %add3A_1160 = vector.broadcast %mul3A_1159 : i32 to vector<16xi32>
    %add3A_1161 = arith.addi %get3A_34, %add3A_1160 : vector<16xi32>
    %swap3A_1162 = arith.constant 10 : i32
    %swap3A_1163 = arith.index_cast %swap3A_1162 : i32 to index
    %swap3A_1164 = arith.constant 0 : index
    %swap3A_1165 = tpu.vector_load %arg7[%swap3A_1163, %swap3A_1164] {strides = array<i32>} : memref<12x128xi32, #tpu.memory_space<vmem>>, vector<1x16xi32>,
    %swap3A_1166 = vector.shape_cast %swap3A_1165 : vector<1x16xi32> to vector<16xi32>
    %swap3A_1167 = vector.shape_cast %add3A_1161 : vector<16xi32> to vector<1x16xi32>
    tpu.vector_store %arg7[%swap3A_1163, %swap3A_1164], %swap3A_1167 {strides = array<i32>} : memref<12x128xi32, #tpu.memory_space<vmem>>, vector<1x16xi32>,
    %mul3A_1168 = arith.constant 96 : i32
    %mul3A_1169 = arith.muli %select_n3A, %mul3A_1168 : i32
    %add3A_1170 = arith.constant 81 : i32
    %add3A_1171 = arith.addi %mul3A_1169, %add3A_1170 : i32
    %mul3A_1172 = arith.constant 147456 : i32
    %mul3A_1173 = arith.muli %add3A_1171, %mul3A_1172 : i32
    %add3A_1174 = vector.broadcast %mul3A_1173 : i32 to vector<16xi32>
    %add3A_1175 = arith.addi %get3A_34, %add3A_1174 : vector<16xi32>
    %swap3A_1176 = arith.constant 10 : i32
    %swap3A_1177 = arith.index_cast %swap3A_1176 : i32 to index
    %swap3A_1178 = arith.constant 16 : index
    %swap3A_1179 = tpu.vector_load %arg7[%swap3A_1177, %swap3A_1178] {strides = array<i32>} : memref<12x128xi32, #tpu.memory_space<vmem>>, vector<1x16xi32>,
    %swap3A_1180 = vector.shape_cast %swap3A_1179 : vector<1x16xi32> to vector<16xi32>
    %swap3A_1181 = vector.shape_cast %add3A_1175 : vector<16xi32> to vector<1x16xi32>
    tpu.vector_store %arg7[%swap3A_1177, %swap3A_1178], %swap3A_1181 {strides = array<i32>} : memref<12x128xi32, #tpu.memory_space<vmem>>, vector<1x16xi32>,
    %mul3A_1182 = arith.constant 96 : i32
    %mul3A_1183 = arith.muli %select_n3A, %mul3A_1182 : i32
    %add3A_1184 = arith.constant 82 : i32
    %add3A_1185 = arith.addi %mul3A_1183, %add3A_1184 : i32
    %mul3A_1186 = arith.constant 147456 : i32
    %mul3A_1187 = arith.muli %add3A_1185, %mul3A_1186 : i32
    %add3A_1188 = vector.broadcast %mul3A_1187 : i32 to vector<16xi32>
    %add3A_1189 = arith.addi %get3A_34, %add3A_1188 : vector<16xi32>
    %swap3A_1190 = arith.constant 10 : i32
    %swap3A_1191 = arith.index_cast %swap3A_1190 : i32 to index
    %swap3A_1192 = arith.constant 32 : index
    %swap3A_1193 = tpu.vector_load %arg7[%swap3A_1191, %swap3A_1192] {strides = array<i32>} : memref<12x128xi32, #tpu.memory_space<vmem>>, vector<1x16xi32>,
    %swap3A_1194 = vector.shape_cast %swap3A_1193 : vector<1x16xi32> to vector<16xi32>
    %swap3A_1195 = vector.shape_cast %add3A_1189 : vector<16xi32> to vector<1x16xi32>
    tpu.vector_store %arg7[%swap3A_1191, %swap3A_1192], %swap3A_1195 {strides = array<i32>} : memref<12x128xi32, #tpu.memory_space<vmem>>, vector<1x16xi32>,
    %mul3A_1196 = arith.constant 96 : i32
    %mul3A_1197 = arith.muli %select_n3A, %mul3A_1196 : i32
    %add3A_1198 = arith.constant 83 : i32
    %add3A_1199 = arith.addi %mul3A_1197, %add3A_1198 : i32
    %mul3A_1200 = arith.constant 147456 : i32
    %mul3A_1201 = arith.muli %add3A_1199, %mul3A_1200 : i32
    %add3A_1202 = vector.broadcast %mul3A_1201 : i32 to vector<16xi32>
    %add3A_1203 = arith.addi %get3A_34, %add3A_1202 : vector<16xi32>
    %swap3A_1204 = arith.constant 10 : i32
    %swap3A_1205 = arith.index_cast %swap3A_1204 : i32 to index
    %swap3A_1206 = arith.constant 48 : index
    %swap3A_1207 = tpu.vector_load %arg7[%swap3A_1205, %swap3A_1206] {strides = array<i32>} : memref<12x128xi32, #tpu.memory_space<vmem>>, vector<1x16xi32>,
    %swap3A_1208 = vector.shape_cast %swap3A_1207 : vector<1x16xi32> to vector<16xi32>
    %swap3A_1209 = vector.shape_cast %add3A_1203 : vector<16xi32> to vector<1x16xi32>
    tpu.vector_store %arg7[%swap3A_1205, %swap3A_1206], %swap3A_1209 {strides = array<i32>} : memref<12x128xi32, #tpu.memory_space<vmem>>, vector<1x16xi32>,
    %mul3A_1210 = arith.constant 96 : i32
    %mul3A_1211 = arith.muli %select_n3A, %mul3A_1210 : i32
    %add3A_1212 = arith.constant 84 : i32
    %add3A_1213 = arith.addi %mul3A_1211, %add3A_1212 : i32
    %mul3A_1214 = arith.constant 147456 : i32
    %mul3A_1215 = arith.muli %add3A_1213, %mul3A_1214 : i32
    %add3A_1216 = vector.broadcast %mul3A_1215 : i32 to vector<16xi32>
    %add3A_1217 = arith.addi %get3A_34, %add3A_1216 : vector<16xi32>
    %swap3A_1218 = arith.constant 10 : i32
    %swap3A_1219 = arith.index_cast %swap3A_1218 : i32 to index
    %swap3A_1220 = arith.constant 64 : index
    %swap3A_1221 = tpu.vector_load %arg7[%swap3A_1219, %swap3A_1220] {strides = array<i32>} : memref<12x128xi32, #tpu.memory_space<vmem>>, vector<1x16xi32>,
    %swap3A_1222 = vector.shape_cast %swap3A_1221 : vector<1x16xi32> to vector<16xi32>
    %swap3A_1223 = vector.shape_cast %add3A_1217 : vector<16xi32> to vector<1x16xi32>
    tpu.vector_store %arg7[%swap3A_1219, %swap3A_1220], %swap3A_1223 {strides = array<i32>} : memref<12x128xi32, #tpu.memory_space<vmem>>, vector<1x16xi32>,
    %mul3A_1224 = arith.constant 96 : i32
    %mul3A_1225 = arith.muli %select_n3A, %mul3A_1224 : i32
    %add3A_1226 = arith.constant 85 : i32
    %add3A_1227 = arith.addi %mul3A_1225, %add3A_1226 : i32
    %mul3A_1228 = arith.constant 147456 : i32
    %mul3A_1229 = arith.muli %add3A_1227, %mul3A_1228 : i32
    %add3A_1230 = vector.broadcast %mul3A_1229 : i32 to vector<16xi32>
    %add3A_1231 = arith.addi %get3A_34, %add3A_1230 : vector<16xi32>
    %swap3A_1232 = arith.constant 10 : i32
    %swap3A_1233 = arith.index_cast %swap3A_1232 : i32 to index
    %swap3A_1234 = arith.constant 80 : index
    %swap3A_1235 = tpu.vector_load %arg7[%swap3A_1233, %swap3A_1234] {strides = array<i32>} : memref<12x128xi32, #tpu.memory_space<vmem>>, vector<1x16xi32>,
    %swap3A_1236 = vector.shape_cast %swap3A_1235 : vector<1x16xi32> to vector<16xi32>
    %swap3A_1237 = vector.shape_cast %add3A_1231 : vector<16xi32> to vector<1x16xi32>
    tpu.vector_store %arg7[%swap3A_1233, %swap3A_1234], %swap3A_1237 {strides = array<i32>} : memref<12x128xi32, #tpu.memory_space<vmem>>, vector<1x16xi32>,
    %mul3A_1238 = arith.constant 96 : i32
    %mul3A_1239 = arith.muli %select_n3A, %mul3A_1238 : i32
    %add3A_1240 = arith.constant 86 : i32
    %add3A_1241 = arith.addi %mul3A_1239, %add3A_1240 : i32
    %mul3A_1242 = arith.constant 147456 : i32
    %mul3A_1243 = arith.muli %add3A_1241, %mul3A_1242 : i32
    %add3A_1244 = vector.broadcast %mul3A_1243 : i32 to vector<16xi32>
    %add3A_1245 = arith.addi %get3A_34, %add3A_1244 : vector<16xi32>
    %swap3A_1246 = arith.constant 10 : i32
    %swap3A_1247 = arith.index_cast %swap3A_1246 : i32 to index
    %swap3A_1248 = arith.constant 96 : index
    %swap3A_1249 = tpu.vector_load %arg7[%swap3A_1247, %swap3A_1248] {strides = array<i32>} : memref<12x128xi32, #tpu.memory_space<vmem>>, vector<1x16xi32>,
    %swap3A_1250 = vector.shape_cast %swap3A_1249 : vector<1x16xi32> to vector<16xi32>
    %swap3A_1251 = vector.shape_cast %add3A_1245 : vector<16xi32> to vector<1x16xi32>
    tpu.vector_store %arg7[%swap3A_1247, %swap3A_1248], %swap3A_1251 {strides = array<i32>} : memref<12x128xi32, #tpu.memory_space<vmem>>, vector<1x16xi32>,
    %mul3A_1252 = arith.constant 96 : i32
    %mul3A_1253 = arith.muli %select_n3A, %mul3A_1252 : i32
    %add3A_1254 = arith.constant 87 : i32
    %add3A_1255 = arith.addi %mul3A_1253, %add3A_1254 : i32
    %mul3A_1256 = arith.constant 147456 : i32
    %mul3A_1257 = arith.muli %add3A_1255, %mul3A_1256 : i32
    %add3A_1258 = vector.broadcast %mul3A_1257 : i32 to vector<16xi32>
    %add3A_1259 = arith.addi %get3A_34, %add3A_1258 : vector<16xi32>
    %swap3A_1260 = arith.constant 10 : i32
    %swap3A_1261 = arith.index_cast %swap3A_1260 : i32 to index
    %swap3A_1262 = arith.constant 112 : index
    %swap3A_1263 = tpu.vector_load %arg7[%swap3A_1261, %swap3A_1262] {strides = array<i32>} : memref<12x128xi32, #tpu.memory_space<vmem>>, vector<1x16xi32>,
    %swap3A_1264 = vector.shape_cast %swap3A_1263 : vector<1x16xi32> to vector<16xi32>
    %swap3A_1265 = vector.shape_cast %add3A_1259 : vector<16xi32> to vector<1x16xi32>
    tpu.vector_store %arg7[%swap3A_1261, %swap3A_1262], %swap3A_1265 {strides = array<i32>} : memref<12x128xi32, #tpu.memory_space<vmem>>, vector<1x16xi32>,
    %mul3A_1266 = arith.constant 96 : i32
    %mul3A_1267 = arith.muli %select_n3A, %mul3A_1266 : i32
    %add3A_1268 = arith.constant 88 : i32
    %add3A_1269 = arith.addi %mul3A_1267, %add3A_1268 : i32
    %mul3A_1270 = arith.constant 147456 : i32
    %mul3A_1271 = arith.muli %add3A_1269, %mul3A_1270 : i32
    %add3A_1272 = vector.broadcast %mul3A_1271 : i32 to vector<16xi32>
    %add3A_1273 = arith.addi %get3A_34, %add3A_1272 : vector<16xi32>
    %swap3A_1274 = arith.constant 11 : i32
    %swap3A_1275 = arith.index_cast %swap3A_1274 : i32 to index
    %swap3A_1276 = arith.constant 0 : index
    %swap3A_1277 = tpu.vector_load %arg7[%swap3A_1275, %swap3A_1276] {strides = array<i32>} : memref<12x128xi32, #tpu.memory_space<vmem>>, vector<1x16xi32>,
    %swap3A_1278 = vector.shape_cast %swap3A_1277 : vector<1x16xi32> to vector<16xi32>
    %swap3A_1279 = vector.shape_cast %add3A_1273 : vector<16xi32> to vector<1x16xi32>
    tpu.vector_store %arg7[%swap3A_1275, %swap3A_1276], %swap3A_1279 {strides = array<i32>} : memref<12x128xi32, #tpu.memory_space<vmem>>, vector<1x16xi32>,
    %mul3A_1280 = arith.constant 96 : i32
    %mul3A_1281 = arith.muli %select_n3A, %mul3A_1280 : i32
    %add3A_1282 = arith.constant 89 : i32
    %add3A_1283 = arith.addi %mul3A_1281, %add3A_1282 : i32
    %mul3A_1284 = arith.constant 147456 : i32
    %mul3A_1285 = arith.muli %add3A_1283, %mul3A_1284 : i32
    %add3A_1286 = vector.broadcast %mul3A_1285 : i32 to vector<16xi32>
    %add3A_1287 = arith.addi %get3A_34, %add3A_1286 : vector<16xi32>
    %swap3A_1288 = arith.constant 11 : i32
    %swap3A_1289 = arith.index_cast %swap3A_1288 : i32 to index
    %swap3A_1290 = arith.constant 16 : index
    %swap3A_1291 = tpu.vector_load %arg7[%swap3A_1289, %swap3A_1290] {strides = array<i32>} : memref<12x128xi32, #tpu.memory_space<vmem>>, vector<1x16xi32>,
    %swap3A_1292 = vector.shape_cast %swap3A_1291 : vector<1x16xi32> to vector<16xi32>
    %swap3A_1293 = vector.shape_cast %add3A_1287 : vector<16xi32> to vector<1x16xi32>
    tpu.vector_store %arg7[%swap3A_1289, %swap3A_1290], %swap3A_1293 {strides = array<i32>} : memref<12x128xi32, #tpu.memory_space<vmem>>, vector<1x16xi32>,
    %mul3A_1294 = arith.constant 96 : i32
    %mul3A_1295 = arith.muli %select_n3A, %mul3A_1294 : i32
    %add3A_1296 = arith.constant 90 : i32
    %add3A_1297 = arith.addi %mul3A_1295, %add3A_1296 : i32
    %mul3A_1298 = arith.constant 147456 : i32
    %mul3A_1299 = arith.muli %add3A_1297, %mul3A_1298 : i32
    %add3A_1300 = vector.broadcast %mul3A_1299 : i32 to vector<16xi32>
    %add3A_1301 = arith.addi %get3A_34, %add3A_1300 : vector<16xi32>
    %swap3A_1302 = arith.constant 11 : i32
    %swap3A_1303 = arith.index_cast %swap3A_1302 : i32 to index
    %swap3A_1304 = arith.constant 32 : index
    %swap3A_1305 = tpu.vector_load %arg7[%swap3A_1303, %swap3A_1304] {strides = array<i32>} : memref<12x128xi32, #tpu.memory_space<vmem>>, vector<1x16xi32>,
    %swap3A_1306 = vector.shape_cast %swap3A_1305 : vector<1x16xi32> to vector<16xi32>
    %swap3A_1307 = vector.shape_cast %add3A_1301 : vector<16xi32> to vector<1x16xi32>
    tpu.vector_store %arg7[%swap3A_1303, %swap3A_1304], %swap3A_1307 {strides = array<i32>} : memref<12x128xi32, #tpu.memory_space<vmem>>, vector<1x16xi32>,
    %mul3A_1308 = arith.constant 96 : i32
    %mul3A_1309 = arith.muli %select_n3A, %mul3A_1308 : i32
    %add3A_1310 = arith.constant 91 : i32
    %add3A_1311 = arith.addi %mul3A_1309, %add3A_1310 : i32
    %mul3A_1312 = arith.constant 147456 : i32
    %mul3A_1313 = arith.muli %add3A_1311, %mul3A_1312 : i32
    %add3A_1314 = vector.broadcast %mul3A_1313 : i32 to vector<16xi32>
    %add3A_1315 = arith.addi %get3A_34, %add3A_1314 : vector<16xi32>
    %swap3A_1316 = arith.constant 11 : i32
    %swap3A_1317 = arith.index_cast %swap3A_1316 : i32 to index
    %swap3A_1318 = arith.constant 48 : index
    %swap3A_1319 = tpu.vector_load %arg7[%swap3A_1317, %swap3A_1318] {strides = array<i32>} : memref<12x128xi32, #tpu.memory_space<vmem>>, vector<1x16xi32>,
    %swap3A_1320 = vector.shape_cast %swap3A_1319 : vector<1x16xi32> to vector<16xi32>
    %swap3A_1321 = vector.shape_cast %add3A_1315 : vector<16xi32> to vector<1x16xi32>
    tpu.vector_store %arg7[%swap3A_1317, %swap3A_1318], %swap3A_1321 {strides = array<i32>} : memref<12x128xi32, #tpu.memory_space<vmem>>, vector<1x16xi32>,
    %mul3A_1322 = arith.constant 96 : i32
    %mul3A_1323 = arith.muli %select_n3A, %mul3A_1322 : i32
    %add3A_1324 = arith.constant 92 : i32
    %add3A_1325 = arith.addi %mul3A_1323, %add3A_1324 : i32
    %mul3A_1326 = arith.constant 147456 : i32
    %mul3A_1327 = arith.muli %add3A_1325, %mul3A_1326 : i32
    %add3A_1328 = vector.broadcast %mul3A_1327 : i32 to vector<16xi32>
    %add3A_1329 = arith.addi %get3A_34, %add3A_1328 : vector<16xi32>
    %swap3A_1330 = arith.constant 11 : i32
    %swap3A_1331 = arith.index_cast %swap3A_1330 : i32 to index
    %swap3A_1332 = arith.constant 64 : index
    %swap3A_1333 = tpu.vector_load %arg7[%swap3A_1331, %swap3A_1332] {strides = array<i32>} : memref<12x128xi32, #tpu.memory_space<vmem>>, vector<1x16xi32>,
    %swap3A_1334 = vector.shape_cast %swap3A_1333 : vector<1x16xi32> to vector<16xi32>
    %swap3A_1335 = vector.shape_cast %add3A_1329 : vector<16xi32> to vector<1x16xi32>
    tpu.vector_store %arg7[%swap3A_1331, %swap3A_1332], %swap3A_1335 {strides = array<i32>} : memref<12x128xi32, #tpu.memory_space<vmem>>, vector<1x16xi32>,
    %mul3A_1336 = arith.constant 96 : i32
    %mul3A_1337 = arith.muli %select_n3A, %mul3A_1336 : i32
    %add3A_1338 = arith.constant 93 : i32
    %add3A_1339 = arith.addi %mul3A_1337, %add3A_1338 : i32
    %mul3A_1340 = arith.constant 147456 : i32
    %mul3A_1341 = arith.muli %add3A_1339, %mul3A_1340 : i32
    %add3A_1342 = vector.broadcast %mul3A_1341 : i32 to vector<16xi32>
    %add3A_1343 = arith.addi %get3A_34, %add3A_1342 : vector<16xi32>
    %swap3A_1344 = arith.constant 11 : i32
    %swap3A_1345 = arith.index_cast %swap3A_1344 : i32 to index
    %swap3A_1346 = arith.constant 80 : index
    %swap3A_1347 = tpu.vector_load %arg7[%swap3A_1345, %swap3A_1346] {strides = array<i32>} : memref<12x128xi32, #tpu.memory_space<vmem>>, vector<1x16xi32>,
    %swap3A_1348 = vector.shape_cast %swap3A_1347 : vector<1x16xi32> to vector<16xi32>
    %swap3A_1349 = vector.shape_cast %add3A_1343 : vector<16xi32> to vector<1x16xi32>
    tpu.vector_store %arg7[%swap3A_1345, %swap3A_1346], %swap3A_1349 {strides = array<i32>} : memref<12x128xi32, #tpu.memory_space<vmem>>, vector<1x16xi32>,
    %mul3A_1350 = arith.constant 96 : i32
    %mul3A_1351 = arith.muli %select_n3A, %mul3A_1350 : i32
    %add3A_1352 = arith.constant 94 : i32
    %add3A_1353 = arith.addi %mul3A_1351, %add3A_1352 : i32
    %mul3A_1354 = arith.constant 147456 : i32
    %mul3A_1355 = arith.muli %add3A_1353, %mul3A_1354 : i32
    %add3A_1356 = vector.broadcast %mul3A_1355 : i32 to vector<16xi32>
    %add3A_1357 = arith.addi %get3A_34, %add3A_1356 : vector<16xi32>
    %swap3A_1358 = arith.constant 11 : i32
    %swap3A_1359 = arith.index_cast %swap3A_1358 : i32 to index
    %swap3A_1360 = arith.constant 96 : index
    %swap3A_1361 = tpu.vector_load %arg7[%swap3A_1359, %swap3A_1360] {strides = array<i32>} : memref<12x128xi32, #tpu.memory_space<vmem>>, vector<1x16xi32>,
    %swap3A_1362 = vector.shape_cast %swap3A_1361 : vector<1x16xi32> to vector<16xi32>
    %swap3A_1363 = vector.shape_cast %add3A_1357 : vector<16xi32> to vector<1x16xi32>
    tpu.vector_store %arg7[%swap3A_1359, %swap3A_1360], %swap3A_1363 {strides = array<i32>} : memref<12x128xi32, #tpu.memory_space<vmem>>, vector<1x16xi32>,
    %mul3A_1364 = arith.constant 96 : i32
    %mul3A_1365 = arith.muli %select_n3A, %mul3A_1364 : i32
    %add3A_1366 = arith.constant 95 : i32
    %add3A_1367 = arith.addi %mul3A_1365, %add3A_1366 : i32
    %mul3A_1368 = arith.constant 147456 : i32
    %mul3A_1369 = arith.muli %add3A_1367, %mul3A_1368 : i32
    %add3A_1370 = vector.broadcast %mul3A_1369 : i32 to vector<16xi32>
    %add3A_1371 = arith.addi %get3A_34, %add3A_1370 : vector<16xi32>
    %swap3A_1372 = arith.constant 11 : i32
    %swap3A_1373 = arith.index_cast %swap3A_1372 : i32 to index
    %swap3A_1374 = arith.constant 112 : index
    %swap3A_1375 = tpu.vector_load %arg7[%swap3A_1373, %swap3A_1374] {strides = array<i32>} : memref<12x128xi32, #tpu.memory_space<vmem>>, vector<1x16xi32>,
    %swap3A_1376 = vector.shape_cast %swap3A_1375 : vector<1x16xi32> to vector<16xi32>
    %swap3A_1377 = vector.shape_cast %add3A_1371 : vector<16xi32> to vector<1x16xi32>
    tpu.vector_store %arg7[%swap3A_1373, %swap3A_1374], %swap3A_1377 {strides = array<i32>} : memref<12x128xi32, #tpu.memory_space<vmem>>, vector<1x16xi32>,
    %dma_start3A = arith.constant 0 : i32
    %dma_start3A_1378 = arith.constant 0 : i32
    %dma_start3A_1379 = arith.constant 0 : i32
    %dma_start3A_1380 = tpu.memref_slice %arg8[%dma_start3A_1378, %dma_start3A_1379] : memref<12x128xf32, #tpu.memory_space<vmem>> -> memref<1x128xf32, #tpu.memory_space<vmem>>
    %dma_start3A_1381 = tpu.memref_squeeze %dma_start3A_1380 : memref<1x128xf32, #tpu.memory_space<vmem>> -> memref<128xf32, #tpu.memory_space<vmem>>
    %dma_start3A_1382 = arith.constant 0 : i32
    %dma_start3A_1383 = tpu.memref_slice %arg7[%dma_start3A, %dma_start3A_1382] : memref<12x128xi32, #tpu.memory_space<vmem>> -> memref<1x128xi32, #tpu.memory_space<vmem>>
    %dma_start3A_1384 = tpu.memref_squeeze %dma_start3A_1383 : memref<1x128xi32, #tpu.memory_space<vmem>> -> memref<128xi32, #tpu.memory_space<vmem>>
    %dma_start3A_1385 = arith.constant 0 : i32
    %dma_start3A_1386 = tpu.memref_slice %arg2[%dma_start3A_1385] : memref<56623104xf32, #tpu.memory_space<hbm>> -> memref<56623104xf32, #tpu.memory_space<hbm>>
    tpu.enqueue_indirect_dma source(%dma_start3A_1386 : memref<56623104xf32, #tpu.memory_space<hbm>>) target(%dma_start3A_1381 : memref<128xf32, #tpu.memory_space<vmem>>) offsets(%dma_start3A_1384 : memref<128xi32, #tpu.memory_space<vmem>>) semaphore(%arg11 : memref<!tpu.dma_semaphore, #tpu.memory_space<semaphore_mem>>)
    %dma_start3A_1387 = arith.constant 1 : i32
    %dma_start3A_1388 = arith.constant 1 : i32
    %dma_start3A_1389 = arith.constant 0 : i32
    %dma_start3A_1390 = tpu.memref_slice %arg8[%dma_start3A_1388, %dma_start3A_1389] : memref<12x128xf32, #tpu.memory_space<vmem>> -> memref<1x128xf32, #tpu.memory_space<vmem>>
    %dma_start3A_1391 = tpu.memref_squeeze %dma_start3A_1390 : memref<1x128xf32, #tpu.memory_space<vmem>> -> memref<128xf32, #tpu.memory_space<vmem>>
    %dma_start3A_1392 = arith.constant 0 : i32
    %dma_start3A_1393 = tpu.memref_slice %arg7[%dma_start3A_1387, %dma_start3A_1392] : memref<12x128xi32, #tpu.memory_space<vmem>> -> memref<1x128xi32, #tpu.memory_space<vmem>>
    %dma_start3A_1394 = tpu.memref_squeeze %dma_start3A_1393 : memref<1x128xi32, #tpu.memory_space<vmem>> -> memref<128xi32, #tpu.memory_space<vmem>>
    %dma_start3A_1395 = arith.constant 0 : i32
    %dma_start3A_1396 = tpu.memref_slice %arg2[%dma_start3A_1395] : memref<56623104xf32, #tpu.memory_space<hbm>> -> memref<56623104xf32, #tpu.memory_space<hbm>>
    tpu.enqueue_indirect_dma source(%dma_start3A_1396 : memref<56623104xf32, #tpu.memory_space<hbm>>) target(%dma_start3A_1391 : memref<128xf32, #tpu.memory_space<vmem>>) offsets(%dma_start3A_1394 : memref<128xi32, #tpu.memory_space<vmem>>) semaphore(%arg11 : memref<!tpu.dma_semaphore, #tpu.memory_space<semaphore_mem>>)
    %dma_start3A_1397 = arith.constant 2 : i32
    %dma_start3A_1398 = arith.constant 2 : i32
    %dma_start3A_1399 = arith.constant 0 : i32
    %dma_start3A_1400 = tpu.memref_slice %arg8[%dma_start3A_1398, %dma_start3A_1399] : memref<12x128xf32, #tpu.memory_space<vmem>> -> memref<1x128xf32, #tpu.memory_space<vmem>>
    %dma_start3A_1401 = tpu.memref_squeeze %dma_start3A_1400 : memref<1x128xf32, #tpu.memory_space<vmem>> -> memref<128xf32, #tpu.memory_space<vmem>>
    %dma_start3A_1402 = arith.constant 0 : i32
    %dma_start3A_1403 = tpu.memref_slice %arg7[%dma_start3A_1397, %dma_start3A_1402] : memref<12x128xi32, #tpu.memory_space<vmem>> -> memref<1x128xi32, #tpu.memory_space<vmem>>
    %dma_start3A_1404 = tpu.memref_squeeze %dma_start3A_1403 : memref<1x128xi32, #tpu.memory_space<vmem>> -> memref<128xi32, #tpu.memory_space<vmem>>
    %dma_start3A_1405 = arith.constant 0 : i32
    %dma_start3A_1406 = tpu.memref_slice %arg2[%dma_start3A_1405] : memref<56623104xf32, #tpu.memory_space<hbm>> -> memref<56623104xf32, #tpu.memory_space<hbm>>
    tpu.enqueue_indirect_dma source(%dma_start3A_1406 : memref<56623104xf32, #tpu.memory_space<hbm>>) target(%dma_start3A_1401 : memref<128xf32, #tpu.memory_space<vmem>>) offsets(%dma_start3A_1404 : memref<128xi32, #tpu.memory_space<vmem>>) semaphore(%arg11 : memref<!tpu.dma_semaphore, #tpu.memory_space<semaphore_mem>>)
    %dma_start3A_1407 = arith.constant 3 : i32
    %dma_start3A_1408 = arith.constant 3 : i32
    %dma_start3A_1409 = arith.constant 0 : i32
    %dma_start3A_1410 = tpu.memref_slice %arg8[%dma_start3A_1408, %dma_start3A_1409] : memref<12x128xf32, #tpu.memory_space<vmem>> -> memref<1x128xf32, #tpu.memory_space<vmem>>
    %dma_start3A_1411 = tpu.memref_squeeze %dma_start3A_1410 : memref<1x128xf32, #tpu.memory_space<vmem>> -> memref<128xf32, #tpu.memory_space<vmem>>
    %dma_start3A_1412 = arith.constant 0 : i32
    %dma_start3A_1413 = tpu.memref_slice %arg7[%dma_start3A_1407, %dma_start3A_1412] : memref<12x128xi32, #tpu.memory_space<vmem>> -> memref<1x128xi32, #tpu.memory_space<vmem>>
    %dma_start3A_1414 = tpu.memref_squeeze %dma_start3A_1413 : memref<1x128xi32, #tpu.memory_space<vmem>> -> memref<128xi32, #tpu.memory_space<vmem>>
    %dma_start3A_1415 = arith.constant 0 : i32
    %dma_start3A_1416 = tpu.memref_slice %arg2[%dma_start3A_1415] : memref<56623104xf32, #tpu.memory_space<hbm>> -> memref<56623104xf32, #tpu.memory_space<hbm>>
    tpu.enqueue_indirect_dma source(%dma_start3A_1416 : memref<56623104xf32, #tpu.memory_space<hbm>>) target(%dma_start3A_1411 : memref<128xf32, #tpu.memory_space<vmem>>) offsets(%dma_start3A_1414 : memref<128xi32, #tpu.memory_space<vmem>>) semaphore(%arg11 : memref<!tpu.dma_semaphore, #tpu.memory_space<semaphore_mem>>)
    %dma_start3A_1417 = arith.constant 4 : i32
    %dma_start3A_1418 = arith.constant 4 : i32
    %dma_start3A_1419 = arith.constant 0 : i32
    %dma_start3A_1420 = tpu.memref_slice %arg8[%dma_start3A_1418, %dma_start3A_1419] : memref<12x128xf32, #tpu.memory_space<vmem>> -> memref<1x128xf32, #tpu.memory_space<vmem>>
    %dma_start3A_1421 = tpu.memref_squeeze %dma_start3A_1420 : memref<1x128xf32, #tpu.memory_space<vmem>> -> memref<128xf32, #tpu.memory_space<vmem>>
    %dma_start3A_1422 = arith.constant 0 : i32
    %dma_start3A_1423 = tpu.memref_slice %arg7[%dma_start3A_1417, %dma_start3A_1422] : memref<12x128xi32, #tpu.memory_space<vmem>> -> memref<1x128xi32, #tpu.memory_space<vmem>>
    %dma_start3A_1424 = tpu.memref_squeeze %dma_start3A_1423 : memref<1x128xi32, #tpu.memory_space<vmem>> -> memref<128xi32, #tpu.memory_space<vmem>>
    %dma_start3A_1425 = arith.constant 0 : i32
    %dma_start3A_1426 = tpu.memref_slice %arg2[%dma_start3A_1425] : memref<56623104xf32, #tpu.memory_space<hbm>> -> memref<56623104xf32, #tpu.memory_space<hbm>>
    tpu.enqueue_indirect_dma source(%dma_start3A_1426 : memref<56623104xf32, #tpu.memory_space<hbm>>) target(%dma_start3A_1421 : memref<128xf32, #tpu.memory_space<vmem>>) offsets(%dma_start3A_1424 : memref<128xi32, #tpu.memory_space<vmem>>) semaphore(%arg11 : memref<!tpu.dma_semaphore, #tpu.memory_space<semaphore_mem>>)
    %dma_start3A_1427 = arith.constant 5 : i32
    %dma_start3A_1428 = arith.constant 5 : i32
    %dma_start3A_1429 = arith.constant 0 : i32
    %dma_start3A_1430 = tpu.memref_slice %arg8[%dma_start3A_1428, %dma_start3A_1429] : memref<12x128xf32, #tpu.memory_space<vmem>> -> memref<1x128xf32, #tpu.memory_space<vmem>>
    %dma_start3A_1431 = tpu.memref_squeeze %dma_start3A_1430 : memref<1x128xf32, #tpu.memory_space<vmem>> -> memref<128xf32, #tpu.memory_space<vmem>>
    %dma_start3A_1432 = arith.constant 0 : i32
    %dma_start3A_1433 = tpu.memref_slice %arg7[%dma_start3A_1427, %dma_start3A_1432] : memref<12x128xi32, #tpu.memory_space<vmem>> -> memref<1x128xi32, #tpu.memory_space<vmem>>
    %dma_start3A_1434 = tpu.memref_squeeze %dma_start3A_1433 : memref<1x128xi32, #tpu.memory_space<vmem>> -> memref<128xi32, #tpu.memory_space<vmem>>
    %dma_start3A_1435 = arith.constant 0 : i32
    %dma_start3A_1436 = tpu.memref_slice %arg2[%dma_start3A_1435] : memref<56623104xf32, #tpu.memory_space<hbm>> -> memref<56623104xf32, #tpu.memory_space<hbm>>
    tpu.enqueue_indirect_dma source(%dma_start3A_1436 : memref<56623104xf32, #tpu.memory_space<hbm>>) target(%dma_start3A_1431 : memref<128xf32, #tpu.memory_space<vmem>>) offsets(%dma_start3A_1434 : memref<128xi32, #tpu.memory_space<vmem>>) semaphore(%arg11 : memref<!tpu.dma_semaphore, #tpu.memory_space<semaphore_mem>>)
    %dma_start3A_1437 = arith.constant 6 : i32
    %dma_start3A_1438 = arith.constant 6 : i32
    %dma_start3A_1439 = arith.constant 0 : i32
    %dma_start3A_1440 = tpu.memref_slice %arg8[%dma_start3A_1438, %dma_start3A_1439] : memref<12x128xf32, #tpu.memory_space<vmem>> -> memref<1x128xf32, #tpu.memory_space<vmem>>
    %dma_start3A_1441 = tpu.memref_squeeze %dma_start3A_1440 : memref<1x128xf32, #tpu.memory_space<vmem>> -> memref<128xf32, #tpu.memory_space<vmem>>
    %dma_start3A_1442 = arith.constant 0 : i32
    %dma_start3A_1443 = tpu.memref_slice %arg7[%dma_start3A_1437, %dma_start3A_1442] : memref<12x128xi32, #tpu.memory_space<vmem>> -> memref<1x128xi32, #tpu.memory_space<vmem>>
    %dma_start3A_1444 = tpu.memref_squeeze %dma_start3A_1443 : memref<1x128xi32, #tpu.memory_space<vmem>> -> memref<128xi32, #tpu.memory_space<vmem>>
    %dma_start3A_1445 = arith.constant 0 : i32
    %dma_start3A_1446 = tpu.memref_slice %arg2[%dma_start3A_1445] : memref<56623104xf32, #tpu.memory_space<hbm>> -> memref<56623104xf32, #tpu.memory_space<hbm>>
    tpu.enqueue_indirect_dma source(%dma_start3A_1446 : memref<56623104xf32, #tpu.memory_space<hbm>>) target(%dma_start3A_1441 : memref<128xf32, #tpu.memory_space<vmem>>) offsets(%dma_start3A_1444 : memref<128xi32, #tpu.memory_space<vmem>>) semaphore(%arg11 : memref<!tpu.dma_semaphore, #tpu.memory_space<semaphore_mem>>)
    %dma_start3A_1447 = arith.constant 7 : i32
    %dma_start3A_1448 = arith.constant 7 : i32
    %dma_start3A_1449 = arith.constant 0 : i32
    %dma_start3A_1450 = tpu.memref_slice %arg8[%dma_start3A_1448, %dma_start3A_1449] : memref<12x128xf32, #tpu.memory_space<vmem>> -> memref<1x128xf32, #tpu.memory_space<vmem>>
    %dma_start3A_1451 = tpu.memref_squeeze %dma_start3A_1450 : memref<1x128xf32, #tpu.memory_space<vmem>> -> memref<128xf32, #tpu.memory_space<vmem>>
    %dma_start3A_1452 = arith.constant 0 : i32
    %dma_start3A_1453 = tpu.memref_slice %arg7[%dma_start3A_1447, %dma_start3A_1452] : memref<12x128xi32, #tpu.memory_space<vmem>> -> memref<1x128xi32, #tpu.memory_space<vmem>>
    %dma_start3A_1454 = tpu.memref_squeeze %dma_start3A_1453 : memref<1x128xi32, #tpu.memory_space<vmem>> -> memref<128xi32, #tpu.memory_space<vmem>>
    %dma_start3A_1455 = arith.constant 0 : i32
    %dma_start3A_1456 = tpu.memref_slice %arg2[%dma_start3A_1455] : memref<56623104xf32, #tpu.memory_space<hbm>> -> memref<56623104xf32, #tpu.memory_space<hbm>>
    tpu.enqueue_indirect_dma source(%dma_start3A_1456 : memref<56623104xf32, #tpu.memory_space<hbm>>) target(%dma_start3A_1451 : memref<128xf32, #tpu.memory_space<vmem>>) offsets(%dma_start3A_1454 : memref<128xi32, #tpu.memory_space<vmem>>) semaphore(%arg11 : memref<!tpu.dma_semaphore, #tpu.memory_space<semaphore_mem>>)
    %dma_start3A_1457 = arith.constant 8 : i32
    %dma_start3A_1458 = arith.constant 8 : i32
    %dma_start3A_1459 = arith.constant 0 : i32
    %dma_start3A_1460 = tpu.memref_slice %arg8[%dma_start3A_1458, %dma_start3A_1459] : memref<12x128xf32, #tpu.memory_space<vmem>> -> memref<1x128xf32, #tpu.memory_space<vmem>>
    %dma_start3A_1461 = tpu.memref_squeeze %dma_start3A_1460 : memref<1x128xf32, #tpu.memory_space<vmem>> -> memref<128xf32, #tpu.memory_space<vmem>>
    %dma_start3A_1462 = arith.constant 0 : i32
    %dma_start3A_1463 = tpu.memref_slice %arg7[%dma_start3A_1457, %dma_start3A_1462] : memref<12x128xi32, #tpu.memory_space<vmem>> -> memref<1x128xi32, #tpu.memory_space<vmem>>
    %dma_start3A_1464 = tpu.memref_squeeze %dma_start3A_1463 : memref<1x128xi32, #tpu.memory_space<vmem>> -> memref<128xi32, #tpu.memory_space<vmem>>
    %dma_start3A_1465 = arith.constant 0 : i32
    %dma_start3A_1466 = tpu.memref_slice %arg2[%dma_start3A_1465] : memref<56623104xf32, #tpu.memory_space<hbm>> -> memref<56623104xf32, #tpu.memory_space<hbm>>
    tpu.enqueue_indirect_dma source(%dma_start3A_1466 : memref<56623104xf32, #tpu.memory_space<hbm>>) target(%dma_start3A_1461 : memref<128xf32, #tpu.memory_space<vmem>>) offsets(%dma_start3A_1464 : memref<128xi32, #tpu.memory_space<vmem>>) semaphore(%arg11 : memref<!tpu.dma_semaphore, #tpu.memory_space<semaphore_mem>>)
    %dma_start3A_1467 = arith.constant 9 : i32
    %dma_start3A_1468 = arith.constant 9 : i32
    %dma_start3A_1469 = arith.constant 0 : i32
    %dma_start3A_1470 = tpu.memref_slice %arg8[%dma_start3A_1468, %dma_start3A_1469] : memref<12x128xf32, #tpu.memory_space<vmem>> -> memref<1x128xf32, #tpu.memory_space<vmem>>
    %dma_start3A_1471 = tpu.memref_squeeze %dma_start3A_1470 : memref<1x128xf32, #tpu.memory_space<vmem>> -> memref<128xf32, #tpu.memory_space<vmem>>
    %dma_start3A_1472 = arith.constant 0 : i32
    %dma_start3A_1473 = tpu.memref_slice %arg7[%dma_start3A_1467, %dma_start3A_1472] : memref<12x128xi32, #tpu.memory_space<vmem>> -> memref<1x128xi32, #tpu.memory_space<vmem>>
    %dma_start3A_1474 = tpu.memref_squeeze %dma_start3A_1473 : memref<1x128xi32, #tpu.memory_space<vmem>> -> memref<128xi32, #tpu.memory_space<vmem>>
    %dma_start3A_1475 = arith.constant 0 : i32
    %dma_start3A_1476 = tpu.memref_slice %arg2[%dma_start3A_1475] : memref<56623104xf32, #tpu.memory_space<hbm>> -> memref<56623104xf32, #tpu.memory_space<hbm>>
    tpu.enqueue_indirect_dma source(%dma_start3A_1476 : memref<56623104xf32, #tpu.memory_space<hbm>>) target(%dma_start3A_1471 : memref<128xf32, #tpu.memory_space<vmem>>) offsets(%dma_start3A_1474 : memref<128xi32, #tpu.memory_space<vmem>>) semaphore(%arg11 : memref<!tpu.dma_semaphore, #tpu.memory_space<semaphore_mem>>)
    %dma_start3A_1477 = arith.constant 10 : i32
    %dma_start3A_1478 = arith.constant 10 : i32
    %dma_start3A_1479 = arith.constant 0 : i32
    %dma_start3A_1480 = tpu.memref_slice %arg8[%dma_start3A_1478, %dma_start3A_1479] : memref<12x128xf32, #tpu.memory_space<vmem>> -> memref<1x128xf32, #tpu.memory_space<vmem>>
    %dma_start3A_1481 = tpu.memref_squeeze %dma_start3A_1480 : memref<1x128xf32, #tpu.memory_space<vmem>> -> memref<128xf32, #tpu.memory_space<vmem>>
    %dma_start3A_1482 = arith.constant 0 : i32
    %dma_start3A_1483 = tpu.memref_slice %arg7[%dma_start3A_1477, %dma_start3A_1482] : memref<12x128xi32, #tpu.memory_space<vmem>> -> memref<1x128xi32, #tpu.memory_space<vmem>>
    %dma_start3A_1484 = tpu.memref_squeeze %dma_start3A_1483 : memref<1x128xi32, #tpu.memory_space<vmem>> -> memref<128xi32, #tpu.memory_space<vmem>>
    %dma_start3A_1485 = arith.constant 0 : i32
    %dma_start3A_1486 = tpu.memref_slice %arg2[%dma_start3A_1485] : memref<56623104xf32, #tpu.memory_space<hbm>> -> memref<56623104xf32, #tpu.memory_space<hbm>>
    tpu.enqueue_indirect_dma source(%dma_start3A_1486 : memref<56623104xf32, #tpu.memory_space<hbm>>) target(%dma_start3A_1481 : memref<128xf32, #tpu.memory_space<vmem>>) offsets(%dma_start3A_1484 : memref<128xi32, #tpu.memory_space<vmem>>) semaphore(%arg11 : memref<!tpu.dma_semaphore, #tpu.memory_space<semaphore_mem>>)
    %dma_start3A_1487 = arith.constant 11 : i32
    %dma_start3A_1488 = arith.constant 11 : i32
    %dma_start3A_1489 = arith.constant 0 : i32
    %dma_start3A_1490 = tpu.memref_slice %arg8[%dma_start3A_1488, %dma_start3A_1489] : memref<12x128xf32, #tpu.memory_space<vmem>> -> memref<1x128xf32, #tpu.memory_space<vmem>>
    %dma_start3A_1491 = tpu.memref_squeeze %dma_start3A_1490 : memref<1x128xf32, #tpu.memory_space<vmem>> -> memref<128xf32, #tpu.memory_space<vmem>>
    %dma_start3A_1492 = arith.constant 0 : i32
    %dma_start3A_1493 = tpu.memref_slice %arg7[%dma_start3A_1487, %dma_start3A_1492] : memref<12x128xi32, #tpu.memory_space<vmem>> -> memref<1x128xi32, #tpu.memory_space<vmem>>
    %dma_start3A_1494 = tpu.memref_squeeze %dma_start3A_1493 : memref<1x128xi32, #tpu.memory_space<vmem>> -> memref<128xi32, #tpu.memory_space<vmem>>
    %dma_start3A_1495 = arith.constant 0 : i32
    %dma_start3A_1496 = tpu.memref_slice %arg2[%dma_start3A_1495] : memref<56623104xf32, #tpu.memory_space<hbm>> -> memref<56623104xf32, #tpu.memory_space<hbm>>
    tpu.enqueue_indirect_dma source(%dma_start3A_1496 : memref<56623104xf32, #tpu.memory_space<hbm>>) target(%dma_start3A_1491 : memref<128xf32, #tpu.memory_space<vmem>>) offsets(%dma_start3A_1494 : memref<128xi32, #tpu.memory_space<vmem>>) semaphore(%arg11 : memref<!tpu.dma_semaphore, #tpu.memory_space<semaphore_mem>>)
    %dma_wait3A = arith.constant 0 : i32
    %dma_wait3A_1497 = arith.constant 0 : i32
    %dma_wait3A_1498 = arith.constant 0 : i32
    %dma_wait3A_1499 = tpu.memref_slice %arg8[%dma_wait3A_1497, %dma_wait3A_1498] : memref<12x128xf32, #tpu.memory_space<vmem>> -> memref<1x128xf32, #tpu.memory_space<vmem>>
    %dma_wait3A_1500 = tpu.memref_squeeze %dma_wait3A_1499 : memref<1x128xf32, #tpu.memory_space<vmem>> -> memref<128xf32, #tpu.memory_space<vmem>>
    %dma_wait3A_1501 = arith.constant 0 : i32
    %dma_wait3A_1502 = tpu.memref_slice %arg7[%dma_wait3A, %dma_wait3A_1501] : memref<12x128xi32, #tpu.memory_space<vmem>> -> memref<1x128xi32, #tpu.memory_space<vmem>>
    %dma_wait3A_1503 = tpu.memref_squeeze %dma_wait3A_1502 : memref<1x128xi32, #tpu.memory_space<vmem>> -> memref<128xi32, #tpu.memory_space<vmem>>
    %dma_wait3A_1504 = arith.constant 0 : i32
    %dma_wait3A_1505 = tpu.memref_slice %arg2[%dma_wait3A_1504] : memref<56623104xf32, #tpu.memory_space<hbm>> -> memref<56623104xf32, #tpu.memory_space<hbm>>
    tpu.wait_indirect_dma semaphore(%arg11 : memref<!tpu.dma_semaphore, #tpu.memory_space<semaphore_mem>>) src(%dma_wait3A_1505 : memref<56623104xf32, #tpu.memory_space<hbm>>) dst(%dma_wait3A_1500 : memref<128xf32, #tpu.memory_space<vmem>>)
    %dma_wait3A_1506 = arith.constant 1 : i32
    %dma_wait3A_1507 = arith.constant 1 : i32
    %dma_wait3A_1508 = arith.constant 0 : i32
    %dma_wait3A_1509 = tpu.memref_slice %arg8[%dma_wait3A_1507, %dma_wait3A_1508] : memref<12x128xf32, #tpu.memory_space<vmem>> -> memref<1x128xf32, #tpu.memory_space<vmem>>
    %dma_wait3A_1510 = tpu.memref_squeeze %dma_wait3A_1509 : memref<1x128xf32, #tpu.memory_space<vmem>> -> memref<128xf32, #tpu.memory_space<vmem>>
    %dma_wait3A_1511 = arith.constant 0 : i32
    %dma_wait3A_1512 = tpu.memref_slice %arg7[%dma_wait3A_1506, %dma_wait3A_1511] : memref<12x128xi32, #tpu.memory_space<vmem>> -> memref<1x128xi32, #tpu.memory_space<vmem>>
    %dma_wait3A_1513 = tpu.memref_squeeze %dma_wait3A_1512 : memref<1x128xi32, #tpu.memory_space<vmem>> -> memref<128xi32, #tpu.memory_space<vmem>>
    %dma_wait3A_1514 = arith.constant 0 : i32
    %dma_wait3A_1515 = tpu.memref_slice %arg2[%dma_wait3A_1514] : memref<56623104xf32, #tpu.memory_space<hbm>> -> memref<56623104xf32, #tpu.memory_space<hbm>>
    tpu.wait_indirect_dma semaphore(%arg11 : memref<!tpu.dma_semaphore, #tpu.memory_space<semaphore_mem>>) src(%dma_wait3A_1515 : memref<56623104xf32, #tpu.memory_space<hbm>>) dst(%dma_wait3A_1510 : memref<128xf32, #tpu.memory_space<vmem>>)
    %dma_wait3A_1516 = arith.constant 2 : i32
    %dma_wait3A_1517 = arith.constant 2 : i32
    %dma_wait3A_1518 = arith.constant 0 : i32
    %dma_wait3A_1519 = tpu.memref_slice %arg8[%dma_wait3A_1517, %dma_wait3A_1518] : memref<12x128xf32, #tpu.memory_space<vmem>> -> memref<1x128xf32, #tpu.memory_space<vmem>>
    %dma_wait3A_1520 = tpu.memref_squeeze %dma_wait3A_1519 : memref<1x128xf32, #tpu.memory_space<vmem>> -> memref<128xf32, #tpu.memory_space<vmem>>
    %dma_wait3A_1521 = arith.constant 0 : i32
    %dma_wait3A_1522 = tpu.memref_slice %arg7[%dma_wait3A_1516, %dma_wait3A_1521] : memref<12x128xi32, #tpu.memory_space<vmem>> -> memref<1x128xi32, #tpu.memory_space<vmem>>
    %dma_wait3A_1523 = tpu.memref_squeeze %dma_wait3A_1522 : memref<1x128xi32, #tpu.memory_space<vmem>> -> memref<128xi32, #tpu.memory_space<vmem>>
    %dma_wait3A_1524 = arith.constant 0 : i32
    %dma_wait3A_1525 = tpu.memref_slice %arg2[%dma_wait3A_1524] : memref<56623104xf32, #tpu.memory_space<hbm>> -> memref<56623104xf32, #tpu.memory_space<hbm>>
    tpu.wait_indirect_dma semaphore(%arg11 : memref<!tpu.dma_semaphore, #tpu.memory_space<semaphore_mem>>) src(%dma_wait3A_1525 : memref<56623104xf32, #tpu.memory_space<hbm>>) dst(%dma_wait3A_1520 : memref<128xf32, #tpu.memory_space<vmem>>)
    %dma_wait3A_1526 = arith.constant 3 : i32
    %dma_wait3A_1527 = arith.constant 3 : i32
    %dma_wait3A_1528 = arith.constant 0 : i32
    %dma_wait3A_1529 = tpu.memref_slice %arg8[%dma_wait3A_1527, %dma_wait3A_1528] : memref<12x128xf32, #tpu.memory_space<vmem>> -> memref<1x128xf32, #tpu.memory_space<vmem>>
    %dma_wait3A_1530 = tpu.memref_squeeze %dma_wait3A_1529 : memref<1x128xf32, #tpu.memory_space<vmem>> -> memref<128xf32, #tpu.memory_space<vmem>>
    %dma_wait3A_1531 = arith.constant 0 : i32
    %dma_wait3A_1532 = tpu.memref_slice %arg7[%dma_wait3A_1526, %dma_wait3A_1531] : memref<12x128xi32, #tpu.memory_space<vmem>> -> memref<1x128xi32, #tpu.memory_space<vmem>>
    %dma_wait3A_1533 = tpu.memref_squeeze %dma_wait3A_1532 : memref<1x128xi32, #tpu.memory_space<vmem>> -> memref<128xi32, #tpu.memory_space<vmem>>
    %dma_wait3A_1534 = arith.constant 0 : i32
    %dma_wait3A_1535 = tpu.memref_slice %arg2[%dma_wait3A_1534] : memref<56623104xf32, #tpu.memory_space<hbm>> -> memref<56623104xf32, #tpu.memory_space<hbm>>
    tpu.wait_indirect_dma semaphore(%arg11 : memref<!tpu.dma_semaphore, #tpu.memory_space<semaphore_mem>>) src(%dma_wait3A_1535 : memref<56623104xf32, #tpu.memory_space<hbm>>) dst(%dma_wait3A_1530 : memref<128xf32, #tpu.memory_space<vmem>>)
    %dma_wait3A_1536 = arith.constant 4 : i32
    %dma_wait3A_1537 = arith.constant 4 : i32
    %dma_wait3A_1538 = arith.constant 0 : i32
    %dma_wait3A_1539 = tpu.memref_slice %arg8[%dma_wait3A_1537, %dma_wait3A_1538] : memref<12x128xf32, #tpu.memory_space<vmem>> -> memref<1x128xf32, #tpu.memory_space<vmem>>
    %dma_wait3A_1540 = tpu.memref_squeeze %dma_wait3A_1539 : memref<1x128xf32, #tpu.memory_space<vmem>> -> memref<128xf32, #tpu.memory_space<vmem>>
    %dma_wait3A_1541 = arith.constant 0 : i32
    %dma_wait3A_1542 = tpu.memref_slice %arg7[%dma_wait3A_1536, %dma_wait3A_1541] : memref<12x128xi32, #tpu.memory_space<vmem>> -> memref<1x128xi32, #tpu.memory_space<vmem>>
    %dma_wait3A_1543 = tpu.memref_squeeze %dma_wait3A_1542 : memref<1x128xi32, #tpu.memory_space<vmem>> -> memref<128xi32, #tpu.memory_space<vmem>>
    %dma_wait3A_1544 = arith.constant 0 : i32
    %dma_wait3A_1545 = tpu.memref_slice %arg2[%dma_wait3A_1544] : memref<56623104xf32, #tpu.memory_space<hbm>> -> memref<56623104xf32, #tpu.memory_space<hbm>>
    tpu.wait_indirect_dma semaphore(%arg11 : memref<!tpu.dma_semaphore, #tpu.memory_space<semaphore_mem>>) src(%dma_wait3A_1545 : memref<56623104xf32, #tpu.memory_space<hbm>>) dst(%dma_wait3A_1540 : memref<128xf32, #tpu.memory_space<vmem>>)
    %dma_wait3A_1546 = arith.constant 5 : i32
    %dma_wait3A_1547 = arith.constant 5 : i32
    %dma_wait3A_1548 = arith.constant 0 : i32
    %dma_wait3A_1549 = tpu.memref_slice %arg8[%dma_wait3A_1547, %dma_wait3A_1548] : memref<12x128xf32, #tpu.memory_space<vmem>> -> memref<1x128xf32, #tpu.memory_space<vmem>>
    %dma_wait3A_1550 = tpu.memref_squeeze %dma_wait3A_1549 : memref<1x128xf32, #tpu.memory_space<vmem>> -> memref<128xf32, #tpu.memory_space<vmem>>
    %dma_wait3A_1551 = arith.constant 0 : i32
    %dma_wait3A_1552 = tpu.memref_slice %arg7[%dma_wait3A_1546, %dma_wait3A_1551] : memref<12x128xi32, #tpu.memory_space<vmem>> -> memref<1x128xi32, #tpu.memory_space<vmem>>
    %dma_wait3A_1553 = tpu.memref_squeeze %dma_wait3A_1552 : memref<1x128xi32, #tpu.memory_space<vmem>> -> memref<128xi32, #tpu.memory_space<vmem>>
    %dma_wait3A_1554 = arith.constant 0 : i32
    %dma_wait3A_1555 = tpu.memref_slice %arg2[%dma_wait3A_1554] : memref<56623104xf32, #tpu.memory_space<hbm>> -> memref<56623104xf32, #tpu.memory_space<hbm>>
    tpu.wait_indirect_dma semaphore(%arg11 : memref<!tpu.dma_semaphore, #tpu.memory_space<semaphore_mem>>) src(%dma_wait3A_1555 : memref<56623104xf32, #tpu.memory_space<hbm>>) dst(%dma_wait3A_1550 : memref<128xf32, #tpu.memory_space<vmem>>)
    %dma_wait3A_1556 = arith.constant 6 : i32
    %dma_wait3A_1557 = arith.constant 6 : i32
    %dma_wait3A_1558 = arith.constant 0 : i32
    %dma_wait3A_1559 = tpu.memref_slice %arg8[%dma_wait3A_1557, %dma_wait3A_1558] : memref<12x128xf32, #tpu.memory_space<vmem>> -> memref<1x128xf32, #tpu.memory_space<vmem>>
    %dma_wait3A_1560 = tpu.memref_squeeze %dma_wait3A_1559 : memref<1x128xf32, #tpu.memory_space<vmem>> -> memref<128xf32, #tpu.memory_space<vmem>>
    %dma_wait3A_1561 = arith.constant 0 : i32
    %dma_wait3A_1562 = tpu.memref_slice %arg7[%dma_wait3A_1556, %dma_wait3A_1561] : memref<12x128xi32, #tpu.memory_space<vmem>> -> memref<1x128xi32, #tpu.memory_space<vmem>>
    %dma_wait3A_1563 = tpu.memref_squeeze %dma_wait3A_1562 : memref<1x128xi32, #tpu.memory_space<vmem>> -> memref<128xi32, #tpu.memory_space<vmem>>
    %dma_wait3A_1564 = arith.constant 0 : i32
    %dma_wait3A_1565 = tpu.memref_slice %arg2[%dma_wait3A_1564] : memref<56623104xf32, #tpu.memory_space<hbm>> -> memref<56623104xf32, #tpu.memory_space<hbm>>
    tpu.wait_indirect_dma semaphore(%arg11 : memref<!tpu.dma_semaphore, #tpu.memory_space<semaphore_mem>>) src(%dma_wait3A_1565 : memref<56623104xf32, #tpu.memory_space<hbm>>) dst(%dma_wait3A_1560 : memref<128xf32, #tpu.memory_space<vmem>>)
    %dma_wait3A_1566 = arith.constant 7 : i32
    %dma_wait3A_1567 = arith.constant 7 : i32
    %dma_wait3A_1568 = arith.constant 0 : i32
    %dma_wait3A_1569 = tpu.memref_slice %arg8[%dma_wait3A_1567, %dma_wait3A_1568] : memref<12x128xf32, #tpu.memory_space<vmem>> -> memref<1x128xf32, #tpu.memory_space<vmem>>
    %dma_wait3A_1570 = tpu.memref_squeeze %dma_wait3A_1569 : memref<1x128xf32, #tpu.memory_space<vmem>> -> memref<128xf32, #tpu.memory_space<vmem>>
    %dma_wait3A_1571 = arith.constant 0 : i32
    %dma_wait3A_1572 = tpu.memref_slice %arg7[%dma_wait3A_1566, %dma_wait3A_1571] : memref<12x128xi32, #tpu.memory_space<vmem>> -> memref<1x128xi32, #tpu.memory_space<vmem>>
    %dma_wait3A_1573 = tpu.memref_squeeze %dma_wait3A_1572 : memref<1x128xi32, #tpu.memory_space<vmem>> -> memref<128xi32, #tpu.memory_space<vmem>>
    %dma_wait3A_1574 = arith.constant 0 : i32
    %dma_wait3A_1575 = tpu.memref_slice %arg2[%dma_wait3A_1574] : memref<56623104xf32, #tpu.memory_space<hbm>> -> memref<56623104xf32, #tpu.memory_space<hbm>>
    tpu.wait_indirect_dma semaphore(%arg11 : memref<!tpu.dma_semaphore, #tpu.memory_space<semaphore_mem>>) src(%dma_wait3A_1575 : memref<56623104xf32, #tpu.memory_space<hbm>>) dst(%dma_wait3A_1570 : memref<128xf32, #tpu.memory_space<vmem>>)
    %dma_wait3A_1576 = arith.constant 8 : i32
    %dma_wait3A_1577 = arith.constant 8 : i32
    %dma_wait3A_1578 = arith.constant 0 : i32
    %dma_wait3A_1579 = tpu.memref_slice %arg8[%dma_wait3A_1577, %dma_wait3A_1578] : memref<12x128xf32, #tpu.memory_space<vmem>> -> memref<1x128xf32, #tpu.memory_space<vmem>>
    %dma_wait3A_1580 = tpu.memref_squeeze %dma_wait3A_1579 : memref<1x128xf32, #tpu.memory_space<vmem>> -> memref<128xf32, #tpu.memory_space<vmem>>
    %dma_wait3A_1581 = arith.constant 0 : i32
    %dma_wait3A_1582 = tpu.memref_slice %arg7[%dma_wait3A_1576, %dma_wait3A_1581] : memref<12x128xi32, #tpu.memory_space<vmem>> -> memref<1x128xi32, #tpu.memory_space<vmem>>
    %dma_wait3A_1583 = tpu.memref_squeeze %dma_wait3A_1582 : memref<1x128xi32, #tpu.memory_space<vmem>> -> memref<128xi32, #tpu.memory_space<vmem>>
    %dma_wait3A_1584 = arith.constant 0 : i32
    %dma_wait3A_1585 = tpu.memref_slice %arg2[%dma_wait3A_1584] : memref<56623104xf32, #tpu.memory_space<hbm>> -> memref<56623104xf32, #tpu.memory_space<hbm>>
    tpu.wait_indirect_dma semaphore(%arg11 : memref<!tpu.dma_semaphore, #tpu.memory_space<semaphore_mem>>) src(%dma_wait3A_1585 : memref<56623104xf32, #tpu.memory_space<hbm>>) dst(%dma_wait3A_1580 : memref<128xf32, #tpu.memory_space<vmem>>)
    %dma_wait3A_1586 = arith.constant 9 : i32
    %dma_wait3A_1587 = arith.constant 9 : i32
    %dma_wait3A_1588 = arith.constant 0 : i32
    %dma_wait3A_1589 = tpu.memref_slice %arg8[%dma_wait3A_1587, %dma_wait3A_1588] : memref<12x128xf32, #tpu.memory_space<vmem>> -> memref<1x128xf32, #tpu.memory_space<vmem>>
    %dma_wait3A_1590 = tpu.memref_squeeze %dma_wait3A_1589 : memref<1x128xf32, #tpu.memory_space<vmem>> -> memref<128xf32, #tpu.memory_space<vmem>>
    %dma_wait3A_1591 = arith.constant 0 : i32
    %dma_wait3A_1592 = tpu.memref_slice %arg7[%dma_wait3A_1586, %dma_wait3A_1591] : memref<12x128xi32, #tpu.memory_space<vmem>> -> memref<1x128xi32, #tpu.memory_space<vmem>>
    %dma_wait3A_1593 = tpu.memref_squeeze %dma_wait3A_1592 : memref<1x128xi32, #tpu.memory_space<vmem>> -> memref<128xi32, #tpu.memory_space<vmem>>
    %dma_wait3A_1594 = arith.constant 0 : i32
    %dma_wait3A_1595 = tpu.memref_slice %arg2[%dma_wait3A_1594] : memref<56623104xf32, #tpu.memory_space<hbm>> -> memref<56623104xf32, #tpu.memory_space<hbm>>
    tpu.wait_indirect_dma semaphore(%arg11 : memref<!tpu.dma_semaphore, #tpu.memory_space<semaphore_mem>>) src(%dma_wait3A_1595 : memref<56623104xf32, #tpu.memory_space<hbm>>) dst(%dma_wait3A_1590 : memref<128xf32, #tpu.memory_space<vmem>>)
    %dma_wait3A_1596 = arith.constant 10 : i32
    %dma_wait3A_1597 = arith.constant 10 : i32
    %dma_wait3A_1598 = arith.constant 0 : i32
    %dma_wait3A_1599 = tpu.memref_slice %arg8[%dma_wait3A_1597, %dma_wait3A_1598] : memref<12x128xf32, #tpu.memory_space<vmem>> -> memref<1x128xf32, #tpu.memory_space<vmem>>
    %dma_wait3A_1600 = tpu.memref_squeeze %dma_wait3A_1599 : memref<1x128xf32, #tpu.memory_space<vmem>> -> memref<128xf32, #tpu.memory_space<vmem>>
    %dma_wait3A_1601 = arith.constant 0 : i32
    %dma_wait3A_1602 = tpu.memref_slice %arg7[%dma_wait3A_1596, %dma_wait3A_1601] : memref<12x128xi32, #tpu.memory_space<vmem>> -> memref<1x128xi32, #tpu.memory_space<vmem>>
    %dma_wait3A_1603 = tpu.memref_squeeze %dma_wait3A_1602 : memref<1x128xi32, #tpu.memory_space<vmem>> -> memref<128xi32, #tpu.memory_space<vmem>>
    %dma_wait3A_1604 = arith.constant 0 : i32
    %dma_wait3A_1605 = tpu.memref_slice %arg2[%dma_wait3A_1604] : memref<56623104xf32, #tpu.memory_space<hbm>> -> memref<56623104xf32, #tpu.memory_space<hbm>>
    tpu.wait_indirect_dma semaphore(%arg11 : memref<!tpu.dma_semaphore, #tpu.memory_space<semaphore_mem>>) src(%dma_wait3A_1605 : memref<56623104xf32, #tpu.memory_space<hbm>>) dst(%dma_wait3A_1600 : memref<128xf32, #tpu.memory_space<vmem>>)
    %dma_wait3A_1606 = arith.constant 11 : i32
    %dma_wait3A_1607 = arith.constant 11 : i32
    %dma_wait3A_1608 = arith.constant 0 : i32
    %dma_wait3A_1609 = tpu.memref_slice %arg8[%dma_wait3A_1607, %dma_wait3A_1608] : memref<12x128xf32, #tpu.memory_space<vmem>> -> memref<1x128xf32, #tpu.memory_space<vmem>>
    %dma_wait3A_1610 = tpu.memref_squeeze %dma_wait3A_1609 : memref<1x128xf32, #tpu.memory_space<vmem>> -> memref<128xf32, #tpu.memory_space<vmem>>
    %dma_wait3A_1611 = arith.constant 0 : i32
    %dma_wait3A_1612 = tpu.memref_slice %arg7[%dma_wait3A_1606, %dma_wait3A_1611] : memref<12x128xi32, #tpu.memory_space<vmem>> -> memref<1x128xi32, #tpu.memory_space<vmem>>
    %dma_wait3A_1613 = tpu.memref_squeeze %dma_wait3A_1612 : memref<1x128xi32, #tpu.memory_space<vmem>> -> memref<128xi32, #tpu.memory_space<vmem>>
    %dma_wait3A_1614 = arith.constant 0 : i32
    %dma_wait3A_1615 = tpu.memref_slice %arg2[%dma_wait3A_1614] : memref<56623104xf32, #tpu.memory_space<hbm>> -> memref<56623104xf32, #tpu.memory_space<hbm>>
    tpu.wait_indirect_dma semaphore(%arg11 : memref<!tpu.dma_semaphore, #tpu.memory_space<semaphore_mem>>) src(%dma_wait3A_1615 : memref<56623104xf32, #tpu.memory_space<hbm>>) dst(%dma_wait3A_1610 : memref<128xf32, #tpu.memory_space<vmem>>)
    %broadcast_in_dim3A = arith.constant 0xFF800000 : f32
    %broadcast_in_dim3A_1616 = vector.broadcast %broadcast_in_dim3A : f32 to vector<16xf32>
    %broadcast_in_dim3A_1617 = arith.constant 0 : i32
    %broadcast_in_dim3A_1618 = vector.broadcast %broadcast_in_dim3A_1617 : i32 to vector<16xi32>
    %get3A_1619 = arith.constant 0 : i32
    %get3A_1620 = arith.index_cast %get3A_1619 : i32 to index
    %get3A_1621 = arith.constant 0 : index
    %get3A_1622 = tpu.vector_load %arg8[%get3A_1620, %get3A_1621] {strides = array<i32>} : memref<12x128xf32, #tpu.memory_space<vmem>>, vector<1x16xf32>,
    %get3A_1623 = vector.shape_cast %get3A_1622 : vector<1x16xf32> to vector<16xf32>
    %broadcast_in_dim3A_1624 = arith.constant 0 : i32
    %broadcast_in_dim3A_1625 = vector.broadcast %broadcast_in_dim3A_1624 : i32 to vector<16xi32>
    %gt3A = arith.cmpf ogt, %get3A_1623, %broadcast_in_dim3A_1616 : vector<16xf32>
    %gt3A_1626 = arith.cmpf ogt, %get3A_1623, %broadcast_in_dim3A_1616 : vector<16xf32>
    %gt3A_1627 = arith.cmpf ogt, %get3A_1623, %broadcast_in_dim3A_1616 : vector<16xf32>
    %select_n3A_1628 = arith.select %gt3A_1626, %broadcast_in_dim3A_1616, %get3A_1623 : vector<16xi1>, vector<16xf32>
    %select_n3A_1629 = arith.select %gt3A_1627, %select_n3A_1628, %broadcast_in_dim3A_1616 : vector<16xi1>, vector<16xf32>
    %select_n3A_1630 = arith.select %gt3A_1626, %broadcast_in_dim3A_1618, %broadcast_in_dim3A_1625 : vector<16xi1>, vector<16xi32>
    %select_n3A_1631 = arith.select %gt3A_1627, %select_n3A_1630, %broadcast_in_dim3A_1618 : vector<16xi1>, vector<16xi32>
    %select_n3A_1632 = arith.select %gt3A, %broadcast_in_dim3A_1616, %get3A_1623 : vector<16xi1>, vector<16xf32>
    %select_n3A_1633 = arith.select %gt3A_1626, %select_n3A_1632, %broadcast_in_dim3A_1616 : vector<16xi1>, vector<16xf32>
    %select_n3A_1634 = arith.select %gt3A, %broadcast_in_dim3A_1618, %broadcast_in_dim3A_1625 : vector<16xi1>, vector<16xi32>
    %select_n3A_1635 = arith.select %gt3A_1626, %select_n3A_1634, %broadcast_in_dim3A_1618 : vector<16xi1>, vector<16xi32>
    %select_n3A_1636 = arith.select %gt3A, %get3A_1623, %broadcast_in_dim3A_1616 : vector<16xi1>, vector<16xf32>
    %select_n3A_1637 = arith.select %gt3A, %broadcast_in_dim3A_1625, %broadcast_in_dim3A_1618 : vector<16xi1>, vector<16xi32>
    %get3A_1638 = arith.constant 0 : i32
    %get3A_1639 = arith.index_cast %get3A_1638 : i32 to index
    %get3A_1640 = arith.constant 16 : index
    %get3A_1641 = tpu.vector_load %arg8[%get3A_1639, %get3A_1640] {strides = array<i32>} : memref<12x128xf32, #tpu.memory_space<vmem>>, vector<1x16xf32>,
    %get3A_1642 = vector.shape_cast %get3A_1641 : vector<1x16xf32> to vector<16xf32>
    %broadcast_in_dim3A_1643 = arith.constant 1 : i32
    %broadcast_in_dim3A_1644 = vector.broadcast %broadcast_in_dim3A_1643 : i32 to vector<16xi32>
    %gt3A_1645 = arith.cmpf ogt, %get3A_1642, %select_n3A_1636 : vector<16xf32>
    %gt3A_1646 = arith.cmpf ogt, %get3A_1642, %select_n3A_1633 : vector<16xf32>
    %gt3A_1647 = arith.cmpf ogt, %get3A_1642, %select_n3A_1629 : vector<16xf32>
    %select_n3A_1648 = arith.select %gt3A_1646, %select_n3A_1633, %get3A_1642 : vector<16xi1>, vector<16xf32>
    %select_n3A_1649 = arith.select %gt3A_1647, %select_n3A_1648, %select_n3A_1629 : vector<16xi1>, vector<16xf32>
    %select_n3A_1650 = arith.select %gt3A_1646, %select_n3A_1635, %broadcast_in_dim3A_1644 : vector<16xi1>, vector<16xi32>
    %select_n3A_1651 = arith.select %gt3A_1647, %select_n3A_1650, %select_n3A_1631 : vector<16xi1>, vector<16xi32>
    %select_n3A_1652 = arith.select %gt3A_1645, %select_n3A_1636, %get3A_1642 : vector<16xi1>, vector<16xf32>
    %select_n3A_1653 = arith.select %gt3A_1646, %select_n3A_1652, %select_n3A_1633 : vector<16xi1>, vector<16xf32>
    %select_n3A_1654 = arith.select %gt3A_1645, %select_n3A_1637, %broadcast_in_dim3A_1644 : vector<16xi1>, vector<16xi32>
    %select_n3A_1655 = arith.select %gt3A_1646, %select_n3A_1654, %select_n3A_1635 : vector<16xi1>, vector<16xi32>
    %select_n3A_1656 = arith.select %gt3A_1645, %get3A_1642, %select_n3A_1636 : vector<16xi1>, vector<16xf32>
    %select_n3A_1657 = arith.select %gt3A_1645, %broadcast_in_dim3A_1644, %select_n3A_1637 : vector<16xi1>, vector<16xi32>
    %get3A_1658 = arith.constant 0 : i32
    %get3A_1659 = arith.index_cast %get3A_1658 : i32 to index
    %get3A_1660 = arith.constant 32 : index
    %get3A_1661 = tpu.vector_load %arg8[%get3A_1659, %get3A_1660] {strides = array<i32>} : memref<12x128xf32, #tpu.memory_space<vmem>>, vector<1x16xf32>,
    %get3A_1662 = vector.shape_cast %get3A_1661 : vector<1x16xf32> to vector<16xf32>
    %broadcast_in_dim3A_1663 = arith.constant 2 : i32
    %broadcast_in_dim3A_1664 = vector.broadcast %broadcast_in_dim3A_1663 : i32 to vector<16xi32>
    %gt3A_1665 = arith.cmpf ogt, %get3A_1662, %select_n3A_1656 : vector<16xf32>
    %gt3A_1666 = arith.cmpf ogt, %get3A_1662, %select_n3A_1653 : vector<16xf32>
    %gt3A_1667 = arith.cmpf ogt, %get3A_1662, %select_n3A_1649 : vector<16xf32>
    %select_n3A_1668 = arith.select %gt3A_1666, %select_n3A_1653, %get3A_1662 : vector<16xi1>, vector<16xf32>
    %select_n3A_1669 = arith.select %gt3A_1667, %select_n3A_1668, %select_n3A_1649 : vector<16xi1>, vector<16xf32>
    %select_n3A_1670 = arith.select %gt3A_1666, %select_n3A_1655, %broadcast_in_dim3A_1664 : vector<16xi1>, vector<16xi32>
    %select_n3A_1671 = arith.select %gt3A_1667, %select_n3A_1670, %select_n3A_1651 : vector<16xi1>, vector<16xi32>
    %select_n3A_1672 = arith.select %gt3A_1665, %select_n3A_1656, %get3A_1662 : vector<16xi1>, vector<16xf32>
    %select_n3A_1673 = arith.select %gt3A_1666, %select_n3A_1672, %select_n3A_1653 : vector<16xi1>, vector<16xf32>
    %select_n3A_1674 = arith.select %gt3A_1665, %select_n3A_1657, %broadcast_in_dim3A_1664 : vector<16xi1>, vector<16xi32>
    %select_n3A_1675 = arith.select %gt3A_1666, %select_n3A_1674, %select_n3A_1655 : vector<16xi1>, vector<16xi32>
    %select_n3A_1676 = arith.select %gt3A_1665, %get3A_1662, %select_n3A_1656 : vector<16xi1>, vector<16xf32>
    %select_n3A_1677 = arith.select %gt3A_1665, %broadcast_in_dim3A_1664, %select_n3A_1657 : vector<16xi1>, vector<16xi32>
    %get3A_1678 = arith.constant 0 : i32
    %get3A_1679 = arith.index_cast %get3A_1678 : i32 to index
    %get3A_1680 = arith.constant 48 : index
    %get3A_1681 = tpu.vector_load %arg8[%get3A_1679, %get3A_1680] {strides = array<i32>} : memref<12x128xf32, #tpu.memory_space<vmem>>, vector<1x16xf32>,
    %get3A_1682 = vector.shape_cast %get3A_1681 : vector<1x16xf32> to vector<16xf32>
    %broadcast_in_dim3A_1683 = arith.constant 3 : i32
    %broadcast_in_dim3A_1684 = vector.broadcast %broadcast_in_dim3A_1683 : i32 to vector<16xi32>
    %gt3A_1685 = arith.cmpf ogt, %get3A_1682, %select_n3A_1676 : vector<16xf32>
    %gt3A_1686 = arith.cmpf ogt, %get3A_1682, %select_n3A_1673 : vector<16xf32>
    %gt3A_1687 = arith.cmpf ogt, %get3A_1682, %select_n3A_1669 : vector<16xf32>
    %select_n3A_1688 = arith.select %gt3A_1686, %select_n3A_1673, %get3A_1682 : vector<16xi1>, vector<16xf32>
    %select_n3A_1689 = arith.select %gt3A_1687, %select_n3A_1688, %select_n3A_1669 : vector<16xi1>, vector<16xf32>
    %select_n3A_1690 = arith.select %gt3A_1686, %select_n3A_1675, %broadcast_in_dim3A_1684 : vector<16xi1>, vector<16xi32>
    %select_n3A_1691 = arith.select %gt3A_1687, %select_n3A_1690, %select_n3A_1671 : vector<16xi1>, vector<16xi32>
    %select_n3A_1692 = arith.select %gt3A_1685, %select_n3A_1676, %get3A_1682 : vector<16xi1>, vector<16xf32>
    %select_n3A_1693 = arith.select %gt3A_1686, %select_n3A_1692, %select_n3A_1673 : vector<16xi1>, vector<16xf32>
    %select_n3A_1694 = arith.select %gt3A_1685, %select_n3A_1677, %broadcast_in_dim3A_1684 : vector<16xi1>, vector<16xi32>
    %select_n3A_1695 = arith.select %gt3A_1686, %select_n3A_1694, %select_n3A_1675 : vector<16xi1>, vector<16xi32>
    %select_n3A_1696 = arith.select %gt3A_1685, %get3A_1682, %select_n3A_1676 : vector<16xi1>, vector<16xf32>
    %select_n3A_1697 = arith.select %gt3A_1685, %broadcast_in_dim3A_1684, %select_n3A_1677 : vector<16xi1>, vector<16xi32>
    %get3A_1698 = arith.constant 0 : i32
    %get3A_1699 = arith.index_cast %get3A_1698 : i32 to index
    %get3A_1700 = arith.constant 64 : index
    %get3A_1701 = tpu.vector_load %arg8[%get3A_1699, %get3A_1700] {strides = array<i32>} : memref<12x128xf32, #tpu.memory_space<vmem>>, vector<1x16xf32>,
    %get3A_1702 = vector.shape_cast %get3A_1701 : vector<1x16xf32> to vector<16xf32>
    %broadcast_in_dim3A_1703 = arith.constant 4 : i32
    %broadcast_in_dim3A_1704 = vector.broadcast %broadcast_in_dim3A_1703 : i32 to vector<16xi32>
    %gt3A_1705 = arith.cmpf ogt, %get3A_1702, %select_n3A_1696 : vector<16xf32>
    %gt3A_1706 = arith.cmpf ogt, %get3A_1702, %select_n3A_1693 : vector<16xf32>
    %gt3A_1707 = arith.cmpf ogt, %get3A_1702, %select_n3A_1689 : vector<16xf32>
    %select_n3A_1708 = arith.select %gt3A_1706, %select_n3A_1693, %get3A_1702 : vector<16xi1>, vector<16xf32>
    %select_n3A_1709 = arith.select %gt3A_1707, %select_n3A_1708, %select_n3A_1689 : vector<16xi1>, vector<16xf32>
    %select_n3A_1710 = arith.select %gt3A_1706, %select_n3A_1695, %broadcast_in_dim3A_1704 : vector<16xi1>, vector<16xi32>
    %select_n3A_1711 = arith.select %gt3A_1707, %select_n3A_1710, %select_n3A_1691 : vector<16xi1>, vector<16xi32>
    %select_n3A_1712 = arith.select %gt3A_1705, %select_n3A_1696, %get3A_1702 : vector<16xi1>, vector<16xf32>
    %select_n3A_1713 = arith.select %gt3A_1706, %select_n3A_1712, %select_n3A_1693 : vector<16xi1>, vector<16xf32>
    %select_n3A_1714 = arith.select %gt3A_1705, %select_n3A_1697, %broadcast_in_dim3A_1704 : vector<16xi1>, vector<16xi32>
    %select_n3A_1715 = arith.select %gt3A_1706, %select_n3A_1714, %select_n3A_1695 : vector<16xi1>, vector<16xi32>
    %select_n3A_1716 = arith.select %gt3A_1705, %get3A_1702, %select_n3A_1696 : vector<16xi1>, vector<16xf32>
    %select_n3A_1717 = arith.select %gt3A_1705, %broadcast_in_dim3A_1704, %select_n3A_1697 : vector<16xi1>, vector<16xi32>
    %get3A_1718 = arith.constant 0 : i32
    %get3A_1719 = arith.index_cast %get3A_1718 : i32 to index
    %get3A_1720 = arith.constant 80 : index
    %get3A_1721 = tpu.vector_load %arg8[%get3A_1719, %get3A_1720] {strides = array<i32>} : memref<12x128xf32, #tpu.memory_space<vmem>>, vector<1x16xf32>,
    %get3A_1722 = vector.shape_cast %get3A_1721 : vector<1x16xf32> to vector<16xf32>
    %broadcast_in_dim3A_1723 = arith.constant 5 : i32
    %broadcast_in_dim3A_1724 = vector.broadcast %broadcast_in_dim3A_1723 : i32 to vector<16xi32>
    %gt3A_1725 = arith.cmpf ogt, %get3A_1722, %select_n3A_1716 : vector<16xf32>
    %gt3A_1726 = arith.cmpf ogt, %get3A_1722, %select_n3A_1713 : vector<16xf32>
    %gt3A_1727 = arith.cmpf ogt, %get3A_1722, %select_n3A_1709 : vector<16xf32>
    %select_n3A_1728 = arith.select %gt3A_1726, %select_n3A_1713, %get3A_1722 : vector<16xi1>, vector<16xf32>
    %select_n3A_1729 = arith.select %gt3A_1727, %select_n3A_1728, %select_n3A_1709 : vector<16xi1>, vector<16xf32>
    %select_n3A_1730 = arith.select %gt3A_1726, %select_n3A_1715, %broadcast_in_dim3A_1724 : vector<16xi1>, vector<16xi32>
    %select_n3A_1731 = arith.select %gt3A_1727, %select_n3A_1730, %select_n3A_1711 : vector<16xi1>, vector<16xi32>
    %select_n3A_1732 = arith.select %gt3A_1725, %select_n3A_1716, %get3A_1722 : vector<16xi1>, vector<16xf32>
    %select_n3A_1733 = arith.select %gt3A_1726, %select_n3A_1732, %select_n3A_1713 : vector<16xi1>, vector<16xf32>
    %select_n3A_1734 = arith.select %gt3A_1725, %select_n3A_1717, %broadcast_in_dim3A_1724 : vector<16xi1>, vector<16xi32>
    %select_n3A_1735 = arith.select %gt3A_1726, %select_n3A_1734, %select_n3A_1715 : vector<16xi1>, vector<16xi32>
    %select_n3A_1736 = arith.select %gt3A_1725, %get3A_1722, %select_n3A_1716 : vector<16xi1>, vector<16xf32>
    %select_n3A_1737 = arith.select %gt3A_1725, %broadcast_in_dim3A_1724, %select_n3A_1717 : vector<16xi1>, vector<16xi32>
    %get3A_1738 = arith.constant 0 : i32
    %get3A_1739 = arith.index_cast %get3A_1738 : i32 to index
    %get3A_1740 = arith.constant 96 : index
    %get3A_1741 = tpu.vector_load %arg8[%get3A_1739, %get3A_1740] {strides = array<i32>} : memref<12x128xf32, #tpu.memory_space<vmem>>, vector<1x16xf32>,
    %get3A_1742 = vector.shape_cast %get3A_1741 : vector<1x16xf32> to vector<16xf32>
    %broadcast_in_dim3A_1743 = arith.constant 6 : i32
    %broadcast_in_dim3A_1744 = vector.broadcast %broadcast_in_dim3A_1743 : i32 to vector<16xi32>
    %gt3A_1745 = arith.cmpf ogt, %get3A_1742, %select_n3A_1736 : vector<16xf32>
    %gt3A_1746 = arith.cmpf ogt, %get3A_1742, %select_n3A_1733 : vector<16xf32>
    %gt3A_1747 = arith.cmpf ogt, %get3A_1742, %select_n3A_1729 : vector<16xf32>
    %select_n3A_1748 = arith.select %gt3A_1746, %select_n3A_1733, %get3A_1742 : vector<16xi1>, vector<16xf32>
    %select_n3A_1749 = arith.select %gt3A_1747, %select_n3A_1748, %select_n3A_1729 : vector<16xi1>, vector<16xf32>
    %select_n3A_1750 = arith.select %gt3A_1746, %select_n3A_1735, %broadcast_in_dim3A_1744 : vector<16xi1>, vector<16xi32>
    %select_n3A_1751 = arith.select %gt3A_1747, %select_n3A_1750, %select_n3A_1731 : vector<16xi1>, vector<16xi32>
    %select_n3A_1752 = arith.select %gt3A_1745, %select_n3A_1736, %get3A_1742 : vector<16xi1>, vector<16xf32>
    %select_n3A_1753 = arith.select %gt3A_1746, %select_n3A_1752, %select_n3A_1733 : vector<16xi1>, vector<16xf32>
    %select_n3A_1754 = arith.select %gt3A_1745, %select_n3A_1737, %broadcast_in_dim3A_1744 : vector<16xi1>, vector<16xi32>
    %select_n3A_1755 = arith.select %gt3A_1746, %select_n3A_1754, %select_n3A_1735 : vector<16xi1>, vector<16xi32>
    %select_n3A_1756 = arith.select %gt3A_1745, %get3A_1742, %select_n3A_1736 : vector<16xi1>, vector<16xf32>
    %select_n3A_1757 = arith.select %gt3A_1745, %broadcast_in_dim3A_1744, %select_n3A_1737 : vector<16xi1>, vector<16xi32>
    %get3A_1758 = arith.constant 0 : i32
    %get3A_1759 = arith.index_cast %get3A_1758 : i32 to index
    %get3A_1760 = arith.constant 112 : index
    %get3A_1761 = tpu.vector_load %arg8[%get3A_1759, %get3A_1760] {strides = array<i32>} : memref<12x128xf32, #tpu.memory_space<vmem>>, vector<1x16xf32>,
    %get3A_1762 = vector.shape_cast %get3A_1761 : vector<1x16xf32> to vector<16xf32>
    %broadcast_in_dim3A_1763 = arith.constant 7 : i32
    %broadcast_in_dim3A_1764 = vector.broadcast %broadcast_in_dim3A_1763 : i32 to vector<16xi32>
    %gt3A_1765 = arith.cmpf ogt, %get3A_1762, %select_n3A_1756 : vector<16xf32>
    %gt3A_1766 = arith.cmpf ogt, %get3A_1762, %select_n3A_1753 : vector<16xf32>
    %gt3A_1767 = arith.cmpf ogt, %get3A_1762, %select_n3A_1749 : vector<16xf32>
    %select_n3A_1768 = arith.select %gt3A_1766, %select_n3A_1753, %get3A_1762 : vector<16xi1>, vector<16xf32>
    %select_n3A_1769 = arith.select %gt3A_1767, %select_n3A_1768, %select_n3A_1749 : vector<16xi1>, vector<16xf32>
    %select_n3A_1770 = arith.select %gt3A_1766, %select_n3A_1755, %broadcast_in_dim3A_1764 : vector<16xi1>, vector<16xi32>
    %select_n3A_1771 = arith.select %gt3A_1767, %select_n3A_1770, %select_n3A_1751 : vector<16xi1>, vector<16xi32>
    %select_n3A_1772 = arith.select %gt3A_1765, %select_n3A_1756, %get3A_1762 : vector<16xi1>, vector<16xf32>
    %select_n3A_1773 = arith.select %gt3A_1766, %select_n3A_1772, %select_n3A_1753 : vector<16xi1>, vector<16xf32>
    %select_n3A_1774 = arith.select %gt3A_1765, %select_n3A_1757, %broadcast_in_dim3A_1764 : vector<16xi1>, vector<16xi32>
    %select_n3A_1775 = arith.select %gt3A_1766, %select_n3A_1774, %select_n3A_1755 : vector<16xi1>, vector<16xi32>
    %select_n3A_1776 = arith.select %gt3A_1765, %get3A_1762, %select_n3A_1756 : vector<16xi1>, vector<16xf32>
    %select_n3A_1777 = arith.select %gt3A_1765, %broadcast_in_dim3A_1764, %select_n3A_1757 : vector<16xi1>, vector<16xi32>
    %get3A_1778 = arith.constant 1 : i32
    %get3A_1779 = arith.index_cast %get3A_1778 : i32 to index
    %get3A_1780 = arith.constant 0 : index
    %get3A_1781 = tpu.vector_load %arg8[%get3A_1779, %get3A_1780] {strides = array<i32>} : memref<12x128xf32, #tpu.memory_space<vmem>>, vector<1x16xf32>,
    %get3A_1782 = vector.shape_cast %get3A_1781 : vector<1x16xf32> to vector<16xf32>
    %broadcast_in_dim3A_1783 = arith.constant 8 : i32
    %broadcast_in_dim3A_1784 = vector.broadcast %broadcast_in_dim3A_1783 : i32 to vector<16xi32>
    %gt3A_1785 = arith.cmpf ogt, %get3A_1782, %select_n3A_1776 : vector<16xf32>
    %gt3A_1786 = arith.cmpf ogt, %get3A_1782, %select_n3A_1773 : vector<16xf32>
    %gt3A_1787 = arith.cmpf ogt, %get3A_1782, %select_n3A_1769 : vector<16xf32>
    %select_n3A_1788 = arith.select %gt3A_1786, %select_n3A_1773, %get3A_1782 : vector<16xi1>, vector<16xf32>
    %select_n3A_1789 = arith.select %gt3A_1787, %select_n3A_1788, %select_n3A_1769 : vector<16xi1>, vector<16xf32>
    %select_n3A_1790 = arith.select %gt3A_1786, %select_n3A_1775, %broadcast_in_dim3A_1784 : vector<16xi1>, vector<16xi32>
    %select_n3A_1791 = arith.select %gt3A_1787, %select_n3A_1790, %select_n3A_1771 : vector<16xi1>, vector<16xi32>
    %select_n3A_1792 = arith.select %gt3A_1785, %select_n3A_1776, %get3A_1782 : vector<16xi1>, vector<16xf32>
    %select_n3A_1793 = arith.select %gt3A_1786, %select_n3A_1792, %select_n3A_1773 : vector<16xi1>, vector<16xf32>
    %select_n3A_1794 = arith.select %gt3A_1785, %select_n3A_1777, %broadcast_in_dim3A_1784 : vector<16xi1>, vector<16xi32>
    %select_n3A_1795 = arith.select %gt3A_1786, %select_n3A_1794, %select_n3A_1775 : vector<16xi1>, vector<16xi32>
    %select_n3A_1796 = arith.select %gt3A_1785, %get3A_1782, %select_n3A_1776 : vector<16xi1>, vector<16xf32>
    %select_n3A_1797 = arith.select %gt3A_1785, %broadcast_in_dim3A_1784, %select_n3A_1777 : vector<16xi1>, vector<16xi32>
    %get3A_1798 = arith.constant 1 : i32
    %get3A_1799 = arith.index_cast %get3A_1798 : i32 to index
    %get3A_1800 = arith.constant 16 : index
    %get3A_1801 = tpu.vector_load %arg8[%get3A_1799, %get3A_1800] {strides = array<i32>} : memref<12x128xf32, #tpu.memory_space<vmem>>, vector<1x16xf32>,
    %get3A_1802 = vector.shape_cast %get3A_1801 : vector<1x16xf32> to vector<16xf32>
    %broadcast_in_dim3A_1803 = arith.constant 9 : i32
    %broadcast_in_dim3A_1804 = vector.broadcast %broadcast_in_dim3A_1803 : i32 to vector<16xi32>
    %gt3A_1805 = arith.cmpf ogt, %get3A_1802, %select_n3A_1796 : vector<16xf32>
    %gt3A_1806 = arith.cmpf ogt, %get3A_1802, %select_n3A_1793 : vector<16xf32>
    %gt3A_1807 = arith.cmpf ogt, %get3A_1802, %select_n3A_1789 : vector<16xf32>
    %select_n3A_1808 = arith.select %gt3A_1806, %select_n3A_1793, %get3A_1802 : vector<16xi1>, vector<16xf32>
    %select_n3A_1809 = arith.select %gt3A_1807, %select_n3A_1808, %select_n3A_1789 : vector<16xi1>, vector<16xf32>
    %select_n3A_1810 = arith.select %gt3A_1806, %select_n3A_1795, %broadcast_in_dim3A_1804 : vector<16xi1>, vector<16xi32>
    %select_n3A_1811 = arith.select %gt3A_1807, %select_n3A_1810, %select_n3A_1791 : vector<16xi1>, vector<16xi32>
    %select_n3A_1812 = arith.select %gt3A_1805, %select_n3A_1796, %get3A_1802 : vector<16xi1>, vector<16xf32>
    %select_n3A_1813 = arith.select %gt3A_1806, %select_n3A_1812, %select_n3A_1793 : vector<16xi1>, vector<16xf32>
    %select_n3A_1814 = arith.select %gt3A_1805, %select_n3A_1797, %broadcast_in_dim3A_1804 : vector<16xi1>, vector<16xi32>
    %select_n3A_1815 = arith.select %gt3A_1806, %select_n3A_1814, %select_n3A_1795 : vector<16xi1>, vector<16xi32>
    %select_n3A_1816 = arith.select %gt3A_1805, %get3A_1802, %select_n3A_1796 : vector<16xi1>, vector<16xf32>
    %select_n3A_1817 = arith.select %gt3A_1805, %broadcast_in_dim3A_1804, %select_n3A_1797 : vector<16xi1>, vector<16xi32>
    %get3A_1818 = arith.constant 1 : i32
    %get3A_1819 = arith.index_cast %get3A_1818 : i32 to index
    %get3A_1820 = arith.constant 32 : index
    %get3A_1821 = tpu.vector_load %arg8[%get3A_1819, %get3A_1820] {strides = array<i32>} : memref<12x128xf32, #tpu.memory_space<vmem>>, vector<1x16xf32>,
    %get3A_1822 = vector.shape_cast %get3A_1821 : vector<1x16xf32> to vector<16xf32>
    %broadcast_in_dim3A_1823 = arith.constant 10 : i32
    %broadcast_in_dim3A_1824 = vector.broadcast %broadcast_in_dim3A_1823 : i32 to vector<16xi32>
    %gt3A_1825 = arith.cmpf ogt, %get3A_1822, %select_n3A_1816 : vector<16xf32>
    %gt3A_1826 = arith.cmpf ogt, %get3A_1822, %select_n3A_1813 : vector<16xf32>
    %gt3A_1827 = arith.cmpf ogt, %get3A_1822, %select_n3A_1809 : vector<16xf32>
    %select_n3A_1828 = arith.select %gt3A_1826, %select_n3A_1813, %get3A_1822 : vector<16xi1>, vector<16xf32>
    %select_n3A_1829 = arith.select %gt3A_1827, %select_n3A_1828, %select_n3A_1809 : vector<16xi1>, vector<16xf32>
    %select_n3A_1830 = arith.select %gt3A_1826, %select_n3A_1815, %broadcast_in_dim3A_1824 : vector<16xi1>, vector<16xi32>
    %select_n3A_1831 = arith.select %gt3A_1827, %select_n3A_1830, %select_n3A_1811 : vector<16xi1>, vector<16xi32>
    %select_n3A_1832 = arith.select %gt3A_1825, %select_n3A_1816, %get3A_1822 : vector<16xi1>, vector<16xf32>
    %select_n3A_1833 = arith.select %gt3A_1826, %select_n3A_1832, %select_n3A_1813 : vector<16xi1>, vector<16xf32>
    %select_n3A_1834 = arith.select %gt3A_1825, %select_n3A_1817, %broadcast_in_dim3A_1824 : vector<16xi1>, vector<16xi32>
    %select_n3A_1835 = arith.select %gt3A_1826, %select_n3A_1834, %select_n3A_1815 : vector<16xi1>, vector<16xi32>
    %select_n3A_1836 = arith.select %gt3A_1825, %get3A_1822, %select_n3A_1816 : vector<16xi1>, vector<16xf32>
    %select_n3A_1837 = arith.select %gt3A_1825, %broadcast_in_dim3A_1824, %select_n3A_1817 : vector<16xi1>, vector<16xi32>
    %get3A_1838 = arith.constant 1 : i32
    %get3A_1839 = arith.index_cast %get3A_1838 : i32 to index
    %get3A_1840 = arith.constant 48 : index
    %get3A_1841 = tpu.vector_load %arg8[%get3A_1839, %get3A_1840] {strides = array<i32>} : memref<12x128xf32, #tpu.memory_space<vmem>>, vector<1x16xf32>,
    %get3A_1842 = vector.shape_cast %get3A_1841 : vector<1x16xf32> to vector<16xf32>
    %broadcast_in_dim3A_1843 = arith.constant 11 : i32
    %broadcast_in_dim3A_1844 = vector.broadcast %broadcast_in_dim3A_1843 : i32 to vector<16xi32>
    %gt3A_1845 = arith.cmpf ogt, %get3A_1842, %select_n3A_1836 : vector<16xf32>
    %gt3A_1846 = arith.cmpf ogt, %get3A_1842, %select_n3A_1833 : vector<16xf32>
    %gt3A_1847 = arith.cmpf ogt, %get3A_1842, %select_n3A_1829 : vector<16xf32>
    %select_n3A_1848 = arith.select %gt3A_1846, %select_n3A_1833, %get3A_1842 : vector<16xi1>, vector<16xf32>
    %select_n3A_1849 = arith.select %gt3A_1847, %select_n3A_1848, %select_n3A_1829 : vector<16xi1>, vector<16xf32>
    %select_n3A_1850 = arith.select %gt3A_1846, %select_n3A_1835, %broadcast_in_dim3A_1844 : vector<16xi1>, vector<16xi32>
    %select_n3A_1851 = arith.select %gt3A_1847, %select_n3A_1850, %select_n3A_1831 : vector<16xi1>, vector<16xi32>
    %select_n3A_1852 = arith.select %gt3A_1845, %select_n3A_1836, %get3A_1842 : vector<16xi1>, vector<16xf32>
    %select_n3A_1853 = arith.select %gt3A_1846, %select_n3A_1852, %select_n3A_1833 : vector<16xi1>, vector<16xf32>
    %select_n3A_1854 = arith.select %gt3A_1845, %select_n3A_1837, %broadcast_in_dim3A_1844 : vector<16xi1>, vector<16xi32>
    %select_n3A_1855 = arith.select %gt3A_1846, %select_n3A_1854, %select_n3A_1835 : vector<16xi1>, vector<16xi32>
    %select_n3A_1856 = arith.select %gt3A_1845, %get3A_1842, %select_n3A_1836 : vector<16xi1>, vector<16xf32>
    %select_n3A_1857 = arith.select %gt3A_1845, %broadcast_in_dim3A_1844, %select_n3A_1837 : vector<16xi1>, vector<16xi32>
    %get3A_1858 = arith.constant 1 : i32
    %get3A_1859 = arith.index_cast %get3A_1858 : i32 to index
    %get3A_1860 = arith.constant 64 : index
    %get3A_1861 = tpu.vector_load %arg8[%get3A_1859, %get3A_1860] {strides = array<i32>} : memref<12x128xf32, #tpu.memory_space<vmem>>, vector<1x16xf32>,
    %get3A_1862 = vector.shape_cast %get3A_1861 : vector<1x16xf32> to vector<16xf32>
    %broadcast_in_dim3A_1863 = arith.constant 12 : i32
    %broadcast_in_dim3A_1864 = vector.broadcast %broadcast_in_dim3A_1863 : i32 to vector<16xi32>
    %gt3A_1865 = arith.cmpf ogt, %get3A_1862, %select_n3A_1856 : vector<16xf32>
    %gt3A_1866 = arith.cmpf ogt, %get3A_1862, %select_n3A_1853 : vector<16xf32>
    %gt3A_1867 = arith.cmpf ogt, %get3A_1862, %select_n3A_1849 : vector<16xf32>
    %select_n3A_1868 = arith.select %gt3A_1866, %select_n3A_1853, %get3A_1862 : vector<16xi1>, vector<16xf32>
    %select_n3A_1869 = arith.select %gt3A_1867, %select_n3A_1868, %select_n3A_1849 : vector<16xi1>, vector<16xf32>
    %select_n3A_1870 = arith.select %gt3A_1866, %select_n3A_1855, %broadcast_in_dim3A_1864 : vector<16xi1>, vector<16xi32>
    %select_n3A_1871 = arith.select %gt3A_1867, %select_n3A_1870, %select_n3A_1851 : vector<16xi1>, vector<16xi32>
    %select_n3A_1872 = arith.select %gt3A_1865, %select_n3A_1856, %get3A_1862 : vector<16xi1>, vector<16xf32>
    %select_n3A_1873 = arith.select %gt3A_1866, %select_n3A_1872, %select_n3A_1853 : vector<16xi1>, vector<16xf32>
    %select_n3A_1874 = arith.select %gt3A_1865, %select_n3A_1857, %broadcast_in_dim3A_1864 : vector<16xi1>, vector<16xi32>
    %select_n3A_1875 = arith.select %gt3A_1866, %select_n3A_1874, %select_n3A_1855 : vector<16xi1>, vector<16xi32>
    %select_n3A_1876 = arith.select %gt3A_1865, %get3A_1862, %select_n3A_1856 : vector<16xi1>, vector<16xf32>
    %select_n3A_1877 = arith.select %gt3A_1865, %broadcast_in_dim3A_1864, %select_n3A_1857 : vector<16xi1>, vector<16xi32>
    %get3A_1878 = arith.constant 1 : i32
    %get3A_1879 = arith.index_cast %get3A_1878 : i32 to index
    %get3A_1880 = arith.constant 80 : index
    %get3A_1881 = tpu.vector_load %arg8[%get3A_1879, %get3A_1880] {strides = array<i32>} : memref<12x128xf32, #tpu.memory_space<vmem>>, vector<1x16xf32>,
    %get3A_1882 = vector.shape_cast %get3A_1881 : vector<1x16xf32> to vector<16xf32>
    %broadcast_in_dim3A_1883 = arith.constant 13 : i32
    %broadcast_in_dim3A_1884 = vector.broadcast %broadcast_in_dim3A_1883 : i32 to vector<16xi32>
    %gt3A_1885 = arith.cmpf ogt, %get3A_1882, %select_n3A_1876 : vector<16xf32>
    %gt3A_1886 = arith.cmpf ogt, %get3A_1882, %select_n3A_1873 : vector<16xf32>
    %gt3A_1887 = arith.cmpf ogt, %get3A_1882, %select_n3A_1869 : vector<16xf32>
    %select_n3A_1888 = arith.select %gt3A_1886, %select_n3A_1873, %get3A_1882 : vector<16xi1>, vector<16xf32>
    %select_n3A_1889 = arith.select %gt3A_1887, %select_n3A_1888, %select_n3A_1869 : vector<16xi1>, vector<16xf32>
    %select_n3A_1890 = arith.select %gt3A_1886, %select_n3A_1875, %broadcast_in_dim3A_1884 : vector<16xi1>, vector<16xi32>
    %select_n3A_1891 = arith.select %gt3A_1887, %select_n3A_1890, %select_n3A_1871 : vector<16xi1>, vector<16xi32>
    %select_n3A_1892 = arith.select %gt3A_1885, %select_n3A_1876, %get3A_1882 : vector<16xi1>, vector<16xf32>
    %select_n3A_1893 = arith.select %gt3A_1886, %select_n3A_1892, %select_n3A_1873 : vector<16xi1>, vector<16xf32>
    %select_n3A_1894 = arith.select %gt3A_1885, %select_n3A_1877, %broadcast_in_dim3A_1884 : vector<16xi1>, vector<16xi32>
    %select_n3A_1895 = arith.select %gt3A_1886, %select_n3A_1894, %select_n3A_1875 : vector<16xi1>, vector<16xi32>
    %select_n3A_1896 = arith.select %gt3A_1885, %get3A_1882, %select_n3A_1876 : vector<16xi1>, vector<16xf32>
    %select_n3A_1897 = arith.select %gt3A_1885, %broadcast_in_dim3A_1884, %select_n3A_1877 : vector<16xi1>, vector<16xi32>
    %get3A_1898 = arith.constant 1 : i32
    %get3A_1899 = arith.index_cast %get3A_1898 : i32 to index
    %get3A_1900 = arith.constant 96 : index
    %get3A_1901 = tpu.vector_load %arg8[%get3A_1899, %get3A_1900] {strides = array<i32>} : memref<12x128xf32, #tpu.memory_space<vmem>>, vector<1x16xf32>,
    %get3A_1902 = vector.shape_cast %get3A_1901 : vector<1x16xf32> to vector<16xf32>
    %broadcast_in_dim3A_1903 = arith.constant 14 : i32
    %broadcast_in_dim3A_1904 = vector.broadcast %broadcast_in_dim3A_1903 : i32 to vector<16xi32>
    %gt3A_1905 = arith.cmpf ogt, %get3A_1902, %select_n3A_1896 : vector<16xf32>
    %gt3A_1906 = arith.cmpf ogt, %get3A_1902, %select_n3A_1893 : vector<16xf32>
    %gt3A_1907 = arith.cmpf ogt, %get3A_1902, %select_n3A_1889 : vector<16xf32>
    %select_n3A_1908 = arith.select %gt3A_1906, %select_n3A_1893, %get3A_1902 : vector<16xi1>, vector<16xf32>
    %select_n3A_1909 = arith.select %gt3A_1907, %select_n3A_1908, %select_n3A_1889 : vector<16xi1>, vector<16xf32>
    %select_n3A_1910 = arith.select %gt3A_1906, %select_n3A_1895, %broadcast_in_dim3A_1904 : vector<16xi1>, vector<16xi32>
    %select_n3A_1911 = arith.select %gt3A_1907, %select_n3A_1910, %select_n3A_1891 : vector<16xi1>, vector<16xi32>
    %select_n3A_1912 = arith.select %gt3A_1905, %select_n3A_1896, %get3A_1902 : vector<16xi1>, vector<16xf32>
    %select_n3A_1913 = arith.select %gt3A_1906, %select_n3A_1912, %select_n3A_1893 : vector<16xi1>, vector<16xf32>
    %select_n3A_1914 = arith.select %gt3A_1905, %select_n3A_1897, %broadcast_in_dim3A_1904 : vector<16xi1>, vector<16xi32>
    %select_n3A_1915 = arith.select %gt3A_1906, %select_n3A_1914, %select_n3A_1895 : vector<16xi1>, vector<16xi32>
    %select_n3A_1916 = arith.select %gt3A_1905, %get3A_1902, %select_n3A_1896 : vector<16xi1>, vector<16xf32>
    %select_n3A_1917 = arith.select %gt3A_1905, %broadcast_in_dim3A_1904, %select_n3A_1897 : vector<16xi1>, vector<16xi32>
    %get3A_1918 = arith.constant 1 : i32
    %get3A_1919 = arith.index_cast %get3A_1918 : i32 to index
    %get3A_1920 = arith.constant 112 : index
    %get3A_1921 = tpu.vector_load %arg8[%get3A_1919, %get3A_1920] {strides = array<i32>} : memref<12x128xf32, #tpu.memory_space<vmem>>, vector<1x16xf32>,
    %get3A_1922 = vector.shape_cast %get3A_1921 : vector<1x16xf32> to vector<16xf32>
    %broadcast_in_dim3A_1923 = arith.constant 15 : i32
    %broadcast_in_dim3A_1924 = vector.broadcast %broadcast_in_dim3A_1923 : i32 to vector<16xi32>
    %gt3A_1925 = arith.cmpf ogt, %get3A_1922, %select_n3A_1916 : vector<16xf32>
    %gt3A_1926 = arith.cmpf ogt, %get3A_1922, %select_n3A_1913 : vector<16xf32>
    %gt3A_1927 = arith.cmpf ogt, %get3A_1922, %select_n3A_1909 : vector<16xf32>
    %select_n3A_1928 = arith.select %gt3A_1926, %select_n3A_1913, %get3A_1922 : vector<16xi1>, vector<16xf32>
    %select_n3A_1929 = arith.select %gt3A_1927, %select_n3A_1928, %select_n3A_1909 : vector<16xi1>, vector<16xf32>
    %select_n3A_1930 = arith.select %gt3A_1926, %select_n3A_1915, %broadcast_in_dim3A_1924 : vector<16xi1>, vector<16xi32>
    %select_n3A_1931 = arith.select %gt3A_1927, %select_n3A_1930, %select_n3A_1911 : vector<16xi1>, vector<16xi32>
    %select_n3A_1932 = arith.select %gt3A_1925, %select_n3A_1916, %get3A_1922 : vector<16xi1>, vector<16xf32>
    %select_n3A_1933 = arith.select %gt3A_1926, %select_n3A_1932, %select_n3A_1913 : vector<16xi1>, vector<16xf32>
    %select_n3A_1934 = arith.select %gt3A_1925, %select_n3A_1917, %broadcast_in_dim3A_1924 : vector<16xi1>, vector<16xi32>
    %select_n3A_1935 = arith.select %gt3A_1926, %select_n3A_1934, %select_n3A_1915 : vector<16xi1>, vector<16xi32>
    %select_n3A_1936 = arith.select %gt3A_1925, %get3A_1922, %select_n3A_1916 : vector<16xi1>, vector<16xf32>
    %select_n3A_1937 = arith.select %gt3A_1925, %broadcast_in_dim3A_1924, %select_n3A_1917 : vector<16xi1>, vector<16xi32>
    %get3A_1938 = arith.constant 2 : i32
    %get3A_1939 = arith.index_cast %get3A_1938 : i32 to index
    %get3A_1940 = arith.constant 0 : index
    %get3A_1941 = tpu.vector_load %arg8[%get3A_1939, %get3A_1940] {strides = array<i32>} : memref<12x128xf32, #tpu.memory_space<vmem>>, vector<1x16xf32>,
    %get3A_1942 = vector.shape_cast %get3A_1941 : vector<1x16xf32> to vector<16xf32>
    %broadcast_in_dim3A_1943 = arith.constant 16 : i32
    %broadcast_in_dim3A_1944 = vector.broadcast %broadcast_in_dim3A_1943 : i32 to vector<16xi32>
    %gt3A_1945 = arith.cmpf ogt, %get3A_1942, %select_n3A_1936 : vector<16xf32>
    %gt3A_1946 = arith.cmpf ogt, %get3A_1942, %select_n3A_1933 : vector<16xf32>
    %gt3A_1947 = arith.cmpf ogt, %get3A_1942, %select_n3A_1929 : vector<16xf32>
    %select_n3A_1948 = arith.select %gt3A_1946, %select_n3A_1933, %get3A_1942 : vector<16xi1>, vector<16xf32>
    %select_n3A_1949 = arith.select %gt3A_1947, %select_n3A_1948, %select_n3A_1929 : vector<16xi1>, vector<16xf32>
    %select_n3A_1950 = arith.select %gt3A_1946, %select_n3A_1935, %broadcast_in_dim3A_1944 : vector<16xi1>, vector<16xi32>
    %select_n3A_1951 = arith.select %gt3A_1947, %select_n3A_1950, %select_n3A_1931 : vector<16xi1>, vector<16xi32>
    %select_n3A_1952 = arith.select %gt3A_1945, %select_n3A_1936, %get3A_1942 : vector<16xi1>, vector<16xf32>
    %select_n3A_1953 = arith.select %gt3A_1946, %select_n3A_1952, %select_n3A_1933 : vector<16xi1>, vector<16xf32>
    %select_n3A_1954 = arith.select %gt3A_1945, %select_n3A_1937, %broadcast_in_dim3A_1944 : vector<16xi1>, vector<16xi32>
    %select_n3A_1955 = arith.select %gt3A_1946, %select_n3A_1954, %select_n3A_1935 : vector<16xi1>, vector<16xi32>
    %select_n3A_1956 = arith.select %gt3A_1945, %get3A_1942, %select_n3A_1936 : vector<16xi1>, vector<16xf32>
    %select_n3A_1957 = arith.select %gt3A_1945, %broadcast_in_dim3A_1944, %select_n3A_1937 : vector<16xi1>, vector<16xi32>
    %get3A_1958 = arith.constant 2 : i32
    %get3A_1959 = arith.index_cast %get3A_1958 : i32 to index
    %get3A_1960 = arith.constant 16 : index
    %get3A_1961 = tpu.vector_load %arg8[%get3A_1959, %get3A_1960] {strides = array<i32>} : memref<12x128xf32, #tpu.memory_space<vmem>>, vector<1x16xf32>,
    %get3A_1962 = vector.shape_cast %get3A_1961 : vector<1x16xf32> to vector<16xf32>
    %broadcast_in_dim3A_1963 = arith.constant 17 : i32
    %broadcast_in_dim3A_1964 = vector.broadcast %broadcast_in_dim3A_1963 : i32 to vector<16xi32>
    %gt3A_1965 = arith.cmpf ogt, %get3A_1962, %select_n3A_1956 : vector<16xf32>
    %gt3A_1966 = arith.cmpf ogt, %get3A_1962, %select_n3A_1953 : vector<16xf32>
    %gt3A_1967 = arith.cmpf ogt, %get3A_1962, %select_n3A_1949 : vector<16xf32>
    %select_n3A_1968 = arith.select %gt3A_1966, %select_n3A_1953, %get3A_1962 : vector<16xi1>, vector<16xf32>
    %select_n3A_1969 = arith.select %gt3A_1967, %select_n3A_1968, %select_n3A_1949 : vector<16xi1>, vector<16xf32>
    %select_n3A_1970 = arith.select %gt3A_1966, %select_n3A_1955, %broadcast_in_dim3A_1964 : vector<16xi1>, vector<16xi32>
    %select_n3A_1971 = arith.select %gt3A_1967, %select_n3A_1970, %select_n3A_1951 : vector<16xi1>, vector<16xi32>
    %select_n3A_1972 = arith.select %gt3A_1965, %select_n3A_1956, %get3A_1962 : vector<16xi1>, vector<16xf32>
    %select_n3A_1973 = arith.select %gt3A_1966, %select_n3A_1972, %select_n3A_1953 : vector<16xi1>, vector<16xf32>
    %select_n3A_1974 = arith.select %gt3A_1965, %select_n3A_1957, %broadcast_in_dim3A_1964 : vector<16xi1>, vector<16xi32>
    %select_n3A_1975 = arith.select %gt3A_1966, %select_n3A_1974, %select_n3A_1955 : vector<16xi1>, vector<16xi32>
    %select_n3A_1976 = arith.select %gt3A_1965, %get3A_1962, %select_n3A_1956 : vector<16xi1>, vector<16xf32>
    %select_n3A_1977 = arith.select %gt3A_1965, %broadcast_in_dim3A_1964, %select_n3A_1957 : vector<16xi1>, vector<16xi32>
    %get3A_1978 = arith.constant 2 : i32
    %get3A_1979 = arith.index_cast %get3A_1978 : i32 to index
    %get3A_1980 = arith.constant 32 : index
    %get3A_1981 = tpu.vector_load %arg8[%get3A_1979, %get3A_1980] {strides = array<i32>} : memref<12x128xf32, #tpu.memory_space<vmem>>, vector<1x16xf32>,
    %get3A_1982 = vector.shape_cast %get3A_1981 : vector<1x16xf32> to vector<16xf32>
    %broadcast_in_dim3A_1983 = arith.constant 18 : i32
    %broadcast_in_dim3A_1984 = vector.broadcast %broadcast_in_dim3A_1983 : i32 to vector<16xi32>
    %gt3A_1985 = arith.cmpf ogt, %get3A_1982, %select_n3A_1976 : vector<16xf32>
    %gt3A_1986 = arith.cmpf ogt, %get3A_1982, %select_n3A_1973 : vector<16xf32>
    %gt3A_1987 = arith.cmpf ogt, %get3A_1982, %select_n3A_1969 : vector<16xf32>
    %select_n3A_1988 = arith.select %gt3A_1986, %select_n3A_1973, %get3A_1982 : vector<16xi1>, vector<16xf32>
    %select_n3A_1989 = arith.select %gt3A_1987, %select_n3A_1988, %select_n3A_1969 : vector<16xi1>, vector<16xf32>
    %select_n3A_1990 = arith.select %gt3A_1986, %select_n3A_1975, %broadcast_in_dim3A_1984 : vector<16xi1>, vector<16xi32>
    %select_n3A_1991 = arith.select %gt3A_1987, %select_n3A_1990, %select_n3A_1971 : vector<16xi1>, vector<16xi32>
    %select_n3A_1992 = arith.select %gt3A_1985, %select_n3A_1976, %get3A_1982 : vector<16xi1>, vector<16xf32>
    %select_n3A_1993 = arith.select %gt3A_1986, %select_n3A_1992, %select_n3A_1973 : vector<16xi1>, vector<16xf32>
    %select_n3A_1994 = arith.select %gt3A_1985, %select_n3A_1977, %broadcast_in_dim3A_1984 : vector<16xi1>, vector<16xi32>
    %select_n3A_1995 = arith.select %gt3A_1986, %select_n3A_1994, %select_n3A_1975 : vector<16xi1>, vector<16xi32>
    %select_n3A_1996 = arith.select %gt3A_1985, %get3A_1982, %select_n3A_1976 : vector<16xi1>, vector<16xf32>
    %select_n3A_1997 = arith.select %gt3A_1985, %broadcast_in_dim3A_1984, %select_n3A_1977 : vector<16xi1>, vector<16xi32>
    %get3A_1998 = arith.constant 2 : i32
    %get3A_1999 = arith.index_cast %get3A_1998 : i32 to index
    %get3A_2000 = arith.constant 48 : index
    %get3A_2001 = tpu.vector_load %arg8[%get3A_1999, %get3A_2000] {strides = array<i32>} : memref<12x128xf32, #tpu.memory_space<vmem>>, vector<1x16xf32>,
    %get3A_2002 = vector.shape_cast %get3A_2001 : vector<1x16xf32> to vector<16xf32>
    %broadcast_in_dim3A_2003 = arith.constant 19 : i32
    %broadcast_in_dim3A_2004 = vector.broadcast %broadcast_in_dim3A_2003 : i32 to vector<16xi32>
    %gt3A_2005 = arith.cmpf ogt, %get3A_2002, %select_n3A_1996 : vector<16xf32>
    %gt3A_2006 = arith.cmpf ogt, %get3A_2002, %select_n3A_1993 : vector<16xf32>
    %gt3A_2007 = arith.cmpf ogt, %get3A_2002, %select_n3A_1989 : vector<16xf32>
    %select_n3A_2008 = arith.select %gt3A_2006, %select_n3A_1993, %get3A_2002 : vector<16xi1>, vector<16xf32>
    %select_n3A_2009 = arith.select %gt3A_2007, %select_n3A_2008, %select_n3A_1989 : vector<16xi1>, vector<16xf32>
    %select_n3A_2010 = arith.select %gt3A_2006, %select_n3A_1995, %broadcast_in_dim3A_2004 : vector<16xi1>, vector<16xi32>
    %select_n3A_2011 = arith.select %gt3A_2007, %select_n3A_2010, %select_n3A_1991 : vector<16xi1>, vector<16xi32>
    %select_n3A_2012 = arith.select %gt3A_2005, %select_n3A_1996, %get3A_2002 : vector<16xi1>, vector<16xf32>
    %select_n3A_2013 = arith.select %gt3A_2006, %select_n3A_2012, %select_n3A_1993 : vector<16xi1>, vector<16xf32>
    %select_n3A_2014 = arith.select %gt3A_2005, %select_n3A_1997, %broadcast_in_dim3A_2004 : vector<16xi1>, vector<16xi32>
    %select_n3A_2015 = arith.select %gt3A_2006, %select_n3A_2014, %select_n3A_1995 : vector<16xi1>, vector<16xi32>
    %select_n3A_2016 = arith.select %gt3A_2005, %get3A_2002, %select_n3A_1996 : vector<16xi1>, vector<16xf32>
    %select_n3A_2017 = arith.select %gt3A_2005, %broadcast_in_dim3A_2004, %select_n3A_1997 : vector<16xi1>, vector<16xi32>
    %get3A_2018 = arith.constant 2 : i32
    %get3A_2019 = arith.index_cast %get3A_2018 : i32 to index
    %get3A_2020 = arith.constant 64 : index
    %get3A_2021 = tpu.vector_load %arg8[%get3A_2019, %get3A_2020] {strides = array<i32>} : memref<12x128xf32, #tpu.memory_space<vmem>>, vector<1x16xf32>,
    %get3A_2022 = vector.shape_cast %get3A_2021 : vector<1x16xf32> to vector<16xf32>
    %broadcast_in_dim3A_2023 = arith.constant 20 : i32
    %broadcast_in_dim3A_2024 = vector.broadcast %broadcast_in_dim3A_2023 : i32 to vector<16xi32>
    %gt3A_2025 = arith.cmpf ogt, %get3A_2022, %select_n3A_2016 : vector<16xf32>
    %gt3A_2026 = arith.cmpf ogt, %get3A_2022, %select_n3A_2013 : vector<16xf32>
    %gt3A_2027 = arith.cmpf ogt, %get3A_2022, %select_n3A_2009 : vector<16xf32>
    %select_n3A_2028 = arith.select %gt3A_2026, %select_n3A_2013, %get3A_2022 : vector<16xi1>, vector<16xf32>
    %select_n3A_2029 = arith.select %gt3A_2027, %select_n3A_2028, %select_n3A_2009 : vector<16xi1>, vector<16xf32>
    %select_n3A_2030 = arith.select %gt3A_2026, %select_n3A_2015, %broadcast_in_dim3A_2024 : vector<16xi1>, vector<16xi32>
    %select_n3A_2031 = arith.select %gt3A_2027, %select_n3A_2030, %select_n3A_2011 : vector<16xi1>, vector<16xi32>
    %select_n3A_2032 = arith.select %gt3A_2025, %select_n3A_2016, %get3A_2022 : vector<16xi1>, vector<16xf32>
    %select_n3A_2033 = arith.select %gt3A_2026, %select_n3A_2032, %select_n3A_2013 : vector<16xi1>, vector<16xf32>
    %select_n3A_2034 = arith.select %gt3A_2025, %select_n3A_2017, %broadcast_in_dim3A_2024 : vector<16xi1>, vector<16xi32>
    %select_n3A_2035 = arith.select %gt3A_2026, %select_n3A_2034, %select_n3A_2015 : vector<16xi1>, vector<16xi32>
    %select_n3A_2036 = arith.select %gt3A_2025, %get3A_2022, %select_n3A_2016 : vector<16xi1>, vector<16xf32>
    %select_n3A_2037 = arith.select %gt3A_2025, %broadcast_in_dim3A_2024, %select_n3A_2017 : vector<16xi1>, vector<16xi32>
    %get3A_2038 = arith.constant 2 : i32
    %get3A_2039 = arith.index_cast %get3A_2038 : i32 to index
    %get3A_2040 = arith.constant 80 : index
    %get3A_2041 = tpu.vector_load %arg8[%get3A_2039, %get3A_2040] {strides = array<i32>} : memref<12x128xf32, #tpu.memory_space<vmem>>, vector<1x16xf32>,
    %get3A_2042 = vector.shape_cast %get3A_2041 : vector<1x16xf32> to vector<16xf32>
    %broadcast_in_dim3A_2043 = arith.constant 21 : i32
    %broadcast_in_dim3A_2044 = vector.broadcast %broadcast_in_dim3A_2043 : i32 to vector<16xi32>
    %gt3A_2045 = arith.cmpf ogt, %get3A_2042, %select_n3A_2036 : vector<16xf32>
    %gt3A_2046 = arith.cmpf ogt, %get3A_2042, %select_n3A_2033 : vector<16xf32>
    %gt3A_2047 = arith.cmpf ogt, %get3A_2042, %select_n3A_2029 : vector<16xf32>
    %select_n3A_2048 = arith.select %gt3A_2046, %select_n3A_2033, %get3A_2042 : vector<16xi1>, vector<16xf32>
    %select_n3A_2049 = arith.select %gt3A_2047, %select_n3A_2048, %select_n3A_2029 : vector<16xi1>, vector<16xf32>
    %select_n3A_2050 = arith.select %gt3A_2046, %select_n3A_2035, %broadcast_in_dim3A_2044 : vector<16xi1>, vector<16xi32>
    %select_n3A_2051 = arith.select %gt3A_2047, %select_n3A_2050, %select_n3A_2031 : vector<16xi1>, vector<16xi32>
    %select_n3A_2052 = arith.select %gt3A_2045, %select_n3A_2036, %get3A_2042 : vector<16xi1>, vector<16xf32>
    %select_n3A_2053 = arith.select %gt3A_2046, %select_n3A_2052, %select_n3A_2033 : vector<16xi1>, vector<16xf32>
    %select_n3A_2054 = arith.select %gt3A_2045, %select_n3A_2037, %broadcast_in_dim3A_2044 : vector<16xi1>, vector<16xi32>
    %select_n3A_2055 = arith.select %gt3A_2046, %select_n3A_2054, %select_n3A_2035 : vector<16xi1>, vector<16xi32>
    %select_n3A_2056 = arith.select %gt3A_2045, %get3A_2042, %select_n3A_2036 : vector<16xi1>, vector<16xf32>
    %select_n3A_2057 = arith.select %gt3A_2045, %broadcast_in_dim3A_2044, %select_n3A_2037 : vector<16xi1>, vector<16xi32>
    %get3A_2058 = arith.constant 2 : i32
    %get3A_2059 = arith.index_cast %get3A_2058 : i32 to index
    %get3A_2060 = arith.constant 96 : index
    %get3A_2061 = tpu.vector_load %arg8[%get3A_2059, %get3A_2060] {strides = array<i32>} : memref<12x128xf32, #tpu.memory_space<vmem>>, vector<1x16xf32>,
    %get3A_2062 = vector.shape_cast %get3A_2061 : vector<1x16xf32> to vector<16xf32>
    %broadcast_in_dim3A_2063 = arith.constant 22 : i32
    %broadcast_in_dim3A_2064 = vector.broadcast %broadcast_in_dim3A_2063 : i32 to vector<16xi32>
    %gt3A_2065 = arith.cmpf ogt, %get3A_2062, %select_n3A_2056 : vector<16xf32>
    %gt3A_2066 = arith.cmpf ogt, %get3A_2062, %select_n3A_2053 : vector<16xf32>
    %gt3A_2067 = arith.cmpf ogt, %get3A_2062, %select_n3A_2049 : vector<16xf32>
    %select_n3A_2068 = arith.select %gt3A_2066, %select_n3A_2053, %get3A_2062 : vector<16xi1>, vector<16xf32>
    %select_n3A_2069 = arith.select %gt3A_2067, %select_n3A_2068, %select_n3A_2049 : vector<16xi1>, vector<16xf32>
    %select_n3A_2070 = arith.select %gt3A_2066, %select_n3A_2055, %broadcast_in_dim3A_2064 : vector<16xi1>, vector<16xi32>
    %select_n3A_2071 = arith.select %gt3A_2067, %select_n3A_2070, %select_n3A_2051 : vector<16xi1>, vector<16xi32>
    %select_n3A_2072 = arith.select %gt3A_2065, %select_n3A_2056, %get3A_2062 : vector<16xi1>, vector<16xf32>
    %select_n3A_2073 = arith.select %gt3A_2066, %select_n3A_2072, %select_n3A_2053 : vector<16xi1>, vector<16xf32>
    %select_n3A_2074 = arith.select %gt3A_2065, %select_n3A_2057, %broadcast_in_dim3A_2064 : vector<16xi1>, vector<16xi32>
    %select_n3A_2075 = arith.select %gt3A_2066, %select_n3A_2074, %select_n3A_2055 : vector<16xi1>, vector<16xi32>
    %select_n3A_2076 = arith.select %gt3A_2065, %get3A_2062, %select_n3A_2056 : vector<16xi1>, vector<16xf32>
    %select_n3A_2077 = arith.select %gt3A_2065, %broadcast_in_dim3A_2064, %select_n3A_2057 : vector<16xi1>, vector<16xi32>
    %get3A_2078 = arith.constant 2 : i32
    %get3A_2079 = arith.index_cast %get3A_2078 : i32 to index
    %get3A_2080 = arith.constant 112 : index
    %get3A_2081 = tpu.vector_load %arg8[%get3A_2079, %get3A_2080] {strides = array<i32>} : memref<12x128xf32, #tpu.memory_space<vmem>>, vector<1x16xf32>,
    %get3A_2082 = vector.shape_cast %get3A_2081 : vector<1x16xf32> to vector<16xf32>
    %broadcast_in_dim3A_2083 = arith.constant 23 : i32
    %broadcast_in_dim3A_2084 = vector.broadcast %broadcast_in_dim3A_2083 : i32 to vector<16xi32>
    %gt3A_2085 = arith.cmpf ogt, %get3A_2082, %select_n3A_2076 : vector<16xf32>
    %gt3A_2086 = arith.cmpf ogt, %get3A_2082, %select_n3A_2073 : vector<16xf32>
    %gt3A_2087 = arith.cmpf ogt, %get3A_2082, %select_n3A_2069 : vector<16xf32>
    %select_n3A_2088 = arith.select %gt3A_2086, %select_n3A_2073, %get3A_2082 : vector<16xi1>, vector<16xf32>
    %select_n3A_2089 = arith.select %gt3A_2087, %select_n3A_2088, %select_n3A_2069 : vector<16xi1>, vector<16xf32>
    %select_n3A_2090 = arith.select %gt3A_2086, %select_n3A_2075, %broadcast_in_dim3A_2084 : vector<16xi1>, vector<16xi32>
    %select_n3A_2091 = arith.select %gt3A_2087, %select_n3A_2090, %select_n3A_2071 : vector<16xi1>, vector<16xi32>
    %select_n3A_2092 = arith.select %gt3A_2085, %select_n3A_2076, %get3A_2082 : vector<16xi1>, vector<16xf32>
    %select_n3A_2093 = arith.select %gt3A_2086, %select_n3A_2092, %select_n3A_2073 : vector<16xi1>, vector<16xf32>
    %select_n3A_2094 = arith.select %gt3A_2085, %select_n3A_2077, %broadcast_in_dim3A_2084 : vector<16xi1>, vector<16xi32>
    %select_n3A_2095 = arith.select %gt3A_2086, %select_n3A_2094, %select_n3A_2075 : vector<16xi1>, vector<16xi32>
    %select_n3A_2096 = arith.select %gt3A_2085, %get3A_2082, %select_n3A_2076 : vector<16xi1>, vector<16xf32>
    %select_n3A_2097 = arith.select %gt3A_2085, %broadcast_in_dim3A_2084, %select_n3A_2077 : vector<16xi1>, vector<16xi32>
    %get3A_2098 = arith.constant 3 : i32
    %get3A_2099 = arith.index_cast %get3A_2098 : i32 to index
    %get3A_2100 = arith.constant 0 : index
    %get3A_2101 = tpu.vector_load %arg8[%get3A_2099, %get3A_2100] {strides = array<i32>} : memref<12x128xf32, #tpu.memory_space<vmem>>, vector<1x16xf32>,
    %get3A_2102 = vector.shape_cast %get3A_2101 : vector<1x16xf32> to vector<16xf32>
    %broadcast_in_dim3A_2103 = arith.constant 24 : i32
    %broadcast_in_dim3A_2104 = vector.broadcast %broadcast_in_dim3A_2103 : i32 to vector<16xi32>
    %gt3A_2105 = arith.cmpf ogt, %get3A_2102, %select_n3A_2096 : vector<16xf32>
    %gt3A_2106 = arith.cmpf ogt, %get3A_2102, %select_n3A_2093 : vector<16xf32>
    %gt3A_2107 = arith.cmpf ogt, %get3A_2102, %select_n3A_2089 : vector<16xf32>
    %select_n3A_2108 = arith.select %gt3A_2106, %select_n3A_2093, %get3A_2102 : vector<16xi1>, vector<16xf32>
    %select_n3A_2109 = arith.select %gt3A_2107, %select_n3A_2108, %select_n3A_2089 : vector<16xi1>, vector<16xf32>
    %select_n3A_2110 = arith.select %gt3A_2106, %select_n3A_2095, %broadcast_in_dim3A_2104 : vector<16xi1>, vector<16xi32>
    %select_n3A_2111 = arith.select %gt3A_2107, %select_n3A_2110, %select_n3A_2091 : vector<16xi1>, vector<16xi32>
    %select_n3A_2112 = arith.select %gt3A_2105, %select_n3A_2096, %get3A_2102 : vector<16xi1>, vector<16xf32>
    %select_n3A_2113 = arith.select %gt3A_2106, %select_n3A_2112, %select_n3A_2093 : vector<16xi1>, vector<16xf32>
    %select_n3A_2114 = arith.select %gt3A_2105, %select_n3A_2097, %broadcast_in_dim3A_2104 : vector<16xi1>, vector<16xi32>
    %select_n3A_2115 = arith.select %gt3A_2106, %select_n3A_2114, %select_n3A_2095 : vector<16xi1>, vector<16xi32>
    %select_n3A_2116 = arith.select %gt3A_2105, %get3A_2102, %select_n3A_2096 : vector<16xi1>, vector<16xf32>
    %select_n3A_2117 = arith.select %gt3A_2105, %broadcast_in_dim3A_2104, %select_n3A_2097 : vector<16xi1>, vector<16xi32>
    %get3A_2118 = arith.constant 3 : i32
    %get3A_2119 = arith.index_cast %get3A_2118 : i32 to index
    %get3A_2120 = arith.constant 16 : index
    %get3A_2121 = tpu.vector_load %arg8[%get3A_2119, %get3A_2120] {strides = array<i32>} : memref<12x128xf32, #tpu.memory_space<vmem>>, vector<1x16xf32>,
    %get3A_2122 = vector.shape_cast %get3A_2121 : vector<1x16xf32> to vector<16xf32>
    %broadcast_in_dim3A_2123 = arith.constant 25 : i32
    %broadcast_in_dim3A_2124 = vector.broadcast %broadcast_in_dim3A_2123 : i32 to vector<16xi32>
    %gt3A_2125 = arith.cmpf ogt, %get3A_2122, %select_n3A_2116 : vector<16xf32>
    %gt3A_2126 = arith.cmpf ogt, %get3A_2122, %select_n3A_2113 : vector<16xf32>
    %gt3A_2127 = arith.cmpf ogt, %get3A_2122, %select_n3A_2109 : vector<16xf32>
    %select_n3A_2128 = arith.select %gt3A_2126, %select_n3A_2113, %get3A_2122 : vector<16xi1>, vector<16xf32>
    %select_n3A_2129 = arith.select %gt3A_2127, %select_n3A_2128, %select_n3A_2109 : vector<16xi1>, vector<16xf32>
    %select_n3A_2130 = arith.select %gt3A_2126, %select_n3A_2115, %broadcast_in_dim3A_2124 : vector<16xi1>, vector<16xi32>
    %select_n3A_2131 = arith.select %gt3A_2127, %select_n3A_2130, %select_n3A_2111 : vector<16xi1>, vector<16xi32>
    %select_n3A_2132 = arith.select %gt3A_2125, %select_n3A_2116, %get3A_2122 : vector<16xi1>, vector<16xf32>
    %select_n3A_2133 = arith.select %gt3A_2126, %select_n3A_2132, %select_n3A_2113 : vector<16xi1>, vector<16xf32>
    %select_n3A_2134 = arith.select %gt3A_2125, %select_n3A_2117, %broadcast_in_dim3A_2124 : vector<16xi1>, vector<16xi32>
    %select_n3A_2135 = arith.select %gt3A_2126, %select_n3A_2134, %select_n3A_2115 : vector<16xi1>, vector<16xi32>
    %select_n3A_2136 = arith.select %gt3A_2125, %get3A_2122, %select_n3A_2116 : vector<16xi1>, vector<16xf32>
    %select_n3A_2137 = arith.select %gt3A_2125, %broadcast_in_dim3A_2124, %select_n3A_2117 : vector<16xi1>, vector<16xi32>
    %get3A_2138 = arith.constant 3 : i32
    %get3A_2139 = arith.index_cast %get3A_2138 : i32 to index
    %get3A_2140 = arith.constant 32 : index
    %get3A_2141 = tpu.vector_load %arg8[%get3A_2139, %get3A_2140] {strides = array<i32>} : memref<12x128xf32, #tpu.memory_space<vmem>>, vector<1x16xf32>,
    %get3A_2142 = vector.shape_cast %get3A_2141 : vector<1x16xf32> to vector<16xf32>
    %broadcast_in_dim3A_2143 = arith.constant 26 : i32
    %broadcast_in_dim3A_2144 = vector.broadcast %broadcast_in_dim3A_2143 : i32 to vector<16xi32>
    %gt3A_2145 = arith.cmpf ogt, %get3A_2142, %select_n3A_2136 : vector<16xf32>
    %gt3A_2146 = arith.cmpf ogt, %get3A_2142, %select_n3A_2133 : vector<16xf32>
    %gt3A_2147 = arith.cmpf ogt, %get3A_2142, %select_n3A_2129 : vector<16xf32>
    %select_n3A_2148 = arith.select %gt3A_2146, %select_n3A_2133, %get3A_2142 : vector<16xi1>, vector<16xf32>
    %select_n3A_2149 = arith.select %gt3A_2147, %select_n3A_2148, %select_n3A_2129 : vector<16xi1>, vector<16xf32>
    %select_n3A_2150 = arith.select %gt3A_2146, %select_n3A_2135, %broadcast_in_dim3A_2144 : vector<16xi1>, vector<16xi32>
    %select_n3A_2151 = arith.select %gt3A_2147, %select_n3A_2150, %select_n3A_2131 : vector<16xi1>, vector<16xi32>
    %select_n3A_2152 = arith.select %gt3A_2145, %select_n3A_2136, %get3A_2142 : vector<16xi1>, vector<16xf32>
    %select_n3A_2153 = arith.select %gt3A_2146, %select_n3A_2152, %select_n3A_2133 : vector<16xi1>, vector<16xf32>
    %select_n3A_2154 = arith.select %gt3A_2145, %select_n3A_2137, %broadcast_in_dim3A_2144 : vector<16xi1>, vector<16xi32>
    %select_n3A_2155 = arith.select %gt3A_2146, %select_n3A_2154, %select_n3A_2135 : vector<16xi1>, vector<16xi32>
    %select_n3A_2156 = arith.select %gt3A_2145, %get3A_2142, %select_n3A_2136 : vector<16xi1>, vector<16xf32>
    %select_n3A_2157 = arith.select %gt3A_2145, %broadcast_in_dim3A_2144, %select_n3A_2137 : vector<16xi1>, vector<16xi32>
    %get3A_2158 = arith.constant 3 : i32
    %get3A_2159 = arith.index_cast %get3A_2158 : i32 to index
    %get3A_2160 = arith.constant 48 : index
    %get3A_2161 = tpu.vector_load %arg8[%get3A_2159, %get3A_2160] {strides = array<i32>} : memref<12x128xf32, #tpu.memory_space<vmem>>, vector<1x16xf32>,
    %get3A_2162 = vector.shape_cast %get3A_2161 : vector<1x16xf32> to vector<16xf32>
    %broadcast_in_dim3A_2163 = arith.constant 27 : i32
    %broadcast_in_dim3A_2164 = vector.broadcast %broadcast_in_dim3A_2163 : i32 to vector<16xi32>
    %gt3A_2165 = arith.cmpf ogt, %get3A_2162, %select_n3A_2156 : vector<16xf32>
    %gt3A_2166 = arith.cmpf ogt, %get3A_2162, %select_n3A_2153 : vector<16xf32>
    %gt3A_2167 = arith.cmpf ogt, %get3A_2162, %select_n3A_2149 : vector<16xf32>
    %select_n3A_2168 = arith.select %gt3A_2166, %select_n3A_2153, %get3A_2162 : vector<16xi1>, vector<16xf32>
    %select_n3A_2169 = arith.select %gt3A_2167, %select_n3A_2168, %select_n3A_2149 : vector<16xi1>, vector<16xf32>
    %select_n3A_2170 = arith.select %gt3A_2166, %select_n3A_2155, %broadcast_in_dim3A_2164 : vector<16xi1>, vector<16xi32>
    %select_n3A_2171 = arith.select %gt3A_2167, %select_n3A_2170, %select_n3A_2151 : vector<16xi1>, vector<16xi32>
    %select_n3A_2172 = arith.select %gt3A_2165, %select_n3A_2156, %get3A_2162 : vector<16xi1>, vector<16xf32>
    %select_n3A_2173 = arith.select %gt3A_2166, %select_n3A_2172, %select_n3A_2153 : vector<16xi1>, vector<16xf32>
    %select_n3A_2174 = arith.select %gt3A_2165, %select_n3A_2157, %broadcast_in_dim3A_2164 : vector<16xi1>, vector<16xi32>
    %select_n3A_2175 = arith.select %gt3A_2166, %select_n3A_2174, %select_n3A_2155 : vector<16xi1>, vector<16xi32>
    %select_n3A_2176 = arith.select %gt3A_2165, %get3A_2162, %select_n3A_2156 : vector<16xi1>, vector<16xf32>
    %select_n3A_2177 = arith.select %gt3A_2165, %broadcast_in_dim3A_2164, %select_n3A_2157 : vector<16xi1>, vector<16xi32>
    %get3A_2178 = arith.constant 3 : i32
    %get3A_2179 = arith.index_cast %get3A_2178 : i32 to index
    %get3A_2180 = arith.constant 64 : index
    %get3A_2181 = tpu.vector_load %arg8[%get3A_2179, %get3A_2180] {strides = array<i32>} : memref<12x128xf32, #tpu.memory_space<vmem>>, vector<1x16xf32>,
    %get3A_2182 = vector.shape_cast %get3A_2181 : vector<1x16xf32> to vector<16xf32>
    %broadcast_in_dim3A_2183 = arith.constant 28 : i32
    %broadcast_in_dim3A_2184 = vector.broadcast %broadcast_in_dim3A_2183 : i32 to vector<16xi32>
    %gt3A_2185 = arith.cmpf ogt, %get3A_2182, %select_n3A_2176 : vector<16xf32>
    %gt3A_2186 = arith.cmpf ogt, %get3A_2182, %select_n3A_2173 : vector<16xf32>
    %gt3A_2187 = arith.cmpf ogt, %get3A_2182, %select_n3A_2169 : vector<16xf32>
    %select_n3A_2188 = arith.select %gt3A_2186, %select_n3A_2173, %get3A_2182 : vector<16xi1>, vector<16xf32>
    %select_n3A_2189 = arith.select %gt3A_2187, %select_n3A_2188, %select_n3A_2169 : vector<16xi1>, vector<16xf32>
    %select_n3A_2190 = arith.select %gt3A_2186, %select_n3A_2175, %broadcast_in_dim3A_2184 : vector<16xi1>, vector<16xi32>
    %select_n3A_2191 = arith.select %gt3A_2187, %select_n3A_2190, %select_n3A_2171 : vector<16xi1>, vector<16xi32>
    %select_n3A_2192 = arith.select %gt3A_2185, %select_n3A_2176, %get3A_2182 : vector<16xi1>, vector<16xf32>
    %select_n3A_2193 = arith.select %gt3A_2186, %select_n3A_2192, %select_n3A_2173 : vector<16xi1>, vector<16xf32>
    %select_n3A_2194 = arith.select %gt3A_2185, %select_n3A_2177, %broadcast_in_dim3A_2184 : vector<16xi1>, vector<16xi32>
    %select_n3A_2195 = arith.select %gt3A_2186, %select_n3A_2194, %select_n3A_2175 : vector<16xi1>, vector<16xi32>
    %select_n3A_2196 = arith.select %gt3A_2185, %get3A_2182, %select_n3A_2176 : vector<16xi1>, vector<16xf32>
    %select_n3A_2197 = arith.select %gt3A_2185, %broadcast_in_dim3A_2184, %select_n3A_2177 : vector<16xi1>, vector<16xi32>
    %get3A_2198 = arith.constant 3 : i32
    %get3A_2199 = arith.index_cast %get3A_2198 : i32 to index
    %get3A_2200 = arith.constant 80 : index
    %get3A_2201 = tpu.vector_load %arg8[%get3A_2199, %get3A_2200] {strides = array<i32>} : memref<12x128xf32, #tpu.memory_space<vmem>>, vector<1x16xf32>,
    %get3A_2202 = vector.shape_cast %get3A_2201 : vector<1x16xf32> to vector<16xf32>
    %broadcast_in_dim3A_2203 = arith.constant 29 : i32
    %broadcast_in_dim3A_2204 = vector.broadcast %broadcast_in_dim3A_2203 : i32 to vector<16xi32>
    %gt3A_2205 = arith.cmpf ogt, %get3A_2202, %select_n3A_2196 : vector<16xf32>
    %gt3A_2206 = arith.cmpf ogt, %get3A_2202, %select_n3A_2193 : vector<16xf32>
    %gt3A_2207 = arith.cmpf ogt, %get3A_2202, %select_n3A_2189 : vector<16xf32>
    %select_n3A_2208 = arith.select %gt3A_2206, %select_n3A_2193, %get3A_2202 : vector<16xi1>, vector<16xf32>
    %select_n3A_2209 = arith.select %gt3A_2207, %select_n3A_2208, %select_n3A_2189 : vector<16xi1>, vector<16xf32>
    %select_n3A_2210 = arith.select %gt3A_2206, %select_n3A_2195, %broadcast_in_dim3A_2204 : vector<16xi1>, vector<16xi32>
    %select_n3A_2211 = arith.select %gt3A_2207, %select_n3A_2210, %select_n3A_2191 : vector<16xi1>, vector<16xi32>
    %select_n3A_2212 = arith.select %gt3A_2205, %select_n3A_2196, %get3A_2202 : vector<16xi1>, vector<16xf32>
    %select_n3A_2213 = arith.select %gt3A_2206, %select_n3A_2212, %select_n3A_2193 : vector<16xi1>, vector<16xf32>
    %select_n3A_2214 = arith.select %gt3A_2205, %select_n3A_2197, %broadcast_in_dim3A_2204 : vector<16xi1>, vector<16xi32>
    %select_n3A_2215 = arith.select %gt3A_2206, %select_n3A_2214, %select_n3A_2195 : vector<16xi1>, vector<16xi32>
    %select_n3A_2216 = arith.select %gt3A_2205, %get3A_2202, %select_n3A_2196 : vector<16xi1>, vector<16xf32>
    %select_n3A_2217 = arith.select %gt3A_2205, %broadcast_in_dim3A_2204, %select_n3A_2197 : vector<16xi1>, vector<16xi32>
    %get3A_2218 = arith.constant 3 : i32
    %get3A_2219 = arith.index_cast %get3A_2218 : i32 to index
    %get3A_2220 = arith.constant 96 : index
    %get3A_2221 = tpu.vector_load %arg8[%get3A_2219, %get3A_2220] {strides = array<i32>} : memref<12x128xf32, #tpu.memory_space<vmem>>, vector<1x16xf32>,
    %get3A_2222 = vector.shape_cast %get3A_2221 : vector<1x16xf32> to vector<16xf32>
    %broadcast_in_dim3A_2223 = arith.constant 30 : i32
    %broadcast_in_dim3A_2224 = vector.broadcast %broadcast_in_dim3A_2223 : i32 to vector<16xi32>
    %gt3A_2225 = arith.cmpf ogt, %get3A_2222, %select_n3A_2216 : vector<16xf32>
    %gt3A_2226 = arith.cmpf ogt, %get3A_2222, %select_n3A_2213 : vector<16xf32>
    %gt3A_2227 = arith.cmpf ogt, %get3A_2222, %select_n3A_2209 : vector<16xf32>
    %select_n3A_2228 = arith.select %gt3A_2226, %select_n3A_2213, %get3A_2222 : vector<16xi1>, vector<16xf32>
    %select_n3A_2229 = arith.select %gt3A_2227, %select_n3A_2228, %select_n3A_2209 : vector<16xi1>, vector<16xf32>
    %select_n3A_2230 = arith.select %gt3A_2226, %select_n3A_2215, %broadcast_in_dim3A_2224 : vector<16xi1>, vector<16xi32>
    %select_n3A_2231 = arith.select %gt3A_2227, %select_n3A_2230, %select_n3A_2211 : vector<16xi1>, vector<16xi32>
    %select_n3A_2232 = arith.select %gt3A_2225, %select_n3A_2216, %get3A_2222 : vector<16xi1>, vector<16xf32>
    %select_n3A_2233 = arith.select %gt3A_2226, %select_n3A_2232, %select_n3A_2213 : vector<16xi1>, vector<16xf32>
    %select_n3A_2234 = arith.select %gt3A_2225, %select_n3A_2217, %broadcast_in_dim3A_2224 : vector<16xi1>, vector<16xi32>
    %select_n3A_2235 = arith.select %gt3A_2226, %select_n3A_2234, %select_n3A_2215 : vector<16xi1>, vector<16xi32>
    %select_n3A_2236 = arith.select %gt3A_2225, %get3A_2222, %select_n3A_2216 : vector<16xi1>, vector<16xf32>
    %select_n3A_2237 = arith.select %gt3A_2225, %broadcast_in_dim3A_2224, %select_n3A_2217 : vector<16xi1>, vector<16xi32>
    %get3A_2238 = arith.constant 3 : i32
    %get3A_2239 = arith.index_cast %get3A_2238 : i32 to index
    %get3A_2240 = arith.constant 112 : index
    %get3A_2241 = tpu.vector_load %arg8[%get3A_2239, %get3A_2240] {strides = array<i32>} : memref<12x128xf32, #tpu.memory_space<vmem>>, vector<1x16xf32>,
    %get3A_2242 = vector.shape_cast %get3A_2241 : vector<1x16xf32> to vector<16xf32>
    %broadcast_in_dim3A_2243 = arith.constant 31 : i32
    %broadcast_in_dim3A_2244 = vector.broadcast %broadcast_in_dim3A_2243 : i32 to vector<16xi32>
    %gt3A_2245 = arith.cmpf ogt, %get3A_2242, %select_n3A_2236 : vector<16xf32>
    %gt3A_2246 = arith.cmpf ogt, %get3A_2242, %select_n3A_2233 : vector<16xf32>
    %gt3A_2247 = arith.cmpf ogt, %get3A_2242, %select_n3A_2229 : vector<16xf32>
    %select_n3A_2248 = arith.select %gt3A_2246, %select_n3A_2233, %get3A_2242 : vector<16xi1>, vector<16xf32>
    %select_n3A_2249 = arith.select %gt3A_2247, %select_n3A_2248, %select_n3A_2229 : vector<16xi1>, vector<16xf32>
    %select_n3A_2250 = arith.select %gt3A_2246, %select_n3A_2235, %broadcast_in_dim3A_2244 : vector<16xi1>, vector<16xi32>
    %select_n3A_2251 = arith.select %gt3A_2247, %select_n3A_2250, %select_n3A_2231 : vector<16xi1>, vector<16xi32>
    %select_n3A_2252 = arith.select %gt3A_2245, %select_n3A_2236, %get3A_2242 : vector<16xi1>, vector<16xf32>
    %select_n3A_2253 = arith.select %gt3A_2246, %select_n3A_2252, %select_n3A_2233 : vector<16xi1>, vector<16xf32>
    %select_n3A_2254 = arith.select %gt3A_2245, %select_n3A_2237, %broadcast_in_dim3A_2244 : vector<16xi1>, vector<16xi32>
    %select_n3A_2255 = arith.select %gt3A_2246, %select_n3A_2254, %select_n3A_2235 : vector<16xi1>, vector<16xi32>
    %select_n3A_2256 = arith.select %gt3A_2245, %get3A_2242, %select_n3A_2236 : vector<16xi1>, vector<16xf32>
    %select_n3A_2257 = arith.select %gt3A_2245, %broadcast_in_dim3A_2244, %select_n3A_2237 : vector<16xi1>, vector<16xi32>
    %get3A_2258 = arith.constant 4 : i32
    %get3A_2259 = arith.index_cast %get3A_2258 : i32 to index
    %get3A_2260 = arith.constant 0 : index
    %get3A_2261 = tpu.vector_load %arg8[%get3A_2259, %get3A_2260] {strides = array<i32>} : memref<12x128xf32, #tpu.memory_space<vmem>>, vector<1x16xf32>,
    %get3A_2262 = vector.shape_cast %get3A_2261 : vector<1x16xf32> to vector<16xf32>
    %broadcast_in_dim3A_2263 = arith.constant 32 : i32
    %broadcast_in_dim3A_2264 = vector.broadcast %broadcast_in_dim3A_2263 : i32 to vector<16xi32>
    %gt3A_2265 = arith.cmpf ogt, %get3A_2262, %select_n3A_2256 : vector<16xf32>
    %gt3A_2266 = arith.cmpf ogt, %get3A_2262, %select_n3A_2253 : vector<16xf32>
    %gt3A_2267 = arith.cmpf ogt, %get3A_2262, %select_n3A_2249 : vector<16xf32>
    %select_n3A_2268 = arith.select %gt3A_2266, %select_n3A_2253, %get3A_2262 : vector<16xi1>, vector<16xf32>
    %select_n3A_2269 = arith.select %gt3A_2267, %select_n3A_2268, %select_n3A_2249 : vector<16xi1>, vector<16xf32>
    %select_n3A_2270 = arith.select %gt3A_2266, %select_n3A_2255, %broadcast_in_dim3A_2264 : vector<16xi1>, vector<16xi32>
    %select_n3A_2271 = arith.select %gt3A_2267, %select_n3A_2270, %select_n3A_2251 : vector<16xi1>, vector<16xi32>
    %select_n3A_2272 = arith.select %gt3A_2265, %select_n3A_2256, %get3A_2262 : vector<16xi1>, vector<16xf32>
    %select_n3A_2273 = arith.select %gt3A_2266, %select_n3A_2272, %select_n3A_2253 : vector<16xi1>, vector<16xf32>
    %select_n3A_2274 = arith.select %gt3A_2265, %select_n3A_2257, %broadcast_in_dim3A_2264 : vector<16xi1>, vector<16xi32>
    %select_n3A_2275 = arith.select %gt3A_2266, %select_n3A_2274, %select_n3A_2255 : vector<16xi1>, vector<16xi32>
    %select_n3A_2276 = arith.select %gt3A_2265, %get3A_2262, %select_n3A_2256 : vector<16xi1>, vector<16xf32>
    %select_n3A_2277 = arith.select %gt3A_2265, %broadcast_in_dim3A_2264, %select_n3A_2257 : vector<16xi1>, vector<16xi32>
    %get3A_2278 = arith.constant 4 : i32
    %get3A_2279 = arith.index_cast %get3A_2278 : i32 to index
    %get3A_2280 = arith.constant 16 : index
    %get3A_2281 = tpu.vector_load %arg8[%get3A_2279, %get3A_2280] {strides = array<i32>} : memref<12x128xf32, #tpu.memory_space<vmem>>, vector<1x16xf32>,
    %get3A_2282 = vector.shape_cast %get3A_2281 : vector<1x16xf32> to vector<16xf32>
    %broadcast_in_dim3A_2283 = arith.constant 33 : i32
    %broadcast_in_dim3A_2284 = vector.broadcast %broadcast_in_dim3A_2283 : i32 to vector<16xi32>
    %gt3A_2285 = arith.cmpf ogt, %get3A_2282, %select_n3A_2276 : vector<16xf32>
    %gt3A_2286 = arith.cmpf ogt, %get3A_2282, %select_n3A_2273 : vector<16xf32>
    %gt3A_2287 = arith.cmpf ogt, %get3A_2282, %select_n3A_2269 : vector<16xf32>
    %select_n3A_2288 = arith.select %gt3A_2286, %select_n3A_2273, %get3A_2282 : vector<16xi1>, vector<16xf32>
    %select_n3A_2289 = arith.select %gt3A_2287, %select_n3A_2288, %select_n3A_2269 : vector<16xi1>, vector<16xf32>
    %select_n3A_2290 = arith.select %gt3A_2286, %select_n3A_2275, %broadcast_in_dim3A_2284 : vector<16xi1>, vector<16xi32>
    %select_n3A_2291 = arith.select %gt3A_2287, %select_n3A_2290, %select_n3A_2271 : vector<16xi1>, vector<16xi32>
    %select_n3A_2292 = arith.select %gt3A_2285, %select_n3A_2276, %get3A_2282 : vector<16xi1>, vector<16xf32>
    %select_n3A_2293 = arith.select %gt3A_2286, %select_n3A_2292, %select_n3A_2273 : vector<16xi1>, vector<16xf32>
    %select_n3A_2294 = arith.select %gt3A_2285, %select_n3A_2277, %broadcast_in_dim3A_2284 : vector<16xi1>, vector<16xi32>
    %select_n3A_2295 = arith.select %gt3A_2286, %select_n3A_2294, %select_n3A_2275 : vector<16xi1>, vector<16xi32>
    %select_n3A_2296 = arith.select %gt3A_2285, %get3A_2282, %select_n3A_2276 : vector<16xi1>, vector<16xf32>
    %select_n3A_2297 = arith.select %gt3A_2285, %broadcast_in_dim3A_2284, %select_n3A_2277 : vector<16xi1>, vector<16xi32>
    %get3A_2298 = arith.constant 4 : i32
    %get3A_2299 = arith.index_cast %get3A_2298 : i32 to index
    %get3A_2300 = arith.constant 32 : index
    %get3A_2301 = tpu.vector_load %arg8[%get3A_2299, %get3A_2300] {strides = array<i32>} : memref<12x128xf32, #tpu.memory_space<vmem>>, vector<1x16xf32>,
    %get3A_2302 = vector.shape_cast %get3A_2301 : vector<1x16xf32> to vector<16xf32>
    %broadcast_in_dim3A_2303 = arith.constant 34 : i32
    %broadcast_in_dim3A_2304 = vector.broadcast %broadcast_in_dim3A_2303 : i32 to vector<16xi32>
    %gt3A_2305 = arith.cmpf ogt, %get3A_2302, %select_n3A_2296 : vector<16xf32>
    %gt3A_2306 = arith.cmpf ogt, %get3A_2302, %select_n3A_2293 : vector<16xf32>
    %gt3A_2307 = arith.cmpf ogt, %get3A_2302, %select_n3A_2289 : vector<16xf32>
    %select_n3A_2308 = arith.select %gt3A_2306, %select_n3A_2293, %get3A_2302 : vector<16xi1>, vector<16xf32>
    %select_n3A_2309 = arith.select %gt3A_2307, %select_n3A_2308, %select_n3A_2289 : vector<16xi1>, vector<16xf32>
    %select_n3A_2310 = arith.select %gt3A_2306, %select_n3A_2295, %broadcast_in_dim3A_2304 : vector<16xi1>, vector<16xi32>
    %select_n3A_2311 = arith.select %gt3A_2307, %select_n3A_2310, %select_n3A_2291 : vector<16xi1>, vector<16xi32>
    %select_n3A_2312 = arith.select %gt3A_2305, %select_n3A_2296, %get3A_2302 : vector<16xi1>, vector<16xf32>
    %select_n3A_2313 = arith.select %gt3A_2306, %select_n3A_2312, %select_n3A_2293 : vector<16xi1>, vector<16xf32>
    %select_n3A_2314 = arith.select %gt3A_2305, %select_n3A_2297, %broadcast_in_dim3A_2304 : vector<16xi1>, vector<16xi32>
    %select_n3A_2315 = arith.select %gt3A_2306, %select_n3A_2314, %select_n3A_2295 : vector<16xi1>, vector<16xi32>
    %select_n3A_2316 = arith.select %gt3A_2305, %get3A_2302, %select_n3A_2296 : vector<16xi1>, vector<16xf32>
    %select_n3A_2317 = arith.select %gt3A_2305, %broadcast_in_dim3A_2304, %select_n3A_2297 : vector<16xi1>, vector<16xi32>
    %get3A_2318 = arith.constant 4 : i32
    %get3A_2319 = arith.index_cast %get3A_2318 : i32 to index
    %get3A_2320 = arith.constant 48 : index
    %get3A_2321 = tpu.vector_load %arg8[%get3A_2319, %get3A_2320] {strides = array<i32>} : memref<12x128xf32, #tpu.memory_space<vmem>>, vector<1x16xf32>,
    %get3A_2322 = vector.shape_cast %get3A_2321 : vector<1x16xf32> to vector<16xf32>
    %broadcast_in_dim3A_2323 = arith.constant 35 : i32
    %broadcast_in_dim3A_2324 = vector.broadcast %broadcast_in_dim3A_2323 : i32 to vector<16xi32>
    %gt3A_2325 = arith.cmpf ogt, %get3A_2322, %select_n3A_2316 : vector<16xf32>
    %gt3A_2326 = arith.cmpf ogt, %get3A_2322, %select_n3A_2313 : vector<16xf32>
    %gt3A_2327 = arith.cmpf ogt, %get3A_2322, %select_n3A_2309 : vector<16xf32>
    %select_n3A_2328 = arith.select %gt3A_2326, %select_n3A_2313, %get3A_2322 : vector<16xi1>, vector<16xf32>
    %select_n3A_2329 = arith.select %gt3A_2327, %select_n3A_2328, %select_n3A_2309 : vector<16xi1>, vector<16xf32>
    %select_n3A_2330 = arith.select %gt3A_2326, %select_n3A_2315, %broadcast_in_dim3A_2324 : vector<16xi1>, vector<16xi32>
    %select_n3A_2331 = arith.select %gt3A_2327, %select_n3A_2330, %select_n3A_2311 : vector<16xi1>, vector<16xi32>
    %select_n3A_2332 = arith.select %gt3A_2325, %select_n3A_2316, %get3A_2322 : vector<16xi1>, vector<16xf32>
    %select_n3A_2333 = arith.select %gt3A_2326, %select_n3A_2332, %select_n3A_2313 : vector<16xi1>, vector<16xf32>
    %select_n3A_2334 = arith.select %gt3A_2325, %select_n3A_2317, %broadcast_in_dim3A_2324 : vector<16xi1>, vector<16xi32>
    %select_n3A_2335 = arith.select %gt3A_2326, %select_n3A_2334, %select_n3A_2315 : vector<16xi1>, vector<16xi32>
    %select_n3A_2336 = arith.select %gt3A_2325, %get3A_2322, %select_n3A_2316 : vector<16xi1>, vector<16xf32>
    %select_n3A_2337 = arith.select %gt3A_2325, %broadcast_in_dim3A_2324, %select_n3A_2317 : vector<16xi1>, vector<16xi32>
    %get3A_2338 = arith.constant 4 : i32
    %get3A_2339 = arith.index_cast %get3A_2338 : i32 to index
    %get3A_2340 = arith.constant 64 : index
    %get3A_2341 = tpu.vector_load %arg8[%get3A_2339, %get3A_2340] {strides = array<i32>} : memref<12x128xf32, #tpu.memory_space<vmem>>, vector<1x16xf32>,
    %get3A_2342 = vector.shape_cast %get3A_2341 : vector<1x16xf32> to vector<16xf32>
    %broadcast_in_dim3A_2343 = arith.constant 36 : i32
    %broadcast_in_dim3A_2344 = vector.broadcast %broadcast_in_dim3A_2343 : i32 to vector<16xi32>
    %gt3A_2345 = arith.cmpf ogt, %get3A_2342, %select_n3A_2336 : vector<16xf32>
    %gt3A_2346 = arith.cmpf ogt, %get3A_2342, %select_n3A_2333 : vector<16xf32>
    %gt3A_2347 = arith.cmpf ogt, %get3A_2342, %select_n3A_2329 : vector<16xf32>
    %select_n3A_2348 = arith.select %gt3A_2346, %select_n3A_2333, %get3A_2342 : vector<16xi1>, vector<16xf32>
    %select_n3A_2349 = arith.select %gt3A_2347, %select_n3A_2348, %select_n3A_2329 : vector<16xi1>, vector<16xf32>
    %select_n3A_2350 = arith.select %gt3A_2346, %select_n3A_2335, %broadcast_in_dim3A_2344 : vector<16xi1>, vector<16xi32>
    %select_n3A_2351 = arith.select %gt3A_2347, %select_n3A_2350, %select_n3A_2331 : vector<16xi1>, vector<16xi32>
    %select_n3A_2352 = arith.select %gt3A_2345, %select_n3A_2336, %get3A_2342 : vector<16xi1>, vector<16xf32>
    %select_n3A_2353 = arith.select %gt3A_2346, %select_n3A_2352, %select_n3A_2333 : vector<16xi1>, vector<16xf32>
    %select_n3A_2354 = arith.select %gt3A_2345, %select_n3A_2337, %broadcast_in_dim3A_2344 : vector<16xi1>, vector<16xi32>
    %select_n3A_2355 = arith.select %gt3A_2346, %select_n3A_2354, %select_n3A_2335 : vector<16xi1>, vector<16xi32>
    %select_n3A_2356 = arith.select %gt3A_2345, %get3A_2342, %select_n3A_2336 : vector<16xi1>, vector<16xf32>
    %select_n3A_2357 = arith.select %gt3A_2345, %broadcast_in_dim3A_2344, %select_n3A_2337 : vector<16xi1>, vector<16xi32>
    %get3A_2358 = arith.constant 4 : i32
    %get3A_2359 = arith.index_cast %get3A_2358 : i32 to index
    %get3A_2360 = arith.constant 80 : index
    %get3A_2361 = tpu.vector_load %arg8[%get3A_2359, %get3A_2360] {strides = array<i32>} : memref<12x128xf32, #tpu.memory_space<vmem>>, vector<1x16xf32>,
    %get3A_2362 = vector.shape_cast %get3A_2361 : vector<1x16xf32> to vector<16xf32>
    %broadcast_in_dim3A_2363 = arith.constant 37 : i32
    %broadcast_in_dim3A_2364 = vector.broadcast %broadcast_in_dim3A_2363 : i32 to vector<16xi32>
    %gt3A_2365 = arith.cmpf ogt, %get3A_2362, %select_n3A_2356 : vector<16xf32>
    %gt3A_2366 = arith.cmpf ogt, %get3A_2362, %select_n3A_2353 : vector<16xf32>
    %gt3A_2367 = arith.cmpf ogt, %get3A_2362, %select_n3A_2349 : vector<16xf32>
    %select_n3A_2368 = arith.select %gt3A_2366, %select_n3A_2353, %get3A_2362 : vector<16xi1>, vector<16xf32>
    %select_n3A_2369 = arith.select %gt3A_2367, %select_n3A_2368, %select_n3A_2349 : vector<16xi1>, vector<16xf32>
    %select_n3A_2370 = arith.select %gt3A_2366, %select_n3A_2355, %broadcast_in_dim3A_2364 : vector<16xi1>, vector<16xi32>
    %select_n3A_2371 = arith.select %gt3A_2367, %select_n3A_2370, %select_n3A_2351 : vector<16xi1>, vector<16xi32>
    %select_n3A_2372 = arith.select %gt3A_2365, %select_n3A_2356, %get3A_2362 : vector<16xi1>, vector<16xf32>
    %select_n3A_2373 = arith.select %gt3A_2366, %select_n3A_2372, %select_n3A_2353 : vector<16xi1>, vector<16xf32>
    %select_n3A_2374 = arith.select %gt3A_2365, %select_n3A_2357, %broadcast_in_dim3A_2364 : vector<16xi1>, vector<16xi32>
    %select_n3A_2375 = arith.select %gt3A_2366, %select_n3A_2374, %select_n3A_2355 : vector<16xi1>, vector<16xi32>
    %select_n3A_2376 = arith.select %gt3A_2365, %get3A_2362, %select_n3A_2356 : vector<16xi1>, vector<16xf32>
    %select_n3A_2377 = arith.select %gt3A_2365, %broadcast_in_dim3A_2364, %select_n3A_2357 : vector<16xi1>, vector<16xi32>
    %get3A_2378 = arith.constant 4 : i32
    %get3A_2379 = arith.index_cast %get3A_2378 : i32 to index
    %get3A_2380 = arith.constant 96 : index
    %get3A_2381 = tpu.vector_load %arg8[%get3A_2379, %get3A_2380] {strides = array<i32>} : memref<12x128xf32, #tpu.memory_space<vmem>>, vector<1x16xf32>,
    %get3A_2382 = vector.shape_cast %get3A_2381 : vector<1x16xf32> to vector<16xf32>
    %broadcast_in_dim3A_2383 = arith.constant 38 : i32
    %broadcast_in_dim3A_2384 = vector.broadcast %broadcast_in_dim3A_2383 : i32 to vector<16xi32>
    %gt3A_2385 = arith.cmpf ogt, %get3A_2382, %select_n3A_2376 : vector<16xf32>
    %gt3A_2386 = arith.cmpf ogt, %get3A_2382, %select_n3A_2373 : vector<16xf32>
    %gt3A_2387 = arith.cmpf ogt, %get3A_2382, %select_n3A_2369 : vector<16xf32>
    %select_n3A_2388 = arith.select %gt3A_2386, %select_n3A_2373, %get3A_2382 : vector<16xi1>, vector<16xf32>
    %select_n3A_2389 = arith.select %gt3A_2387, %select_n3A_2388, %select_n3A_2369 : vector<16xi1>, vector<16xf32>
    %select_n3A_2390 = arith.select %gt3A_2386, %select_n3A_2375, %broadcast_in_dim3A_2384 : vector<16xi1>, vector<16xi32>
    %select_n3A_2391 = arith.select %gt3A_2387, %select_n3A_2390, %select_n3A_2371 : vector<16xi1>, vector<16xi32>
    %select_n3A_2392 = arith.select %gt3A_2385, %select_n3A_2376, %get3A_2382 : vector<16xi1>, vector<16xf32>
    %select_n3A_2393 = arith.select %gt3A_2386, %select_n3A_2392, %select_n3A_2373 : vector<16xi1>, vector<16xf32>
    %select_n3A_2394 = arith.select %gt3A_2385, %select_n3A_2377, %broadcast_in_dim3A_2384 : vector<16xi1>, vector<16xi32>
    %select_n3A_2395 = arith.select %gt3A_2386, %select_n3A_2394, %select_n3A_2375 : vector<16xi1>, vector<16xi32>
    %select_n3A_2396 = arith.select %gt3A_2385, %get3A_2382, %select_n3A_2376 : vector<16xi1>, vector<16xf32>
    %select_n3A_2397 = arith.select %gt3A_2385, %broadcast_in_dim3A_2384, %select_n3A_2377 : vector<16xi1>, vector<16xi32>
    %get3A_2398 = arith.constant 4 : i32
    %get3A_2399 = arith.index_cast %get3A_2398 : i32 to index
    %get3A_2400 = arith.constant 112 : index
    %get3A_2401 = tpu.vector_load %arg8[%get3A_2399, %get3A_2400] {strides = array<i32>} : memref<12x128xf32, #tpu.memory_space<vmem>>, vector<1x16xf32>,
    %get3A_2402 = vector.shape_cast %get3A_2401 : vector<1x16xf32> to vector<16xf32>
    %broadcast_in_dim3A_2403 = arith.constant 39 : i32
    %broadcast_in_dim3A_2404 = vector.broadcast %broadcast_in_dim3A_2403 : i32 to vector<16xi32>
    %gt3A_2405 = arith.cmpf ogt, %get3A_2402, %select_n3A_2396 : vector<16xf32>
    %gt3A_2406 = arith.cmpf ogt, %get3A_2402, %select_n3A_2393 : vector<16xf32>
    %gt3A_2407 = arith.cmpf ogt, %get3A_2402, %select_n3A_2389 : vector<16xf32>
    %select_n3A_2408 = arith.select %gt3A_2406, %select_n3A_2393, %get3A_2402 : vector<16xi1>, vector<16xf32>
    %select_n3A_2409 = arith.select %gt3A_2407, %select_n3A_2408, %select_n3A_2389 : vector<16xi1>, vector<16xf32>
    %select_n3A_2410 = arith.select %gt3A_2406, %select_n3A_2395, %broadcast_in_dim3A_2404 : vector<16xi1>, vector<16xi32>
    %select_n3A_2411 = arith.select %gt3A_2407, %select_n3A_2410, %select_n3A_2391 : vector<16xi1>, vector<16xi32>
    %select_n3A_2412 = arith.select %gt3A_2405, %select_n3A_2396, %get3A_2402 : vector<16xi1>, vector<16xf32>
    %select_n3A_2413 = arith.select %gt3A_2406, %select_n3A_2412, %select_n3A_2393 : vector<16xi1>, vector<16xf32>
    %select_n3A_2414 = arith.select %gt3A_2405, %select_n3A_2397, %broadcast_in_dim3A_2404 : vector<16xi1>, vector<16xi32>
    %select_n3A_2415 = arith.select %gt3A_2406, %select_n3A_2414, %select_n3A_2395 : vector<16xi1>, vector<16xi32>
    %select_n3A_2416 = arith.select %gt3A_2405, %get3A_2402, %select_n3A_2396 : vector<16xi1>, vector<16xf32>
    %select_n3A_2417 = arith.select %gt3A_2405, %broadcast_in_dim3A_2404, %select_n3A_2397 : vector<16xi1>, vector<16xi32>
    %get3A_2418 = arith.constant 5 : i32
    %get3A_2419 = arith.index_cast %get3A_2418 : i32 to index
    %get3A_2420 = arith.constant 0 : index
    %get3A_2421 = tpu.vector_load %arg8[%get3A_2419, %get3A_2420] {strides = array<i32>} : memref<12x128xf32, #tpu.memory_space<vmem>>, vector<1x16xf32>,
    %get3A_2422 = vector.shape_cast %get3A_2421 : vector<1x16xf32> to vector<16xf32>
    %broadcast_in_dim3A_2423 = arith.constant 40 : i32
    %broadcast_in_dim3A_2424 = vector.broadcast %broadcast_in_dim3A_2423 : i32 to vector<16xi32>
    %gt3A_2425 = arith.cmpf ogt, %get3A_2422, %select_n3A_2416 : vector<16xf32>
    %gt3A_2426 = arith.cmpf ogt, %get3A_2422, %select_n3A_2413 : vector<16xf32>
    %gt3A_2427 = arith.cmpf ogt, %get3A_2422, %select_n3A_2409 : vector<16xf32>
    %select_n3A_2428 = arith.select %gt3A_2426, %select_n3A_2413, %get3A_2422 : vector<16xi1>, vector<16xf32>
    %select_n3A_2429 = arith.select %gt3A_2427, %select_n3A_2428, %select_n3A_2409 : vector<16xi1>, vector<16xf32>
    %select_n3A_2430 = arith.select %gt3A_2426, %select_n3A_2415, %broadcast_in_dim3A_2424 : vector<16xi1>, vector<16xi32>
    %select_n3A_2431 = arith.select %gt3A_2427, %select_n3A_2430, %select_n3A_2411 : vector<16xi1>, vector<16xi32>
    %select_n3A_2432 = arith.select %gt3A_2425, %select_n3A_2416, %get3A_2422 : vector<16xi1>, vector<16xf32>
    %select_n3A_2433 = arith.select %gt3A_2426, %select_n3A_2432, %select_n3A_2413 : vector<16xi1>, vector<16xf32>
    %select_n3A_2434 = arith.select %gt3A_2425, %select_n3A_2417, %broadcast_in_dim3A_2424 : vector<16xi1>, vector<16xi32>
    %select_n3A_2435 = arith.select %gt3A_2426, %select_n3A_2434, %select_n3A_2415 : vector<16xi1>, vector<16xi32>
    %select_n3A_2436 = arith.select %gt3A_2425, %get3A_2422, %select_n3A_2416 : vector<16xi1>, vector<16xf32>
    %select_n3A_2437 = arith.select %gt3A_2425, %broadcast_in_dim3A_2424, %select_n3A_2417 : vector<16xi1>, vector<16xi32>
    %get3A_2438 = arith.constant 5 : i32
    %get3A_2439 = arith.index_cast %get3A_2438 : i32 to index
    %get3A_2440 = arith.constant 16 : index
    %get3A_2441 = tpu.vector_load %arg8[%get3A_2439, %get3A_2440] {strides = array<i32>} : memref<12x128xf32, #tpu.memory_space<vmem>>, vector<1x16xf32>,
    %get3A_2442 = vector.shape_cast %get3A_2441 : vector<1x16xf32> to vector<16xf32>
    %broadcast_in_dim3A_2443 = arith.constant 41 : i32
    %broadcast_in_dim3A_2444 = vector.broadcast %broadcast_in_dim3A_2443 : i32 to vector<16xi32>
    %gt3A_2445 = arith.cmpf ogt, %get3A_2442, %select_n3A_2436 : vector<16xf32>
    %gt3A_2446 = arith.cmpf ogt, %get3A_2442, %select_n3A_2433 : vector<16xf32>
    %gt3A_2447 = arith.cmpf ogt, %get3A_2442, %select_n3A_2429 : vector<16xf32>
    %select_n3A_2448 = arith.select %gt3A_2446, %select_n3A_2433, %get3A_2442 : vector<16xi1>, vector<16xf32>
    %select_n3A_2449 = arith.select %gt3A_2447, %select_n3A_2448, %select_n3A_2429 : vector<16xi1>, vector<16xf32>
    %select_n3A_2450 = arith.select %gt3A_2446, %select_n3A_2435, %broadcast_in_dim3A_2444 : vector<16xi1>, vector<16xi32>
    %select_n3A_2451 = arith.select %gt3A_2447, %select_n3A_2450, %select_n3A_2431 : vector<16xi1>, vector<16xi32>
    %select_n3A_2452 = arith.select %gt3A_2445, %select_n3A_2436, %get3A_2442 : vector<16xi1>, vector<16xf32>
    %select_n3A_2453 = arith.select %gt3A_2446, %select_n3A_2452, %select_n3A_2433 : vector<16xi1>, vector<16xf32>
    %select_n3A_2454 = arith.select %gt3A_2445, %select_n3A_2437, %broadcast_in_dim3A_2444 : vector<16xi1>, vector<16xi32>
    %select_n3A_2455 = arith.select %gt3A_2446, %select_n3A_2454, %select_n3A_2435 : vector<16xi1>, vector<16xi32>
    %select_n3A_2456 = arith.select %gt3A_2445, %get3A_2442, %select_n3A_2436 : vector<16xi1>, vector<16xf32>
    %select_n3A_2457 = arith.select %gt3A_2445, %broadcast_in_dim3A_2444, %select_n3A_2437 : vector<16xi1>, vector<16xi32>
    %get3A_2458 = arith.constant 5 : i32
    %get3A_2459 = arith.index_cast %get3A_2458 : i32 to index
    %get3A_2460 = arith.constant 32 : index
    %get3A_2461 = tpu.vector_load %arg8[%get3A_2459, %get3A_2460] {strides = array<i32>} : memref<12x128xf32, #tpu.memory_space<vmem>>, vector<1x16xf32>,
    %get3A_2462 = vector.shape_cast %get3A_2461 : vector<1x16xf32> to vector<16xf32>
    %broadcast_in_dim3A_2463 = arith.constant 42 : i32
    %broadcast_in_dim3A_2464 = vector.broadcast %broadcast_in_dim3A_2463 : i32 to vector<16xi32>
    %gt3A_2465 = arith.cmpf ogt, %get3A_2462, %select_n3A_2456 : vector<16xf32>
    %gt3A_2466 = arith.cmpf ogt, %get3A_2462, %select_n3A_2453 : vector<16xf32>
    %gt3A_2467 = arith.cmpf ogt, %get3A_2462, %select_n3A_2449 : vector<16xf32>
    %select_n3A_2468 = arith.select %gt3A_2466, %select_n3A_2453, %get3A_2462 : vector<16xi1>, vector<16xf32>
    %select_n3A_2469 = arith.select %gt3A_2467, %select_n3A_2468, %select_n3A_2449 : vector<16xi1>, vector<16xf32>
    %select_n3A_2470 = arith.select %gt3A_2466, %select_n3A_2455, %broadcast_in_dim3A_2464 : vector<16xi1>, vector<16xi32>
    %select_n3A_2471 = arith.select %gt3A_2467, %select_n3A_2470, %select_n3A_2451 : vector<16xi1>, vector<16xi32>
    %select_n3A_2472 = arith.select %gt3A_2465, %select_n3A_2456, %get3A_2462 : vector<16xi1>, vector<16xf32>
    %select_n3A_2473 = arith.select %gt3A_2466, %select_n3A_2472, %select_n3A_2453 : vector<16xi1>, vector<16xf32>
    %select_n3A_2474 = arith.select %gt3A_2465, %select_n3A_2457, %broadcast_in_dim3A_2464 : vector<16xi1>, vector<16xi32>
    %select_n3A_2475 = arith.select %gt3A_2466, %select_n3A_2474, %select_n3A_2455 : vector<16xi1>, vector<16xi32>
    %select_n3A_2476 = arith.select %gt3A_2465, %get3A_2462, %select_n3A_2456 : vector<16xi1>, vector<16xf32>
    %select_n3A_2477 = arith.select %gt3A_2465, %broadcast_in_dim3A_2464, %select_n3A_2457 : vector<16xi1>, vector<16xi32>
    %get3A_2478 = arith.constant 5 : i32
    %get3A_2479 = arith.index_cast %get3A_2478 : i32 to index
    %get3A_2480 = arith.constant 48 : index
    %get3A_2481 = tpu.vector_load %arg8[%get3A_2479, %get3A_2480] {strides = array<i32>} : memref<12x128xf32, #tpu.memory_space<vmem>>, vector<1x16xf32>,
    %get3A_2482 = vector.shape_cast %get3A_2481 : vector<1x16xf32> to vector<16xf32>
    %broadcast_in_dim3A_2483 = arith.constant 43 : i32
    %broadcast_in_dim3A_2484 = vector.broadcast %broadcast_in_dim3A_2483 : i32 to vector<16xi32>
    %gt3A_2485 = arith.cmpf ogt, %get3A_2482, %select_n3A_2476 : vector<16xf32>
    %gt3A_2486 = arith.cmpf ogt, %get3A_2482, %select_n3A_2473 : vector<16xf32>
    %gt3A_2487 = arith.cmpf ogt, %get3A_2482, %select_n3A_2469 : vector<16xf32>
    %select_n3A_2488 = arith.select %gt3A_2486, %select_n3A_2473, %get3A_2482 : vector<16xi1>, vector<16xf32>
    %select_n3A_2489 = arith.select %gt3A_2487, %select_n3A_2488, %select_n3A_2469 : vector<16xi1>, vector<16xf32>
    %select_n3A_2490 = arith.select %gt3A_2486, %select_n3A_2475, %broadcast_in_dim3A_2484 : vector<16xi1>, vector<16xi32>
    %select_n3A_2491 = arith.select %gt3A_2487, %select_n3A_2490, %select_n3A_2471 : vector<16xi1>, vector<16xi32>
    %select_n3A_2492 = arith.select %gt3A_2485, %select_n3A_2476, %get3A_2482 : vector<16xi1>, vector<16xf32>
    %select_n3A_2493 = arith.select %gt3A_2486, %select_n3A_2492, %select_n3A_2473 : vector<16xi1>, vector<16xf32>
    %select_n3A_2494 = arith.select %gt3A_2485, %select_n3A_2477, %broadcast_in_dim3A_2484 : vector<16xi1>, vector<16xi32>
    %select_n3A_2495 = arith.select %gt3A_2486, %select_n3A_2494, %select_n3A_2475 : vector<16xi1>, vector<16xi32>
    %select_n3A_2496 = arith.select %gt3A_2485, %get3A_2482, %select_n3A_2476 : vector<16xi1>, vector<16xf32>
    %select_n3A_2497 = arith.select %gt3A_2485, %broadcast_in_dim3A_2484, %select_n3A_2477 : vector<16xi1>, vector<16xi32>
    %get3A_2498 = arith.constant 5 : i32
    %get3A_2499 = arith.index_cast %get3A_2498 : i32 to index
    %get3A_2500 = arith.constant 64 : index
    %get3A_2501 = tpu.vector_load %arg8[%get3A_2499, %get3A_2500] {strides = array<i32>} : memref<12x128xf32, #tpu.memory_space<vmem>>, vector<1x16xf32>,
    %get3A_2502 = vector.shape_cast %get3A_2501 : vector<1x16xf32> to vector<16xf32>
    %broadcast_in_dim3A_2503 = arith.constant 44 : i32
    %broadcast_in_dim3A_2504 = vector.broadcast %broadcast_in_dim3A_2503 : i32 to vector<16xi32>
    %gt3A_2505 = arith.cmpf ogt, %get3A_2502, %select_n3A_2496 : vector<16xf32>
    %gt3A_2506 = arith.cmpf ogt, %get3A_2502, %select_n3A_2493 : vector<16xf32>
    %gt3A_2507 = arith.cmpf ogt, %get3A_2502, %select_n3A_2489 : vector<16xf32>
    %select_n3A_2508 = arith.select %gt3A_2506, %select_n3A_2493, %get3A_2502 : vector<16xi1>, vector<16xf32>
    %select_n3A_2509 = arith.select %gt3A_2507, %select_n3A_2508, %select_n3A_2489 : vector<16xi1>, vector<16xf32>
    %select_n3A_2510 = arith.select %gt3A_2506, %select_n3A_2495, %broadcast_in_dim3A_2504 : vector<16xi1>, vector<16xi32>
    %select_n3A_2511 = arith.select %gt3A_2507, %select_n3A_2510, %select_n3A_2491 : vector<16xi1>, vector<16xi32>
    %select_n3A_2512 = arith.select %gt3A_2505, %select_n3A_2496, %get3A_2502 : vector<16xi1>, vector<16xf32>
    %select_n3A_2513 = arith.select %gt3A_2506, %select_n3A_2512, %select_n3A_2493 : vector<16xi1>, vector<16xf32>
    %select_n3A_2514 = arith.select %gt3A_2505, %select_n3A_2497, %broadcast_in_dim3A_2504 : vector<16xi1>, vector<16xi32>
    %select_n3A_2515 = arith.select %gt3A_2506, %select_n3A_2514, %select_n3A_2495 : vector<16xi1>, vector<16xi32>
    %select_n3A_2516 = arith.select %gt3A_2505, %get3A_2502, %select_n3A_2496 : vector<16xi1>, vector<16xf32>
    %select_n3A_2517 = arith.select %gt3A_2505, %broadcast_in_dim3A_2504, %select_n3A_2497 : vector<16xi1>, vector<16xi32>
    %get3A_2518 = arith.constant 5 : i32
    %get3A_2519 = arith.index_cast %get3A_2518 : i32 to index
    %get3A_2520 = arith.constant 80 : index
    %get3A_2521 = tpu.vector_load %arg8[%get3A_2519, %get3A_2520] {strides = array<i32>} : memref<12x128xf32, #tpu.memory_space<vmem>>, vector<1x16xf32>,
    %get3A_2522 = vector.shape_cast %get3A_2521 : vector<1x16xf32> to vector<16xf32>
    %broadcast_in_dim3A_2523 = arith.constant 45 : i32
    %broadcast_in_dim3A_2524 = vector.broadcast %broadcast_in_dim3A_2523 : i32 to vector<16xi32>
    %gt3A_2525 = arith.cmpf ogt, %get3A_2522, %select_n3A_2516 : vector<16xf32>
    %gt3A_2526 = arith.cmpf ogt, %get3A_2522, %select_n3A_2513 : vector<16xf32>
    %gt3A_2527 = arith.cmpf ogt, %get3A_2522, %select_n3A_2509 : vector<16xf32>
    %select_n3A_2528 = arith.select %gt3A_2526, %select_n3A_2513, %get3A_2522 : vector<16xi1>, vector<16xf32>
    %select_n3A_2529 = arith.select %gt3A_2527, %select_n3A_2528, %select_n3A_2509 : vector<16xi1>, vector<16xf32>
    %select_n3A_2530 = arith.select %gt3A_2526, %select_n3A_2515, %broadcast_in_dim3A_2524 : vector<16xi1>, vector<16xi32>
    %select_n3A_2531 = arith.select %gt3A_2527, %select_n3A_2530, %select_n3A_2511 : vector<16xi1>, vector<16xi32>
    %select_n3A_2532 = arith.select %gt3A_2525, %select_n3A_2516, %get3A_2522 : vector<16xi1>, vector<16xf32>
    %select_n3A_2533 = arith.select %gt3A_2526, %select_n3A_2532, %select_n3A_2513 : vector<16xi1>, vector<16xf32>
    %select_n3A_2534 = arith.select %gt3A_2525, %select_n3A_2517, %broadcast_in_dim3A_2524 : vector<16xi1>, vector<16xi32>
    %select_n3A_2535 = arith.select %gt3A_2526, %select_n3A_2534, %select_n3A_2515 : vector<16xi1>, vector<16xi32>
    %select_n3A_2536 = arith.select %gt3A_2525, %get3A_2522, %select_n3A_2516 : vector<16xi1>, vector<16xf32>
    %select_n3A_2537 = arith.select %gt3A_2525, %broadcast_in_dim3A_2524, %select_n3A_2517 : vector<16xi1>, vector<16xi32>
    %get3A_2538 = arith.constant 5 : i32
    %get3A_2539 = arith.index_cast %get3A_2538 : i32 to index
    %get3A_2540 = arith.constant 96 : index
    %get3A_2541 = tpu.vector_load %arg8[%get3A_2539, %get3A_2540] {strides = array<i32>} : memref<12x128xf32, #tpu.memory_space<vmem>>, vector<1x16xf32>,
    %get3A_2542 = vector.shape_cast %get3A_2541 : vector<1x16xf32> to vector<16xf32>
    %broadcast_in_dim3A_2543 = arith.constant 46 : i32
    %broadcast_in_dim3A_2544 = vector.broadcast %broadcast_in_dim3A_2543 : i32 to vector<16xi32>
    %gt3A_2545 = arith.cmpf ogt, %get3A_2542, %select_n3A_2536 : vector<16xf32>
    %gt3A_2546 = arith.cmpf ogt, %get3A_2542, %select_n3A_2533 : vector<16xf32>
    %gt3A_2547 = arith.cmpf ogt, %get3A_2542, %select_n3A_2529 : vector<16xf32>
    %select_n3A_2548 = arith.select %gt3A_2546, %select_n3A_2533, %get3A_2542 : vector<16xi1>, vector<16xf32>
    %select_n3A_2549 = arith.select %gt3A_2547, %select_n3A_2548, %select_n3A_2529 : vector<16xi1>, vector<16xf32>
    %select_n3A_2550 = arith.select %gt3A_2546, %select_n3A_2535, %broadcast_in_dim3A_2544 : vector<16xi1>, vector<16xi32>
    %select_n3A_2551 = arith.select %gt3A_2547, %select_n3A_2550, %select_n3A_2531 : vector<16xi1>, vector<16xi32>
    %select_n3A_2552 = arith.select %gt3A_2545, %select_n3A_2536, %get3A_2542 : vector<16xi1>, vector<16xf32>
    %select_n3A_2553 = arith.select %gt3A_2546, %select_n3A_2552, %select_n3A_2533 : vector<16xi1>, vector<16xf32>
    %select_n3A_2554 = arith.select %gt3A_2545, %select_n3A_2537, %broadcast_in_dim3A_2544 : vector<16xi1>, vector<16xi32>
    %select_n3A_2555 = arith.select %gt3A_2546, %select_n3A_2554, %select_n3A_2535 : vector<16xi1>, vector<16xi32>
    %select_n3A_2556 = arith.select %gt3A_2545, %get3A_2542, %select_n3A_2536 : vector<16xi1>, vector<16xf32>
    %select_n3A_2557 = arith.select %gt3A_2545, %broadcast_in_dim3A_2544, %select_n3A_2537 : vector<16xi1>, vector<16xi32>
    %get3A_2558 = arith.constant 5 : i32
    %get3A_2559 = arith.index_cast %get3A_2558 : i32 to index
    %get3A_2560 = arith.constant 112 : index
    %get3A_2561 = tpu.vector_load %arg8[%get3A_2559, %get3A_2560] {strides = array<i32>} : memref<12x128xf32, #tpu.memory_space<vmem>>, vector<1x16xf32>,
    %get3A_2562 = vector.shape_cast %get3A_2561 : vector<1x16xf32> to vector<16xf32>
    %broadcast_in_dim3A_2563 = arith.constant 47 : i32
    %broadcast_in_dim3A_2564 = vector.broadcast %broadcast_in_dim3A_2563 : i32 to vector<16xi32>
    %gt3A_2565 = arith.cmpf ogt, %get3A_2562, %select_n3A_2556 : vector<16xf32>
    %gt3A_2566 = arith.cmpf ogt, %get3A_2562, %select_n3A_2553 : vector<16xf32>
    %gt3A_2567 = arith.cmpf ogt, %get3A_2562, %select_n3A_2549 : vector<16xf32>
    %select_n3A_2568 = arith.select %gt3A_2566, %select_n3A_2553, %get3A_2562 : vector<16xi1>, vector<16xf32>
    %select_n3A_2569 = arith.select %gt3A_2567, %select_n3A_2568, %select_n3A_2549 : vector<16xi1>, vector<16xf32>
    %select_n3A_2570 = arith.select %gt3A_2566, %select_n3A_2555, %broadcast_in_dim3A_2564 : vector<16xi1>, vector<16xi32>
    %select_n3A_2571 = arith.select %gt3A_2567, %select_n3A_2570, %select_n3A_2551 : vector<16xi1>, vector<16xi32>
    %select_n3A_2572 = arith.select %gt3A_2565, %select_n3A_2556, %get3A_2562 : vector<16xi1>, vector<16xf32>
    %select_n3A_2573 = arith.select %gt3A_2566, %select_n3A_2572, %select_n3A_2553 : vector<16xi1>, vector<16xf32>
    %select_n3A_2574 = arith.select %gt3A_2565, %select_n3A_2557, %broadcast_in_dim3A_2564 : vector<16xi1>, vector<16xi32>
    %select_n3A_2575 = arith.select %gt3A_2566, %select_n3A_2574, %select_n3A_2555 : vector<16xi1>, vector<16xi32>
    %select_n3A_2576 = arith.select %gt3A_2565, %get3A_2562, %select_n3A_2556 : vector<16xi1>, vector<16xf32>
    %select_n3A_2577 = arith.select %gt3A_2565, %broadcast_in_dim3A_2564, %select_n3A_2557 : vector<16xi1>, vector<16xi32>
    %get3A_2578 = arith.constant 6 : i32
    %get3A_2579 = arith.index_cast %get3A_2578 : i32 to index
    %get3A_2580 = arith.constant 0 : index
    %get3A_2581 = tpu.vector_load %arg8[%get3A_2579, %get3A_2580] {strides = array<i32>} : memref<12x128xf32, #tpu.memory_space<vmem>>, vector<1x16xf32>,
    %get3A_2582 = vector.shape_cast %get3A_2581 : vector<1x16xf32> to vector<16xf32>
    %broadcast_in_dim3A_2583 = arith.constant 48 : i32
    %broadcast_in_dim3A_2584 = vector.broadcast %broadcast_in_dim3A_2583 : i32 to vector<16xi32>
    %gt3A_2585 = arith.cmpf ogt, %get3A_2582, %select_n3A_2576 : vector<16xf32>
    %gt3A_2586 = arith.cmpf ogt, %get3A_2582, %select_n3A_2573 : vector<16xf32>
    %gt3A_2587 = arith.cmpf ogt, %get3A_2582, %select_n3A_2569 : vector<16xf32>
    %select_n3A_2588 = arith.select %gt3A_2586, %select_n3A_2573, %get3A_2582 : vector<16xi1>, vector<16xf32>
    %select_n3A_2589 = arith.select %gt3A_2587, %select_n3A_2588, %select_n3A_2569 : vector<16xi1>, vector<16xf32>
    %select_n3A_2590 = arith.select %gt3A_2586, %select_n3A_2575, %broadcast_in_dim3A_2584 : vector<16xi1>, vector<16xi32>
    %select_n3A_2591 = arith.select %gt3A_2587, %select_n3A_2590, %select_n3A_2571 : vector<16xi1>, vector<16xi32>
    %select_n3A_2592 = arith.select %gt3A_2585, %select_n3A_2576, %get3A_2582 : vector<16xi1>, vector<16xf32>
    %select_n3A_2593 = arith.select %gt3A_2586, %select_n3A_2592, %select_n3A_2573 : vector<16xi1>, vector<16xf32>
    %select_n3A_2594 = arith.select %gt3A_2585, %select_n3A_2577, %broadcast_in_dim3A_2584 : vector<16xi1>, vector<16xi32>
    %select_n3A_2595 = arith.select %gt3A_2586, %select_n3A_2594, %select_n3A_2575 : vector<16xi1>, vector<16xi32>
    %select_n3A_2596 = arith.select %gt3A_2585, %get3A_2582, %select_n3A_2576 : vector<16xi1>, vector<16xf32>
    %select_n3A_2597 = arith.select %gt3A_2585, %broadcast_in_dim3A_2584, %select_n3A_2577 : vector<16xi1>, vector<16xi32>
    %get3A_2598 = arith.constant 6 : i32
    %get3A_2599 = arith.index_cast %get3A_2598 : i32 to index
    %get3A_2600 = arith.constant 16 : index
    %get3A_2601 = tpu.vector_load %arg8[%get3A_2599, %get3A_2600] {strides = array<i32>} : memref<12x128xf32, #tpu.memory_space<vmem>>, vector<1x16xf32>,
    %get3A_2602 = vector.shape_cast %get3A_2601 : vector<1x16xf32> to vector<16xf32>
    %broadcast_in_dim3A_2603 = arith.constant 49 : i32
    %broadcast_in_dim3A_2604 = vector.broadcast %broadcast_in_dim3A_2603 : i32 to vector<16xi32>
    %gt3A_2605 = arith.cmpf ogt, %get3A_2602, %select_n3A_2596 : vector<16xf32>
    %gt3A_2606 = arith.cmpf ogt, %get3A_2602, %select_n3A_2593 : vector<16xf32>
    %gt3A_2607 = arith.cmpf ogt, %get3A_2602, %select_n3A_2589 : vector<16xf32>
    %select_n3A_2608 = arith.select %gt3A_2606, %select_n3A_2593, %get3A_2602 : vector<16xi1>, vector<16xf32>
    %select_n3A_2609 = arith.select %gt3A_2607, %select_n3A_2608, %select_n3A_2589 : vector<16xi1>, vector<16xf32>
    %select_n3A_2610 = arith.select %gt3A_2606, %select_n3A_2595, %broadcast_in_dim3A_2604 : vector<16xi1>, vector<16xi32>
    %select_n3A_2611 = arith.select %gt3A_2607, %select_n3A_2610, %select_n3A_2591 : vector<16xi1>, vector<16xi32>
    %select_n3A_2612 = arith.select %gt3A_2605, %select_n3A_2596, %get3A_2602 : vector<16xi1>, vector<16xf32>
    %select_n3A_2613 = arith.select %gt3A_2606, %select_n3A_2612, %select_n3A_2593 : vector<16xi1>, vector<16xf32>
    %select_n3A_2614 = arith.select %gt3A_2605, %select_n3A_2597, %broadcast_in_dim3A_2604 : vector<16xi1>, vector<16xi32>
    %select_n3A_2615 = arith.select %gt3A_2606, %select_n3A_2614, %select_n3A_2595 : vector<16xi1>, vector<16xi32>
    %select_n3A_2616 = arith.select %gt3A_2605, %get3A_2602, %select_n3A_2596 : vector<16xi1>, vector<16xf32>
    %select_n3A_2617 = arith.select %gt3A_2605, %broadcast_in_dim3A_2604, %select_n3A_2597 : vector<16xi1>, vector<16xi32>
    %get3A_2618 = arith.constant 6 : i32
    %get3A_2619 = arith.index_cast %get3A_2618 : i32 to index
    %get3A_2620 = arith.constant 32 : index
    %get3A_2621 = tpu.vector_load %arg8[%get3A_2619, %get3A_2620] {strides = array<i32>} : memref<12x128xf32, #tpu.memory_space<vmem>>, vector<1x16xf32>,
    %get3A_2622 = vector.shape_cast %get3A_2621 : vector<1x16xf32> to vector<16xf32>
    %broadcast_in_dim3A_2623 = arith.constant 50 : i32
    %broadcast_in_dim3A_2624 = vector.broadcast %broadcast_in_dim3A_2623 : i32 to vector<16xi32>
    %gt3A_2625 = arith.cmpf ogt, %get3A_2622, %select_n3A_2616 : vector<16xf32>
    %gt3A_2626 = arith.cmpf ogt, %get3A_2622, %select_n3A_2613 : vector<16xf32>
    %gt3A_2627 = arith.cmpf ogt, %get3A_2622, %select_n3A_2609 : vector<16xf32>
    %select_n3A_2628 = arith.select %gt3A_2626, %select_n3A_2613, %get3A_2622 : vector<16xi1>, vector<16xf32>
    %select_n3A_2629 = arith.select %gt3A_2627, %select_n3A_2628, %select_n3A_2609 : vector<16xi1>, vector<16xf32>
    %select_n3A_2630 = arith.select %gt3A_2626, %select_n3A_2615, %broadcast_in_dim3A_2624 : vector<16xi1>, vector<16xi32>
    %select_n3A_2631 = arith.select %gt3A_2627, %select_n3A_2630, %select_n3A_2611 : vector<16xi1>, vector<16xi32>
    %select_n3A_2632 = arith.select %gt3A_2625, %select_n3A_2616, %get3A_2622 : vector<16xi1>, vector<16xf32>
    %select_n3A_2633 = arith.select %gt3A_2626, %select_n3A_2632, %select_n3A_2613 : vector<16xi1>, vector<16xf32>
    %select_n3A_2634 = arith.select %gt3A_2625, %select_n3A_2617, %broadcast_in_dim3A_2624 : vector<16xi1>, vector<16xi32>
    %select_n3A_2635 = arith.select %gt3A_2626, %select_n3A_2634, %select_n3A_2615 : vector<16xi1>, vector<16xi32>
    %select_n3A_2636 = arith.select %gt3A_2625, %get3A_2622, %select_n3A_2616 : vector<16xi1>, vector<16xf32>
    %select_n3A_2637 = arith.select %gt3A_2625, %broadcast_in_dim3A_2624, %select_n3A_2617 : vector<16xi1>, vector<16xi32>
    %get3A_2638 = arith.constant 6 : i32
    %get3A_2639 = arith.index_cast %get3A_2638 : i32 to index
    %get3A_2640 = arith.constant 48 : index
    %get3A_2641 = tpu.vector_load %arg8[%get3A_2639, %get3A_2640] {strides = array<i32>} : memref<12x128xf32, #tpu.memory_space<vmem>>, vector<1x16xf32>,
    %get3A_2642 = vector.shape_cast %get3A_2641 : vector<1x16xf32> to vector<16xf32>
    %broadcast_in_dim3A_2643 = arith.constant 51 : i32
    %broadcast_in_dim3A_2644 = vector.broadcast %broadcast_in_dim3A_2643 : i32 to vector<16xi32>
    %gt3A_2645 = arith.cmpf ogt, %get3A_2642, %select_n3A_2636 : vector<16xf32>
    %gt3A_2646 = arith.cmpf ogt, %get3A_2642, %select_n3A_2633 : vector<16xf32>
    %gt3A_2647 = arith.cmpf ogt, %get3A_2642, %select_n3A_2629 : vector<16xf32>
    %select_n3A_2648 = arith.select %gt3A_2646, %select_n3A_2633, %get3A_2642 : vector<16xi1>, vector<16xf32>
    %select_n3A_2649 = arith.select %gt3A_2647, %select_n3A_2648, %select_n3A_2629 : vector<16xi1>, vector<16xf32>
    %select_n3A_2650 = arith.select %gt3A_2646, %select_n3A_2635, %broadcast_in_dim3A_2644 : vector<16xi1>, vector<16xi32>
    %select_n3A_2651 = arith.select %gt3A_2647, %select_n3A_2650, %select_n3A_2631 : vector<16xi1>, vector<16xi32>
    %select_n3A_2652 = arith.select %gt3A_2645, %select_n3A_2636, %get3A_2642 : vector<16xi1>, vector<16xf32>
    %select_n3A_2653 = arith.select %gt3A_2646, %select_n3A_2652, %select_n3A_2633 : vector<16xi1>, vector<16xf32>
    %select_n3A_2654 = arith.select %gt3A_2645, %select_n3A_2637, %broadcast_in_dim3A_2644 : vector<16xi1>, vector<16xi32>
    %select_n3A_2655 = arith.select %gt3A_2646, %select_n3A_2654, %select_n3A_2635 : vector<16xi1>, vector<16xi32>
    %select_n3A_2656 = arith.select %gt3A_2645, %get3A_2642, %select_n3A_2636 : vector<16xi1>, vector<16xf32>
    %select_n3A_2657 = arith.select %gt3A_2645, %broadcast_in_dim3A_2644, %select_n3A_2637 : vector<16xi1>, vector<16xi32>
    %get3A_2658 = arith.constant 6 : i32
    %get3A_2659 = arith.index_cast %get3A_2658 : i32 to index
    %get3A_2660 = arith.constant 64 : index
    %get3A_2661 = tpu.vector_load %arg8[%get3A_2659, %get3A_2660] {strides = array<i32>} : memref<12x128xf32, #tpu.memory_space<vmem>>, vector<1x16xf32>,
    %get3A_2662 = vector.shape_cast %get3A_2661 : vector<1x16xf32> to vector<16xf32>
    %broadcast_in_dim3A_2663 = arith.constant 52 : i32
    %broadcast_in_dim3A_2664 = vector.broadcast %broadcast_in_dim3A_2663 : i32 to vector<16xi32>
    %gt3A_2665 = arith.cmpf ogt, %get3A_2662, %select_n3A_2656 : vector<16xf32>
    %gt3A_2666 = arith.cmpf ogt, %get3A_2662, %select_n3A_2653 : vector<16xf32>
    %gt3A_2667 = arith.cmpf ogt, %get3A_2662, %select_n3A_2649 : vector<16xf32>
    %select_n3A_2668 = arith.select %gt3A_2666, %select_n3A_2653, %get3A_2662 : vector<16xi1>, vector<16xf32>
    %select_n3A_2669 = arith.select %gt3A_2667, %select_n3A_2668, %select_n3A_2649 : vector<16xi1>, vector<16xf32>
    %select_n3A_2670 = arith.select %gt3A_2666, %select_n3A_2655, %broadcast_in_dim3A_2664 : vector<16xi1>, vector<16xi32>
    %select_n3A_2671 = arith.select %gt3A_2667, %select_n3A_2670, %select_n3A_2651 : vector<16xi1>, vector<16xi32>
    %select_n3A_2672 = arith.select %gt3A_2665, %select_n3A_2656, %get3A_2662 : vector<16xi1>, vector<16xf32>
    %select_n3A_2673 = arith.select %gt3A_2666, %select_n3A_2672, %select_n3A_2653 : vector<16xi1>, vector<16xf32>
    %select_n3A_2674 = arith.select %gt3A_2665, %select_n3A_2657, %broadcast_in_dim3A_2664 : vector<16xi1>, vector<16xi32>
    %select_n3A_2675 = arith.select %gt3A_2666, %select_n3A_2674, %select_n3A_2655 : vector<16xi1>, vector<16xi32>
    %select_n3A_2676 = arith.select %gt3A_2665, %get3A_2662, %select_n3A_2656 : vector<16xi1>, vector<16xf32>
    %select_n3A_2677 = arith.select %gt3A_2665, %broadcast_in_dim3A_2664, %select_n3A_2657 : vector<16xi1>, vector<16xi32>
    %get3A_2678 = arith.constant 6 : i32
    %get3A_2679 = arith.index_cast %get3A_2678 : i32 to index
    %get3A_2680 = arith.constant 80 : index
    %get3A_2681 = tpu.vector_load %arg8[%get3A_2679, %get3A_2680] {strides = array<i32>} : memref<12x128xf32, #tpu.memory_space<vmem>>, vector<1x16xf32>,
    %get3A_2682 = vector.shape_cast %get3A_2681 : vector<1x16xf32> to vector<16xf32>
    %broadcast_in_dim3A_2683 = arith.constant 53 : i32
    %broadcast_in_dim3A_2684 = vector.broadcast %broadcast_in_dim3A_2683 : i32 to vector<16xi32>
    %gt3A_2685 = arith.cmpf ogt, %get3A_2682, %select_n3A_2676 : vector<16xf32>
    %gt3A_2686 = arith.cmpf ogt, %get3A_2682, %select_n3A_2673 : vector<16xf32>
    %gt3A_2687 = arith.cmpf ogt, %get3A_2682, %select_n3A_2669 : vector<16xf32>
    %select_n3A_2688 = arith.select %gt3A_2686, %select_n3A_2673, %get3A_2682 : vector<16xi1>, vector<16xf32>
    %select_n3A_2689 = arith.select %gt3A_2687, %select_n3A_2688, %select_n3A_2669 : vector<16xi1>, vector<16xf32>
    %select_n3A_2690 = arith.select %gt3A_2686, %select_n3A_2675, %broadcast_in_dim3A_2684 : vector<16xi1>, vector<16xi32>
    %select_n3A_2691 = arith.select %gt3A_2687, %select_n3A_2690, %select_n3A_2671 : vector<16xi1>, vector<16xi32>
    %select_n3A_2692 = arith.select %gt3A_2685, %select_n3A_2676, %get3A_2682 : vector<16xi1>, vector<16xf32>
    %select_n3A_2693 = arith.select %gt3A_2686, %select_n3A_2692, %select_n3A_2673 : vector<16xi1>, vector<16xf32>
    %select_n3A_2694 = arith.select %gt3A_2685, %select_n3A_2677, %broadcast_in_dim3A_2684 : vector<16xi1>, vector<16xi32>
    %select_n3A_2695 = arith.select %gt3A_2686, %select_n3A_2694, %select_n3A_2675 : vector<16xi1>, vector<16xi32>
    %select_n3A_2696 = arith.select %gt3A_2685, %get3A_2682, %select_n3A_2676 : vector<16xi1>, vector<16xf32>
    %select_n3A_2697 = arith.select %gt3A_2685, %broadcast_in_dim3A_2684, %select_n3A_2677 : vector<16xi1>, vector<16xi32>
    %get3A_2698 = arith.constant 6 : i32
    %get3A_2699 = arith.index_cast %get3A_2698 : i32 to index
    %get3A_2700 = arith.constant 96 : index
    %get3A_2701 = tpu.vector_load %arg8[%get3A_2699, %get3A_2700] {strides = array<i32>} : memref<12x128xf32, #tpu.memory_space<vmem>>, vector<1x16xf32>,
    %get3A_2702 = vector.shape_cast %get3A_2701 : vector<1x16xf32> to vector<16xf32>
    %broadcast_in_dim3A_2703 = arith.constant 54 : i32
    %broadcast_in_dim3A_2704 = vector.broadcast %broadcast_in_dim3A_2703 : i32 to vector<16xi32>
    %gt3A_2705 = arith.cmpf ogt, %get3A_2702, %select_n3A_2696 : vector<16xf32>
    %gt3A_2706 = arith.cmpf ogt, %get3A_2702, %select_n3A_2693 : vector<16xf32>
    %gt3A_2707 = arith.cmpf ogt, %get3A_2702, %select_n3A_2689 : vector<16xf32>
    %select_n3A_2708 = arith.select %gt3A_2706, %select_n3A_2693, %get3A_2702 : vector<16xi1>, vector<16xf32>
    %select_n3A_2709 = arith.select %gt3A_2707, %select_n3A_2708, %select_n3A_2689 : vector<16xi1>, vector<16xf32>
    %select_n3A_2710 = arith.select %gt3A_2706, %select_n3A_2695, %broadcast_in_dim3A_2704 : vector<16xi1>, vector<16xi32>
    %select_n3A_2711 = arith.select %gt3A_2707, %select_n3A_2710, %select_n3A_2691 : vector<16xi1>, vector<16xi32>
    %select_n3A_2712 = arith.select %gt3A_2705, %select_n3A_2696, %get3A_2702 : vector<16xi1>, vector<16xf32>
    %select_n3A_2713 = arith.select %gt3A_2706, %select_n3A_2712, %select_n3A_2693 : vector<16xi1>, vector<16xf32>
    %select_n3A_2714 = arith.select %gt3A_2705, %select_n3A_2697, %broadcast_in_dim3A_2704 : vector<16xi1>, vector<16xi32>
    %select_n3A_2715 = arith.select %gt3A_2706, %select_n3A_2714, %select_n3A_2695 : vector<16xi1>, vector<16xi32>
    %select_n3A_2716 = arith.select %gt3A_2705, %get3A_2702, %select_n3A_2696 : vector<16xi1>, vector<16xf32>
    %select_n3A_2717 = arith.select %gt3A_2705, %broadcast_in_dim3A_2704, %select_n3A_2697 : vector<16xi1>, vector<16xi32>
    %get3A_2718 = arith.constant 6 : i32
    %get3A_2719 = arith.index_cast %get3A_2718 : i32 to index
    %get3A_2720 = arith.constant 112 : index
    %get3A_2721 = tpu.vector_load %arg8[%get3A_2719, %get3A_2720] {strides = array<i32>} : memref<12x128xf32, #tpu.memory_space<vmem>>, vector<1x16xf32>,
    %get3A_2722 = vector.shape_cast %get3A_2721 : vector<1x16xf32> to vector<16xf32>
    %broadcast_in_dim3A_2723 = arith.constant 55 : i32
    %broadcast_in_dim3A_2724 = vector.broadcast %broadcast_in_dim3A_2723 : i32 to vector<16xi32>
    %gt3A_2725 = arith.cmpf ogt, %get3A_2722, %select_n3A_2716 : vector<16xf32>
    %gt3A_2726 = arith.cmpf ogt, %get3A_2722, %select_n3A_2713 : vector<16xf32>
    %gt3A_2727 = arith.cmpf ogt, %get3A_2722, %select_n3A_2709 : vector<16xf32>
    %select_n3A_2728 = arith.select %gt3A_2726, %select_n3A_2713, %get3A_2722 : vector<16xi1>, vector<16xf32>
    %select_n3A_2729 = arith.select %gt3A_2727, %select_n3A_2728, %select_n3A_2709 : vector<16xi1>, vector<16xf32>
    %select_n3A_2730 = arith.select %gt3A_2726, %select_n3A_2715, %broadcast_in_dim3A_2724 : vector<16xi1>, vector<16xi32>
    %select_n3A_2731 = arith.select %gt3A_2727, %select_n3A_2730, %select_n3A_2711 : vector<16xi1>, vector<16xi32>
    %select_n3A_2732 = arith.select %gt3A_2725, %select_n3A_2716, %get3A_2722 : vector<16xi1>, vector<16xf32>
    %select_n3A_2733 = arith.select %gt3A_2726, %select_n3A_2732, %select_n3A_2713 : vector<16xi1>, vector<16xf32>
    %select_n3A_2734 = arith.select %gt3A_2725, %select_n3A_2717, %broadcast_in_dim3A_2724 : vector<16xi1>, vector<16xi32>
    %select_n3A_2735 = arith.select %gt3A_2726, %select_n3A_2734, %select_n3A_2715 : vector<16xi1>, vector<16xi32>
    %select_n3A_2736 = arith.select %gt3A_2725, %get3A_2722, %select_n3A_2716 : vector<16xi1>, vector<16xf32>
    %select_n3A_2737 = arith.select %gt3A_2725, %broadcast_in_dim3A_2724, %select_n3A_2717 : vector<16xi1>, vector<16xi32>
    %get3A_2738 = arith.constant 7 : i32
    %get3A_2739 = arith.index_cast %get3A_2738 : i32 to index
    %get3A_2740 = arith.constant 0 : index
    %get3A_2741 = tpu.vector_load %arg8[%get3A_2739, %get3A_2740] {strides = array<i32>} : memref<12x128xf32, #tpu.memory_space<vmem>>, vector<1x16xf32>,
    %get3A_2742 = vector.shape_cast %get3A_2741 : vector<1x16xf32> to vector<16xf32>
    %broadcast_in_dim3A_2743 = arith.constant 56 : i32
    %broadcast_in_dim3A_2744 = vector.broadcast %broadcast_in_dim3A_2743 : i32 to vector<16xi32>
    %gt3A_2745 = arith.cmpf ogt, %get3A_2742, %select_n3A_2736 : vector<16xf32>
    %gt3A_2746 = arith.cmpf ogt, %get3A_2742, %select_n3A_2733 : vector<16xf32>
    %gt3A_2747 = arith.cmpf ogt, %get3A_2742, %select_n3A_2729 : vector<16xf32>
    %select_n3A_2748 = arith.select %gt3A_2746, %select_n3A_2733, %get3A_2742 : vector<16xi1>, vector<16xf32>
    %select_n3A_2749 = arith.select %gt3A_2747, %select_n3A_2748, %select_n3A_2729 : vector<16xi1>, vector<16xf32>
    %select_n3A_2750 = arith.select %gt3A_2746, %select_n3A_2735, %broadcast_in_dim3A_2744 : vector<16xi1>, vector<16xi32>
    %select_n3A_2751 = arith.select %gt3A_2747, %select_n3A_2750, %select_n3A_2731 : vector<16xi1>, vector<16xi32>
    %select_n3A_2752 = arith.select %gt3A_2745, %select_n3A_2736, %get3A_2742 : vector<16xi1>, vector<16xf32>
    %select_n3A_2753 = arith.select %gt3A_2746, %select_n3A_2752, %select_n3A_2733 : vector<16xi1>, vector<16xf32>
    %select_n3A_2754 = arith.select %gt3A_2745, %select_n3A_2737, %broadcast_in_dim3A_2744 : vector<16xi1>, vector<16xi32>
    %select_n3A_2755 = arith.select %gt3A_2746, %select_n3A_2754, %select_n3A_2735 : vector<16xi1>, vector<16xi32>
    %select_n3A_2756 = arith.select %gt3A_2745, %get3A_2742, %select_n3A_2736 : vector<16xi1>, vector<16xf32>
    %select_n3A_2757 = arith.select %gt3A_2745, %broadcast_in_dim3A_2744, %select_n3A_2737 : vector<16xi1>, vector<16xi32>
    %get3A_2758 = arith.constant 7 : i32
    %get3A_2759 = arith.index_cast %get3A_2758 : i32 to index
    %get3A_2760 = arith.constant 16 : index
    %get3A_2761 = tpu.vector_load %arg8[%get3A_2759, %get3A_2760] {strides = array<i32>} : memref<12x128xf32, #tpu.memory_space<vmem>>, vector<1x16xf32>,
    %get3A_2762 = vector.shape_cast %get3A_2761 : vector<1x16xf32> to vector<16xf32>
    %broadcast_in_dim3A_2763 = arith.constant 57 : i32
    %broadcast_in_dim3A_2764 = vector.broadcast %broadcast_in_dim3A_2763 : i32 to vector<16xi32>
    %gt3A_2765 = arith.cmpf ogt, %get3A_2762, %select_n3A_2756 : vector<16xf32>
    %gt3A_2766 = arith.cmpf ogt, %get3A_2762, %select_n3A_2753 : vector<16xf32>
    %gt3A_2767 = arith.cmpf ogt, %get3A_2762, %select_n3A_2749 : vector<16xf32>
    %select_n3A_2768 = arith.select %gt3A_2766, %select_n3A_2753, %get3A_2762 : vector<16xi1>, vector<16xf32>
    %select_n3A_2769 = arith.select %gt3A_2767, %select_n3A_2768, %select_n3A_2749 : vector<16xi1>, vector<16xf32>
    %select_n3A_2770 = arith.select %gt3A_2766, %select_n3A_2755, %broadcast_in_dim3A_2764 : vector<16xi1>, vector<16xi32>
    %select_n3A_2771 = arith.select %gt3A_2767, %select_n3A_2770, %select_n3A_2751 : vector<16xi1>, vector<16xi32>
    %select_n3A_2772 = arith.select %gt3A_2765, %select_n3A_2756, %get3A_2762 : vector<16xi1>, vector<16xf32>
    %select_n3A_2773 = arith.select %gt3A_2766, %select_n3A_2772, %select_n3A_2753 : vector<16xi1>, vector<16xf32>
    %select_n3A_2774 = arith.select %gt3A_2765, %select_n3A_2757, %broadcast_in_dim3A_2764 : vector<16xi1>, vector<16xi32>
    %select_n3A_2775 = arith.select %gt3A_2766, %select_n3A_2774, %select_n3A_2755 : vector<16xi1>, vector<16xi32>
    %select_n3A_2776 = arith.select %gt3A_2765, %get3A_2762, %select_n3A_2756 : vector<16xi1>, vector<16xf32>
    %select_n3A_2777 = arith.select %gt3A_2765, %broadcast_in_dim3A_2764, %select_n3A_2757 : vector<16xi1>, vector<16xi32>
    %get3A_2778 = arith.constant 7 : i32
    %get3A_2779 = arith.index_cast %get3A_2778 : i32 to index
    %get3A_2780 = arith.constant 32 : index
    %get3A_2781 = tpu.vector_load %arg8[%get3A_2779, %get3A_2780] {strides = array<i32>} : memref<12x128xf32, #tpu.memory_space<vmem>>, vector<1x16xf32>,
    %get3A_2782 = vector.shape_cast %get3A_2781 : vector<1x16xf32> to vector<16xf32>
    %broadcast_in_dim3A_2783 = arith.constant 58 : i32
    %broadcast_in_dim3A_2784 = vector.broadcast %broadcast_in_dim3A_2783 : i32 to vector<16xi32>
    %gt3A_2785 = arith.cmpf ogt, %get3A_2782, %select_n3A_2776 : vector<16xf32>
    %gt3A_2786 = arith.cmpf ogt, %get3A_2782, %select_n3A_2773 : vector<16xf32>
    %gt3A_2787 = arith.cmpf ogt, %get3A_2782, %select_n3A_2769 : vector<16xf32>
    %select_n3A_2788 = arith.select %gt3A_2786, %select_n3A_2773, %get3A_2782 : vector<16xi1>, vector<16xf32>
    %select_n3A_2789 = arith.select %gt3A_2787, %select_n3A_2788, %select_n3A_2769 : vector<16xi1>, vector<16xf32>
    %select_n3A_2790 = arith.select %gt3A_2786, %select_n3A_2775, %broadcast_in_dim3A_2784 : vector<16xi1>, vector<16xi32>
    %select_n3A_2791 = arith.select %gt3A_2787, %select_n3A_2790, %select_n3A_2771 : vector<16xi1>, vector<16xi32>
    %select_n3A_2792 = arith.select %gt3A_2785, %select_n3A_2776, %get3A_2782 : vector<16xi1>, vector<16xf32>
    %select_n3A_2793 = arith.select %gt3A_2786, %select_n3A_2792, %select_n3A_2773 : vector<16xi1>, vector<16xf32>
    %select_n3A_2794 = arith.select %gt3A_2785, %select_n3A_2777, %broadcast_in_dim3A_2784 : vector<16xi1>, vector<16xi32>
    %select_n3A_2795 = arith.select %gt3A_2786, %select_n3A_2794, %select_n3A_2775 : vector<16xi1>, vector<16xi32>
    %select_n3A_2796 = arith.select %gt3A_2785, %get3A_2782, %select_n3A_2776 : vector<16xi1>, vector<16xf32>
    %select_n3A_2797 = arith.select %gt3A_2785, %broadcast_in_dim3A_2784, %select_n3A_2777 : vector<16xi1>, vector<16xi32>
    %get3A_2798 = arith.constant 7 : i32
    %get3A_2799 = arith.index_cast %get3A_2798 : i32 to index
    %get3A_2800 = arith.constant 48 : index
    %get3A_2801 = tpu.vector_load %arg8[%get3A_2799, %get3A_2800] {strides = array<i32>} : memref<12x128xf32, #tpu.memory_space<vmem>>, vector<1x16xf32>,
    %get3A_2802 = vector.shape_cast %get3A_2801 : vector<1x16xf32> to vector<16xf32>
    %broadcast_in_dim3A_2803 = arith.constant 59 : i32
    %broadcast_in_dim3A_2804 = vector.broadcast %broadcast_in_dim3A_2803 : i32 to vector<16xi32>
    %gt3A_2805 = arith.cmpf ogt, %get3A_2802, %select_n3A_2796 : vector<16xf32>
    %gt3A_2806 = arith.cmpf ogt, %get3A_2802, %select_n3A_2793 : vector<16xf32>
    %gt3A_2807 = arith.cmpf ogt, %get3A_2802, %select_n3A_2789 : vector<16xf32>
    %select_n3A_2808 = arith.select %gt3A_2806, %select_n3A_2793, %get3A_2802 : vector<16xi1>, vector<16xf32>
    %select_n3A_2809 = arith.select %gt3A_2807, %select_n3A_2808, %select_n3A_2789 : vector<16xi1>, vector<16xf32>
    %select_n3A_2810 = arith.select %gt3A_2806, %select_n3A_2795, %broadcast_in_dim3A_2804 : vector<16xi1>, vector<16xi32>
    %select_n3A_2811 = arith.select %gt3A_2807, %select_n3A_2810, %select_n3A_2791 : vector<16xi1>, vector<16xi32>
    %select_n3A_2812 = arith.select %gt3A_2805, %select_n3A_2796, %get3A_2802 : vector<16xi1>, vector<16xf32>
    %select_n3A_2813 = arith.select %gt3A_2806, %select_n3A_2812, %select_n3A_2793 : vector<16xi1>, vector<16xf32>
    %select_n3A_2814 = arith.select %gt3A_2805, %select_n3A_2797, %broadcast_in_dim3A_2804 : vector<16xi1>, vector<16xi32>
    %select_n3A_2815 = arith.select %gt3A_2806, %select_n3A_2814, %select_n3A_2795 : vector<16xi1>, vector<16xi32>
    %select_n3A_2816 = arith.select %gt3A_2805, %get3A_2802, %select_n3A_2796 : vector<16xi1>, vector<16xf32>
    %select_n3A_2817 = arith.select %gt3A_2805, %broadcast_in_dim3A_2804, %select_n3A_2797 : vector<16xi1>, vector<16xi32>
    %get3A_2818 = arith.constant 7 : i32
    %get3A_2819 = arith.index_cast %get3A_2818 : i32 to index
    %get3A_2820 = arith.constant 64 : index
    %get3A_2821 = tpu.vector_load %arg8[%get3A_2819, %get3A_2820] {strides = array<i32>} : memref<12x128xf32, #tpu.memory_space<vmem>>, vector<1x16xf32>,
    %get3A_2822 = vector.shape_cast %get3A_2821 : vector<1x16xf32> to vector<16xf32>
    %broadcast_in_dim3A_2823 = arith.constant 60 : i32
    %broadcast_in_dim3A_2824 = vector.broadcast %broadcast_in_dim3A_2823 : i32 to vector<16xi32>
    %gt3A_2825 = arith.cmpf ogt, %get3A_2822, %select_n3A_2816 : vector<16xf32>
    %gt3A_2826 = arith.cmpf ogt, %get3A_2822, %select_n3A_2813 : vector<16xf32>
    %gt3A_2827 = arith.cmpf ogt, %get3A_2822, %select_n3A_2809 : vector<16xf32>
    %select_n3A_2828 = arith.select %gt3A_2826, %select_n3A_2813, %get3A_2822 : vector<16xi1>, vector<16xf32>
    %select_n3A_2829 = arith.select %gt3A_2827, %select_n3A_2828, %select_n3A_2809 : vector<16xi1>, vector<16xf32>
    %select_n3A_2830 = arith.select %gt3A_2826, %select_n3A_2815, %broadcast_in_dim3A_2824 : vector<16xi1>, vector<16xi32>
    %select_n3A_2831 = arith.select %gt3A_2827, %select_n3A_2830, %select_n3A_2811 : vector<16xi1>, vector<16xi32>
    %select_n3A_2832 = arith.select %gt3A_2825, %select_n3A_2816, %get3A_2822 : vector<16xi1>, vector<16xf32>
    %select_n3A_2833 = arith.select %gt3A_2826, %select_n3A_2832, %select_n3A_2813 : vector<16xi1>, vector<16xf32>
    %select_n3A_2834 = arith.select %gt3A_2825, %select_n3A_2817, %broadcast_in_dim3A_2824 : vector<16xi1>, vector<16xi32>
    %select_n3A_2835 = arith.select %gt3A_2826, %select_n3A_2834, %select_n3A_2815 : vector<16xi1>, vector<16xi32>
    %select_n3A_2836 = arith.select %gt3A_2825, %get3A_2822, %select_n3A_2816 : vector<16xi1>, vector<16xf32>
    %select_n3A_2837 = arith.select %gt3A_2825, %broadcast_in_dim3A_2824, %select_n3A_2817 : vector<16xi1>, vector<16xi32>
    %get3A_2838 = arith.constant 7 : i32
    %get3A_2839 = arith.index_cast %get3A_2838 : i32 to index
    %get3A_2840 = arith.constant 80 : index
    %get3A_2841 = tpu.vector_load %arg8[%get3A_2839, %get3A_2840] {strides = array<i32>} : memref<12x128xf32, #tpu.memory_space<vmem>>, vector<1x16xf32>,
    %get3A_2842 = vector.shape_cast %get3A_2841 : vector<1x16xf32> to vector<16xf32>
    %broadcast_in_dim3A_2843 = arith.constant 61 : i32
    %broadcast_in_dim3A_2844 = vector.broadcast %broadcast_in_dim3A_2843 : i32 to vector<16xi32>
    %gt3A_2845 = arith.cmpf ogt, %get3A_2842, %select_n3A_2836 : vector<16xf32>
    %gt3A_2846 = arith.cmpf ogt, %get3A_2842, %select_n3A_2833 : vector<16xf32>
    %gt3A_2847 = arith.cmpf ogt, %get3A_2842, %select_n3A_2829 : vector<16xf32>
    %select_n3A_2848 = arith.select %gt3A_2846, %select_n3A_2833, %get3A_2842 : vector<16xi1>, vector<16xf32>
    %select_n3A_2849 = arith.select %gt3A_2847, %select_n3A_2848, %select_n3A_2829 : vector<16xi1>, vector<16xf32>
    %select_n3A_2850 = arith.select %gt3A_2846, %select_n3A_2835, %broadcast_in_dim3A_2844 : vector<16xi1>, vector<16xi32>
    %select_n3A_2851 = arith.select %gt3A_2847, %select_n3A_2850, %select_n3A_2831 : vector<16xi1>, vector<16xi32>
    %select_n3A_2852 = arith.select %gt3A_2845, %select_n3A_2836, %get3A_2842 : vector<16xi1>, vector<16xf32>
    %select_n3A_2853 = arith.select %gt3A_2846, %select_n3A_2852, %select_n3A_2833 : vector<16xi1>, vector<16xf32>
    %select_n3A_2854 = arith.select %gt3A_2845, %select_n3A_2837, %broadcast_in_dim3A_2844 : vector<16xi1>, vector<16xi32>
    %select_n3A_2855 = arith.select %gt3A_2846, %select_n3A_2854, %select_n3A_2835 : vector<16xi1>, vector<16xi32>
    %select_n3A_2856 = arith.select %gt3A_2845, %get3A_2842, %select_n3A_2836 : vector<16xi1>, vector<16xf32>
    %select_n3A_2857 = arith.select %gt3A_2845, %broadcast_in_dim3A_2844, %select_n3A_2837 : vector<16xi1>, vector<16xi32>
    %get3A_2858 = arith.constant 7 : i32
    %get3A_2859 = arith.index_cast %get3A_2858 : i32 to index
    %get3A_2860 = arith.constant 96 : index
    %get3A_2861 = tpu.vector_load %arg8[%get3A_2859, %get3A_2860] {strides = array<i32>} : memref<12x128xf32, #tpu.memory_space<vmem>>, vector<1x16xf32>,
    %get3A_2862 = vector.shape_cast %get3A_2861 : vector<1x16xf32> to vector<16xf32>
    %broadcast_in_dim3A_2863 = arith.constant 62 : i32
    %broadcast_in_dim3A_2864 = vector.broadcast %broadcast_in_dim3A_2863 : i32 to vector<16xi32>
    %gt3A_2865 = arith.cmpf ogt, %get3A_2862, %select_n3A_2856 : vector<16xf32>
    %gt3A_2866 = arith.cmpf ogt, %get3A_2862, %select_n3A_2853 : vector<16xf32>
    %gt3A_2867 = arith.cmpf ogt, %get3A_2862, %select_n3A_2849 : vector<16xf32>
    %select_n3A_2868 = arith.select %gt3A_2866, %select_n3A_2853, %get3A_2862 : vector<16xi1>, vector<16xf32>
    %select_n3A_2869 = arith.select %gt3A_2867, %select_n3A_2868, %select_n3A_2849 : vector<16xi1>, vector<16xf32>
    %select_n3A_2870 = arith.select %gt3A_2866, %select_n3A_2855, %broadcast_in_dim3A_2864 : vector<16xi1>, vector<16xi32>
    %select_n3A_2871 = arith.select %gt3A_2867, %select_n3A_2870, %select_n3A_2851 : vector<16xi1>, vector<16xi32>
    %select_n3A_2872 = arith.select %gt3A_2865, %select_n3A_2856, %get3A_2862 : vector<16xi1>, vector<16xf32>
    %select_n3A_2873 = arith.select %gt3A_2866, %select_n3A_2872, %select_n3A_2853 : vector<16xi1>, vector<16xf32>
    %select_n3A_2874 = arith.select %gt3A_2865, %select_n3A_2857, %broadcast_in_dim3A_2864 : vector<16xi1>, vector<16xi32>
    %select_n3A_2875 = arith.select %gt3A_2866, %select_n3A_2874, %select_n3A_2855 : vector<16xi1>, vector<16xi32>
    %select_n3A_2876 = arith.select %gt3A_2865, %get3A_2862, %select_n3A_2856 : vector<16xi1>, vector<16xf32>
    %select_n3A_2877 = arith.select %gt3A_2865, %broadcast_in_dim3A_2864, %select_n3A_2857 : vector<16xi1>, vector<16xi32>
    %get3A_2878 = arith.constant 7 : i32
    %get3A_2879 = arith.index_cast %get3A_2878 : i32 to index
    %get3A_2880 = arith.constant 112 : index
    %get3A_2881 = tpu.vector_load %arg8[%get3A_2879, %get3A_2880] {strides = array<i32>} : memref<12x128xf32, #tpu.memory_space<vmem>>, vector<1x16xf32>,
    %get3A_2882 = vector.shape_cast %get3A_2881 : vector<1x16xf32> to vector<16xf32>
    %broadcast_in_dim3A_2883 = arith.constant 63 : i32
    %broadcast_in_dim3A_2884 = vector.broadcast %broadcast_in_dim3A_2883 : i32 to vector<16xi32>
    %gt3A_2885 = arith.cmpf ogt, %get3A_2882, %select_n3A_2876 : vector<16xf32>
    %gt3A_2886 = arith.cmpf ogt, %get3A_2882, %select_n3A_2873 : vector<16xf32>
    %gt3A_2887 = arith.cmpf ogt, %get3A_2882, %select_n3A_2869 : vector<16xf32>
    %select_n3A_2888 = arith.select %gt3A_2886, %select_n3A_2873, %get3A_2882 : vector<16xi1>, vector<16xf32>
    %select_n3A_2889 = arith.select %gt3A_2887, %select_n3A_2888, %select_n3A_2869 : vector<16xi1>, vector<16xf32>
    %select_n3A_2890 = arith.select %gt3A_2886, %select_n3A_2875, %broadcast_in_dim3A_2884 : vector<16xi1>, vector<16xi32>
    %select_n3A_2891 = arith.select %gt3A_2887, %select_n3A_2890, %select_n3A_2871 : vector<16xi1>, vector<16xi32>
    %select_n3A_2892 = arith.select %gt3A_2885, %select_n3A_2876, %get3A_2882 : vector<16xi1>, vector<16xf32>
    %select_n3A_2893 = arith.select %gt3A_2886, %select_n3A_2892, %select_n3A_2873 : vector<16xi1>, vector<16xf32>
    %select_n3A_2894 = arith.select %gt3A_2885, %select_n3A_2877, %broadcast_in_dim3A_2884 : vector<16xi1>, vector<16xi32>
    %select_n3A_2895 = arith.select %gt3A_2886, %select_n3A_2894, %select_n3A_2875 : vector<16xi1>, vector<16xi32>
    %select_n3A_2896 = arith.select %gt3A_2885, %get3A_2882, %select_n3A_2876 : vector<16xi1>, vector<16xf32>
    %select_n3A_2897 = arith.select %gt3A_2885, %broadcast_in_dim3A_2884, %select_n3A_2877 : vector<16xi1>, vector<16xi32>
    %get3A_2898 = arith.constant 8 : i32
    %get3A_2899 = arith.index_cast %get3A_2898 : i32 to index
    %get3A_2900 = arith.constant 0 : index
    %get3A_2901 = tpu.vector_load %arg8[%get3A_2899, %get3A_2900] {strides = array<i32>} : memref<12x128xf32, #tpu.memory_space<vmem>>, vector<1x16xf32>,
    %get3A_2902 = vector.shape_cast %get3A_2901 : vector<1x16xf32> to vector<16xf32>
    %broadcast_in_dim3A_2903 = arith.constant 64 : i32
    %broadcast_in_dim3A_2904 = vector.broadcast %broadcast_in_dim3A_2903 : i32 to vector<16xi32>
    %gt3A_2905 = arith.cmpf ogt, %get3A_2902, %select_n3A_2896 : vector<16xf32>
    %gt3A_2906 = arith.cmpf ogt, %get3A_2902, %select_n3A_2893 : vector<16xf32>
    %gt3A_2907 = arith.cmpf ogt, %get3A_2902, %select_n3A_2889 : vector<16xf32>
    %select_n3A_2908 = arith.select %gt3A_2906, %select_n3A_2893, %get3A_2902 : vector<16xi1>, vector<16xf32>
    %select_n3A_2909 = arith.select %gt3A_2907, %select_n3A_2908, %select_n3A_2889 : vector<16xi1>, vector<16xf32>
    %select_n3A_2910 = arith.select %gt3A_2906, %select_n3A_2895, %broadcast_in_dim3A_2904 : vector<16xi1>, vector<16xi32>
    %select_n3A_2911 = arith.select %gt3A_2907, %select_n3A_2910, %select_n3A_2891 : vector<16xi1>, vector<16xi32>
    %select_n3A_2912 = arith.select %gt3A_2905, %select_n3A_2896, %get3A_2902 : vector<16xi1>, vector<16xf32>
    %select_n3A_2913 = arith.select %gt3A_2906, %select_n3A_2912, %select_n3A_2893 : vector<16xi1>, vector<16xf32>
    %select_n3A_2914 = arith.select %gt3A_2905, %select_n3A_2897, %broadcast_in_dim3A_2904 : vector<16xi1>, vector<16xi32>
    %select_n3A_2915 = arith.select %gt3A_2906, %select_n3A_2914, %select_n3A_2895 : vector<16xi1>, vector<16xi32>
    %select_n3A_2916 = arith.select %gt3A_2905, %get3A_2902, %select_n3A_2896 : vector<16xi1>, vector<16xf32>
    %select_n3A_2917 = arith.select %gt3A_2905, %broadcast_in_dim3A_2904, %select_n3A_2897 : vector<16xi1>, vector<16xi32>
    %get3A_2918 = arith.constant 8 : i32
    %get3A_2919 = arith.index_cast %get3A_2918 : i32 to index
    %get3A_2920 = arith.constant 16 : index
    %get3A_2921 = tpu.vector_load %arg8[%get3A_2919, %get3A_2920] {strides = array<i32>} : memref<12x128xf32, #tpu.memory_space<vmem>>, vector<1x16xf32>,
    %get3A_2922 = vector.shape_cast %get3A_2921 : vector<1x16xf32> to vector<16xf32>
    %broadcast_in_dim3A_2923 = arith.constant 65 : i32
    %broadcast_in_dim3A_2924 = vector.broadcast %broadcast_in_dim3A_2923 : i32 to vector<16xi32>
    %gt3A_2925 = arith.cmpf ogt, %get3A_2922, %select_n3A_2916 : vector<16xf32>
    %gt3A_2926 = arith.cmpf ogt, %get3A_2922, %select_n3A_2913 : vector<16xf32>
    %gt3A_2927 = arith.cmpf ogt, %get3A_2922, %select_n3A_2909 : vector<16xf32>
    %select_n3A_2928 = arith.select %gt3A_2926, %select_n3A_2913, %get3A_2922 : vector<16xi1>, vector<16xf32>
    %select_n3A_2929 = arith.select %gt3A_2927, %select_n3A_2928, %select_n3A_2909 : vector<16xi1>, vector<16xf32>
    %select_n3A_2930 = arith.select %gt3A_2926, %select_n3A_2915, %broadcast_in_dim3A_2924 : vector<16xi1>, vector<16xi32>
    %select_n3A_2931 = arith.select %gt3A_2927, %select_n3A_2930, %select_n3A_2911 : vector<16xi1>, vector<16xi32>
    %select_n3A_2932 = arith.select %gt3A_2925, %select_n3A_2916, %get3A_2922 : vector<16xi1>, vector<16xf32>
    %select_n3A_2933 = arith.select %gt3A_2926, %select_n3A_2932, %select_n3A_2913 : vector<16xi1>, vector<16xf32>
    %select_n3A_2934 = arith.select %gt3A_2925, %select_n3A_2917, %broadcast_in_dim3A_2924 : vector<16xi1>, vector<16xi32>
    %select_n3A_2935 = arith.select %gt3A_2926, %select_n3A_2934, %select_n3A_2915 : vector<16xi1>, vector<16xi32>
    %select_n3A_2936 = arith.select %gt3A_2925, %get3A_2922, %select_n3A_2916 : vector<16xi1>, vector<16xf32>
    %select_n3A_2937 = arith.select %gt3A_2925, %broadcast_in_dim3A_2924, %select_n3A_2917 : vector<16xi1>, vector<16xi32>
    %get3A_2938 = arith.constant 8 : i32
    %get3A_2939 = arith.index_cast %get3A_2938 : i32 to index
    %get3A_2940 = arith.constant 32 : index
    %get3A_2941 = tpu.vector_load %arg8[%get3A_2939, %get3A_2940] {strides = array<i32>} : memref<12x128xf32, #tpu.memory_space<vmem>>, vector<1x16xf32>,
    %get3A_2942 = vector.shape_cast %get3A_2941 : vector<1x16xf32> to vector<16xf32>
    %broadcast_in_dim3A_2943 = arith.constant 66 : i32
    %broadcast_in_dim3A_2944 = vector.broadcast %broadcast_in_dim3A_2943 : i32 to vector<16xi32>
    %gt3A_2945 = arith.cmpf ogt, %get3A_2942, %select_n3A_2936 : vector<16xf32>
    %gt3A_2946 = arith.cmpf ogt, %get3A_2942, %select_n3A_2933 : vector<16xf32>
    %gt3A_2947 = arith.cmpf ogt, %get3A_2942, %select_n3A_2929 : vector<16xf32>
    %select_n3A_2948 = arith.select %gt3A_2946, %select_n3A_2933, %get3A_2942 : vector<16xi1>, vector<16xf32>
    %select_n3A_2949 = arith.select %gt3A_2947, %select_n3A_2948, %select_n3A_2929 : vector<16xi1>, vector<16xf32>
    %select_n3A_2950 = arith.select %gt3A_2946, %select_n3A_2935, %broadcast_in_dim3A_2944 : vector<16xi1>, vector<16xi32>
    %select_n3A_2951 = arith.select %gt3A_2947, %select_n3A_2950, %select_n3A_2931 : vector<16xi1>, vector<16xi32>
    %select_n3A_2952 = arith.select %gt3A_2945, %select_n3A_2936, %get3A_2942 : vector<16xi1>, vector<16xf32>
    %select_n3A_2953 = arith.select %gt3A_2946, %select_n3A_2952, %select_n3A_2933 : vector<16xi1>, vector<16xf32>
    %select_n3A_2954 = arith.select %gt3A_2945, %select_n3A_2937, %broadcast_in_dim3A_2944 : vector<16xi1>, vector<16xi32>
    %select_n3A_2955 = arith.select %gt3A_2946, %select_n3A_2954, %select_n3A_2935 : vector<16xi1>, vector<16xi32>
    %select_n3A_2956 = arith.select %gt3A_2945, %get3A_2942, %select_n3A_2936 : vector<16xi1>, vector<16xf32>
    %select_n3A_2957 = arith.select %gt3A_2945, %broadcast_in_dim3A_2944, %select_n3A_2937 : vector<16xi1>, vector<16xi32>
    %get3A_2958 = arith.constant 8 : i32
    %get3A_2959 = arith.index_cast %get3A_2958 : i32 to index
    %get3A_2960 = arith.constant 48 : index
    %get3A_2961 = tpu.vector_load %arg8[%get3A_2959, %get3A_2960] {strides = array<i32>} : memref<12x128xf32, #tpu.memory_space<vmem>>, vector<1x16xf32>,
    %get3A_2962 = vector.shape_cast %get3A_2961 : vector<1x16xf32> to vector<16xf32>
    %broadcast_in_dim3A_2963 = arith.constant 67 : i32
    %broadcast_in_dim3A_2964 = vector.broadcast %broadcast_in_dim3A_2963 : i32 to vector<16xi32>
    %gt3A_2965 = arith.cmpf ogt, %get3A_2962, %select_n3A_2956 : vector<16xf32>
    %gt3A_2966 = arith.cmpf ogt, %get3A_2962, %select_n3A_2953 : vector<16xf32>
    %gt3A_2967 = arith.cmpf ogt, %get3A_2962, %select_n3A_2949 : vector<16xf32>
    %select_n3A_2968 = arith.select %gt3A_2966, %select_n3A_2953, %get3A_2962 : vector<16xi1>, vector<16xf32>
    %select_n3A_2969 = arith.select %gt3A_2967, %select_n3A_2968, %select_n3A_2949 : vector<16xi1>, vector<16xf32>
    %select_n3A_2970 = arith.select %gt3A_2966, %select_n3A_2955, %broadcast_in_dim3A_2964 : vector<16xi1>, vector<16xi32>
    %select_n3A_2971 = arith.select %gt3A_2967, %select_n3A_2970, %select_n3A_2951 : vector<16xi1>, vector<16xi32>
    %select_n3A_2972 = arith.select %gt3A_2965, %select_n3A_2956, %get3A_2962 : vector<16xi1>, vector<16xf32>
    %select_n3A_2973 = arith.select %gt3A_2966, %select_n3A_2972, %select_n3A_2953 : vector<16xi1>, vector<16xf32>
    %select_n3A_2974 = arith.select %gt3A_2965, %select_n3A_2957, %broadcast_in_dim3A_2964 : vector<16xi1>, vector<16xi32>
    %select_n3A_2975 = arith.select %gt3A_2966, %select_n3A_2974, %select_n3A_2955 : vector<16xi1>, vector<16xi32>
    %select_n3A_2976 = arith.select %gt3A_2965, %get3A_2962, %select_n3A_2956 : vector<16xi1>, vector<16xf32>
    %select_n3A_2977 = arith.select %gt3A_2965, %broadcast_in_dim3A_2964, %select_n3A_2957 : vector<16xi1>, vector<16xi32>
    %get3A_2978 = arith.constant 8 : i32
    %get3A_2979 = arith.index_cast %get3A_2978 : i32 to index
    %get3A_2980 = arith.constant 64 : index
    %get3A_2981 = tpu.vector_load %arg8[%get3A_2979, %get3A_2980] {strides = array<i32>} : memref<12x128xf32, #tpu.memory_space<vmem>>, vector<1x16xf32>,
    %get3A_2982 = vector.shape_cast %get3A_2981 : vector<1x16xf32> to vector<16xf32>
    %broadcast_in_dim3A_2983 = arith.constant 68 : i32
    %broadcast_in_dim3A_2984 = vector.broadcast %broadcast_in_dim3A_2983 : i32 to vector<16xi32>
    %gt3A_2985 = arith.cmpf ogt, %get3A_2982, %select_n3A_2976 : vector<16xf32>
    %gt3A_2986 = arith.cmpf ogt, %get3A_2982, %select_n3A_2973 : vector<16xf32>
    %gt3A_2987 = arith.cmpf ogt, %get3A_2982, %select_n3A_2969 : vector<16xf32>
    %select_n3A_2988 = arith.select %gt3A_2986, %select_n3A_2973, %get3A_2982 : vector<16xi1>, vector<16xf32>
    %select_n3A_2989 = arith.select %gt3A_2987, %select_n3A_2988, %select_n3A_2969 : vector<16xi1>, vector<16xf32>
    %select_n3A_2990 = arith.select %gt3A_2986, %select_n3A_2975, %broadcast_in_dim3A_2984 : vector<16xi1>, vector<16xi32>
    %select_n3A_2991 = arith.select %gt3A_2987, %select_n3A_2990, %select_n3A_2971 : vector<16xi1>, vector<16xi32>
    %select_n3A_2992 = arith.select %gt3A_2985, %select_n3A_2976, %get3A_2982 : vector<16xi1>, vector<16xf32>
    %select_n3A_2993 = arith.select %gt3A_2986, %select_n3A_2992, %select_n3A_2973 : vector<16xi1>, vector<16xf32>
    %select_n3A_2994 = arith.select %gt3A_2985, %select_n3A_2977, %broadcast_in_dim3A_2984 : vector<16xi1>, vector<16xi32>
    %select_n3A_2995 = arith.select %gt3A_2986, %select_n3A_2994, %select_n3A_2975 : vector<16xi1>, vector<16xi32>
    %select_n3A_2996 = arith.select %gt3A_2985, %get3A_2982, %select_n3A_2976 : vector<16xi1>, vector<16xf32>
    %select_n3A_2997 = arith.select %gt3A_2985, %broadcast_in_dim3A_2984, %select_n3A_2977 : vector<16xi1>, vector<16xi32>
    %get3A_2998 = arith.constant 8 : i32
    %get3A_2999 = arith.index_cast %get3A_2998 : i32 to index
    %get3A_3000 = arith.constant 80 : index
    %get3A_3001 = tpu.vector_load %arg8[%get3A_2999, %get3A_3000] {strides = array<i32>} : memref<12x128xf32, #tpu.memory_space<vmem>>, vector<1x16xf32>,
    %get3A_3002 = vector.shape_cast %get3A_3001 : vector<1x16xf32> to vector<16xf32>
    %broadcast_in_dim3A_3003 = arith.constant 69 : i32
    %broadcast_in_dim3A_3004 = vector.broadcast %broadcast_in_dim3A_3003 : i32 to vector<16xi32>
    %gt3A_3005 = arith.cmpf ogt, %get3A_3002, %select_n3A_2996 : vector<16xf32>
    %gt3A_3006 = arith.cmpf ogt, %get3A_3002, %select_n3A_2993 : vector<16xf32>
    %gt3A_3007 = arith.cmpf ogt, %get3A_3002, %select_n3A_2989 : vector<16xf32>
    %select_n3A_3008 = arith.select %gt3A_3006, %select_n3A_2993, %get3A_3002 : vector<16xi1>, vector<16xf32>
    %select_n3A_3009 = arith.select %gt3A_3007, %select_n3A_3008, %select_n3A_2989 : vector<16xi1>, vector<16xf32>
    %select_n3A_3010 = arith.select %gt3A_3006, %select_n3A_2995, %broadcast_in_dim3A_3004 : vector<16xi1>, vector<16xi32>
    %select_n3A_3011 = arith.select %gt3A_3007, %select_n3A_3010, %select_n3A_2991 : vector<16xi1>, vector<16xi32>
    %select_n3A_3012 = arith.select %gt3A_3005, %select_n3A_2996, %get3A_3002 : vector<16xi1>, vector<16xf32>
    %select_n3A_3013 = arith.select %gt3A_3006, %select_n3A_3012, %select_n3A_2993 : vector<16xi1>, vector<16xf32>
    %select_n3A_3014 = arith.select %gt3A_3005, %select_n3A_2997, %broadcast_in_dim3A_3004 : vector<16xi1>, vector<16xi32>
    %select_n3A_3015 = arith.select %gt3A_3006, %select_n3A_3014, %select_n3A_2995 : vector<16xi1>, vector<16xi32>
    %select_n3A_3016 = arith.select %gt3A_3005, %get3A_3002, %select_n3A_2996 : vector<16xi1>, vector<16xf32>
    %select_n3A_3017 = arith.select %gt3A_3005, %broadcast_in_dim3A_3004, %select_n3A_2997 : vector<16xi1>, vector<16xi32>
    %get3A_3018 = arith.constant 8 : i32
    %get3A_3019 = arith.index_cast %get3A_3018 : i32 to index
    %get3A_3020 = arith.constant 96 : index
    %get3A_3021 = tpu.vector_load %arg8[%get3A_3019, %get3A_3020] {strides = array<i32>} : memref<12x128xf32, #tpu.memory_space<vmem>>, vector<1x16xf32>,
    %get3A_3022 = vector.shape_cast %get3A_3021 : vector<1x16xf32> to vector<16xf32>
    %broadcast_in_dim3A_3023 = arith.constant 70 : i32
    %broadcast_in_dim3A_3024 = vector.broadcast %broadcast_in_dim3A_3023 : i32 to vector<16xi32>
    %gt3A_3025 = arith.cmpf ogt, %get3A_3022, %select_n3A_3016 : vector<16xf32>
    %gt3A_3026 = arith.cmpf ogt, %get3A_3022, %select_n3A_3013 : vector<16xf32>
    %gt3A_3027 = arith.cmpf ogt, %get3A_3022, %select_n3A_3009 : vector<16xf32>
    %select_n3A_3028 = arith.select %gt3A_3026, %select_n3A_3013, %get3A_3022 : vector<16xi1>, vector<16xf32>
    %select_n3A_3029 = arith.select %gt3A_3027, %select_n3A_3028, %select_n3A_3009 : vector<16xi1>, vector<16xf32>
    %select_n3A_3030 = arith.select %gt3A_3026, %select_n3A_3015, %broadcast_in_dim3A_3024 : vector<16xi1>, vector<16xi32>
    %select_n3A_3031 = arith.select %gt3A_3027, %select_n3A_3030, %select_n3A_3011 : vector<16xi1>, vector<16xi32>
    %select_n3A_3032 = arith.select %gt3A_3025, %select_n3A_3016, %get3A_3022 : vector<16xi1>, vector<16xf32>
    %select_n3A_3033 = arith.select %gt3A_3026, %select_n3A_3032, %select_n3A_3013 : vector<16xi1>, vector<16xf32>
    %select_n3A_3034 = arith.select %gt3A_3025, %select_n3A_3017, %broadcast_in_dim3A_3024 : vector<16xi1>, vector<16xi32>
    %select_n3A_3035 = arith.select %gt3A_3026, %select_n3A_3034, %select_n3A_3015 : vector<16xi1>, vector<16xi32>
    %select_n3A_3036 = arith.select %gt3A_3025, %get3A_3022, %select_n3A_3016 : vector<16xi1>, vector<16xf32>
    %select_n3A_3037 = arith.select %gt3A_3025, %broadcast_in_dim3A_3024, %select_n3A_3017 : vector<16xi1>, vector<16xi32>
    %get3A_3038 = arith.constant 8 : i32
    %get3A_3039 = arith.index_cast %get3A_3038 : i32 to index
    %get3A_3040 = arith.constant 112 : index
    %get3A_3041 = tpu.vector_load %arg8[%get3A_3039, %get3A_3040] {strides = array<i32>} : memref<12x128xf32, #tpu.memory_space<vmem>>, vector<1x16xf32>,
    %get3A_3042 = vector.shape_cast %get3A_3041 : vector<1x16xf32> to vector<16xf32>
    %broadcast_in_dim3A_3043 = arith.constant 71 : i32
    %broadcast_in_dim3A_3044 = vector.broadcast %broadcast_in_dim3A_3043 : i32 to vector<16xi32>
    %gt3A_3045 = arith.cmpf ogt, %get3A_3042, %select_n3A_3036 : vector<16xf32>
    %gt3A_3046 = arith.cmpf ogt, %get3A_3042, %select_n3A_3033 : vector<16xf32>
    %gt3A_3047 = arith.cmpf ogt, %get3A_3042, %select_n3A_3029 : vector<16xf32>
    %select_n3A_3048 = arith.select %gt3A_3046, %select_n3A_3033, %get3A_3042 : vector<16xi1>, vector<16xf32>
    %select_n3A_3049 = arith.select %gt3A_3047, %select_n3A_3048, %select_n3A_3029 : vector<16xi1>, vector<16xf32>
    %select_n3A_3050 = arith.select %gt3A_3046, %select_n3A_3035, %broadcast_in_dim3A_3044 : vector<16xi1>, vector<16xi32>
    %select_n3A_3051 = arith.select %gt3A_3047, %select_n3A_3050, %select_n3A_3031 : vector<16xi1>, vector<16xi32>
    %select_n3A_3052 = arith.select %gt3A_3045, %select_n3A_3036, %get3A_3042 : vector<16xi1>, vector<16xf32>
    %select_n3A_3053 = arith.select %gt3A_3046, %select_n3A_3052, %select_n3A_3033 : vector<16xi1>, vector<16xf32>
    %select_n3A_3054 = arith.select %gt3A_3045, %select_n3A_3037, %broadcast_in_dim3A_3044 : vector<16xi1>, vector<16xi32>
    %select_n3A_3055 = arith.select %gt3A_3046, %select_n3A_3054, %select_n3A_3035 : vector<16xi1>, vector<16xi32>
    %select_n3A_3056 = arith.select %gt3A_3045, %get3A_3042, %select_n3A_3036 : vector<16xi1>, vector<16xf32>
    %select_n3A_3057 = arith.select %gt3A_3045, %broadcast_in_dim3A_3044, %select_n3A_3037 : vector<16xi1>, vector<16xi32>
    %get3A_3058 = arith.constant 9 : i32
    %get3A_3059 = arith.index_cast %get3A_3058 : i32 to index
    %get3A_3060 = arith.constant 0 : index
    %get3A_3061 = tpu.vector_load %arg8[%get3A_3059, %get3A_3060] {strides = array<i32>} : memref<12x128xf32, #tpu.memory_space<vmem>>, vector<1x16xf32>,
    %get3A_3062 = vector.shape_cast %get3A_3061 : vector<1x16xf32> to vector<16xf32>
    %broadcast_in_dim3A_3063 = arith.constant 72 : i32
    %broadcast_in_dim3A_3064 = vector.broadcast %broadcast_in_dim3A_3063 : i32 to vector<16xi32>
    %gt3A_3065 = arith.cmpf ogt, %get3A_3062, %select_n3A_3056 : vector<16xf32>
    %gt3A_3066 = arith.cmpf ogt, %get3A_3062, %select_n3A_3053 : vector<16xf32>
    %gt3A_3067 = arith.cmpf ogt, %get3A_3062, %select_n3A_3049 : vector<16xf32>
    %select_n3A_3068 = arith.select %gt3A_3066, %select_n3A_3053, %get3A_3062 : vector<16xi1>, vector<16xf32>
    %select_n3A_3069 = arith.select %gt3A_3067, %select_n3A_3068, %select_n3A_3049 : vector<16xi1>, vector<16xf32>
    %select_n3A_3070 = arith.select %gt3A_3066, %select_n3A_3055, %broadcast_in_dim3A_3064 : vector<16xi1>, vector<16xi32>
    %select_n3A_3071 = arith.select %gt3A_3067, %select_n3A_3070, %select_n3A_3051 : vector<16xi1>, vector<16xi32>
    %select_n3A_3072 = arith.select %gt3A_3065, %select_n3A_3056, %get3A_3062 : vector<16xi1>, vector<16xf32>
    %select_n3A_3073 = arith.select %gt3A_3066, %select_n3A_3072, %select_n3A_3053 : vector<16xi1>, vector<16xf32>
    %select_n3A_3074 = arith.select %gt3A_3065, %select_n3A_3057, %broadcast_in_dim3A_3064 : vector<16xi1>, vector<16xi32>
    %select_n3A_3075 = arith.select %gt3A_3066, %select_n3A_3074, %select_n3A_3055 : vector<16xi1>, vector<16xi32>
    %select_n3A_3076 = arith.select %gt3A_3065, %get3A_3062, %select_n3A_3056 : vector<16xi1>, vector<16xf32>
    %select_n3A_3077 = arith.select %gt3A_3065, %broadcast_in_dim3A_3064, %select_n3A_3057 : vector<16xi1>, vector<16xi32>
    %get3A_3078 = arith.constant 9 : i32
    %get3A_3079 = arith.index_cast %get3A_3078 : i32 to index
    %get3A_3080 = arith.constant 16 : index
    %get3A_3081 = tpu.vector_load %arg8[%get3A_3079, %get3A_3080] {strides = array<i32>} : memref<12x128xf32, #tpu.memory_space<vmem>>, vector<1x16xf32>,
    %get3A_3082 = vector.shape_cast %get3A_3081 : vector<1x16xf32> to vector<16xf32>
    %broadcast_in_dim3A_3083 = arith.constant 73 : i32
    %broadcast_in_dim3A_3084 = vector.broadcast %broadcast_in_dim3A_3083 : i32 to vector<16xi32>
    %gt3A_3085 = arith.cmpf ogt, %get3A_3082, %select_n3A_3076 : vector<16xf32>
    %gt3A_3086 = arith.cmpf ogt, %get3A_3082, %select_n3A_3073 : vector<16xf32>
    %gt3A_3087 = arith.cmpf ogt, %get3A_3082, %select_n3A_3069 : vector<16xf32>
    %select_n3A_3088 = arith.select %gt3A_3086, %select_n3A_3073, %get3A_3082 : vector<16xi1>, vector<16xf32>
    %select_n3A_3089 = arith.select %gt3A_3087, %select_n3A_3088, %select_n3A_3069 : vector<16xi1>, vector<16xf32>
    %select_n3A_3090 = arith.select %gt3A_3086, %select_n3A_3075, %broadcast_in_dim3A_3084 : vector<16xi1>, vector<16xi32>
    %select_n3A_3091 = arith.select %gt3A_3087, %select_n3A_3090, %select_n3A_3071 : vector<16xi1>, vector<16xi32>
    %select_n3A_3092 = arith.select %gt3A_3085, %select_n3A_3076, %get3A_3082 : vector<16xi1>, vector<16xf32>
    %select_n3A_3093 = arith.select %gt3A_3086, %select_n3A_3092, %select_n3A_3073 : vector<16xi1>, vector<16xf32>
    %select_n3A_3094 = arith.select %gt3A_3085, %select_n3A_3077, %broadcast_in_dim3A_3084 : vector<16xi1>, vector<16xi32>
    %select_n3A_3095 = arith.select %gt3A_3086, %select_n3A_3094, %select_n3A_3075 : vector<16xi1>, vector<16xi32>
    %select_n3A_3096 = arith.select %gt3A_3085, %get3A_3082, %select_n3A_3076 : vector<16xi1>, vector<16xf32>
    %select_n3A_3097 = arith.select %gt3A_3085, %broadcast_in_dim3A_3084, %select_n3A_3077 : vector<16xi1>, vector<16xi32>
    %get3A_3098 = arith.constant 9 : i32
    %get3A_3099 = arith.index_cast %get3A_3098 : i32 to index
    %get3A_3100 = arith.constant 32 : index
    %get3A_3101 = tpu.vector_load %arg8[%get3A_3099, %get3A_3100] {strides = array<i32>} : memref<12x128xf32, #tpu.memory_space<vmem>>, vector<1x16xf32>,
    %get3A_3102 = vector.shape_cast %get3A_3101 : vector<1x16xf32> to vector<16xf32>
    %broadcast_in_dim3A_3103 = arith.constant 74 : i32
    %broadcast_in_dim3A_3104 = vector.broadcast %broadcast_in_dim3A_3103 : i32 to vector<16xi32>
    %gt3A_3105 = arith.cmpf ogt, %get3A_3102, %select_n3A_3096 : vector<16xf32>
    %gt3A_3106 = arith.cmpf ogt, %get3A_3102, %select_n3A_3093 : vector<16xf32>
    %gt3A_3107 = arith.cmpf ogt, %get3A_3102, %select_n3A_3089 : vector<16xf32>
    %select_n3A_3108 = arith.select %gt3A_3106, %select_n3A_3093, %get3A_3102 : vector<16xi1>, vector<16xf32>
    %select_n3A_3109 = arith.select %gt3A_3107, %select_n3A_3108, %select_n3A_3089 : vector<16xi1>, vector<16xf32>
    %select_n3A_3110 = arith.select %gt3A_3106, %select_n3A_3095, %broadcast_in_dim3A_3104 : vector<16xi1>, vector<16xi32>
    %select_n3A_3111 = arith.select %gt3A_3107, %select_n3A_3110, %select_n3A_3091 : vector<16xi1>, vector<16xi32>
    %select_n3A_3112 = arith.select %gt3A_3105, %select_n3A_3096, %get3A_3102 : vector<16xi1>, vector<16xf32>
    %select_n3A_3113 = arith.select %gt3A_3106, %select_n3A_3112, %select_n3A_3093 : vector<16xi1>, vector<16xf32>
    %select_n3A_3114 = arith.select %gt3A_3105, %select_n3A_3097, %broadcast_in_dim3A_3104 : vector<16xi1>, vector<16xi32>
    %select_n3A_3115 = arith.select %gt3A_3106, %select_n3A_3114, %select_n3A_3095 : vector<16xi1>, vector<16xi32>
    %select_n3A_3116 = arith.select %gt3A_3105, %get3A_3102, %select_n3A_3096 : vector<16xi1>, vector<16xf32>
    %select_n3A_3117 = arith.select %gt3A_3105, %broadcast_in_dim3A_3104, %select_n3A_3097 : vector<16xi1>, vector<16xi32>
    %get3A_3118 = arith.constant 9 : i32
    %get3A_3119 = arith.index_cast %get3A_3118 : i32 to index
    %get3A_3120 = arith.constant 48 : index
    %get3A_3121 = tpu.vector_load %arg8[%get3A_3119, %get3A_3120] {strides = array<i32>} : memref<12x128xf32, #tpu.memory_space<vmem>>, vector<1x16xf32>,
    %get3A_3122 = vector.shape_cast %get3A_3121 : vector<1x16xf32> to vector<16xf32>
    %broadcast_in_dim3A_3123 = arith.constant 75 : i32
    %broadcast_in_dim3A_3124 = vector.broadcast %broadcast_in_dim3A_3123 : i32 to vector<16xi32>
    %gt3A_3125 = arith.cmpf ogt, %get3A_3122, %select_n3A_3116 : vector<16xf32>
    %gt3A_3126 = arith.cmpf ogt, %get3A_3122, %select_n3A_3113 : vector<16xf32>
    %gt3A_3127 = arith.cmpf ogt, %get3A_3122, %select_n3A_3109 : vector<16xf32>
    %select_n3A_3128 = arith.select %gt3A_3126, %select_n3A_3113, %get3A_3122 : vector<16xi1>, vector<16xf32>
    %select_n3A_3129 = arith.select %gt3A_3127, %select_n3A_3128, %select_n3A_3109 : vector<16xi1>, vector<16xf32>
    %select_n3A_3130 = arith.select %gt3A_3126, %select_n3A_3115, %broadcast_in_dim3A_3124 : vector<16xi1>, vector<16xi32>
    %select_n3A_3131 = arith.select %gt3A_3127, %select_n3A_3130, %select_n3A_3111 : vector<16xi1>, vector<16xi32>
    %select_n3A_3132 = arith.select %gt3A_3125, %select_n3A_3116, %get3A_3122 : vector<16xi1>, vector<16xf32>
    %select_n3A_3133 = arith.select %gt3A_3126, %select_n3A_3132, %select_n3A_3113 : vector<16xi1>, vector<16xf32>
    %select_n3A_3134 = arith.select %gt3A_3125, %select_n3A_3117, %broadcast_in_dim3A_3124 : vector<16xi1>, vector<16xi32>
    %select_n3A_3135 = arith.select %gt3A_3126, %select_n3A_3134, %select_n3A_3115 : vector<16xi1>, vector<16xi32>
    %select_n3A_3136 = arith.select %gt3A_3125, %get3A_3122, %select_n3A_3116 : vector<16xi1>, vector<16xf32>
    %select_n3A_3137 = arith.select %gt3A_3125, %broadcast_in_dim3A_3124, %select_n3A_3117 : vector<16xi1>, vector<16xi32>
    %get3A_3138 = arith.constant 9 : i32
    %get3A_3139 = arith.index_cast %get3A_3138 : i32 to index
    %get3A_3140 = arith.constant 64 : index
    %get3A_3141 = tpu.vector_load %arg8[%get3A_3139, %get3A_3140] {strides = array<i32>} : memref<12x128xf32, #tpu.memory_space<vmem>>, vector<1x16xf32>,
    %get3A_3142 = vector.shape_cast %get3A_3141 : vector<1x16xf32> to vector<16xf32>
    %broadcast_in_dim3A_3143 = arith.constant 76 : i32
    %broadcast_in_dim3A_3144 = vector.broadcast %broadcast_in_dim3A_3143 : i32 to vector<16xi32>
    %gt3A_3145 = arith.cmpf ogt, %get3A_3142, %select_n3A_3136 : vector<16xf32>
    %gt3A_3146 = arith.cmpf ogt, %get3A_3142, %select_n3A_3133 : vector<16xf32>
    %gt3A_3147 = arith.cmpf ogt, %get3A_3142, %select_n3A_3129 : vector<16xf32>
    %select_n3A_3148 = arith.select %gt3A_3146, %select_n3A_3133, %get3A_3142 : vector<16xi1>, vector<16xf32>
    %select_n3A_3149 = arith.select %gt3A_3147, %select_n3A_3148, %select_n3A_3129 : vector<16xi1>, vector<16xf32>
    %select_n3A_3150 = arith.select %gt3A_3146, %select_n3A_3135, %broadcast_in_dim3A_3144 : vector<16xi1>, vector<16xi32>
    %select_n3A_3151 = arith.select %gt3A_3147, %select_n3A_3150, %select_n3A_3131 : vector<16xi1>, vector<16xi32>
    %select_n3A_3152 = arith.select %gt3A_3145, %select_n3A_3136, %get3A_3142 : vector<16xi1>, vector<16xf32>
    %select_n3A_3153 = arith.select %gt3A_3146, %select_n3A_3152, %select_n3A_3133 : vector<16xi1>, vector<16xf32>
    %select_n3A_3154 = arith.select %gt3A_3145, %select_n3A_3137, %broadcast_in_dim3A_3144 : vector<16xi1>, vector<16xi32>
    %select_n3A_3155 = arith.select %gt3A_3146, %select_n3A_3154, %select_n3A_3135 : vector<16xi1>, vector<16xi32>
    %select_n3A_3156 = arith.select %gt3A_3145, %get3A_3142, %select_n3A_3136 : vector<16xi1>, vector<16xf32>
    %select_n3A_3157 = arith.select %gt3A_3145, %broadcast_in_dim3A_3144, %select_n3A_3137 : vector<16xi1>, vector<16xi32>
    %get3A_3158 = arith.constant 9 : i32
    %get3A_3159 = arith.index_cast %get3A_3158 : i32 to index
    %get3A_3160 = arith.constant 80 : index
    %get3A_3161 = tpu.vector_load %arg8[%get3A_3159, %get3A_3160] {strides = array<i32>} : memref<12x128xf32, #tpu.memory_space<vmem>>, vector<1x16xf32>,
    %get3A_3162 = vector.shape_cast %get3A_3161 : vector<1x16xf32> to vector<16xf32>
    %broadcast_in_dim3A_3163 = arith.constant 77 : i32
    %broadcast_in_dim3A_3164 = vector.broadcast %broadcast_in_dim3A_3163 : i32 to vector<16xi32>
    %gt3A_3165 = arith.cmpf ogt, %get3A_3162, %select_n3A_3156 : vector<16xf32>
    %gt3A_3166 = arith.cmpf ogt, %get3A_3162, %select_n3A_3153 : vector<16xf32>
    %gt3A_3167 = arith.cmpf ogt, %get3A_3162, %select_n3A_3149 : vector<16xf32>
    %select_n3A_3168 = arith.select %gt3A_3166, %select_n3A_3153, %get3A_3162 : vector<16xi1>, vector<16xf32>
    %select_n3A_3169 = arith.select %gt3A_3167, %select_n3A_3168, %select_n3A_3149 : vector<16xi1>, vector<16xf32>
    %select_n3A_3170 = arith.select %gt3A_3166, %select_n3A_3155, %broadcast_in_dim3A_3164 : vector<16xi1>, vector<16xi32>
    %select_n3A_3171 = arith.select %gt3A_3167, %select_n3A_3170, %select_n3A_3151 : vector<16xi1>, vector<16xi32>
    %select_n3A_3172 = arith.select %gt3A_3165, %select_n3A_3156, %get3A_3162 : vector<16xi1>, vector<16xf32>
    %select_n3A_3173 = arith.select %gt3A_3166, %select_n3A_3172, %select_n3A_3153 : vector<16xi1>, vector<16xf32>
    %select_n3A_3174 = arith.select %gt3A_3165, %select_n3A_3157, %broadcast_in_dim3A_3164 : vector<16xi1>, vector<16xi32>
    %select_n3A_3175 = arith.select %gt3A_3166, %select_n3A_3174, %select_n3A_3155 : vector<16xi1>, vector<16xi32>
    %select_n3A_3176 = arith.select %gt3A_3165, %get3A_3162, %select_n3A_3156 : vector<16xi1>, vector<16xf32>
    %select_n3A_3177 = arith.select %gt3A_3165, %broadcast_in_dim3A_3164, %select_n3A_3157 : vector<16xi1>, vector<16xi32>
    %get3A_3178 = arith.constant 9 : i32
    %get3A_3179 = arith.index_cast %get3A_3178 : i32 to index
    %get3A_3180 = arith.constant 96 : index
    %get3A_3181 = tpu.vector_load %arg8[%get3A_3179, %get3A_3180] {strides = array<i32>} : memref<12x128xf32, #tpu.memory_space<vmem>>, vector<1x16xf32>,
    %get3A_3182 = vector.shape_cast %get3A_3181 : vector<1x16xf32> to vector<16xf32>
    %broadcast_in_dim3A_3183 = arith.constant 78 : i32
    %broadcast_in_dim3A_3184 = vector.broadcast %broadcast_in_dim3A_3183 : i32 to vector<16xi32>
    %gt3A_3185 = arith.cmpf ogt, %get3A_3182, %select_n3A_3176 : vector<16xf32>
    %gt3A_3186 = arith.cmpf ogt, %get3A_3182, %select_n3A_3173 : vector<16xf32>
    %gt3A_3187 = arith.cmpf ogt, %get3A_3182, %select_n3A_3169 : vector<16xf32>
    %select_n3A_3188 = arith.select %gt3A_3186, %select_n3A_3173, %get3A_3182 : vector<16xi1>, vector<16xf32>
    %select_n3A_3189 = arith.select %gt3A_3187, %select_n3A_3188, %select_n3A_3169 : vector<16xi1>, vector<16xf32>
    %select_n3A_3190 = arith.select %gt3A_3186, %select_n3A_3175, %broadcast_in_dim3A_3184 : vector<16xi1>, vector<16xi32>
    %select_n3A_3191 = arith.select %gt3A_3187, %select_n3A_3190, %select_n3A_3171 : vector<16xi1>, vector<16xi32>
    %select_n3A_3192 = arith.select %gt3A_3185, %select_n3A_3176, %get3A_3182 : vector<16xi1>, vector<16xf32>
    %select_n3A_3193 = arith.select %gt3A_3186, %select_n3A_3192, %select_n3A_3173 : vector<16xi1>, vector<16xf32>
    %select_n3A_3194 = arith.select %gt3A_3185, %select_n3A_3177, %broadcast_in_dim3A_3184 : vector<16xi1>, vector<16xi32>
    %select_n3A_3195 = arith.select %gt3A_3186, %select_n3A_3194, %select_n3A_3175 : vector<16xi1>, vector<16xi32>
    %select_n3A_3196 = arith.select %gt3A_3185, %get3A_3182, %select_n3A_3176 : vector<16xi1>, vector<16xf32>
    %select_n3A_3197 = arith.select %gt3A_3185, %broadcast_in_dim3A_3184, %select_n3A_3177 : vector<16xi1>, vector<16xi32>
    %get3A_3198 = arith.constant 9 : i32
    %get3A_3199 = arith.index_cast %get3A_3198 : i32 to index
    %get3A_3200 = arith.constant 112 : index
    %get3A_3201 = tpu.vector_load %arg8[%get3A_3199, %get3A_3200] {strides = array<i32>} : memref<12x128xf32, #tpu.memory_space<vmem>>, vector<1x16xf32>,
    %get3A_3202 = vector.shape_cast %get3A_3201 : vector<1x16xf32> to vector<16xf32>
    %broadcast_in_dim3A_3203 = arith.constant 79 : i32
    %broadcast_in_dim3A_3204 = vector.broadcast %broadcast_in_dim3A_3203 : i32 to vector<16xi32>
    %gt3A_3205 = arith.cmpf ogt, %get3A_3202, %select_n3A_3196 : vector<16xf32>
    %gt3A_3206 = arith.cmpf ogt, %get3A_3202, %select_n3A_3193 : vector<16xf32>
    %gt3A_3207 = arith.cmpf ogt, %get3A_3202, %select_n3A_3189 : vector<16xf32>
    %select_n3A_3208 = arith.select %gt3A_3206, %select_n3A_3193, %get3A_3202 : vector<16xi1>, vector<16xf32>
    %select_n3A_3209 = arith.select %gt3A_3207, %select_n3A_3208, %select_n3A_3189 : vector<16xi1>, vector<16xf32>
    %select_n3A_3210 = arith.select %gt3A_3206, %select_n3A_3195, %broadcast_in_dim3A_3204 : vector<16xi1>, vector<16xi32>
    %select_n3A_3211 = arith.select %gt3A_3207, %select_n3A_3210, %select_n3A_3191 : vector<16xi1>, vector<16xi32>
    %select_n3A_3212 = arith.select %gt3A_3205, %select_n3A_3196, %get3A_3202 : vector<16xi1>, vector<16xf32>
    %select_n3A_3213 = arith.select %gt3A_3206, %select_n3A_3212, %select_n3A_3193 : vector<16xi1>, vector<16xf32>
    %select_n3A_3214 = arith.select %gt3A_3205, %select_n3A_3197, %broadcast_in_dim3A_3204 : vector<16xi1>, vector<16xi32>
    %select_n3A_3215 = arith.select %gt3A_3206, %select_n3A_3214, %select_n3A_3195 : vector<16xi1>, vector<16xi32>
    %select_n3A_3216 = arith.select %gt3A_3205, %get3A_3202, %select_n3A_3196 : vector<16xi1>, vector<16xf32>
    %select_n3A_3217 = arith.select %gt3A_3205, %broadcast_in_dim3A_3204, %select_n3A_3197 : vector<16xi1>, vector<16xi32>
    %get3A_3218 = arith.constant 10 : i32
    %get3A_3219 = arith.index_cast %get3A_3218 : i32 to index
    %get3A_3220 = arith.constant 0 : index
    %get3A_3221 = tpu.vector_load %arg8[%get3A_3219, %get3A_3220] {strides = array<i32>} : memref<12x128xf32, #tpu.memory_space<vmem>>, vector<1x16xf32>,
    %get3A_3222 = vector.shape_cast %get3A_3221 : vector<1x16xf32> to vector<16xf32>
    %broadcast_in_dim3A_3223 = arith.constant 80 : i32
    %broadcast_in_dim3A_3224 = vector.broadcast %broadcast_in_dim3A_3223 : i32 to vector<16xi32>
    %gt3A_3225 = arith.cmpf ogt, %get3A_3222, %select_n3A_3216 : vector<16xf32>
    %gt3A_3226 = arith.cmpf ogt, %get3A_3222, %select_n3A_3213 : vector<16xf32>
    %gt3A_3227 = arith.cmpf ogt, %get3A_3222, %select_n3A_3209 : vector<16xf32>
    %select_n3A_3228 = arith.select %gt3A_3226, %select_n3A_3213, %get3A_3222 : vector<16xi1>, vector<16xf32>
    %select_n3A_3229 = arith.select %gt3A_3227, %select_n3A_3228, %select_n3A_3209 : vector<16xi1>, vector<16xf32>
    %select_n3A_3230 = arith.select %gt3A_3226, %select_n3A_3215, %broadcast_in_dim3A_3224 : vector<16xi1>, vector<16xi32>
    %select_n3A_3231 = arith.select %gt3A_3227, %select_n3A_3230, %select_n3A_3211 : vector<16xi1>, vector<16xi32>
    %select_n3A_3232 = arith.select %gt3A_3225, %select_n3A_3216, %get3A_3222 : vector<16xi1>, vector<16xf32>
    %select_n3A_3233 = arith.select %gt3A_3226, %select_n3A_3232, %select_n3A_3213 : vector<16xi1>, vector<16xf32>
    %select_n3A_3234 = arith.select %gt3A_3225, %select_n3A_3217, %broadcast_in_dim3A_3224 : vector<16xi1>, vector<16xi32>
    %select_n3A_3235 = arith.select %gt3A_3226, %select_n3A_3234, %select_n3A_3215 : vector<16xi1>, vector<16xi32>
    %select_n3A_3236 = arith.select %gt3A_3225, %get3A_3222, %select_n3A_3216 : vector<16xi1>, vector<16xf32>
    %select_n3A_3237 = arith.select %gt3A_3225, %broadcast_in_dim3A_3224, %select_n3A_3217 : vector<16xi1>, vector<16xi32>
    %get3A_3238 = arith.constant 10 : i32
    %get3A_3239 = arith.index_cast %get3A_3238 : i32 to index
    %get3A_3240 = arith.constant 16 : index
    %get3A_3241 = tpu.vector_load %arg8[%get3A_3239, %get3A_3240] {strides = array<i32>} : memref<12x128xf32, #tpu.memory_space<vmem>>, vector<1x16xf32>,
    %get3A_3242 = vector.shape_cast %get3A_3241 : vector<1x16xf32> to vector<16xf32>
    %broadcast_in_dim3A_3243 = arith.constant 81 : i32
    %broadcast_in_dim3A_3244 = vector.broadcast %broadcast_in_dim3A_3243 : i32 to vector<16xi32>
    %gt3A_3245 = arith.cmpf ogt, %get3A_3242, %select_n3A_3236 : vector<16xf32>
    %gt3A_3246 = arith.cmpf ogt, %get3A_3242, %select_n3A_3233 : vector<16xf32>
    %gt3A_3247 = arith.cmpf ogt, %get3A_3242, %select_n3A_3229 : vector<16xf32>
    %select_n3A_3248 = arith.select %gt3A_3246, %select_n3A_3233, %get3A_3242 : vector<16xi1>, vector<16xf32>
    %select_n3A_3249 = arith.select %gt3A_3247, %select_n3A_3248, %select_n3A_3229 : vector<16xi1>, vector<16xf32>
    %select_n3A_3250 = arith.select %gt3A_3246, %select_n3A_3235, %broadcast_in_dim3A_3244 : vector<16xi1>, vector<16xi32>
    %select_n3A_3251 = arith.select %gt3A_3247, %select_n3A_3250, %select_n3A_3231 : vector<16xi1>, vector<16xi32>
    %select_n3A_3252 = arith.select %gt3A_3245, %select_n3A_3236, %get3A_3242 : vector<16xi1>, vector<16xf32>
    %select_n3A_3253 = arith.select %gt3A_3246, %select_n3A_3252, %select_n3A_3233 : vector<16xi1>, vector<16xf32>
    %select_n3A_3254 = arith.select %gt3A_3245, %select_n3A_3237, %broadcast_in_dim3A_3244 : vector<16xi1>, vector<16xi32>
    %select_n3A_3255 = arith.select %gt3A_3246, %select_n3A_3254, %select_n3A_3235 : vector<16xi1>, vector<16xi32>
    %select_n3A_3256 = arith.select %gt3A_3245, %get3A_3242, %select_n3A_3236 : vector<16xi1>, vector<16xf32>
    %select_n3A_3257 = arith.select %gt3A_3245, %broadcast_in_dim3A_3244, %select_n3A_3237 : vector<16xi1>, vector<16xi32>
    %get3A_3258 = arith.constant 10 : i32
    %get3A_3259 = arith.index_cast %get3A_3258 : i32 to index
    %get3A_3260 = arith.constant 32 : index
    %get3A_3261 = tpu.vector_load %arg8[%get3A_3259, %get3A_3260] {strides = array<i32>} : memref<12x128xf32, #tpu.memory_space<vmem>>, vector<1x16xf32>,
    %get3A_3262 = vector.shape_cast %get3A_3261 : vector<1x16xf32> to vector<16xf32>
    %broadcast_in_dim3A_3263 = arith.constant 82 : i32
    %broadcast_in_dim3A_3264 = vector.broadcast %broadcast_in_dim3A_3263 : i32 to vector<16xi32>
    %gt3A_3265 = arith.cmpf ogt, %get3A_3262, %select_n3A_3256 : vector<16xf32>
    %gt3A_3266 = arith.cmpf ogt, %get3A_3262, %select_n3A_3253 : vector<16xf32>
    %gt3A_3267 = arith.cmpf ogt, %get3A_3262, %select_n3A_3249 : vector<16xf32>
    %select_n3A_3268 = arith.select %gt3A_3266, %select_n3A_3253, %get3A_3262 : vector<16xi1>, vector<16xf32>
    %select_n3A_3269 = arith.select %gt3A_3267, %select_n3A_3268, %select_n3A_3249 : vector<16xi1>, vector<16xf32>
    %select_n3A_3270 = arith.select %gt3A_3266, %select_n3A_3255, %broadcast_in_dim3A_3264 : vector<16xi1>, vector<16xi32>
    %select_n3A_3271 = arith.select %gt3A_3267, %select_n3A_3270, %select_n3A_3251 : vector<16xi1>, vector<16xi32>
    %select_n3A_3272 = arith.select %gt3A_3265, %select_n3A_3256, %get3A_3262 : vector<16xi1>, vector<16xf32>
    %select_n3A_3273 = arith.select %gt3A_3266, %select_n3A_3272, %select_n3A_3253 : vector<16xi1>, vector<16xf32>
    %select_n3A_3274 = arith.select %gt3A_3265, %select_n3A_3257, %broadcast_in_dim3A_3264 : vector<16xi1>, vector<16xi32>
    %select_n3A_3275 = arith.select %gt3A_3266, %select_n3A_3274, %select_n3A_3255 : vector<16xi1>, vector<16xi32>
    %select_n3A_3276 = arith.select %gt3A_3265, %get3A_3262, %select_n3A_3256 : vector<16xi1>, vector<16xf32>
    %select_n3A_3277 = arith.select %gt3A_3265, %broadcast_in_dim3A_3264, %select_n3A_3257 : vector<16xi1>, vector<16xi32>
    %get3A_3278 = arith.constant 10 : i32
    %get3A_3279 = arith.index_cast %get3A_3278 : i32 to index
    %get3A_3280 = arith.constant 48 : index
    %get3A_3281 = tpu.vector_load %arg8[%get3A_3279, %get3A_3280] {strides = array<i32>} : memref<12x128xf32, #tpu.memory_space<vmem>>, vector<1x16xf32>,
    %get3A_3282 = vector.shape_cast %get3A_3281 : vector<1x16xf32> to vector<16xf32>
    %broadcast_in_dim3A_3283 = arith.constant 83 : i32
    %broadcast_in_dim3A_3284 = vector.broadcast %broadcast_in_dim3A_3283 : i32 to vector<16xi32>
    %gt3A_3285 = arith.cmpf ogt, %get3A_3282, %select_n3A_3276 : vector<16xf32>
    %gt3A_3286 = arith.cmpf ogt, %get3A_3282, %select_n3A_3273 : vector<16xf32>
    %gt3A_3287 = arith.cmpf ogt, %get3A_3282, %select_n3A_3269 : vector<16xf32>
    %select_n3A_3288 = arith.select %gt3A_3286, %select_n3A_3273, %get3A_3282 : vector<16xi1>, vector<16xf32>
    %select_n3A_3289 = arith.select %gt3A_3287, %select_n3A_3288, %select_n3A_3269 : vector<16xi1>, vector<16xf32>
    %select_n3A_3290 = arith.select %gt3A_3286, %select_n3A_3275, %broadcast_in_dim3A_3284 : vector<16xi1>, vector<16xi32>
    %select_n3A_3291 = arith.select %gt3A_3287, %select_n3A_3290, %select_n3A_3271 : vector<16xi1>, vector<16xi32>
    %select_n3A_3292 = arith.select %gt3A_3285, %select_n3A_3276, %get3A_3282 : vector<16xi1>, vector<16xf32>
    %select_n3A_3293 = arith.select %gt3A_3286, %select_n3A_3292, %select_n3A_3273 : vector<16xi1>, vector<16xf32>
    %select_n3A_3294 = arith.select %gt3A_3285, %select_n3A_3277, %broadcast_in_dim3A_3284 : vector<16xi1>, vector<16xi32>
    %select_n3A_3295 = arith.select %gt3A_3286, %select_n3A_3294, %select_n3A_3275 : vector<16xi1>, vector<16xi32>
    %select_n3A_3296 = arith.select %gt3A_3285, %get3A_3282, %select_n3A_3276 : vector<16xi1>, vector<16xf32>
    %select_n3A_3297 = arith.select %gt3A_3285, %broadcast_in_dim3A_3284, %select_n3A_3277 : vector<16xi1>, vector<16xi32>
    %get3A_3298 = arith.constant 10 : i32
    %get3A_3299 = arith.index_cast %get3A_3298 : i32 to index
    %get3A_3300 = arith.constant 64 : index
    %get3A_3301 = tpu.vector_load %arg8[%get3A_3299, %get3A_3300] {strides = array<i32>} : memref<12x128xf32, #tpu.memory_space<vmem>>, vector<1x16xf32>,
    %get3A_3302 = vector.shape_cast %get3A_3301 : vector<1x16xf32> to vector<16xf32>
    %broadcast_in_dim3A_3303 = arith.constant 84 : i32
    %broadcast_in_dim3A_3304 = vector.broadcast %broadcast_in_dim3A_3303 : i32 to vector<16xi32>
    %gt3A_3305 = arith.cmpf ogt, %get3A_3302, %select_n3A_3296 : vector<16xf32>
    %gt3A_3306 = arith.cmpf ogt, %get3A_3302, %select_n3A_3293 : vector<16xf32>
    %gt3A_3307 = arith.cmpf ogt, %get3A_3302, %select_n3A_3289 : vector<16xf32>
    %select_n3A_3308 = arith.select %gt3A_3306, %select_n3A_3293, %get3A_3302 : vector<16xi1>, vector<16xf32>
    %select_n3A_3309 = arith.select %gt3A_3307, %select_n3A_3308, %select_n3A_3289 : vector<16xi1>, vector<16xf32>
    %select_n3A_3310 = arith.select %gt3A_3306, %select_n3A_3295, %broadcast_in_dim3A_3304 : vector<16xi1>, vector<16xi32>
    %select_n3A_3311 = arith.select %gt3A_3307, %select_n3A_3310, %select_n3A_3291 : vector<16xi1>, vector<16xi32>
    %select_n3A_3312 = arith.select %gt3A_3305, %select_n3A_3296, %get3A_3302 : vector<16xi1>, vector<16xf32>
    %select_n3A_3313 = arith.select %gt3A_3306, %select_n3A_3312, %select_n3A_3293 : vector<16xi1>, vector<16xf32>
    %select_n3A_3314 = arith.select %gt3A_3305, %select_n3A_3297, %broadcast_in_dim3A_3304 : vector<16xi1>, vector<16xi32>
    %select_n3A_3315 = arith.select %gt3A_3306, %select_n3A_3314, %select_n3A_3295 : vector<16xi1>, vector<16xi32>
    %select_n3A_3316 = arith.select %gt3A_3305, %get3A_3302, %select_n3A_3296 : vector<16xi1>, vector<16xf32>
    %select_n3A_3317 = arith.select %gt3A_3305, %broadcast_in_dim3A_3304, %select_n3A_3297 : vector<16xi1>, vector<16xi32>
    %get3A_3318 = arith.constant 10 : i32
    %get3A_3319 = arith.index_cast %get3A_3318 : i32 to index
    %get3A_3320 = arith.constant 80 : index
    %get3A_3321 = tpu.vector_load %arg8[%get3A_3319, %get3A_3320] {strides = array<i32>} : memref<12x128xf32, #tpu.memory_space<vmem>>, vector<1x16xf32>,
    %get3A_3322 = vector.shape_cast %get3A_3321 : vector<1x16xf32> to vector<16xf32>
    %broadcast_in_dim3A_3323 = arith.constant 85 : i32
    %broadcast_in_dim3A_3324 = vector.broadcast %broadcast_in_dim3A_3323 : i32 to vector<16xi32>
    %gt3A_3325 = arith.cmpf ogt, %get3A_3322, %select_n3A_3316 : vector<16xf32>
    %gt3A_3326 = arith.cmpf ogt, %get3A_3322, %select_n3A_3313 : vector<16xf32>
    %gt3A_3327 = arith.cmpf ogt, %get3A_3322, %select_n3A_3309 : vector<16xf32>
    %select_n3A_3328 = arith.select %gt3A_3326, %select_n3A_3313, %get3A_3322 : vector<16xi1>, vector<16xf32>
    %select_n3A_3329 = arith.select %gt3A_3327, %select_n3A_3328, %select_n3A_3309 : vector<16xi1>, vector<16xf32>
    %select_n3A_3330 = arith.select %gt3A_3326, %select_n3A_3315, %broadcast_in_dim3A_3324 : vector<16xi1>, vector<16xi32>
    %select_n3A_3331 = arith.select %gt3A_3327, %select_n3A_3330, %select_n3A_3311 : vector<16xi1>, vector<16xi32>
    %select_n3A_3332 = arith.select %gt3A_3325, %select_n3A_3316, %get3A_3322 : vector<16xi1>, vector<16xf32>
    %select_n3A_3333 = arith.select %gt3A_3326, %select_n3A_3332, %select_n3A_3313 : vector<16xi1>, vector<16xf32>
    %select_n3A_3334 = arith.select %gt3A_3325, %select_n3A_3317, %broadcast_in_dim3A_3324 : vector<16xi1>, vector<16xi32>
    %select_n3A_3335 = arith.select %gt3A_3326, %select_n3A_3334, %select_n3A_3315 : vector<16xi1>, vector<16xi32>
    %select_n3A_3336 = arith.select %gt3A_3325, %get3A_3322, %select_n3A_3316 : vector<16xi1>, vector<16xf32>
    %select_n3A_3337 = arith.select %gt3A_3325, %broadcast_in_dim3A_3324, %select_n3A_3317 : vector<16xi1>, vector<16xi32>
    %get3A_3338 = arith.constant 10 : i32
    %get3A_3339 = arith.index_cast %get3A_3338 : i32 to index
    %get3A_3340 = arith.constant 96 : index
    %get3A_3341 = tpu.vector_load %arg8[%get3A_3339, %get3A_3340] {strides = array<i32>} : memref<12x128xf32, #tpu.memory_space<vmem>>, vector<1x16xf32>,
    %get3A_3342 = vector.shape_cast %get3A_3341 : vector<1x16xf32> to vector<16xf32>
    %broadcast_in_dim3A_3343 = arith.constant 86 : i32
    %broadcast_in_dim3A_3344 = vector.broadcast %broadcast_in_dim3A_3343 : i32 to vector<16xi32>
    %gt3A_3345 = arith.cmpf ogt, %get3A_3342, %select_n3A_3336 : vector<16xf32>
    %gt3A_3346 = arith.cmpf ogt, %get3A_3342, %select_n3A_3333 : vector<16xf32>
    %gt3A_3347 = arith.cmpf ogt, %get3A_3342, %select_n3A_3329 : vector<16xf32>
    %select_n3A_3348 = arith.select %gt3A_3346, %select_n3A_3333, %get3A_3342 : vector<16xi1>, vector<16xf32>
    %select_n3A_3349 = arith.select %gt3A_3347, %select_n3A_3348, %select_n3A_3329 : vector<16xi1>, vector<16xf32>
    %select_n3A_3350 = arith.select %gt3A_3346, %select_n3A_3335, %broadcast_in_dim3A_3344 : vector<16xi1>, vector<16xi32>
    %select_n3A_3351 = arith.select %gt3A_3347, %select_n3A_3350, %select_n3A_3331 : vector<16xi1>, vector<16xi32>
    %select_n3A_3352 = arith.select %gt3A_3345, %select_n3A_3336, %get3A_3342 : vector<16xi1>, vector<16xf32>
    %select_n3A_3353 = arith.select %gt3A_3346, %select_n3A_3352, %select_n3A_3333 : vector<16xi1>, vector<16xf32>
    %select_n3A_3354 = arith.select %gt3A_3345, %select_n3A_3337, %broadcast_in_dim3A_3344 : vector<16xi1>, vector<16xi32>
    %select_n3A_3355 = arith.select %gt3A_3346, %select_n3A_3354, %select_n3A_3335 : vector<16xi1>, vector<16xi32>
    %select_n3A_3356 = arith.select %gt3A_3345, %get3A_3342, %select_n3A_3336 : vector<16xi1>, vector<16xf32>
    %select_n3A_3357 = arith.select %gt3A_3345, %broadcast_in_dim3A_3344, %select_n3A_3337 : vector<16xi1>, vector<16xi32>
    %get3A_3358 = arith.constant 10 : i32
    %get3A_3359 = arith.index_cast %get3A_3358 : i32 to index
    %get3A_3360 = arith.constant 112 : index
    %get3A_3361 = tpu.vector_load %arg8[%get3A_3359, %get3A_3360] {strides = array<i32>} : memref<12x128xf32, #tpu.memory_space<vmem>>, vector<1x16xf32>,
    %get3A_3362 = vector.shape_cast %get3A_3361 : vector<1x16xf32> to vector<16xf32>
    %broadcast_in_dim3A_3363 = arith.constant 87 : i32
    %broadcast_in_dim3A_3364 = vector.broadcast %broadcast_in_dim3A_3363 : i32 to vector<16xi32>
    %gt3A_3365 = arith.cmpf ogt, %get3A_3362, %select_n3A_3356 : vector<16xf32>
    %gt3A_3366 = arith.cmpf ogt, %get3A_3362, %select_n3A_3353 : vector<16xf32>
    %gt3A_3367 = arith.cmpf ogt, %get3A_3362, %select_n3A_3349 : vector<16xf32>
    %select_n3A_3368 = arith.select %gt3A_3366, %select_n3A_3353, %get3A_3362 : vector<16xi1>, vector<16xf32>
    %select_n3A_3369 = arith.select %gt3A_3367, %select_n3A_3368, %select_n3A_3349 : vector<16xi1>, vector<16xf32>
    %select_n3A_3370 = arith.select %gt3A_3366, %select_n3A_3355, %broadcast_in_dim3A_3364 : vector<16xi1>, vector<16xi32>
    %select_n3A_3371 = arith.select %gt3A_3367, %select_n3A_3370, %select_n3A_3351 : vector<16xi1>, vector<16xi32>
    %select_n3A_3372 = arith.select %gt3A_3365, %select_n3A_3356, %get3A_3362 : vector<16xi1>, vector<16xf32>
    %select_n3A_3373 = arith.select %gt3A_3366, %select_n3A_3372, %select_n3A_3353 : vector<16xi1>, vector<16xf32>
    %select_n3A_3374 = arith.select %gt3A_3365, %select_n3A_3357, %broadcast_in_dim3A_3364 : vector<16xi1>, vector<16xi32>
    %select_n3A_3375 = arith.select %gt3A_3366, %select_n3A_3374, %select_n3A_3355 : vector<16xi1>, vector<16xi32>
    %select_n3A_3376 = arith.select %gt3A_3365, %get3A_3362, %select_n3A_3356 : vector<16xi1>, vector<16xf32>
    %select_n3A_3377 = arith.select %gt3A_3365, %broadcast_in_dim3A_3364, %select_n3A_3357 : vector<16xi1>, vector<16xi32>
    %get3A_3378 = arith.constant 11 : i32
    %get3A_3379 = arith.index_cast %get3A_3378 : i32 to index
    %get3A_3380 = arith.constant 0 : index
    %get3A_3381 = tpu.vector_load %arg8[%get3A_3379, %get3A_3380] {strides = array<i32>} : memref<12x128xf32, #tpu.memory_space<vmem>>, vector<1x16xf32>,
    %get3A_3382 = vector.shape_cast %get3A_3381 : vector<1x16xf32> to vector<16xf32>
    %broadcast_in_dim3A_3383 = arith.constant 88 : i32
    %broadcast_in_dim3A_3384 = vector.broadcast %broadcast_in_dim3A_3383 : i32 to vector<16xi32>
    %gt3A_3385 = arith.cmpf ogt, %get3A_3382, %select_n3A_3376 : vector<16xf32>
    %gt3A_3386 = arith.cmpf ogt, %get3A_3382, %select_n3A_3373 : vector<16xf32>
    %gt3A_3387 = arith.cmpf ogt, %get3A_3382, %select_n3A_3369 : vector<16xf32>
    %select_n3A_3388 = arith.select %gt3A_3386, %select_n3A_3373, %get3A_3382 : vector<16xi1>, vector<16xf32>
    %select_n3A_3389 = arith.select %gt3A_3387, %select_n3A_3388, %select_n3A_3369 : vector<16xi1>, vector<16xf32>
    %select_n3A_3390 = arith.select %gt3A_3386, %select_n3A_3375, %broadcast_in_dim3A_3384 : vector<16xi1>, vector<16xi32>
    %select_n3A_3391 = arith.select %gt3A_3387, %select_n3A_3390, %select_n3A_3371 : vector<16xi1>, vector<16xi32>
    %select_n3A_3392 = arith.select %gt3A_3385, %select_n3A_3376, %get3A_3382 : vector<16xi1>, vector<16xf32>
    %select_n3A_3393 = arith.select %gt3A_3386, %select_n3A_3392, %select_n3A_3373 : vector<16xi1>, vector<16xf32>
    %select_n3A_3394 = arith.select %gt3A_3385, %select_n3A_3377, %broadcast_in_dim3A_3384 : vector<16xi1>, vector<16xi32>
    %select_n3A_3395 = arith.select %gt3A_3386, %select_n3A_3394, %select_n3A_3375 : vector<16xi1>, vector<16xi32>
    %select_n3A_3396 = arith.select %gt3A_3385, %get3A_3382, %select_n3A_3376 : vector<16xi1>, vector<16xf32>
    %select_n3A_3397 = arith.select %gt3A_3385, %broadcast_in_dim3A_3384, %select_n3A_3377 : vector<16xi1>, vector<16xi32>
    %get3A_3398 = arith.constant 11 : i32
    %get3A_3399 = arith.index_cast %get3A_3398 : i32 to index
    %get3A_3400 = arith.constant 16 : index
    %get3A_3401 = tpu.vector_load %arg8[%get3A_3399, %get3A_3400] {strides = array<i32>} : memref<12x128xf32, #tpu.memory_space<vmem>>, vector<1x16xf32>,
    %get3A_3402 = vector.shape_cast %get3A_3401 : vector<1x16xf32> to vector<16xf32>
    %broadcast_in_dim3A_3403 = arith.constant 89 : i32
    %broadcast_in_dim3A_3404 = vector.broadcast %broadcast_in_dim3A_3403 : i32 to vector<16xi32>
    %gt3A_3405 = arith.cmpf ogt, %get3A_3402, %select_n3A_3396 : vector<16xf32>
    %gt3A_3406 = arith.cmpf ogt, %get3A_3402, %select_n3A_3393 : vector<16xf32>
    %gt3A_3407 = arith.cmpf ogt, %get3A_3402, %select_n3A_3389 : vector<16xf32>
    %select_n3A_3408 = arith.select %gt3A_3406, %select_n3A_3393, %get3A_3402 : vector<16xi1>, vector<16xf32>
    %select_n3A_3409 = arith.select %gt3A_3407, %select_n3A_3408, %select_n3A_3389 : vector<16xi1>, vector<16xf32>
    %select_n3A_3410 = arith.select %gt3A_3406, %select_n3A_3395, %broadcast_in_dim3A_3404 : vector<16xi1>, vector<16xi32>
    %select_n3A_3411 = arith.select %gt3A_3407, %select_n3A_3410, %select_n3A_3391 : vector<16xi1>, vector<16xi32>
    %select_n3A_3412 = arith.select %gt3A_3405, %select_n3A_3396, %get3A_3402 : vector<16xi1>, vector<16xf32>
    %select_n3A_3413 = arith.select %gt3A_3406, %select_n3A_3412, %select_n3A_3393 : vector<16xi1>, vector<16xf32>
    %select_n3A_3414 = arith.select %gt3A_3405, %select_n3A_3397, %broadcast_in_dim3A_3404 : vector<16xi1>, vector<16xi32>
    %select_n3A_3415 = arith.select %gt3A_3406, %select_n3A_3414, %select_n3A_3395 : vector<16xi1>, vector<16xi32>
    %select_n3A_3416 = arith.select %gt3A_3405, %get3A_3402, %select_n3A_3396 : vector<16xi1>, vector<16xf32>
    %select_n3A_3417 = arith.select %gt3A_3405, %broadcast_in_dim3A_3404, %select_n3A_3397 : vector<16xi1>, vector<16xi32>
    %get3A_3418 = arith.constant 11 : i32
    %get3A_3419 = arith.index_cast %get3A_3418 : i32 to index
    %get3A_3420 = arith.constant 32 : index
    %get3A_3421 = tpu.vector_load %arg8[%get3A_3419, %get3A_3420] {strides = array<i32>} : memref<12x128xf32, #tpu.memory_space<vmem>>, vector<1x16xf32>,
    %get3A_3422 = vector.shape_cast %get3A_3421 : vector<1x16xf32> to vector<16xf32>
    %broadcast_in_dim3A_3423 = arith.constant 90 : i32
    %broadcast_in_dim3A_3424 = vector.broadcast %broadcast_in_dim3A_3423 : i32 to vector<16xi32>
    %gt3A_3425 = arith.cmpf ogt, %get3A_3422, %select_n3A_3416 : vector<16xf32>
    %gt3A_3426 = arith.cmpf ogt, %get3A_3422, %select_n3A_3413 : vector<16xf32>
    %gt3A_3427 = arith.cmpf ogt, %get3A_3422, %select_n3A_3409 : vector<16xf32>
    %select_n3A_3428 = arith.select %gt3A_3426, %select_n3A_3413, %get3A_3422 : vector<16xi1>, vector<16xf32>
    %select_n3A_3429 = arith.select %gt3A_3427, %select_n3A_3428, %select_n3A_3409 : vector<16xi1>, vector<16xf32>
    %select_n3A_3430 = arith.select %gt3A_3426, %select_n3A_3415, %broadcast_in_dim3A_3424 : vector<16xi1>, vector<16xi32>
    %select_n3A_3431 = arith.select %gt3A_3427, %select_n3A_3430, %select_n3A_3411 : vector<16xi1>, vector<16xi32>
    %select_n3A_3432 = arith.select %gt3A_3425, %select_n3A_3416, %get3A_3422 : vector<16xi1>, vector<16xf32>
    %select_n3A_3433 = arith.select %gt3A_3426, %select_n3A_3432, %select_n3A_3413 : vector<16xi1>, vector<16xf32>
    %select_n3A_3434 = arith.select %gt3A_3425, %select_n3A_3417, %broadcast_in_dim3A_3424 : vector<16xi1>, vector<16xi32>
    %select_n3A_3435 = arith.select %gt3A_3426, %select_n3A_3434, %select_n3A_3415 : vector<16xi1>, vector<16xi32>
    %select_n3A_3436 = arith.select %gt3A_3425, %get3A_3422, %select_n3A_3416 : vector<16xi1>, vector<16xf32>
    %select_n3A_3437 = arith.select %gt3A_3425, %broadcast_in_dim3A_3424, %select_n3A_3417 : vector<16xi1>, vector<16xi32>
    %get3A_3438 = arith.constant 11 : i32
    %get3A_3439 = arith.index_cast %get3A_3438 : i32 to index
    %get3A_3440 = arith.constant 48 : index
    %get3A_3441 = tpu.vector_load %arg8[%get3A_3439, %get3A_3440] {strides = array<i32>} : memref<12x128xf32, #tpu.memory_space<vmem>>, vector<1x16xf32>,
    %get3A_3442 = vector.shape_cast %get3A_3441 : vector<1x16xf32> to vector<16xf32>
    %broadcast_in_dim3A_3443 = arith.constant 91 : i32
    %broadcast_in_dim3A_3444 = vector.broadcast %broadcast_in_dim3A_3443 : i32 to vector<16xi32>
    %gt3A_3445 = arith.cmpf ogt, %get3A_3442, %select_n3A_3436 : vector<16xf32>
    %gt3A_3446 = arith.cmpf ogt, %get3A_3442, %select_n3A_3433 : vector<16xf32>
    %gt3A_3447 = arith.cmpf ogt, %get3A_3442, %select_n3A_3429 : vector<16xf32>
    %select_n3A_3448 = arith.select %gt3A_3446, %select_n3A_3433, %get3A_3442 : vector<16xi1>, vector<16xf32>
    %select_n3A_3449 = arith.select %gt3A_3447, %select_n3A_3448, %select_n3A_3429 : vector<16xi1>, vector<16xf32>
    %select_n3A_3450 = arith.select %gt3A_3446, %select_n3A_3435, %broadcast_in_dim3A_3444 : vector<16xi1>, vector<16xi32>
    %select_n3A_3451 = arith.select %gt3A_3447, %select_n3A_3450, %select_n3A_3431 : vector<16xi1>, vector<16xi32>
    %select_n3A_3452 = arith.select %gt3A_3445, %select_n3A_3436, %get3A_3442 : vector<16xi1>, vector<16xf32>
    %select_n3A_3453 = arith.select %gt3A_3446, %select_n3A_3452, %select_n3A_3433 : vector<16xi1>, vector<16xf32>
    %select_n3A_3454 = arith.select %gt3A_3445, %select_n3A_3437, %broadcast_in_dim3A_3444 : vector<16xi1>, vector<16xi32>
    %select_n3A_3455 = arith.select %gt3A_3446, %select_n3A_3454, %select_n3A_3435 : vector<16xi1>, vector<16xi32>
    %select_n3A_3456 = arith.select %gt3A_3445, %get3A_3442, %select_n3A_3436 : vector<16xi1>, vector<16xf32>
    %select_n3A_3457 = arith.select %gt3A_3445, %broadcast_in_dim3A_3444, %select_n3A_3437 : vector<16xi1>, vector<16xi32>
    %get3A_3458 = arith.constant 11 : i32
    %get3A_3459 = arith.index_cast %get3A_3458 : i32 to index
    %get3A_3460 = arith.constant 64 : index
    %get3A_3461 = tpu.vector_load %arg8[%get3A_3459, %get3A_3460] {strides = array<i32>} : memref<12x128xf32, #tpu.memory_space<vmem>>, vector<1x16xf32>,
    %get3A_3462 = vector.shape_cast %get3A_3461 : vector<1x16xf32> to vector<16xf32>
    %broadcast_in_dim3A_3463 = arith.constant 92 : i32
    %broadcast_in_dim3A_3464 = vector.broadcast %broadcast_in_dim3A_3463 : i32 to vector<16xi32>
    %gt3A_3465 = arith.cmpf ogt, %get3A_3462, %select_n3A_3456 : vector<16xf32>
    %gt3A_3466 = arith.cmpf ogt, %get3A_3462, %select_n3A_3453 : vector<16xf32>
    %gt3A_3467 = arith.cmpf ogt, %get3A_3462, %select_n3A_3449 : vector<16xf32>
    %select_n3A_3468 = arith.select %gt3A_3466, %select_n3A_3453, %get3A_3462 : vector<16xi1>, vector<16xf32>
    %select_n3A_3469 = arith.select %gt3A_3467, %select_n3A_3468, %select_n3A_3449 : vector<16xi1>, vector<16xf32>
    %select_n3A_3470 = arith.select %gt3A_3466, %select_n3A_3455, %broadcast_in_dim3A_3464 : vector<16xi1>, vector<16xi32>
    %select_n3A_3471 = arith.select %gt3A_3467, %select_n3A_3470, %select_n3A_3451 : vector<16xi1>, vector<16xi32>
    %select_n3A_3472 = arith.select %gt3A_3465, %select_n3A_3456, %get3A_3462 : vector<16xi1>, vector<16xf32>
    %select_n3A_3473 = arith.select %gt3A_3466, %select_n3A_3472, %select_n3A_3453 : vector<16xi1>, vector<16xf32>
    %select_n3A_3474 = arith.select %gt3A_3465, %select_n3A_3457, %broadcast_in_dim3A_3464 : vector<16xi1>, vector<16xi32>
    %select_n3A_3475 = arith.select %gt3A_3466, %select_n3A_3474, %select_n3A_3455 : vector<16xi1>, vector<16xi32>
    %select_n3A_3476 = arith.select %gt3A_3465, %get3A_3462, %select_n3A_3456 : vector<16xi1>, vector<16xf32>
    %select_n3A_3477 = arith.select %gt3A_3465, %broadcast_in_dim3A_3464, %select_n3A_3457 : vector<16xi1>, vector<16xi32>
    %get3A_3478 = arith.constant 11 : i32
    %get3A_3479 = arith.index_cast %get3A_3478 : i32 to index
    %get3A_3480 = arith.constant 80 : index
    %get3A_3481 = tpu.vector_load %arg8[%get3A_3479, %get3A_3480] {strides = array<i32>} : memref<12x128xf32, #tpu.memory_space<vmem>>, vector<1x16xf32>,
    %get3A_3482 = vector.shape_cast %get3A_3481 : vector<1x16xf32> to vector<16xf32>
    %broadcast_in_dim3A_3483 = arith.constant 93 : i32
    %broadcast_in_dim3A_3484 = vector.broadcast %broadcast_in_dim3A_3483 : i32 to vector<16xi32>
    %gt3A_3485 = arith.cmpf ogt, %get3A_3482, %select_n3A_3476 : vector<16xf32>
    %gt3A_3486 = arith.cmpf ogt, %get3A_3482, %select_n3A_3473 : vector<16xf32>
    %gt3A_3487 = arith.cmpf ogt, %get3A_3482, %select_n3A_3469 : vector<16xf32>
    %select_n3A_3488 = arith.select %gt3A_3486, %select_n3A_3473, %get3A_3482 : vector<16xi1>, vector<16xf32>
    %select_n3A_3489 = arith.select %gt3A_3487, %select_n3A_3488, %select_n3A_3469 : vector<16xi1>, vector<16xf32>
    %select_n3A_3490 = arith.select %gt3A_3486, %select_n3A_3475, %broadcast_in_dim3A_3484 : vector<16xi1>, vector<16xi32>
    %select_n3A_3491 = arith.select %gt3A_3487, %select_n3A_3490, %select_n3A_3471 : vector<16xi1>, vector<16xi32>
    %select_n3A_3492 = arith.select %gt3A_3485, %select_n3A_3476, %get3A_3482 : vector<16xi1>, vector<16xf32>
    %select_n3A_3493 = arith.select %gt3A_3486, %select_n3A_3492, %select_n3A_3473 : vector<16xi1>, vector<16xf32>
    %select_n3A_3494 = arith.select %gt3A_3485, %select_n3A_3477, %broadcast_in_dim3A_3484 : vector<16xi1>, vector<16xi32>
    %select_n3A_3495 = arith.select %gt3A_3486, %select_n3A_3494, %select_n3A_3475 : vector<16xi1>, vector<16xi32>
    %select_n3A_3496 = arith.select %gt3A_3485, %get3A_3482, %select_n3A_3476 : vector<16xi1>, vector<16xf32>
    %select_n3A_3497 = arith.select %gt3A_3485, %broadcast_in_dim3A_3484, %select_n3A_3477 : vector<16xi1>, vector<16xi32>
    %get3A_3498 = arith.constant 11 : i32
    %get3A_3499 = arith.index_cast %get3A_3498 : i32 to index
    %get3A_3500 = arith.constant 96 : index
    %get3A_3501 = tpu.vector_load %arg8[%get3A_3499, %get3A_3500] {strides = array<i32>} : memref<12x128xf32, #tpu.memory_space<vmem>>, vector<1x16xf32>,
    %get3A_3502 = vector.shape_cast %get3A_3501 : vector<1x16xf32> to vector<16xf32>
    %broadcast_in_dim3A_3503 = arith.constant 94 : i32
    %broadcast_in_dim3A_3504 = vector.broadcast %broadcast_in_dim3A_3503 : i32 to vector<16xi32>
    %gt3A_3505 = arith.cmpf ogt, %get3A_3502, %select_n3A_3496 : vector<16xf32>
    %gt3A_3506 = arith.cmpf ogt, %get3A_3502, %select_n3A_3493 : vector<16xf32>
    %gt3A_3507 = arith.cmpf ogt, %get3A_3502, %select_n3A_3489 : vector<16xf32>
    %select_n3A_3508 = arith.select %gt3A_3506, %select_n3A_3493, %get3A_3502 : vector<16xi1>, vector<16xf32>
    %select_n3A_3509 = arith.select %gt3A_3507, %select_n3A_3508, %select_n3A_3489 : vector<16xi1>, vector<16xf32>
    %select_n3A_3510 = arith.select %gt3A_3506, %select_n3A_3495, %broadcast_in_dim3A_3504 : vector<16xi1>, vector<16xi32>
    %select_n3A_3511 = arith.select %gt3A_3507, %select_n3A_3510, %select_n3A_3491 : vector<16xi1>, vector<16xi32>
    %select_n3A_3512 = arith.select %gt3A_3505, %select_n3A_3496, %get3A_3502 : vector<16xi1>, vector<16xf32>
    %select_n3A_3513 = arith.select %gt3A_3506, %select_n3A_3512, %select_n3A_3493 : vector<16xi1>, vector<16xf32>
    %select_n3A_3514 = arith.select %gt3A_3505, %select_n3A_3497, %broadcast_in_dim3A_3504 : vector<16xi1>, vector<16xi32>
    %select_n3A_3515 = arith.select %gt3A_3506, %select_n3A_3514, %select_n3A_3495 : vector<16xi1>, vector<16xi32>
    %select_n3A_3516 = arith.select %gt3A_3505, %get3A_3502, %select_n3A_3496 : vector<16xi1>, vector<16xf32>
    %select_n3A_3517 = arith.select %gt3A_3505, %broadcast_in_dim3A_3504, %select_n3A_3497 : vector<16xi1>, vector<16xi32>
    %get3A_3518 = arith.constant 11 : i32
    %get3A_3519 = arith.index_cast %get3A_3518 : i32 to index
    %get3A_3520 = arith.constant 112 : index
    %get3A_3521 = tpu.vector_load %arg8[%get3A_3519, %get3A_3520] {strides = array<i32>} : memref<12x128xf32, #tpu.memory_space<vmem>>, vector<1x16xf32>,
    %get3A_3522 = vector.shape_cast %get3A_3521 : vector<1x16xf32> to vector<16xf32>
    %broadcast_in_dim3A_3523 = arith.constant 95 : i32
    %broadcast_in_dim3A_3524 = vector.broadcast %broadcast_in_dim3A_3523 : i32 to vector<16xi32>
    %gt3A_3525 = arith.cmpf ogt, %get3A_3522, %select_n3A_3516 : vector<16xf32>
    %gt3A_3526 = arith.cmpf ogt, %get3A_3522, %select_n3A_3513 : vector<16xf32>
    %gt3A_3527 = arith.cmpf ogt, %get3A_3522, %select_n3A_3509 : vector<16xf32>
    %select_n3A_3528 = arith.select %gt3A_3526, %select_n3A_3513, %get3A_3522 : vector<16xi1>, vector<16xf32>
    %select_n3A_3529 = arith.select %gt3A_3527, %select_n3A_3528, %select_n3A_3509 : vector<16xi1>, vector<16xf32>
    %select_n3A_3530 = arith.select %gt3A_3526, %select_n3A_3515, %broadcast_in_dim3A_3524 : vector<16xi1>, vector<16xi32>
    %select_n3A_3531 = arith.select %gt3A_3527, %select_n3A_3530, %select_n3A_3511 : vector<16xi1>, vector<16xi32>
    %select_n3A_3532 = arith.select %gt3A_3525, %select_n3A_3516, %get3A_3522 : vector<16xi1>, vector<16xf32>
    %select_n3A_3533 = arith.select %gt3A_3526, %select_n3A_3532, %select_n3A_3513 : vector<16xi1>, vector<16xf32>
    %select_n3A_3534 = arith.select %gt3A_3525, %select_n3A_3517, %broadcast_in_dim3A_3524 : vector<16xi1>, vector<16xi32>
    %select_n3A_3535 = arith.select %gt3A_3526, %select_n3A_3534, %select_n3A_3515 : vector<16xi1>, vector<16xi32>
    %select_n3A_3536 = arith.select %gt3A_3525, %get3A_3522, %select_n3A_3516 : vector<16xi1>, vector<16xf32>
    %select_n3A_3537 = arith.select %gt3A_3525, %broadcast_in_dim3A_3524, %select_n3A_3517 : vector<16xi1>, vector<16xi32>
    %swap3A_3538 = arith.constant 0 : i32
    %swap3A_3539 = arith.index_cast %swap3A_3538 : i32 to index
    %swap3A_3540 = arith.constant 0 : index
    %swap3A_3541 = tpu.vector_load %arg9[%swap3A_3539, %swap3A_3540] {strides = array<i32>} : memref<3x16xf32, #tpu.memory_space<vmem>>, vector<1x16xf32>,
    %swap3A_3542 = vector.shape_cast %swap3A_3541 : vector<1x16xf32> to vector<16xf32>
    %swap3A_3543 = vector.shape_cast %select_n3A_3536 : vector<16xf32> to vector<1x16xf32>
    tpu.vector_store %arg9[%swap3A_3539, %swap3A_3540], %swap3A_3543 {strides = array<i32>} : memref<3x16xf32, #tpu.memory_space<vmem>>, vector<1x16xf32>,
    %swap3A_3544 = arith.constant 1 : i32
    %swap3A_3545 = arith.index_cast %swap3A_3544 : i32 to index
    %swap3A_3546 = arith.constant 0 : index
    %swap3A_3547 = tpu.vector_load %arg9[%swap3A_3545, %swap3A_3546] {strides = array<i32>} : memref<3x16xf32, #tpu.memory_space<vmem>>, vector<1x16xf32>,
    %swap3A_3548 = vector.shape_cast %swap3A_3547 : vector<1x16xf32> to vector<16xf32>
    %swap3A_3549 = vector.shape_cast %select_n3A_3533 : vector<16xf32> to vector<1x16xf32>
    tpu.vector_store %arg9[%swap3A_3545, %swap3A_3546], %swap3A_3549 {strides = array<i32>} : memref<3x16xf32, #tpu.memory_space<vmem>>, vector<1x16xf32>,
    %swap3A_3550 = arith.constant 2 : i32
    %swap3A_3551 = arith.index_cast %swap3A_3550 : i32 to index
    %swap3A_3552 = arith.constant 0 : index
    %swap3A_3553 = tpu.vector_load %arg9[%swap3A_3551, %swap3A_3552] {strides = array<i32>} : memref<3x16xf32, #tpu.memory_space<vmem>>, vector<1x16xf32>,
    %swap3A_3554 = vector.shape_cast %swap3A_3553 : vector<1x16xf32> to vector<16xf32>
    %swap3A_3555 = vector.shape_cast %select_n3A_3529 : vector<16xf32> to vector<1x16xf32>
    tpu.vector_store %arg9[%swap3A_3551, %swap3A_3552], %swap3A_3555 {strides = array<i32>} : memref<3x16xf32, #tpu.memory_space<vmem>>, vector<1x16xf32>,
    %convert_element_type3A = arith.sitofp %select_n3A_3537 : vector<16xi32> to vector<16xf32>
    %swap3A_3556 = arith.constant 0 : i32
    %swap3A_3557 = arith.index_cast %swap3A_3556 : i32 to index
    %swap3A_3558 = arith.constant 0 : index
    %swap3A_3559 = tpu.vector_load %arg10[%swap3A_3557, %swap3A_3558] {strides = array<i32>} : memref<3x16xf32, #tpu.memory_space<vmem>>, vector<1x16xf32>,
    %swap3A_3560 = vector.shape_cast %swap3A_3559 : vector<1x16xf32> to vector<16xf32>
    %swap3A_3561 = vector.shape_cast %convert_element_type3A : vector<16xf32> to vector<1x16xf32>
    tpu.vector_store %arg10[%swap3A_3557, %swap3A_3558], %swap3A_3561 {strides = array<i32>} : memref<3x16xf32, #tpu.memory_space<vmem>>, vector<1x16xf32>,
    %convert_element_type3A_3562 = arith.sitofp %select_n3A_3535 : vector<16xi32> to vector<16xf32>
    %swap3A_3563 = arith.constant 1 : i32
    %swap3A_3564 = arith.index_cast %swap3A_3563 : i32 to index
    %swap3A_3565 = arith.constant 0 : index
    %swap3A_3566 = tpu.vector_load %arg10[%swap3A_3564, %swap3A_3565] {strides = array<i32>} : memref<3x16xf32, #tpu.memory_space<vmem>>, vector<1x16xf32>,
    %swap3A_3567 = vector.shape_cast %swap3A_3566 : vector<1x16xf32> to vector<16xf32>
    %swap3A_3568 = vector.shape_cast %convert_element_type3A_3562 : vector<16xf32> to vector<1x16xf32>
    tpu.vector_store %arg10[%swap3A_3564, %swap3A_3565], %swap3A_3568 {strides = array<i32>} : memref<3x16xf32, #tpu.memory_space<vmem>>, vector<1x16xf32>,
    %convert_element_type3A_3569 = arith.sitofp %select_n3A_3531 : vector<16xi32> to vector<16xf32>
    %swap3A_3570 = arith.constant 2 : i32
    %swap3A_3571 = arith.index_cast %swap3A_3570 : i32 to index
    %swap3A_3572 = arith.constant 0 : index
    %swap3A_3573 = tpu.vector_load %arg10[%swap3A_3571, %swap3A_3572] {strides = array<i32>} : memref<3x16xf32, #tpu.memory_space<vmem>>, vector<1x16xf32>,
    %swap3A_3574 = vector.shape_cast %swap3A_3573 : vector<1x16xf32> to vector<16xf32>
    %swap3A_3575 = vector.shape_cast %convert_element_type3A_3569 : vector<16xf32> to vector<1x16xf32>
    tpu.vector_store %arg10[%swap3A_3571, %swap3A_3572], %swap3A_3575 {strides = array<i32>} : memref<3x16xf32, #tpu.memory_space<vmem>>, vector<1x16xf32>,
    %mul3A_3576 = arith.constant 16 : i32
    %mul3A_3577 = arith.muli %select_n3A_30, %mul3A_3576 : i32
    %run_scoped3A = arith.constant 0 : i32
    %run_scoped3A_3578 = arith.constant 0 : i32
    "tpu.region"() ({
      %run_scoped3A_3599 = tpu.sem_alloc : memref<!tpu.dma_semaphore, #tpu.memory_space<semaphore_mem>>
      %dma_start3A_3600 = arith.constant 0 : i32
      %dma_start3A_3601 = tpu.memref_slice %arg9[%run_scoped3A, %dma_start3A_3600] : memref<3x16xf32, #tpu.memory_space<vmem>> -> memref<1x16xf32, #tpu.memory_space<vmem>>
      %dma_start3A_3602 = tpu.memref_squeeze %dma_start3A_3601 : memref<1x16xf32, #tpu.memory_space<vmem>> -> memref<16xf32, #tpu.memory_space<vmem>>
      %dma_start3A_3603 = tpu.memref_slice %arg4[%select_n3A, %run_scoped3A_3578, %mul3A_3577] : memref<4x3x128xf32, #tpu.memory_space<hbm>> -> memref<1x1x16xf32, #tpu.memory_space<hbm>>
      %dma_start3A_3604 = tpu.memref_squeeze %dma_start3A_3603 : memref<1x1x16xf32, #tpu.memory_space<hbm>> -> memref<16xf32, #tpu.memory_space<hbm>>
      %dma_start3A_3605 = tpu.memref_slice %arg4[%select_n3A, %run_scoped3A_3578, %mul3A_3577] : memref<4x3x128xf32, #tpu.memory_space<hbm>> -> memref<1x1x16xf32, #tpu.memory_space<hbm>>
      %dma_start3A_3606 = tpu.memref_squeeze %dma_start3A_3605 : memref<1x1x16xf32, #tpu.memory_space<hbm>> -> memref<16xf32, #tpu.memory_space<hbm>>
      %dma_start3A_3607 = arith.constant 0 : i32
      %dma_start3A_3608 = tpu.memref_slice %arg9[%run_scoped3A, %dma_start3A_3607] : memref<3x16xf32, #tpu.memory_space<vmem>> -> memref<1x16xf32, #tpu.memory_space<vmem>>
      %dma_start3A_3609 = tpu.memref_squeeze %dma_start3A_3608 : memref<1x16xf32, #tpu.memory_space<vmem>> -> memref<16xf32, #tpu.memory_space<vmem>>
      tpu.enqueue_dma source(%dma_start3A_3609 : memref<16xf32, #tpu.memory_space<vmem>>) target(%dma_start3A_3606 : memref<16xf32, #tpu.memory_space<hbm>>) target_semaphore(%run_scoped3A_3599 : memref<!tpu.dma_semaphore, #tpu.memory_space<semaphore_mem>>)
      %dma_wait3A_3610 = arith.constant 0 : i32
      %dma_wait3A_3611 = tpu.memref_slice %arg9[%run_scoped3A, %dma_wait3A_3610] : memref<3x16xf32, #tpu.memory_space<vmem>> -> memref<1x16xf32, #tpu.memory_space<vmem>>
      %dma_wait3A_3612 = tpu.memref_squeeze %dma_wait3A_3611 : memref<1x16xf32, #tpu.memory_space<vmem>> -> memref<16xf32, #tpu.memory_space<vmem>>
      %dma_wait3A_3613 = tpu.memref_slice %arg4[%select_n3A, %run_scoped3A_3578, %mul3A_3577] : memref<4x3x128xf32, #tpu.memory_space<hbm>> -> memref<1x1x16xf32, #tpu.memory_space<hbm>>
      %dma_wait3A_3614 = tpu.memref_squeeze %dma_wait3A_3613 : memref<1x1x16xf32, #tpu.memory_space<hbm>> -> memref<16xf32, #tpu.memory_space<hbm>>
      %dma_wait3A_3615 = tpu.memref_slice %arg4[%select_n3A, %run_scoped3A_3578, %mul3A_3577] : memref<4x3x128xf32, #tpu.memory_space<hbm>> -> memref<1x1x16xf32, #tpu.memory_space<hbm>>
      %dma_wait3A_3616 = tpu.memref_squeeze %dma_wait3A_3615 : memref<1x1x16xf32, #tpu.memory_space<hbm>> -> memref<16xf32, #tpu.memory_space<hbm>>
      %dma_wait3A_3617 = arith.constant 0 : i32
      %dma_wait3A_3618 = tpu.memref_slice %arg9[%run_scoped3A, %dma_wait3A_3617] : memref<3x16xf32, #tpu.memory_space<vmem>> -> memref<1x16xf32, #tpu.memory_space<vmem>>
      %dma_wait3A_3619 = tpu.memref_squeeze %dma_wait3A_3618 : memref<1x16xf32, #tpu.memory_space<vmem>> -> memref<16xf32, #tpu.memory_space<vmem>>
      tpu.wait_dma2 semaphore(%run_scoped3A_3599 : memref<!tpu.dma_semaphore, #tpu.memory_space<semaphore_mem>>) src(%dma_wait3A_3619 : memref<16xf32, #tpu.memory_space<vmem>>) dst(%dma_wait3A_3616 : memref<16xf32, #tpu.memory_space<hbm>>)
      tpu.yield
    }) : () -> ()
    %mul3A_3579 = arith.constant 16 : i32
    %mul3A_3580 = arith.muli %select_n3A_30, %mul3A_3579 : i32
    %run_scoped3A_3581 = arith.constant 0 : i32
    %run_scoped3A_3582 = arith.constant 0 : i32
    "tpu.region"() ({
      %run_scoped3A_3599 = tpu.sem_alloc : memref<!tpu.dma_semaphore, #tpu.memory_space<semaphore_mem>>
      %dma_start3A_3600 = arith.constant 0 : i32
      %dma_start3A_3601 = tpu.memref_slice %arg10[%run_scoped3A_3581, %dma_start3A_3600] : memref<3x16xf32, #tpu.memory_space<vmem>> -> memref<1x16xf32, #tpu.memory_space<vmem>>
      %dma_start3A_3602 = tpu.memref_squeeze %dma_start3A_3601 : memref<1x16xf32, #tpu.memory_space<vmem>> -> memref<16xf32, #tpu.memory_space<vmem>>
      %dma_start3A_3603 = tpu.memref_slice %arg5[%select_n3A, %run_scoped3A_3582, %mul3A_3580] : memref<4x3x128xf32, #tpu.memory_space<hbm>> -> memref<1x1x16xf32, #tpu.memory_space<hbm>>
      %dma_start3A_3604 = tpu.memref_squeeze %dma_start3A_3603 : memref<1x1x16xf32, #tpu.memory_space<hbm>> -> memref<16xf32, #tpu.memory_space<hbm>>
      %dma_start3A_3605 = tpu.memref_slice %arg5[%select_n3A, %run_scoped3A_3582, %mul3A_3580] : memref<4x3x128xf32, #tpu.memory_space<hbm>> -> memref<1x1x16xf32, #tpu.memory_space<hbm>>
      %dma_start3A_3606 = tpu.memref_squeeze %dma_start3A_3605 : memref<1x1x16xf32, #tpu.memory_space<hbm>> -> memref<16xf32, #tpu.memory_space<hbm>>
      %dma_start3A_3607 = arith.constant 0 : i32
      %dma_start3A_3608 = tpu.memref_slice %arg10[%run_scoped3A_3581, %dma_start3A_3607] : memref<3x16xf32, #tpu.memory_space<vmem>> -> memref<1x16xf32, #tpu.memory_space<vmem>>
      %dma_start3A_3609 = tpu.memref_squeeze %dma_start3A_3608 : memref<1x16xf32, #tpu.memory_space<vmem>> -> memref<16xf32, #tpu.memory_space<vmem>>
      tpu.enqueue_dma source(%dma_start3A_3609 : memref<16xf32, #tpu.memory_space<vmem>>) target(%dma_start3A_3606 : memref<16xf32, #tpu.memory_space<hbm>>) target_semaphore(%run_scoped3A_3599 : memref<!tpu.dma_semaphore, #tpu.memory_space<semaphore_mem>>)
      %dma_wait3A_3610 = arith.constant 0 : i32
      %dma_wait3A_3611 = tpu.memref_slice %arg10[%run_scoped3A_3581, %dma_wait3A_3610] : memref<3x16xf32, #tpu.memory_space<vmem>> -> memref<1x16xf32, #tpu.memory_space<vmem>>
      %dma_wait3A_3612 = tpu.memref_squeeze %dma_wait3A_3611 : memref<1x16xf32, #tpu.memory_space<vmem>> -> memref<16xf32, #tpu.memory_space<vmem>>
      %dma_wait3A_3613 = tpu.memref_slice %arg5[%select_n3A, %run_scoped3A_3582, %mul3A_3580] : memref<4x3x128xf32, #tpu.memory_space<hbm>> -> memref<1x1x16xf32, #tpu.memory_space<hbm>>
      %dma_wait3A_3614 = tpu.memref_squeeze %dma_wait3A_3613 : memref<1x1x16xf32, #tpu.memory_space<hbm>> -> memref<16xf32, #tpu.memory_space<hbm>>
      %dma_wait3A_3615 = tpu.memref_slice %arg5[%select_n3A, %run_scoped3A_3582, %mul3A_3580] : memref<4x3x128xf32, #tpu.memory_space<hbm>> -> memref<1x1x16xf32, #tpu.memory_space<hbm>>
      %dma_wait3A_3616 = tpu.memref_squeeze %dma_wait3A_3615 : memref<1x1x16xf32, #tpu.memory_space<hbm>> -> memref<16xf32, #tpu.memory_space<hbm>>
      %dma_wait3A_3617 = arith.constant 0 : i32
      %dma_wait3A_3618 = tpu.memref_slice %arg10[%run_scoped3A_3581, %dma_wait3A_3617] : memref<3x16xf32, #tpu.memory_space<vmem>> -> memref<1x16xf32, #tpu.memory_space<vmem>>
      %dma_wait3A_3619 = tpu.memref_squeeze %dma_wait3A_3618 : memref<1x16xf32, #tpu.memory_space<vmem>> -> memref<16xf32, #tpu.memory_space<vmem>>
      tpu.wait_dma2 semaphore(%run_scoped3A_3599 : memref<!tpu.dma_semaphore, #tpu.memory_space<semaphore_mem>>) src(%dma_wait3A_3619 : memref<16xf32, #tpu.memory_space<vmem>>) dst(%dma_wait3A_3616 : memref<16xf32, #tpu.memory_space<hbm>>)
      tpu.yield
    }) : () -> ()
    %mul3A_3583 = arith.constant 16 : i32
    %mul3A_3584 = arith.muli %select_n3A_30, %mul3A_3583 : i32
    %run_scoped3A_3585 = arith.constant 1 : i32
    %run_scoped3A_3586 = arith.constant 1 : i32
    "tpu.region"() ({
      %run_scoped3A_3599 = tpu.sem_alloc : memref<!tpu.dma_semaphore, #tpu.memory_space<semaphore_mem>>
      %dma_start3A_3600 = arith.constant 0 : i32
      %dma_start3A_3601 = tpu.memref_slice %arg9[%run_scoped3A_3585, %dma_start3A_3600] : memref<3x16xf32, #tpu.memory_space<vmem>> -> memref<1x16xf32, #tpu.memory_space<vmem>>
      %dma_start3A_3602 = tpu.memref_squeeze %dma_start3A_3601 : memref<1x16xf32, #tpu.memory_space<vmem>> -> memref<16xf32, #tpu.memory_space<vmem>>
      %dma_start3A_3603 = tpu.memref_slice %arg4[%select_n3A, %run_scoped3A_3586, %mul3A_3584] : memref<4x3x128xf32, #tpu.memory_space<hbm>> -> memref<1x1x16xf32, #tpu.memory_space<hbm>>
      %dma_start3A_3604 = tpu.memref_squeeze %dma_start3A_3603 : memref<1x1x16xf32, #tpu.memory_space<hbm>> -> memref<16xf32, #tpu.memory_space<hbm>>
      %dma_start3A_3605 = tpu.memref_slice %arg4[%select_n3A, %run_scoped3A_3586, %mul3A_3584] : memref<4x3x128xf32, #tpu.memory_space<hbm>> -> memref<1x1x16xf32, #tpu.memory_space<hbm>>
      %dma_start3A_3606 = tpu.memref_squeeze %dma_start3A_3605 : memref<1x1x16xf32, #tpu.memory_space<hbm>> -> memref<16xf32, #tpu.memory_space<hbm>>
      %dma_start3A_3607 = arith.constant 0 : i32
      %dma_start3A_3608 = tpu.memref_slice %arg9[%run_scoped3A_3585, %dma_start3A_3607] : memref<3x16xf32, #tpu.memory_space<vmem>> -> memref<1x16xf32, #tpu.memory_space<vmem>>
      %dma_start3A_3609 = tpu.memref_squeeze %dma_start3A_3608 : memref<1x16xf32, #tpu.memory_space<vmem>> -> memref<16xf32, #tpu.memory_space<vmem>>
      tpu.enqueue_dma source(%dma_start3A_3609 : memref<16xf32, #tpu.memory_space<vmem>>) target(%dma_start3A_3606 : memref<16xf32, #tpu.memory_space<hbm>>) target_semaphore(%run_scoped3A_3599 : memref<!tpu.dma_semaphore, #tpu.memory_space<semaphore_mem>>)
      %dma_wait3A_3610 = arith.constant 0 : i32
      %dma_wait3A_3611 = tpu.memref_slice %arg9[%run_scoped3A_3585, %dma_wait3A_3610] : memref<3x16xf32, #tpu.memory_space<vmem>> -> memref<1x16xf32, #tpu.memory_space<vmem>>
      %dma_wait3A_3612 = tpu.memref_squeeze %dma_wait3A_3611 : memref<1x16xf32, #tpu.memory_space<vmem>> -> memref<16xf32, #tpu.memory_space<vmem>>
      %dma_wait3A_3613 = tpu.memref_slice %arg4[%select_n3A, %run_scoped3A_3586, %mul3A_3584] : memref<4x3x128xf32, #tpu.memory_space<hbm>> -> memref<1x1x16xf32, #tpu.memory_space<hbm>>
      %dma_wait3A_3614 = tpu.memref_squeeze %dma_wait3A_3613 : memref<1x1x16xf32, #tpu.memory_space<hbm>> -> memref<16xf32, #tpu.memory_space<hbm>>
      %dma_wait3A_3615 = tpu.memref_slice %arg4[%select_n3A, %run_scoped3A_3586, %mul3A_3584] : memref<4x3x128xf32, #tpu.memory_space<hbm>> -> memref<1x1x16xf32, #tpu.memory_space<hbm>>
      %dma_wait3A_3616 = tpu.memref_squeeze %dma_wait3A_3615 : memref<1x1x16xf32, #tpu.memory_space<hbm>> -> memref<16xf32, #tpu.memory_space<hbm>>
      %dma_wait3A_3617 = arith.constant 0 : i32
      %dma_wait3A_3618 = tpu.memref_slice %arg9[%run_scoped3A_3585, %dma_wait3A_3617] : memref<3x16xf32, #tpu.memory_space<vmem>> -> memref<1x16xf32, #tpu.memory_space<vmem>>
      %dma_wait3A_3619 = tpu.memref_squeeze %dma_wait3A_3618 : memref<1x16xf32, #tpu.memory_space<vmem>> -> memref<16xf32, #tpu.memory_space<vmem>>
      tpu.wait_dma2 semaphore(%run_scoped3A_3599 : memref<!tpu.dma_semaphore, #tpu.memory_space<semaphore_mem>>) src(%dma_wait3A_3619 : memref<16xf32, #tpu.memory_space<vmem>>) dst(%dma_wait3A_3616 : memref<16xf32, #tpu.memory_space<hbm>>)
      tpu.yield
    }) : () -> ()
    %mul3A_3587 = arith.constant 16 : i32
    %mul3A_3588 = arith.muli %select_n3A_30, %mul3A_3587 : i32
    %run_scoped3A_3589 = arith.constant 1 : i32
    %run_scoped3A_3590 = arith.constant 1 : i32
    "tpu.region"() ({
      %run_scoped3A_3599 = tpu.sem_alloc : memref<!tpu.dma_semaphore, #tpu.memory_space<semaphore_mem>>
      %dma_start3A_3600 = arith.constant 0 : i32
      %dma_start3A_3601 = tpu.memref_slice %arg10[%run_scoped3A_3589, %dma_start3A_3600] : memref<3x16xf32, #tpu.memory_space<vmem>> -> memref<1x16xf32, #tpu.memory_space<vmem>>
      %dma_start3A_3602 = tpu.memref_squeeze %dma_start3A_3601 : memref<1x16xf32, #tpu.memory_space<vmem>> -> memref<16xf32, #tpu.memory_space<vmem>>
      %dma_start3A_3603 = tpu.memref_slice %arg5[%select_n3A, %run_scoped3A_3590, %mul3A_3588] : memref<4x3x128xf32, #tpu.memory_space<hbm>> -> memref<1x1x16xf32, #tpu.memory_space<hbm>>
      %dma_start3A_3604 = tpu.memref_squeeze %dma_start3A_3603 : memref<1x1x16xf32, #tpu.memory_space<hbm>> -> memref<16xf32, #tpu.memory_space<hbm>>
      %dma_start3A_3605 = tpu.memref_slice %arg5[%select_n3A, %run_scoped3A_3590, %mul3A_3588] : memref<4x3x128xf32, #tpu.memory_space<hbm>> -> memref<1x1x16xf32, #tpu.memory_space<hbm>>
      %dma_start3A_3606 = tpu.memref_squeeze %dma_start3A_3605 : memref<1x1x16xf32, #tpu.memory_space<hbm>> -> memref<16xf32, #tpu.memory_space<hbm>>
      %dma_start3A_3607 = arith.constant 0 : i32
      %dma_start3A_3608 = tpu.memref_slice %arg10[%run_scoped3A_3589, %dma_start3A_3607] : memref<3x16xf32, #tpu.memory_space<vmem>> -> memref<1x16xf32, #tpu.memory_space<vmem>>
      %dma_start3A_3609 = tpu.memref_squeeze %dma_start3A_3608 : memref<1x16xf32, #tpu.memory_space<vmem>> -> memref<16xf32, #tpu.memory_space<vmem>>
      tpu.enqueue_dma source(%dma_start3A_3609 : memref<16xf32, #tpu.memory_space<vmem>>) target(%dma_start3A_3606 : memref<16xf32, #tpu.memory_space<hbm>>) target_semaphore(%run_scoped3A_3599 : memref<!tpu.dma_semaphore, #tpu.memory_space<semaphore_mem>>)
      %dma_wait3A_3610 = arith.constant 0 : i32
      %dma_wait3A_3611 = tpu.memref_slice %arg10[%run_scoped3A_3589, %dma_wait3A_3610] : memref<3x16xf32, #tpu.memory_space<vmem>> -> memref<1x16xf32, #tpu.memory_space<vmem>>
      %dma_wait3A_3612 = tpu.memref_squeeze %dma_wait3A_3611 : memref<1x16xf32, #tpu.memory_space<vmem>> -> memref<16xf32, #tpu.memory_space<vmem>>
      %dma_wait3A_3613 = tpu.memref_slice %arg5[%select_n3A, %run_scoped3A_3590, %mul3A_3588] : memref<4x3x128xf32, #tpu.memory_space<hbm>> -> memref<1x1x16xf32, #tpu.memory_space<hbm>>
      %dma_wait3A_3614 = tpu.memref_squeeze %dma_wait3A_3613 : memref<1x1x16xf32, #tpu.memory_space<hbm>> -> memref<16xf32, #tpu.memory_space<hbm>>
      %dma_wait3A_3615 = tpu.memref_slice %arg5[%select_n3A, %run_scoped3A_3590, %mul3A_3588] : memref<4x3x128xf32, #tpu.memory_space<hbm>> -> memref<1x1x16xf32, #tpu.memory_space<hbm>>
      %dma_wait3A_3616 = tpu.memref_squeeze %dma_wait3A_3615 : memref<1x1x16xf32, #tpu.memory_space<hbm>> -> memref<16xf32, #tpu.memory_space<hbm>>
      %dma_wait3A_3617 = arith.constant 0 : i32
      %dma_wait3A_3618 = tpu.memref_slice %arg10[%run_scoped3A_3589, %dma_wait3A_3617] : memref<3x16xf32, #tpu.memory_space<vmem>> -> memref<1x16xf32, #tpu.memory_space<vmem>>
      %dma_wait3A_3619 = tpu.memref_squeeze %dma_wait3A_3618 : memref<1x16xf32, #tpu.memory_space<vmem>> -> memref<16xf32, #tpu.memory_space<vmem>>
      tpu.wait_dma2 semaphore(%run_scoped3A_3599 : memref<!tpu.dma_semaphore, #tpu.memory_space<semaphore_mem>>) src(%dma_wait3A_3619 : memref<16xf32, #tpu.memory_space<vmem>>) dst(%dma_wait3A_3616 : memref<16xf32, #tpu.memory_space<hbm>>)
      tpu.yield
    }) : () -> ()
    %mul3A_3591 = arith.constant 16 : i32
    %mul3A_3592 = arith.muli %select_n3A_30, %mul3A_3591 : i32
    %run_scoped3A_3593 = arith.constant 2 : i32
    %run_scoped3A_3594 = arith.constant 2 : i32
    "tpu.region"() ({
      %run_scoped3A_3599 = tpu.sem_alloc : memref<!tpu.dma_semaphore, #tpu.memory_space<semaphore_mem>>
      %dma_start3A_3600 = arith.constant 0 : i32
      %dma_start3A_3601 = tpu.memref_slice %arg9[%run_scoped3A_3593, %dma_start3A_3600] : memref<3x16xf32, #tpu.memory_space<vmem>> -> memref<1x16xf32, #tpu.memory_space<vmem>>
      %dma_start3A_3602 = tpu.memref_squeeze %dma_start3A_3601 : memref<1x16xf32, #tpu.memory_space<vmem>> -> memref<16xf32, #tpu.memory_space<vmem>>
      %dma_start3A_3603 = tpu.memref_slice %arg4[%select_n3A, %run_scoped3A_3594, %mul3A_3592] : memref<4x3x128xf32, #tpu.memory_space<hbm>> -> memref<1x1x16xf32, #tpu.memory_space<hbm>>
      %dma_start3A_3604 = tpu.memref_squeeze %dma_start3A_3603 : memref<1x1x16xf32, #tpu.memory_space<hbm>> -> memref<16xf32, #tpu.memory_space<hbm>>
      %dma_start3A_3605 = tpu.memref_slice %arg4[%select_n3A, %run_scoped3A_3594, %mul3A_3592] : memref<4x3x128xf32, #tpu.memory_space<hbm>> -> memref<1x1x16xf32, #tpu.memory_space<hbm>>
      %dma_start3A_3606 = tpu.memref_squeeze %dma_start3A_3605 : memref<1x1x16xf32, #tpu.memory_space<hbm>> -> memref<16xf32, #tpu.memory_space<hbm>>
      %dma_start3A_3607 = arith.constant 0 : i32
      %dma_start3A_3608 = tpu.memref_slice %arg9[%run_scoped3A_3593, %dma_start3A_3607] : memref<3x16xf32, #tpu.memory_space<vmem>> -> memref<1x16xf32, #tpu.memory_space<vmem>>
      %dma_start3A_3609 = tpu.memref_squeeze %dma_start3A_3608 : memref<1x16xf32, #tpu.memory_space<vmem>> -> memref<16xf32, #tpu.memory_space<vmem>>
      tpu.enqueue_dma source(%dma_start3A_3609 : memref<16xf32, #tpu.memory_space<vmem>>) target(%dma_start3A_3606 : memref<16xf32, #tpu.memory_space<hbm>>) target_semaphore(%run_scoped3A_3599 : memref<!tpu.dma_semaphore, #tpu.memory_space<semaphore_mem>>)
      %dma_wait3A_3610 = arith.constant 0 : i32
      %dma_wait3A_3611 = tpu.memref_slice %arg9[%run_scoped3A_3593, %dma_wait3A_3610] : memref<3x16xf32, #tpu.memory_space<vmem>> -> memref<1x16xf32, #tpu.memory_space<vmem>>
      %dma_wait3A_3612 = tpu.memref_squeeze %dma_wait3A_3611 : memref<1x16xf32, #tpu.memory_space<vmem>> -> memref<16xf32, #tpu.memory_space<vmem>>
      %dma_wait3A_3613 = tpu.memref_slice %arg4[%select_n3A, %run_scoped3A_3594, %mul3A_3592] : memref<4x3x128xf32, #tpu.memory_space<hbm>> -> memref<1x1x16xf32, #tpu.memory_space<hbm>>
      %dma_wait3A_3614 = tpu.memref_squeeze %dma_wait3A_3613 : memref<1x1x16xf32, #tpu.memory_space<hbm>> -> memref<16xf32, #tpu.memory_space<hbm>>
      %dma_wait3A_3615 = tpu.memref_slice %arg4[%select_n3A, %run_scoped3A_3594, %mul3A_3592] : memref<4x3x128xf32, #tpu.memory_space<hbm>> -> memref<1x1x16xf32, #tpu.memory_space<hbm>>
      %dma_wait3A_3616 = tpu.memref_squeeze %dma_wait3A_3615 : memref<1x1x16xf32, #tpu.memory_space<hbm>> -> memref<16xf32, #tpu.memory_space<hbm>>
      %dma_wait3A_3617 = arith.constant 0 : i32
      %dma_wait3A_3618 = tpu.memref_slice %arg9[%run_scoped3A_3593, %dma_wait3A_3617] : memref<3x16xf32, #tpu.memory_space<vmem>> -> memref<1x16xf32, #tpu.memory_space<vmem>>
      %dma_wait3A_3619 = tpu.memref_squeeze %dma_wait3A_3618 : memref<1x16xf32, #tpu.memory_space<vmem>> -> memref<16xf32, #tpu.memory_space<vmem>>
      tpu.wait_dma2 semaphore(%run_scoped3A_3599 : memref<!tpu.dma_semaphore, #tpu.memory_space<semaphore_mem>>) src(%dma_wait3A_3619 : memref<16xf32, #tpu.memory_space<vmem>>) dst(%dma_wait3A_3616 : memref<16xf32, #tpu.memory_space<hbm>>)
      tpu.yield
    }) : () -> ()
    %mul3A_3595 = arith.constant 16 : i32
    %mul3A_3596 = arith.muli %select_n3A_30, %mul3A_3595 : i32
    %run_scoped3A_3597 = arith.constant 2 : i32
    %run_scoped3A_3598 = arith.constant 2 : i32
    "tpu.region"() ({
      %run_scoped3A_3599 = tpu.sem_alloc : memref<!tpu.dma_semaphore, #tpu.memory_space<semaphore_mem>>
      %dma_start3A_3600 = arith.constant 0 : i32
      %dma_start3A_3601 = tpu.memref_slice %arg10[%run_scoped3A_3597, %dma_start3A_3600] : memref<3x16xf32, #tpu.memory_space<vmem>> -> memref<1x16xf32, #tpu.memory_space<vmem>>
      %dma_start3A_3602 = tpu.memref_squeeze %dma_start3A_3601 : memref<1x16xf32, #tpu.memory_space<vmem>> -> memref<16xf32, #tpu.memory_space<vmem>>
      %dma_start3A_3603 = tpu.memref_slice %arg5[%select_n3A, %run_scoped3A_3598, %mul3A_3596] : memref<4x3x128xf32, #tpu.memory_space<hbm>> -> memref<1x1x16xf32, #tpu.memory_space<hbm>>
      %dma_start3A_3604 = tpu.memref_squeeze %dma_start3A_3603 : memref<1x1x16xf32, #tpu.memory_space<hbm>> -> memref<16xf32, #tpu.memory_space<hbm>>
      %dma_start3A_3605 = tpu.memref_slice %arg5[%select_n3A, %run_scoped3A_3598, %mul3A_3596] : memref<4x3x128xf32, #tpu.memory_space<hbm>> -> memref<1x1x16xf32, #tpu.memory_space<hbm>>
      %dma_start3A_3606 = tpu.memref_squeeze %dma_start3A_3605 : memref<1x1x16xf32, #tpu.memory_space<hbm>> -> memref<16xf32, #tpu.memory_space<hbm>>
      %dma_start3A_3607 = arith.constant 0 : i32
      %dma_start3A_3608 = tpu.memref_slice %arg10[%run_scoped3A_3597, %dma_start3A_3607] : memref<3x16xf32, #tpu.memory_space<vmem>> -> memref<1x16xf32, #tpu.memory_space<vmem>>
      %dma_start3A_3609 = tpu.memref_squeeze %dma_start3A_3608 : memref<1x16xf32, #tpu.memory_space<vmem>> -> memref<16xf32, #tpu.memory_space<vmem>>
      tpu.enqueue_dma source(%dma_start3A_3609 : memref<16xf32, #tpu.memory_space<vmem>>) target(%dma_start3A_3606 : memref<16xf32, #tpu.memory_space<hbm>>) target_semaphore(%run_scoped3A_3599 : memref<!tpu.dma_semaphore, #tpu.memory_space<semaphore_mem>>)
      %dma_wait3A_3610 = arith.constant 0 : i32
      %dma_wait3A_3611 = tpu.memref_slice %arg10[%run_scoped3A_3597, %dma_wait3A_3610] : memref<3x16xf32, #tpu.memory_space<vmem>> -> memref<1x16xf32, #tpu.memory_space<vmem>>
      %dma_wait3A_3612 = tpu.memref_squeeze %dma_wait3A_3611 : memref<1x16xf32, #tpu.memory_space<vmem>> -> memref<16xf32, #tpu.memory_space<vmem>>
      %dma_wait3A_3613 = tpu.memref_slice %arg5[%select_n3A, %run_scoped3A_3598, %mul3A_3596] : memref<4x3x128xf32, #tpu.memory_space<hbm>> -> memref<1x1x16xf32, #tpu.memory_space<hbm>>
      %dma_wait3A_3614 = tpu.memref_squeeze %dma_wait3A_3613 : memref<1x1x16xf32, #tpu.memory_space<hbm>> -> memref<16xf32, #tpu.memory_space<hbm>>
      %dma_wait3A_3615 = tpu.memref_slice %arg5[%select_n3A, %run_scoped3A_3598, %mul3A_3596] : memref<4x3x128xf32, #tpu.memory_space<hbm>> -> memref<1x1x16xf32, #tpu.memory_space<hbm>>
      %dma_wait3A_3616 = tpu.memref_squeeze %dma_wait3A_3615 : memref<1x1x16xf32, #tpu.memory_space<hbm>> -> memref<16xf32, #tpu.memory_space<hbm>>
      %dma_wait3A_3617 = arith.constant 0 : i32
      %dma_wait3A_3618 = tpu.memref_slice %arg10[%run_scoped3A_3597, %dma_wait3A_3617] : memref<3x16xf32, #tpu.memory_space<vmem>> -> memref<1x16xf32, #tpu.memory_space<vmem>>
      %dma_wait3A_3619 = tpu.memref_squeeze %dma_wait3A_3618 : memref<1x16xf32, #tpu.memory_space<vmem>> -> memref<16xf32, #tpu.memory_space<vmem>>
      tpu.wait_dma2 semaphore(%run_scoped3A_3599 : memref<!tpu.dma_semaphore, #tpu.memory_space<semaphore_mem>>) src(%dma_wait3A_3619 : memref<16xf32, #tpu.memory_space<vmem>>) dst(%dma_wait3A_3616 : memref<16xf32, #tpu.memory_space<hbm>>)
      tpu.yield
    }) : () -> ()
    return
  }
}

module attributes {stable_mosaic.version = 14 : i64} {
  func.func @_topk_body(%arg0: memref<4608x128xf32, #tpu.memory_space<vmem>>, %arg1: memref<4x1x128xi32, #tpu.memory_space<vmem>>, %arg2: memref<1x576xf32, #tpu.memory_space<vmem>>) attributes {dimension_semantics = [], scalar_prefetch = 0 : i64, scratch_operands = 1 : i64, tpu.core_type = #tpu.core_type<tc>} {
    %get3A = arith.constant 0 : index
    %get3A_0 = arith.constant 0 : index
    %get3A_1 = vector.load %arg0[%get3A, %get3A_0] : memref<4608x128xf32, #tpu.memory_space<vmem>>, vector<4608x128xf32>
    %reshape3A = vector.shape_cast %get3A_1 : vector<4608x128xf32> to vector<576x8x128xf32>
    %reduce_max3A = arith.constant dense<0xFF800000> : vector<576xf32>
    %reduce_max3A_2 = vector.multi_reduction <maximumf>, %reshape3A, %reduce_max3A [1, 2] : vector<576x8x128xf32> to vector<576xf32>
    %broadcast_in_dim3A = vector.shape_cast %reduce_max3A_2 : vector<576xf32> to vector<1x576xf32>
    %swap3A = arith.constant 0 : index
    %swap3A_3 = arith.constant 0 : index
    %swap3A_4 = vector.load %arg2[%swap3A, %swap3A_3] : memref<1x576xf32, #tpu.memory_space<vmem>>, vector<1x576xf32>
    tpu.vector_store %arg2[%swap3A, %swap3A_3], %broadcast_in_dim3A {strides = array<i32>} : memref<1x576xf32, #tpu.memory_space<vmem>>, vector<1x576xf32>,
    %iota3A = tpu.iota {dimensions = array<i32: 1>} : vector<1x128xi32>
    %iota3A_5 = tpu.iota {dimensions = array<i32: 1>} : vector<1x144xi32>
    %iota3A_6 = tpu.iota {dimensions = array<i32: 1>} : vector<1x576xi32>
    %iota3A_7 = tpu.iota {dimensions = array<i32: 0>} : vector<8x128xi32>
    %iota3A_8 = tpu.iota {dimensions = array<i32: 1>} : vector<8x128xi32>
    %mul3A = arith.constant 128 : i32
    %mul3A_9 = vector.broadcast %mul3A : i32 to vector<8x128xi32>
    %mul3A_10 = arith.muli %iota3A_7, %mul3A_9 : vector<8x128xi32>
    %add3A = arith.addi %mul3A_10, %iota3A_8 : vector<8x128xi32>
    %broadcast_in_dim3A_11 = arith.constant 0 : i32
    %broadcast_in_dim3A_12 = vector.broadcast %broadcast_in_dim3A_11 : i32 to vector<1x128xi32>
    %broadcast_in_dim3A_13 = arith.constant 0 : i32
    %broadcast_in_dim3A_14 = vector.broadcast %broadcast_in_dim3A_13 : i32 to vector<1x128xi32>
    %broadcast_in_dim3A_15 = arith.constant 0 : i32
    %broadcast_in_dim3A_16 = vector.broadcast %broadcast_in_dim3A_15 : i32 to vector<1x128xi32>
    %broadcast_in_dim3A_17 = arith.constant 0 : i32
    %broadcast_in_dim3A_18 = vector.broadcast %broadcast_in_dim3A_17 : i32 to vector<1x128xi32>
    %scan3A = arith.constant 0 : i32
    %scan3A_19 = arith.constant 128 : i32
    %scan3A_20 = arith.addi %scan3A, %scan3A_19 : i32
    %scan3A_21 = arith.constant 1 : i32
    %scan3A_22:4 = scf.for %scan3A_48 = %scan3A to %scan3A_20 step %scan3A_21 iter_args(%scan3A_49 = %broadcast_in_dim3A_12, %scan3A_50 = %broadcast_in_dim3A_14, %scan3A_51 = %broadcast_in_dim3A_16, %scan3A_52 = %broadcast_in_dim3A_18) -> (vector<1x128xi32>, vector<1x128xi32>, vector<1x128xi32>, vector<1x128xi32>)  : i32 {
      %get3A_53 = arith.constant 0 : index
      %get3A_54 = arith.constant 0 : index
      %get3A_55 = vector.load %arg2[%get3A_53, %get3A_54] : memref<1x576xf32, #tpu.memory_space<vmem>>, vector<1x576xf32>
      %slice3A = vector.extract_strided_slice %get3A_55 {offsets = [0, 0], sizes = [1, 144], strides = [1, 1]} : vector<1x576xf32> to vector<1x144xf32>
      %reduce_max3A_56 = vector.shape_cast %slice3A : vector<1x144xf32> to vector<1x1x144xf32>
      %reduce_max3A_57 = arith.constant dense<0xFF800000> : vector<1xf32>
      %reduce_max3A_58 = vector.multi_reduction <maximumf>, %reduce_max3A_56, %reduce_max3A_57 [1, 2] : vector<1x1x144xf32> to vector<1xf32>
      %reduce_max3A_59 = vector.shape_cast %reduce_max3A_58 : vector<1xf32> to vector<1x1x1xf32>
      %reduce_max3A_60 = vector.extract %reduce_max3A_59[0, 0, 0] : f32 from vector<1x1x1xf32>
      %eq3A = vector.broadcast %reduce_max3A_60 : f32 to vector<1x144xf32>
      %eq3A_61 = arith.cmpf oeq, %slice3A, %eq3A : vector<1x144xf32>
      %jit3A = arith.constant 144 : i32
      %broadcast_in_dim3A_62 = vector.broadcast %jit3A : i32 to vector<1x144xi32>
      %select_n3A = arith.select %eq3A_61, %iota3A_5, %broadcast_in_dim3A_62 : vector<1x144xi1>, vector<1x144xi32>
      %reduce_min3A = vector.shape_cast %select_n3A : vector<1x144xi32> to vector<1x1x144xi32>
      %reduce_min3A_63 = arith.constant dense<2147483647> : vector<1xi32>
      %reduce_min3A_64 = vector.multi_reduction <minsi>, %reduce_min3A, %reduce_min3A_63 [1, 2] : vector<1x1x144xi32> to vector<1xi32>
      %reduce_min3A_65 = vector.shape_cast %reduce_min3A_64 : vector<1xi32> to vector<1x1x1xi32>
      %reduce_min3A_66 = vector.extract %reduce_min3A_65[0, 0, 0] : i32 from vector<1x1x1xi32>
      %add3A_67 = arith.constant 0 : i32
      %add3A_68 = arith.addi %add3A_67, %reduce_min3A_66 : i32
      %mul3A_69 = arith.constant 8 : i32
      %mul3A_70 = arith.muli %add3A_68, %mul3A_69 : i32
      %multiple_of3A = tpu.assume_multiple %mul3A_70, 8 : i32
      %get3A_71 = arith.index_cast %multiple_of3A : i32 to index
      %get3A_72 = arith.constant 0 : index
      %get3A_73 = vector.load %arg0[%get3A_71, %get3A_72] : memref<4608x128xf32, #tpu.memory_space<vmem>>, vector<8x128xf32>
      %eq3A_74 = vector.broadcast %reduce_max3A_60 : f32 to vector<8x128xf32>
      %eq3A_75 = arith.cmpf oeq, %get3A_73, %eq3A_74 : vector<8x128xf32>
      %jit3A_76 = arith.constant 147456 : i32
      %broadcast_in_dim3A_77 = vector.broadcast %jit3A_76 : i32 to vector<8x128xi32>
      %select_n3A_78 = arith.select %eq3A_75, %add3A, %broadcast_in_dim3A_77 : vector<8x128xi1>, vector<8x128xi32>
      %reduce_min3A_79 = vector.shape_cast %select_n3A_78 : vector<8x128xi32> to vector<1x8x128xi32>
      %reduce_min3A_80 = arith.constant dense<2147483647> : vector<1xi32>
      %reduce_min3A_81 = vector.multi_reduction <minsi>, %reduce_min3A_79, %reduce_min3A_80 [1, 2] : vector<1x8x128xi32> to vector<1xi32>
      %reduce_min3A_82 = vector.shape_cast %reduce_min3A_81 : vector<1xi32> to vector<1x1x1xi32>
      %reduce_min3A_83 = vector.extract %reduce_min3A_82[0, 0, 0] : i32 from vector<1x1x1xi32>
      %mul3A_84 = arith.constant 1024 : i32
      %mul3A_85 = arith.muli %reduce_min3A_66, %mul3A_84 : i32
      %add3A_86 = arith.addi %mul3A_85, %reduce_min3A_83 : i32
      %eq3A_87 = vector.broadcast %reduce_min3A_83 : i32 to vector<8x128xi32>
      %eq3A_88 = arith.cmpi eq, %add3A, %eq3A_87 : vector<8x128xi32>
      %jit3A_89 = arith.constant 0xFF800000 : f32
      %broadcast_in_dim3A_90 = vector.broadcast %jit3A_89 : f32 to vector<8x128xf32>
      %select_n3A_91 = arith.select %eq3A_88, %broadcast_in_dim3A_90, %get3A_73 : vector<8x128xi1>, vector<8x128xf32>
      %swap3A_92 = arith.index_cast %multiple_of3A : i32 to index
      %swap3A_93 = arith.constant 0 : index
      %swap3A_94 = vector.load %arg0[%swap3A_92, %swap3A_93] : memref<4608x128xf32, #tpu.memory_space<vmem>>, vector<8x128xf32>
      tpu.vector_store %arg0[%swap3A_92, %swap3A_93], %select_n3A_91 {strides = array<i32>} : memref<4608x128xf32, #tpu.memory_space<vmem>>, vector<8x128xf32>,
      %add3A_95 = arith.constant 0 : i32
      %add3A_96 = arith.addi %add3A_95, %reduce_min3A_66 : i32
      %eq3A_97 = vector.broadcast %add3A_96 : i32 to vector<1x576xi32>
      %eq3A_98 = arith.cmpi eq, %iota3A_6, %eq3A_97 : vector<1x576xi32>
      %reduce_max3A_99 = vector.shape_cast %select_n3A_91 : vector<8x128xf32> to vector<1x8x128xf32>
      %reduce_max3A_100 = arith.constant dense<0xFF800000> : vector<1xf32>
      %reduce_max3A_101 = vector.multi_reduction <maximumf>, %reduce_max3A_99, %reduce_max3A_100 [1, 2] : vector<1x8x128xf32> to vector<1xf32>
      %reduce_max3A_102 = vector.shape_cast %reduce_max3A_101 : vector<1xf32> to vector<1x1x1xf32>
      %reduce_max3A_103 = vector.extract %reduce_max3A_102[0, 0, 0] : f32 from vector<1x1x1xf32>
      %broadcast_in_dim3A_104 = vector.broadcast %reduce_max3A_103 : f32 to vector<1x576xf32>
      %select_n3A_105 = arith.select %eq3A_98, %broadcast_in_dim3A_104, %get3A_55 : vector<1x576xi1>, vector<1x576xf32>
      %eq3A_106 = vector.broadcast %scan3A_48 : i32 to vector<1x128xi32>
      %eq3A_107 = arith.cmpi eq, %iota3A, %eq3A_106 : vector<1x128xi32>
      %broadcast_in_dim3A_108 = vector.broadcast %add3A_86 : i32 to vector<1x128xi32>
      %select_n3A_109 = arith.select %eq3A_107, %broadcast_in_dim3A_108, %scan3A_49 : vector<1x128xi1>, vector<1x128xi32>
      %slice3A_110 = vector.extract_strided_slice %get3A_55 {offsets = [0, 144], sizes = [1, 144], strides = [1, 1]} : vector<1x576xf32> to vector<1x144xf32>
      %reduce_max3A_111 = vector.shape_cast %slice3A_110 : vector<1x144xf32> to vector<1x1x144xf32>
      %reduce_max3A_112 = arith.constant dense<0xFF800000> : vector<1xf32>
      %reduce_max3A_113 = vector.multi_reduction <maximumf>, %reduce_max3A_111, %reduce_max3A_112 [1, 2] : vector<1x1x144xf32> to vector<1xf32>
      %reduce_max3A_114 = vector.shape_cast %reduce_max3A_113 : vector<1xf32> to vector<1x1x1xf32>
      %reduce_max3A_115 = vector.extract %reduce_max3A_114[0, 0, 0] : f32 from vector<1x1x1xf32>
      %eq3A_116 = vector.broadcast %reduce_max3A_115 : f32 to vector<1x144xf32>
      %eq3A_117 = arith.cmpf oeq, %slice3A_110, %eq3A_116 : vector<1x144xf32>
      %jit3A_118 = arith.constant 144 : i32
      %broadcast_in_dim3A_119 = vector.broadcast %jit3A_118 : i32 to vector<1x144xi32>
      %select_n3A_120 = arith.select %eq3A_117, %iota3A_5, %broadcast_in_dim3A_119 : vector<1x144xi1>, vector<1x144xi32>
      %reduce_min3A_121 = vector.shape_cast %select_n3A_120 : vector<1x144xi32> to vector<1x1x144xi32>
      %reduce_min3A_122 = arith.constant dense<2147483647> : vector<1xi32>
      %reduce_min3A_123 = vector.multi_reduction <minsi>, %reduce_min3A_121, %reduce_min3A_122 [1, 2] : vector<1x1x144xi32> to vector<1xi32>
      %reduce_min3A_124 = vector.shape_cast %reduce_min3A_123 : vector<1xi32> to vector<1x1x1xi32>
      %reduce_min3A_125 = vector.extract %reduce_min3A_124[0, 0, 0] : i32 from vector<1x1x1xi32>
      %add3A_126 = arith.constant 144 : i32
      %add3A_127 = arith.addi %add3A_126, %reduce_min3A_125 : i32
      %mul3A_128 = arith.constant 8 : i32
      %mul3A_129 = arith.muli %add3A_127, %mul3A_128 : i32
      %multiple_of3A_130 = tpu.assume_multiple %mul3A_129, 8 : i32
      %get3A_131 = arith.index_cast %multiple_of3A_130 : i32 to index
      %get3A_132 = arith.constant 0 : index
      %get3A_133 = vector.load %arg0[%get3A_131, %get3A_132] : memref<4608x128xf32, #tpu.memory_space<vmem>>, vector<8x128xf32>
      %eq3A_134 = vector.broadcast %reduce_max3A_115 : f32 to vector<8x128xf32>
      %eq3A_135 = arith.cmpf oeq, %get3A_133, %eq3A_134 : vector<8x128xf32>
      %jit3A_136 = arith.constant 147456 : i32
      %broadcast_in_dim3A_137 = vector.broadcast %jit3A_136 : i32 to vector<8x128xi32>
      %select_n3A_138 = arith.select %eq3A_135, %add3A, %broadcast_in_dim3A_137 : vector<8x128xi1>, vector<8x128xi32>
      %reduce_min3A_139 = vector.shape_cast %select_n3A_138 : vector<8x128xi32> to vector<1x8x128xi32>
      %reduce_min3A_140 = arith.constant dense<2147483647> : vector<1xi32>
      %reduce_min3A_141 = vector.multi_reduction <minsi>, %reduce_min3A_139, %reduce_min3A_140 [1, 2] : vector<1x8x128xi32> to vector<1xi32>
      %reduce_min3A_142 = vector.shape_cast %reduce_min3A_141 : vector<1xi32> to vector<1x1x1xi32>
      %reduce_min3A_143 = vector.extract %reduce_min3A_142[0, 0, 0] : i32 from vector<1x1x1xi32>
      %mul3A_144 = arith.constant 1024 : i32
      %mul3A_145 = arith.muli %reduce_min3A_125, %mul3A_144 : i32
      %add3A_146 = arith.addi %mul3A_145, %reduce_min3A_143 : i32
      %eq3A_147 = vector.broadcast %reduce_min3A_143 : i32 to vector<8x128xi32>
      %eq3A_148 = arith.cmpi eq, %add3A, %eq3A_147 : vector<8x128xi32>
      %jit3A_149 = arith.constant 0xFF800000 : f32
      %broadcast_in_dim3A_150 = vector.broadcast %jit3A_149 : f32 to vector<8x128xf32>
      %select_n3A_151 = arith.select %eq3A_148, %broadcast_in_dim3A_150, %get3A_133 : vector<8x128xi1>, vector<8x128xf32>
      %swap3A_152 = arith.index_cast %multiple_of3A_130 : i32 to index
      %swap3A_153 = arith.constant 0 : index
      %swap3A_154 = vector.load %arg0[%swap3A_152, %swap3A_153] : memref<4608x128xf32, #tpu.memory_space<vmem>>, vector<8x128xf32>
      tpu.vector_store %arg0[%swap3A_152, %swap3A_153], %select_n3A_151 {strides = array<i32>} : memref<4608x128xf32, #tpu.memory_space<vmem>>, vector<8x128xf32>,
      %add3A_155 = arith.constant 144 : i32
      %add3A_156 = arith.addi %add3A_155, %reduce_min3A_125 : i32
      %eq3A_157 = vector.broadcast %add3A_156 : i32 to vector<1x576xi32>
      %eq3A_158 = arith.cmpi eq, %iota3A_6, %eq3A_157 : vector<1x576xi32>
      %reduce_max3A_159 = vector.shape_cast %select_n3A_151 : vector<8x128xf32> to vector<1x8x128xf32>
      %reduce_max3A_160 = arith.constant dense<0xFF800000> : vector<1xf32>
      %reduce_max3A_161 = vector.multi_reduction <maximumf>, %reduce_max3A_159, %reduce_max3A_160 [1, 2] : vector<1x8x128xf32> to vector<1xf32>
      %reduce_max3A_162 = vector.shape_cast %reduce_max3A_161 : vector<1xf32> to vector<1x1x1xf32>
      %reduce_max3A_163 = vector.extract %reduce_max3A_162[0, 0, 0] : f32 from vector<1x1x1xf32>
      %broadcast_in_dim3A_164 = vector.broadcast %reduce_max3A_163 : f32 to vector<1x576xf32>
      %select_n3A_165 = arith.select %eq3A_158, %broadcast_in_dim3A_164, %select_n3A_105 : vector<1x576xi1>, vector<1x576xf32>
      %eq3A_166 = vector.broadcast %scan3A_48 : i32 to vector<1x128xi32>
      %eq3A_167 = arith.cmpi eq, %iota3A, %eq3A_166 : vector<1x128xi32>
      %broadcast_in_dim3A_168 = vector.broadcast %add3A_146 : i32 to vector<1x128xi32>
      %select_n3A_169 = arith.select %eq3A_167, %broadcast_in_dim3A_168, %scan3A_50 : vector<1x128xi1>, vector<1x128xi32>
      %slice3A_170 = vector.extract_strided_slice %get3A_55 {offsets = [0, 288], sizes = [1, 144], strides = [1, 1]} : vector<1x576xf32> to vector<1x144xf32>
      %reduce_max3A_171 = vector.shape_cast %slice3A_170 : vector<1x144xf32> to vector<1x1x144xf32>
      %reduce_max3A_172 = arith.constant dense<0xFF800000> : vector<1xf32>
      %reduce_max3A_173 = vector.multi_reduction <maximumf>, %reduce_max3A_171, %reduce_max3A_172 [1, 2] : vector<1x1x144xf32> to vector<1xf32>
      %reduce_max3A_174 = vector.shape_cast %reduce_max3A_173 : vector<1xf32> to vector<1x1x1xf32>
      %reduce_max3A_175 = vector.extract %reduce_max3A_174[0, 0, 0] : f32 from vector<1x1x1xf32>
      %eq3A_176 = vector.broadcast %reduce_max3A_175 : f32 to vector<1x144xf32>
      %eq3A_177 = arith.cmpf oeq, %slice3A_170, %eq3A_176 : vector<1x144xf32>
      %jit3A_178 = arith.constant 144 : i32
      %broadcast_in_dim3A_179 = vector.broadcast %jit3A_178 : i32 to vector<1x144xi32>
      %select_n3A_180 = arith.select %eq3A_177, %iota3A_5, %broadcast_in_dim3A_179 : vector<1x144xi1>, vector<1x144xi32>
      %reduce_min3A_181 = vector.shape_cast %select_n3A_180 : vector<1x144xi32> to vector<1x1x144xi32>
      %reduce_min3A_182 = arith.constant dense<2147483647> : vector<1xi32>
      %reduce_min3A_183 = vector.multi_reduction <minsi>, %reduce_min3A_181, %reduce_min3A_182 [1, 2] : vector<1x1x144xi32> to vector<1xi32>
      %reduce_min3A_184 = vector.shape_cast %reduce_min3A_183 : vector<1xi32> to vector<1x1x1xi32>
      %reduce_min3A_185 = vector.extract %reduce_min3A_184[0, 0, 0] : i32 from vector<1x1x1xi32>
      %add3A_186 = arith.constant 288 : i32
      %add3A_187 = arith.addi %add3A_186, %reduce_min3A_185 : i32
      %mul3A_188 = arith.constant 8 : i32
      %mul3A_189 = arith.muli %add3A_187, %mul3A_188 : i32
      %multiple_of3A_190 = tpu.assume_multiple %mul3A_189, 8 : i32
      %get3A_191 = arith.index_cast %multiple_of3A_190 : i32 to index
      %get3A_192 = arith.constant 0 : index
      %get3A_193 = vector.load %arg0[%get3A_191, %get3A_192] : memref<4608x128xf32, #tpu.memory_space<vmem>>, vector<8x128xf32>
      %eq3A_194 = vector.broadcast %reduce_max3A_175 : f32 to vector<8x128xf32>
      %eq3A_195 = arith.cmpf oeq, %get3A_193, %eq3A_194 : vector<8x128xf32>
      %jit3A_196 = arith.constant 147456 : i32
      %broadcast_in_dim3A_197 = vector.broadcast %jit3A_196 : i32 to vector<8x128xi32>
      %select_n3A_198 = arith.select %eq3A_195, %add3A, %broadcast_in_dim3A_197 : vector<8x128xi1>, vector<8x128xi32>
      %reduce_min3A_199 = vector.shape_cast %select_n3A_198 : vector<8x128xi32> to vector<1x8x128xi32>
      %reduce_min3A_200 = arith.constant dense<2147483647> : vector<1xi32>
      %reduce_min3A_201 = vector.multi_reduction <minsi>, %reduce_min3A_199, %reduce_min3A_200 [1, 2] : vector<1x8x128xi32> to vector<1xi32>
      %reduce_min3A_202 = vector.shape_cast %reduce_min3A_201 : vector<1xi32> to vector<1x1x1xi32>
      %reduce_min3A_203 = vector.extract %reduce_min3A_202[0, 0, 0] : i32 from vector<1x1x1xi32>
      %mul3A_204 = arith.constant 1024 : i32
      %mul3A_205 = arith.muli %reduce_min3A_185, %mul3A_204 : i32
      %add3A_206 = arith.addi %mul3A_205, %reduce_min3A_203 : i32
      %eq3A_207 = vector.broadcast %reduce_min3A_203 : i32 to vector<8x128xi32>
      %eq3A_208 = arith.cmpi eq, %add3A, %eq3A_207 : vector<8x128xi32>
      %jit3A_209 = arith.constant 0xFF800000 : f32
      %broadcast_in_dim3A_210 = vector.broadcast %jit3A_209 : f32 to vector<8x128xf32>
      %select_n3A_211 = arith.select %eq3A_208, %broadcast_in_dim3A_210, %get3A_193 : vector<8x128xi1>, vector<8x128xf32>
      %swap3A_212 = arith.index_cast %multiple_of3A_190 : i32 to index
      %swap3A_213 = arith.constant 0 : index
      %swap3A_214 = vector.load %arg0[%swap3A_212, %swap3A_213] : memref<4608x128xf32, #tpu.memory_space<vmem>>, vector<8x128xf32>
      tpu.vector_store %arg0[%swap3A_212, %swap3A_213], %select_n3A_211 {strides = array<i32>} : memref<4608x128xf32, #tpu.memory_space<vmem>>, vector<8x128xf32>,
      %add3A_215 = arith.constant 288 : i32
      %add3A_216 = arith.addi %add3A_215, %reduce_min3A_185 : i32
      %eq3A_217 = vector.broadcast %add3A_216 : i32 to vector<1x576xi32>
      %eq3A_218 = arith.cmpi eq, %iota3A_6, %eq3A_217 : vector<1x576xi32>
      %reduce_max3A_219 = vector.shape_cast %select_n3A_211 : vector<8x128xf32> to vector<1x8x128xf32>
      %reduce_max3A_220 = arith.constant dense<0xFF800000> : vector<1xf32>
      %reduce_max3A_221 = vector.multi_reduction <maximumf>, %reduce_max3A_219, %reduce_max3A_220 [1, 2] : vector<1x8x128xf32> to vector<1xf32>
      %reduce_max3A_222 = vector.shape_cast %reduce_max3A_221 : vector<1xf32> to vector<1x1x1xf32>
      %reduce_max3A_223 = vector.extract %reduce_max3A_222[0, 0, 0] : f32 from vector<1x1x1xf32>
      %broadcast_in_dim3A_224 = vector.broadcast %reduce_max3A_223 : f32 to vector<1x576xf32>
      %select_n3A_225 = arith.select %eq3A_218, %broadcast_in_dim3A_224, %select_n3A_165 : vector<1x576xi1>, vector<1x576xf32>
      %eq3A_226 = vector.broadcast %scan3A_48 : i32 to vector<1x128xi32>
      %eq3A_227 = arith.cmpi eq, %iota3A, %eq3A_226 : vector<1x128xi32>
      %broadcast_in_dim3A_228 = vector.broadcast %add3A_206 : i32 to vector<1x128xi32>
      %select_n3A_229 = arith.select %eq3A_227, %broadcast_in_dim3A_228, %scan3A_51 : vector<1x128xi1>, vector<1x128xi32>
      %slice3A_230 = vector.extract_strided_slice %get3A_55 {offsets = [0, 432], sizes = [1, 144], strides = [1, 1]} : vector<1x576xf32> to vector<1x144xf32>
      %reduce_max3A_231 = vector.shape_cast %slice3A_230 : vector<1x144xf32> to vector<1x1x144xf32>
      %reduce_max3A_232 = arith.constant dense<0xFF800000> : vector<1xf32>
      %reduce_max3A_233 = vector.multi_reduction <maximumf>, %reduce_max3A_231, %reduce_max3A_232 [1, 2] : vector<1x1x144xf32> to vector<1xf32>
      %reduce_max3A_234 = vector.shape_cast %reduce_max3A_233 : vector<1xf32> to vector<1x1x1xf32>
      %reduce_max3A_235 = vector.extract %reduce_max3A_234[0, 0, 0] : f32 from vector<1x1x1xf32>
      %eq3A_236 = vector.broadcast %reduce_max3A_235 : f32 to vector<1x144xf32>
      %eq3A_237 = arith.cmpf oeq, %slice3A_230, %eq3A_236 : vector<1x144xf32>
      %jit3A_238 = arith.constant 144 : i32
      %broadcast_in_dim3A_239 = vector.broadcast %jit3A_238 : i32 to vector<1x144xi32>
      %select_n3A_240 = arith.select %eq3A_237, %iota3A_5, %broadcast_in_dim3A_239 : vector<1x144xi1>, vector<1x144xi32>
      %reduce_min3A_241 = vector.shape_cast %select_n3A_240 : vector<1x144xi32> to vector<1x1x144xi32>
      %reduce_min3A_242 = arith.constant dense<2147483647> : vector<1xi32>
      %reduce_min3A_243 = vector.multi_reduction <minsi>, %reduce_min3A_241, %reduce_min3A_242 [1, 2] : vector<1x1x144xi32> to vector<1xi32>
      %reduce_min3A_244 = vector.shape_cast %reduce_min3A_243 : vector<1xi32> to vector<1x1x1xi32>
      %reduce_min3A_245 = vector.extract %reduce_min3A_244[0, 0, 0] : i32 from vector<1x1x1xi32>
      %add3A_246 = arith.constant 432 : i32
      %add3A_247 = arith.addi %add3A_246, %reduce_min3A_245 : i32
      %mul3A_248 = arith.constant 8 : i32
      %mul3A_249 = arith.muli %add3A_247, %mul3A_248 : i32
      %multiple_of3A_250 = tpu.assume_multiple %mul3A_249, 8 : i32
      %get3A_251 = arith.index_cast %multiple_of3A_250 : i32 to index
      %get3A_252 = arith.constant 0 : index
      %get3A_253 = vector.load %arg0[%get3A_251, %get3A_252] : memref<4608x128xf32, #tpu.memory_space<vmem>>, vector<8x128xf32>
      %eq3A_254 = vector.broadcast %reduce_max3A_235 : f32 to vector<8x128xf32>
      %eq3A_255 = arith.cmpf oeq, %get3A_253, %eq3A_254 : vector<8x128xf32>
      %jit3A_256 = arith.constant 147456 : i32
      %broadcast_in_dim3A_257 = vector.broadcast %jit3A_256 : i32 to vector<8x128xi32>
      %select_n3A_258 = arith.select %eq3A_255, %add3A, %broadcast_in_dim3A_257 : vector<8x128xi1>, vector<8x128xi32>
      %reduce_min3A_259 = vector.shape_cast %select_n3A_258 : vector<8x128xi32> to vector<1x8x128xi32>
      %reduce_min3A_260 = arith.constant dense<2147483647> : vector<1xi32>
      %reduce_min3A_261 = vector.multi_reduction <minsi>, %reduce_min3A_259, %reduce_min3A_260 [1, 2] : vector<1x8x128xi32> to vector<1xi32>
      %reduce_min3A_262 = vector.shape_cast %reduce_min3A_261 : vector<1xi32> to vector<1x1x1xi32>
      %reduce_min3A_263 = vector.extract %reduce_min3A_262[0, 0, 0] : i32 from vector<1x1x1xi32>
      %mul3A_264 = arith.constant 1024 : i32
      %mul3A_265 = arith.muli %reduce_min3A_245, %mul3A_264 : i32
      %add3A_266 = arith.addi %mul3A_265, %reduce_min3A_263 : i32
      %eq3A_267 = vector.broadcast %reduce_min3A_263 : i32 to vector<8x128xi32>
      %eq3A_268 = arith.cmpi eq, %add3A, %eq3A_267 : vector<8x128xi32>
      %jit3A_269 = arith.constant 0xFF800000 : f32
      %broadcast_in_dim3A_270 = vector.broadcast %jit3A_269 : f32 to vector<8x128xf32>
      %select_n3A_271 = arith.select %eq3A_268, %broadcast_in_dim3A_270, %get3A_253 : vector<8x128xi1>, vector<8x128xf32>
      %swap3A_272 = arith.index_cast %multiple_of3A_250 : i32 to index
      %swap3A_273 = arith.constant 0 : index
      %swap3A_274 = vector.load %arg0[%swap3A_272, %swap3A_273] : memref<4608x128xf32, #tpu.memory_space<vmem>>, vector<8x128xf32>
      tpu.vector_store %arg0[%swap3A_272, %swap3A_273], %select_n3A_271 {strides = array<i32>} : memref<4608x128xf32, #tpu.memory_space<vmem>>, vector<8x128xf32>,
      %add3A_275 = arith.constant 432 : i32
      %add3A_276 = arith.addi %add3A_275, %reduce_min3A_245 : i32
      %eq3A_277 = vector.broadcast %add3A_276 : i32 to vector<1x576xi32>
      %eq3A_278 = arith.cmpi eq, %iota3A_6, %eq3A_277 : vector<1x576xi32>
      %reduce_max3A_279 = vector.shape_cast %select_n3A_271 : vector<8x128xf32> to vector<1x8x128xf32>
      %reduce_max3A_280 = arith.constant dense<0xFF800000> : vector<1xf32>
      %reduce_max3A_281 = vector.multi_reduction <maximumf>, %reduce_max3A_279, %reduce_max3A_280 [1, 2] : vector<1x8x128xf32> to vector<1xf32>
      %reduce_max3A_282 = vector.shape_cast %reduce_max3A_281 : vector<1xf32> to vector<1x1x1xf32>
      %reduce_max3A_283 = vector.extract %reduce_max3A_282[0, 0, 0] : f32 from vector<1x1x1xf32>
      %broadcast_in_dim3A_284 = vector.broadcast %reduce_max3A_283 : f32 to vector<1x576xf32>
      %select_n3A_285 = arith.select %eq3A_278, %broadcast_in_dim3A_284, %select_n3A_225 : vector<1x576xi1>, vector<1x576xf32>
      %eq3A_286 = vector.broadcast %scan3A_48 : i32 to vector<1x128xi32>
      %eq3A_287 = arith.cmpi eq, %iota3A, %eq3A_286 : vector<1x128xi32>
      %broadcast_in_dim3A_288 = vector.broadcast %add3A_266 : i32 to vector<1x128xi32>
      %select_n3A_289 = arith.select %eq3A_287, %broadcast_in_dim3A_288, %scan3A_52 : vector<1x128xi1>, vector<1x128xi32>
      %swap3A_290 = arith.constant 0 : index
      %swap3A_291 = arith.constant 0 : index
      %swap3A_292 = vector.load %arg2[%swap3A_290, %swap3A_291] : memref<1x576xf32, #tpu.memory_space<vmem>>, vector<1x576xf32>
      tpu.vector_store %arg2[%swap3A_290, %swap3A_291], %select_n3A_285 {strides = array<i32>} : memref<1x576xf32, #tpu.memory_space<vmem>>, vector<1x576xf32>,
      scf.yield %select_n3A_109, %select_n3A_169, %select_n3A_229, %select_n3A_289 : vector<1x128xi32>, vector<1x128xi32>, vector<1x128xi32>, vector<1x128xi32>
    }
    %scan3A_23 = arith.constant 128 : i32
    %swap3A_24 = arith.constant 0 : index
    %swap3A_25 = arith.constant 0 : index
    %swap3A_26 = arith.constant 0 : index
    %swap3A_27 = vector.load %arg1[%swap3A_24, %swap3A_25, %swap3A_26] : memref<4x1x128xi32, #tpu.memory_space<vmem>>, vector<1x1x128xi32>
    %swap3A_28 = vector.shape_cast %swap3A_27 : vector<1x1x128xi32> to vector<1x128xi32>
    %swap3A_29 = vector.shape_cast %scan3A_22#0 : vector<1x128xi32> to vector<1x1x128xi32>
    tpu.vector_store %arg1[%swap3A_24, %swap3A_25, %swap3A_26], %swap3A_29 {strides = array<i32>} : memref<4x1x128xi32, #tpu.memory_space<vmem>>, vector<1x1x128xi32>,
    %swap3A_30 = arith.constant 1 : index
    %swap3A_31 = arith.constant 0 : index
    %swap3A_32 = arith.constant 0 : index
    %swap3A_33 = vector.load %arg1[%swap3A_30, %swap3A_31, %swap3A_32] : memref<4x1x128xi32, #tpu.memory_space<vmem>>, vector<1x1x128xi32>
    %swap3A_34 = vector.shape_cast %swap3A_33 : vector<1x1x128xi32> to vector<1x128xi32>
    %swap3A_35 = vector.shape_cast %scan3A_22#1 : vector<1x128xi32> to vector<1x1x128xi32>
    tpu.vector_store %arg1[%swap3A_30, %swap3A_31, %swap3A_32], %swap3A_35 {strides = array<i32>} : memref<4x1x128xi32, #tpu.memory_space<vmem>>, vector<1x1x128xi32>,
    %swap3A_36 = arith.constant 2 : index
    %swap3A_37 = arith.constant 0 : index
    %swap3A_38 = arith.constant 0 : index
    %swap3A_39 = vector.load %arg1[%swap3A_36, %swap3A_37, %swap3A_38] : memref<4x1x128xi32, #tpu.memory_space<vmem>>, vector<1x1x128xi32>
    %swap3A_40 = vector.shape_cast %swap3A_39 : vector<1x1x128xi32> to vector<1x128xi32>
    %swap3A_41 = vector.shape_cast %scan3A_22#2 : vector<1x128xi32> to vector<1x1x128xi32>
    tpu.vector_store %arg1[%swap3A_36, %swap3A_37, %swap3A_38], %swap3A_41 {strides = array<i32>} : memref<4x1x128xi32, #tpu.memory_space<vmem>>, vector<1x1x128xi32>,
    %swap3A_42 = arith.constant 3 : index
    %swap3A_43 = arith.constant 0 : index
    %swap3A_44 = arith.constant 0 : index
    %swap3A_45 = vector.load %arg1[%swap3A_42, %swap3A_43, %swap3A_44] : memref<4x1x128xi32, #tpu.memory_space<vmem>>, vector<1x1x128xi32>
    %swap3A_46 = vector.shape_cast %swap3A_45 : vector<1x1x128xi32> to vector<1x128xi32>
    %swap3A_47 = vector.shape_cast %scan3A_22#3 : vector<1x128xi32> to vector<1x1x128xi32>
    tpu.vector_store %arg1[%swap3A_42, %swap3A_43, %swap3A_44], %swap3A_47 {strides = array<i32>} : memref<4x1x128xi32, #tpu.memory_space<vmem>>, vector<1x1x128xi32>,
    return
  }
}

module attributes {stable_mosaic.version = 14 : i64} {
  func.func @_cmax_body(%arg0: i32, %arg1: i32, %arg2: memref<1x96x64x384xf32, #tpu.memory_space<vmem>>, %arg3: memref<1x64x384xf32, #tpu.memory_space<vmem>>) attributes {dimension_semantics = [#tpu.dimension_semantics<arbitrary>, #tpu.dimension_semantics<arbitrary>], iteration_bounds = array<i64: 4, 6>, scalar_prefetch = 0 : i64, scratch_operands = 0 : i64, tpu.core_type = #tpu.core_type<tc>, window_params = [{transform_indices = @transform_0, window_bounds = array<i64: 1, 96, 64, 384>}, {transform_indices = @transform_1, window_bounds = array<i64: 1, 64, 384>}]} {
    %get3A = arith.constant 0 : index
    %get3A_0 = arith.constant 0 : index
    %get3A_1 = arith.constant 0 : index
    %get3A_2 = arith.constant 0 : index
    %get3A_3 = vector.load %arg2[%get3A, %get3A_0, %get3A_1, %get3A_2] : memref<1x96x64x384xf32, #tpu.memory_space<vmem>>, vector<1x96x64x384xf32>
    %get3A_4 = vector.shape_cast %get3A_3 : vector<1x96x64x384xf32> to vector<96x64x384xf32>
    %reduce_max3A = arith.constant dense<0xFF800000> : vector<64x384xf32>
    %reduce_max3A_5 = vector.multi_reduction <maximumf>, %get3A_4, %reduce_max3A [0] : vector<96x64x384xf32> to vector<64x384xf32>
    %swap3A = arith.constant 0 : index
    %swap3A_6 = arith.constant 0 : index
    %swap3A_7 = arith.constant 0 : index
    %swap3A_8 = vector.load %arg3[%swap3A, %swap3A_6, %swap3A_7] : memref<1x64x384xf32, #tpu.memory_space<vmem>>, vector<1x64x384xf32>
    %swap3A_9 = vector.shape_cast %swap3A_8 : vector<1x64x384xf32> to vector<64x384xf32>
    %swap3A_10 = vector.shape_cast %reduce_max3A_5 : vector<64x384xf32> to vector<1x64x384xf32>
    tpu.vector_store %arg3[%swap3A, %swap3A_6, %swap3A_7], %swap3A_10 {strides = array<i32>} : memref<1x64x384xf32, #tpu.memory_space<vmem>>, vector<1x64x384xf32>,
    return
  }
  func.func @transform_0(%arg0: i32, %arg1: i32) -> (i32, i32, i32, i32) {
    %c0_i32 = arith.constant 0 : i32
    %c0_i32_0 = arith.constant 0 : i32
    %c0_i32_1 = arith.constant 0 : i32
    return %arg0, %c0_i32, %arg1, %c0_i32_0 : i32, i32, i32, i32
  }
  func.func @transform_1(%arg0: i32, %arg1: i32) -> (i32, i32, i32) {
    %c0_i32 = arith.constant 0 : i32
    %c0_i32_0 = arith.constant 0 : i32
    return %arg0, %arg1, %c0_i32 : i32, i32, i32
  }
}

</mosaic_0001>

<sc_bundles>
// kernel: kernel.5.cloned.1.call-start
scs
__scs_entry_jumppad:
0x0: {  	(pc) =	sbr.rel $0x88, $3  }
0x1: {  	(tag) =	ssettag $0x0;
	lr =	simm.s32 $0x1  }
0x2: {  	[smem:$0x3FA0] =	sst lr;
	_ =	strace $0xD0000000  }
0x3: {  	_ = 	snop  }
0x4: {  	_ = 	snop  }
0x5: {  	_ = 	snop  }
0x6: {  	_ = 	snop  }
0x7: {  	_ = 	snop  }
__scs_overlays_trampoline_lowered:
0x8: {  	[smem:$0x3FAF] =	sst s0  }
0x9: {  	[smem:$0x3FB0] =	sst s1  }
0xa: {  	[smem:$0x3FB1] =	sst s2  }
0xb: {  	[smem:$0x3FB2] =	sst s3  }
0xc: {  	[smem:$0x3FB3] =	sst s4  }
0xd: {  	[smem:$0x3FB4] =	sst s5  }
0xe: {  	[smem:$0x3FB5] =	sst s6  }
0xf: {  	[smem:$0x3FB6] =	sst s7  }
0x10: {  	[smem:$0x3FB7] =	sst s8  }
0x11: {  	[smem:$0x3FB8] =	sst s9;
	s0 =	simm.s32 @!p0 $0x0  }
0x12: {  	s1 =	sld [smem:$0x3F9E];
	s0 =	simm.s32 @p0 $0x1  }
0x13: {  	[smem:$0x3FB9] =	sst s0;
	s0 =	simm.s32 @!p1 $0x0  }
0x14: {  	s2 =	sld [smem:$0x3F9D];
	s0 =	simm.s32 @p1 $0x1  }
0x15: {  	[smem:$0x3FBA] =	sst s0;
	s0 =	simm.s32 @!p2 $0x0  }
0x16: {  	s3 =	sld [smem:$0x3FDB];
	s0 =	simm.s32 @p2 $0x1  }
0x17: {  	s4 =	simm.s32 $0x1BF5;
	[smem:$0x3FBC] =	sst s0  }
0x18: {  	s0 =	sld [smem:$0x3F9F];
	_ =	swait.ge [sflag:s4], $0x0  }
0x19: {  	s7 =	sld [smem:$0x3FA0]  }
0x1a: {  	s8 =	sadd.s32 $0xFFFFE003, lr  }
0x1b: {  	s9 =	sadd.s32 $0xFFFFFEF7, lr;
	s5 =	simm.s32 $0xFFFFFFFF;
	p2 =	slt.u32 s8, $0xFFFFF086  }
0x1c: {  	p1 =	slt.u32 s9, $0xF7A;
	s5 =	simm.s32 @!p2 $0x0  }
0x1d: {  	s5 =	simm.s32 @p1 $0x1;
	p0 =	seq.s32 s7, s2  }
0x1e: {  	s7 =	smul.u32 @!p0 $0xF7A, s2;
	p2 =	seq.s32 @!p0 s5, $0x0  }
0x1f: {  	s9 =	smul.u32 $0xF7A, s1;
	s8 =	simm.s32 @!p0 $0x1BF5;
	p2 =	por !p2, p0  }
0x20: {  	[sflag:s8] =	ssyncset.s32 @!p0 $0xFFFFF086;
	s6 =	sadd.s32 @!p0 s3, s7;
	s7 =	simm.s32 @!p0 $0x108  }
0x21: {  	s3 =	sadd.s32 s3, s9;
	s6 =	sadd.s32 @!p0 $0x88, s6;
	s7 =	simm.s32 @p2 $0x1082  }
0x22: {  	[simem:s7], [sflag:s8] =	dma.local @!p0 [hbm:s6], $0xF7A  }
0x23: {  	s9 =	sor.u32 $0xD0000000, s2;
	s6 =	simm.s32 $0x108;
	_ =	swait.ge @!p0 [sflag:s8], $0x0  }
0x24: {  	s3 =	sadd.s32 $0x88, s3;
	s6 =	simm.s32 @!p1 $0x1082;
	[sflag:s4] =	ssyncset.s32 $0xFFFFF086  }
0x25: {  	[simem:s6], [sflag:s4] =	dma.local [hbm:s3], $0xF7A  }
0x26: {  	[smem:$0x3FA0] =	sst s1;
	(tag) =	ssettag s2;
	_ =	strace s9  }
0x27: {  	s1 =	sld [smem:$0x3FB0]  }
0x28: {  	s2 =	sld [smem:$0x3FB1]  }
0x29: {  	s4 =	sld [smem:$0x3FB3]  }
0x2a: {  	p0 =	seq.s32 s5, $0x0;
	s5 =	sld [smem:$0x3FB4]  }
0x2b: {  	s6 =	sld [smem:$0x3FB5]  }
0x2c: {  	s7 =	sld [smem:$0x3FB6]  }
0x2d: {  	s3 =	simm.s32 $0x108;
	s8 =	sld [smem:$0x3FB7]  }
0x2e: {  	s3 =	simm.s32 @!p0 $0x1082;
	s9 =	sld [smem:$0x3FB8]  }
0x2f: {  	lr =	sadd.s32 s0, s3;
	s0 =	sld [smem:$0x3FAF]  }
0x30: {  	s3 =	sld [smem:$0x3FB2]  }
0x31: {  	[smem:$0x3FBB] =	sst s10  }
0x32: {  	s10 =	sld [smem:$0x3FB9];
	_ =	sdelay $0x3  }
0x33: {  	p0 =	seq.s32 s10, $0x1;
	s10 =	sld [smem:$0x3FBB];
	_ =	sdelay $0x3  }
0x34: {  	[smem:$0x3FBB] =	sst s10  }
0x35: {  	s10 =	sld [smem:$0x3FBA];
	_ =	sdelay $0x3  }
0x36: {  	p1 =	seq.s32 s10, $0x1;
	s10 =	sld [smem:$0x3FBB];
	_ =	sdelay $0x3  }
0x37: {  	[smem:$0x3FBB] =	sst s10  }
0x38: {  	s10 =	sld [smem:$0x3FBC]  }
0x39: {  	_ = 	snop;
	(pc) =	sbr.ind lr, $3  }
0x3a: {  	_ = 	snop  }
0x3b: {  	_ = 	snop  }
0x3c: {  	p2 =	seq.s32 s10, $0x1;
	s10 =	sld [smem:$0x3FBB]  }
0x3d: {  	_ =	shalt  }
0x3e: {  	_ =	shalt  }
0x3f: {  	_ =	shalt  }
0x40: {  	_ =	shalt  }
0x41: {  	_ =	shalt  }
0x42: {  	_ =	shalt  }
0x43: {  	_ =	shalt  }
0x44: {  	_ =	shalt  }
0x45: {  	_ =	shalt  }
0x46: {  	_ =	shalt  }
0x47: {  	_ =	shalt  }
0x48: {  	_ =	shalt  }
0x49: {  	_ =	shalt  }
0x4a: {  	_ =	shalt  }
0x4b: {  	_ =	shalt  }
0x4c: {  	_ =	shalt  }
0x4d: {  	_ =	shalt  }
0x4e: {  	_ =	shalt  }
0x4f: {  	_ =	shalt  }
0x50: {  	_ =	shalt  }
0x51: {  	_ =	shalt  }
0x52: {  	_ =	shalt  }
0x53: {  	_ =	shalt  }
0x54: {  	_ =	shalt  }
0x55: {  	_ =	shalt  }
0x56: {  	_ =	shalt  }
0x57: {  	_ =	shalt  }
0x58: {  	_ =	shalt  }
0x59: {  	_ =	shalt  }
0x5a: {  	_ =	shalt  }
0x5b: {  	_ =	shalt  }
0x5c: {  	_ =	shalt  }
0x5d: {  	_ =	shalt  }
0x5e: {  	_ =	shalt  }
0x5f: {  	_ =	shalt  }
0x60: {  	_ =	shalt  }
0x61: {  	_ =	shalt  }
0x62: {  	_ =	shalt  }
0x63: {  	_ =	shalt  }
0x64: {  	_ =	shalt  }
0x65: {  	_ =	shalt  }
0x66: {  	_ =	shalt  }
0x67: {  	_ =	shalt  }
0x68: {  	_ =	shalt  }
0x69: {  	_ =	shalt  }
0x6a: {  	_ =	shalt  }
0x6b: {  	_ =	shalt  }
0x6c: {  	_ =	shalt  }
0x6d: {  	_ =	shalt  }
0x6e: {  	_ =	shalt  }
0x6f: {  	_ =	shalt  }
0x70: {  	_ =	shalt  }
0x71: {  	_ =	shalt  }
0x72: {  	_ =	shalt  }
0x73: {  	_ =	shalt  }
0x74: {  	_ =	shalt  }
0x75: {  	_ =	shalt  }
0x76: {  	_ =	shalt  }
0x77: {  	_ =	shalt  }
0x78: {  	_ =	shalt  }
0x79: {  	_ =	shalt  }
0x7a: {  	_ =	shalt  }
0x7b: {  	_ =	shalt  }
0x7c: {  	_ =	shalt  }
0x7d: {  	_ =	shalt  }
0x7e: {  	_ =	shalt  }
0x7f: {  	_ =	shalt  }
0x80: {  	_ =	shalt  }
0x81: {  	_ =	shalt  }
0x82: {  	_ =	shalt  }
0x83: {  	_ =	shalt  }
0x84: {  	_ =	shalt  }
0x85: {  	_ =	shalt  }
0x86: {  	_ =	shalt  }
0x87: {  	_ =	shalt  }
.Lfunc_end0:
.L_simem_size_0:
called_computation_lowered:
.L_overlay_start_0:
0x88: {  	s2 =	sld [smem:$0x3FD9]  }
0x89: {  	s3 =	sld [smem:$0x3FFE];
	_ =	sdelay $0x1  }
0x8a: {  	s1 =	srdreg.scid  }
0x8b: {  	s0 =	sand.u32 $0x1, s1  }
0x8c: {  	s14 =	sshll.u32 s0, $0xA;
	s2 =	sadd.s32 s3, s2  }
0x8d: {  	s2 =	sadd.s32 s2, s14  }
0x8e: {  	[smem:$0x3FC7] =	sst s2  }
0x8f: {  	_ = 	snop  }
0x90: {  	s2 =	sld [smem:$0x3FD0];
	_ =	sdelay $0x2  }
0x91: {  	s15 =	simm.s32 $0xA;
	s4 =	simm.s32 $0x10  }
0x92: {  	[smem:s4], [sflag:s15] =	dma.local [hbm:s2], $0x1  }
0x93: {  	_ =	swait.eq [sflag:s15], $0x1  }
0x94: {  	[sflag:s15] =	ssyncset.done $0x0  }
0x95: {  	[sflag:s15] =	ssyncadd.s32 $0xFFFFFFFF  }
0x96: {  	s16 =	sld [smem:$0x12];
	(tm) =	ssettm $0x1  }
0x97: {  	s17 =	sld [smem:$0x3FFB];
	_ =	sdelay $0x3  }
0x98: {  	_ =	strace s17  }
0x99: {  	s3 =	sld [smem:$0x3FFC];
	_ =	sdelay $0x3  }
0x9a: {  	_ =	strace s3  }
0x9b: {  	s3 =	sld [smem:$0x3FFD];
	_ =	sdelay $0x3  }
0x9c: {  	_ =	strace s3  }
0x9d: {  	_ =	strace $0x8FFFFFFF  }
0x9e: {  	s18 =	sld [smem:$0x3FDB];
	_ =	sdelay $0x1  }
0x9f: {  	s19 =	simm.s32 $_scs_section_size  }
0xa0: {  	s5 =	simm.s32 $_size__tile_overlayer_lowered;
	s6 =	simm.s32 $_tile_overlayer_lowered  }
0xa1: {  	s22 =	simm.s32 $0x1BFF;
	s21 =	sshll.u32 s6, $0x1;
	s3 =	sadd.s32 s19, s18  }
0xa2: {  	s7 =	simm.s32 $0x0;
	s20 =	sshll.u32 s5, $0x1;
	s5 =	sadd.s32 s21, s3  }
0xa3: {  	[timem:s7], [sflag:s22] =	dma.local [hbm:s5], s20  }
0xa4: {  	_ =	swait.ge [sflag:s22], s20  }
0xa5: {  	s4 =	ssub.s32 $0x0, s20;
	[sflag:s22] =	ssyncset.done $0x0  }
0xa6: {  	[sflag:s22] =	ssyncadd.s32 s4;
	_ =	sdelay $0x1  }
0xa7: {  	s23 =	simm.s32 $0x1B8B  }
0xa8: {  	_ =	swait.ge [sflag:s23], $0x1  }
0xa9: {  	[sflag:s23] =	ssyncset.done $0x0  }
0xaa: {  	s25 =	simm.s32 $0x1B8E;
	s24 =	sld [smem:$0x3FFE];
	[sflag:s23] =	ssyncadd.s32 $0xFFFFFFFF  }
0xab: {  	s26 =	simm.s32 $execute0_lowered;
	[smem:$0x3FD2] =	sst s25  }
0xac: {  	s5 =	sshll.u32 s26, $0x1;
	_ =	strace $0x80000046;
	[dreg:$0x1] =	wrdreg $0xFFFFFFFF  }
0xad: {  	s28 =	simm.s32 $_size_execute0_lowered;
	s3 =	sadd.s32 s3, s5;
	[dreg:$0x0] =	wrdreg $0x0  }
0xae: {  	s5 =	sshll.u32 s28, $0x1;
	[dreg:$0x2] =	wrdreg s3  }
0xaf: {  	[dreg:$0x3] =	wrdreg s5  }
0xb0: {  	[dreg:$0x4] =	wrdreg $0xC0  }
0xb1: {  	_ =	task [dreg:s7], $0x5FFFF  }
0xb2: {  	[dreg:$0x1] =	wrdreg $0xFFFFFFFF  }
0xb3: {  	[dreg:$0x0] =	wrdreg $0x60  }
0xb4: {  	[dreg:$0x2] =	wrdreg s24  }
0xb5: {  	[dreg:$0x3] =	wrdreg s16  }
0xb6: {  	[dreg:$0x4] =	wrdreg $0x9  }
0xb7: {  	_ =	task.clear_ibuf [dreg:s7], $0x5FFFF;
	_ =	strace $0x90000046  }
0xb8: {  	s29 =	simm.s32 $0x9;
	_ =	strace $0x80000048  }
0xb9: {  	_ =	swait.ge [sflag:s29], $0x1  }
0xba: {  	[sflag:s29] =	ssyncadd.s32 $0xFFFFFFFF  }
0xbb: {  	_ =	strace $0x90000048  }
0xbc: {  	_ =	sfence  }
0xbd: {  	s30 =	sld [smem:$0x0];
	_ =	sdelay $0x2  }
0xbe: {  	s31 =	sshll.u32 s1, $0xD;
	s1 =	sshrl.u32 s1, $0x2  }
0xbf: {  	s3 =	sand.u32 $0x4000, s31;
	s1 =	sadd.s32 s1, s30  }
0xc0: {  	s0 =	sor.u32 s3, s0;
	s1 =	sshll.u32 s1, $0x11  }
0xc1: {  	s0 =	sor.u32 s1, s0  }
0xc2: {  	s0 =	sadd.s32 $0x8F2B, s0  }
0xc3: {  	[sflag:s0] =	ssyncadd.remote.s32 $0x1  }
0xc4: {  	_ =	sfence.sel $0xFFFF  }
0xc5: {  	[dreg:$0x0] =	wrdreg $0xFFFFFFFF;
	(pc) =	sbr.abs _section_cstart, $3  }
0xc6: {  	[dreg:$0x1] =	wrdreg $0xFFFFFFFF  }
0xc7: {  	_ =	task.clear_ibuf [dreg:s7], $0x2FFFF;
	_ =	strace $0x9FFFFFFF  }
0xc8: {  	(tm) =	ssettm $0x7FFFFFFF  }
0xc9: {  	_ =	shalt  }
tec
execute0_lowered:
.L_overlay_start_1:
0x0: {  	(tag) =	ssettag $0x1  }
0x1: {  	s4 =	rddreg [dreg:$0x0];
	s0 =	stileid.u32  }
0x2: {  	s1 =	rddreg [dreg:$0x1];
	s2 =	srdreg.scid;
	s22 =	simm.s32 $0x880  }
0x3: {  	s23 =	simm.s32 $0x100;
	s24 =	simm.s32 $0x900;
	s3 =	sshll.u32 s0, $0x1  }
0x4: {  	s5 =	sand.u32 $0x1, s2;
	s2 =	simm.s32 $0x0;
	s6 =	sshrl.u32 s0, $0x2  }
0x5: {  	s9 =	sadd.s32 $0x6C0A00, s4;
	s11 =	sadd.s32 $0x6C0800, s4;
	s3 =	sand.u32 $0x6, s3  }
0x6: {  	[smem:$0x7FF] =	sst s2;
	s8 =	sshll.u32 s6, $0x7;
	s3 =	sor.u32 s5, s3  }
0x7: {  	_ =	strace $0x80000047;
	[dreg:$0xa] =	wrdreg s22;
	s7 =	sshll.u32 s3, $0x4  }
0x8: {  	s5 =	ssub.s32 $0x2, s5;
	[dreg:$0xb] =	wrdreg s23;
	s8 =	sor.u32 s8, s7  }
0x9: {  	s3 =	sadd.s32 $0x800, s4;
	s10 =	sshrl.u32 s5, $0x1;
	s8 =	sshrl.u32 s8, $0x3  }
0xa: {  	s4 =	ssub.s32 s5, s10;
	s8 =	sadd.s32 s1, s8;
	s1 =	smul.u32 $0xD80000, s6  }
0xb: {  	[dreg:$0xc] =	wrdreg s24;
	s4 =	smax.u32 s4, $0x1  }
0xc: {  	s6 =	sshll.u32 s6, $0x9;
	[dreg:$0x3] =	wrdreg s8;
	s5 =	sor.u32 $0x24000, s1  }
0xd: {  	s6 =	sor.u32 s6, s7;
	s8 =	sor.u32 $0x48000, s1;
	s10 =	sor.u32 $0x6C000, s1;
	v0 =	vmov s5  }
0xe: {  	s12 =	sadd.s32 $0x90000, s1;
	s13 =	sadd.s32 $0xB4000, s1;
	s14 =	sadd.s32 $0xD8000, s1;
	[tilespmem:$0x1FD40] =	vst v0;
	v0 =	vmov s8  }
0xf: {  	s15 =	sadd.s32 $0xFC000, s1;
	s7 =	sadd.s32 $0x120000, s1;
	s16 =	sadd.s32 $0x144000, s1;
	[tilespmem:$0x1FD50] =	vst v0;
	v0 =	vmov s10  }
0x10: {  	s6 =	sshrl.u32 s6, $0x3;
	s17 =	sadd.s32 $0x168000, s1;
	s18 =	sadd.s32 $0x18C000, s1;
	[tilespmem:$0x1FD60] =	vst v0;
	v0 =	vmov s12  }
0x11: {  	s21 =	sadd.s32 $0x1B0000, s1;
	s22 =	sadd.s32 $0x264000, s1;
	s23 =	sadd.s32 $0x288000, s1;
	[tilespmem:$0x1FD70] =	vst v0;
	v0 =	vmov s13  }
0x12: {  	s24 =	sadd.s32 $0x2AC000, s1;
	s28 =	sadd.s32 $0x33C000, s1;
	s29 =	sadd.s32 $0x360000, s1;
	[tilespmem:$0x1FD80] =	vst v0;
	v0 =	vmov s14  }
0x13: {  	s30 =	sadd.s32 $0x3A8000, s1;
	s31 =	sadd.s32 $0x3CC000, s1;
	s19 =	sadd.s32 s9, s6;
	[tilespmem:$0x1FD90] =	vst v0;
	v0 =	vmov s15  }
0x14: {  	s25 =	sadd.s32 s11, s6;
	s20 =	sor.u32 $0x10, s6;
	[dreg:$0x4] =	wrdreg s19;
	[tilespmem:$0x1FDA0] =	vst v0;
	v0 =	vmov s7  }
0x15: {  	s6 =	sor.u32 $0x20, s6;
	[dreg:$0x5] =	wrdreg s25;
	s26 =	sadd.s32 s9, s20;
	[tilespmem:$0x1FDB0] =	vst v0;
	v0 =	vmov s16  }
0x16: {  	s5 =	simm.s32 $0x2;
	s0 =	sadd.s32 s11, s20;
	[dreg:$0x6] =	wrdreg s26;
	[tilespmem:$0x1FDC0] =	vst v0;
	v0 =	vmov s17  }
0x17: {  	s20 =	sadd.s32 $0x1D4000, s1;
	s9 =	sadd.s32 s9, s6;
	[dreg:$0x7] =	wrdreg s0;
	[tilespmem:$0x1FDD0] =	vst v0;
	v0 =	vmov s18  }
0x18: {  	s19 =	sadd.s32 $0x1F8000, s1;
	s6 =	sadd.s32 s11, s6;
	[dreg:$0x8] =	wrdreg s9;
	[tilespmem:$0x1FDE0] =	vst v0;
	v0 =	vmov s21  }
0x19: {  	s11 =	sadd.s32 $0x240000, s1;
	s25 =	simm.s32 $0x180;
	[dreg:$0x9] =	wrdreg s6;
	[tilespmem:$0x1FDF0] =	vst v0;
	v0 =	vmov s20  }
0x1a: {  	s8 =	sadd.s32 $0x3F0000, s1;
	s9 =	sadd.s32 $0x21C000, s1;
	[dreg:$0xd] =	wrdreg s25;
	[tilespmem:$0x1FE00] =	vst v0;
	v0 =	vmov s19  }
0x1b: {  	s26 =	simm.s32 $0x980;
	s6 =	sadd.s32 $0x2D0000, s1;
	s25 =	sadd.s32 $0x2F4000, s1;
	[tilespmem:$0x1FE10] =	vst v0;
	v0 =	vmov s9  }
0x1c: {  	s0 =	sadd.s32 $0x384000, s1;
	s10 =	sadd.s32 $0x414000, s1;
	[dreg:$0xe] =	wrdreg s26;
	[tilespmem:$0x1FE20] =	vst v0;
	v0 =	vmov s11  }
0x1d: {  	s26 =	sadd.s32 $0x318000, s1;
	s12 =	sadd.s32 $0x438000, s1;
	s13 =	sadd.s32 $0x45C000, s1;
	[tilespmem:$0x1FE30] =	vst v0;
	v0 =	vmov s22  }
0x1e: {  	s14 =	sadd.s32 $0x480000, s1;
	s15 =	sadd.s32 $0x4A4000, s1;
	s7 =	sadd.s32 $0x4C8000, s1;
	[tilespmem:$0x1FE40] =	vst v0;
	v0 =	vmov s23  }
0x1f: {  	s16 =	sadd.s32 $0x4EC000, s1;
	s17 =	sadd.s32 $0x510000, s1;
	s18 =	sadd.s32 $0x534000, s1;
	[tilespmem:$0x1FE50] =	vst v0;
	v0 =	vmov s24  }
0x20: {  	s21 =	sadd.s32 $0x57C000, s1;
	s20 =	sadd.s32 $0x558000, s1;
	s19 =	sadd.s32 $0x5E8000, s1;
	[tilespmem:$0x1FE60] =	vst v0;
	v0 =	vmov s6  }
0x21: {  	v32 =	vimm.s32 $0x0;
	s9 =	sadd.s32 $0x5A0000, s1;
	s11 =	sadd.s32 $0x5C4000, s1;
	s24 =	sadd.s32 $0x654000, s1;
	[tilespmem:$0x1FE70] =	vst v0;
	v0 =	vmov s25  }
0x22: {  	v5 =	vmov s1;
	s22 =	sadd.s32 $0x60C000, s1;
	s6 =	sadd.s32 $0x678000, s1;
	v44 =	vmov s24;
	s24 =	sadd.s32 $0xA20000, s1;
	[tilespmem:$0x1FE80] =	vst v0;
	v0 =	vmov s26  }
0x23: {  	s23 =	sadd.s32 $0x630000, s1;
	s25 =	sadd.s32 $0x69C000, s1;
	v45 =	vmov s6;
	s6 =	sadd.s32 $0x9D8000, s1;
	v8 =	vmov s24;
	[tilespmem:$0x1FE90] =	vst v0;
	v0 =	vmov s28  }
0x24: {  	s24 =	simm.s32 $0xE00;
	s26 =	sadd.s32 $0x6C0000, s1;
	v46 =	vmov s25;
	s25 =	sadd.s32 $0xA44000, s1;
	v6 =	vmov s6;
	[tilespmem:$0x1FEA0] =	vst v0;
	v0 =	vmov s29  }
0x25: {  	s6 =	simm.s32 $0x80;
	s28 =	sadd.s32 $0x708000, s1;
	v47 =	vmov s26;
	s26 =	sadd.s32 $0xA68000, s1;
	v9 =	vmov s25;
	[tilespmem:$0x1FEB0] =	vst v0;
	v0 =	vmov s0  }
0x26: {  	s25 =	simm.s32 $0x1;
	s29 =	sadd.s32 $0x72C000, s1;
	v49 =	vmov s28;
	s28 =	sadd.s32 $0xAB0000, s1;
	v10 =	vmov s26;
	[tilespmem:$0x1FEC0] =	vst v0;
	v0 =	vmov s30  }
0x27: {  	s26 =	simm.s32 $0x1080;
	s0 =	sadd.s32 $0x6E4000, s1;
	v50 =	vmov s29;
	s29 =	sadd.s32 $0xAD4000, s1;
	v12 =	vmov s28;
	[tilespmem:$0x1FED0] =	vst v0;
	v0 =	vmov s31  }
0x28: {  	s28 =	simm.s32 $0x1280;
	s30 =	sadd.s32 $0x774000, s1;
	v48 =	vmov s0;
	s0 =	sadd.s32 $0xA8C000, s1;
	v13 =	vmov s29;
	[tilespmem:$0x1FEE0] =	vst v0;
	v0 =	vmov s8  }
0x29: {  	s29 =	simm.s32 $0x1100;
	s31 =	sadd.s32 $0x798000, s1;
	v52 =	vmov s30;
	s30 =	sadd.s32 $0xB1C000, s1;
	v11 =	vmov s0;
	[tilespmem:$0x1FEF0] =	vst v0;
	v0 =	vmov s10  }
0x2a: {  	s0 =	simm.s32 $0x400;
	s8 =	sadd.s32 $0x750000, s1;
	v53 =	vmov s31;
	s31 =	sadd.s32 $0xB40000, s1;
	v15 =	vmov s30;
	[tilespmem:$0x1FF00] =	vst v0;
	v0 =	vmov s12  }
0x2b: {  	s30 =	simm.s32 $0x1300;
	s10 =	sadd.s32 $0x7BC000, s1;
	v51 =	vmov s8;
	s8 =	sadd.s32 $0xAF8000, s1;
	v16 =	vmov s31;
	[tilespmem:$0x1FF10] =	vst v0;
	v0 =	vmov s13  }
0x2c: {  	s31 =	simm.s32 $0x1180;
	s12 =	sadd.s32 $0x7E0000, s1;
	v54 =	vmov s10;
	s10 =	sadd.s32 $0xB64000, s1;
	v14 =	vmov s8;
	[tilespmem:$0x1FF20] =	vst v0;
	v0 =	vmov s14  }
0x2d: {  	s8 =	simm.s32 $0xC00;
	s13 =	sadd.s32 $0x804000, s1;
	v55 =	vmov s12;
	s12 =	sadd.s32 $0xBAC000, s1;
	v17 =	vmov s10;
	[tilespmem:$0x1FF30] =	vst v0;
	v0 =	vmov s15  }
0x2e: {  	s10 =	simm.s32 $0x500;
	s14 =	sadd.s32 $0x84C000, s1;
	v56 =	vmov s13;
	s13 =	sadd.s32 $0xBD0000, s1;
	v19 =	vmov s12;
	[tilespmem:$0x1FF40] =	vst v0;
	v0 =	vmov s7  }
0x2f: {  	s12 =	simm.s32 $0xC80;
	s15 =	sadd.s32 $0x870000, s1;
	v58 =	vmov s14;
	s14 =	sadd.s32 $0xBF4000, s1;
	v20 =	vmov s13;
	[tilespmem:$0x1FF50] =	vst v0;
	v0 =	vmov s16  }
0x30: {  	s13 =	simm.s32 $0xD00;
	s7 =	sadd.s32 $0x828000, s1;
	v59 =	vmov s15;
	s15 =	sadd.s32 $0xC18000, s1;
	v21 =	vmov s14;
	[tilespmem:$0x1FF60] =	vst v0;
	v0 =	vmov s17  }
0x31: {  	s14 =	simm.s32 $0x580;
	s16 =	sadd.s32 $0x894000, s1;
	v57 =	vmov s7;
	s7 =	sadd.s32 $0xB88000, s1;
	v22 =	vmov s15;
	[tilespmem:$0x1FF70] =	vst v0;
	v0 =	vmov s18  }
0x32: {  	s17 =	sadd.s32 $0x8B8000, s1;
	v60 =	vmov s16;
	s16 =	sadd.s32 $0xC3C000, s1;
	v18 =	vmov s7;
	s7 =	simm.s32 $0x480;
	[tilespmem:$0x1FF80] =	vst v0;
	v0 =	vmov s20  }
0x33: {  	s18 =	sadd.s32 $0x8DC000, s1;
	v61 =	vmov s17;
	s17 =	sadd.s32 $0xC84000, s1;
	v23 =	vmov s16;
	s20 =	sadd.s32 $0x924000, s1;
	[tilespmem:$0x1FF90] =	vst v0;
	v0 =	vmov s21  }
0x34: {  	v62 =	vmov s18;
	s18 =	sadd.s32 $0xCA8000, s1;
	v25 =	vmov s17;
	s17 =	simm.s32 $0x200;
	s21 =	sadd.s32 $0x948000, s1;
	[tilespmem:$0x1FFA0] =	vst v0;
	v0 =	vmov s9  }
0x35: {  	v26 =	vmov s18;
	s18 =	simm.s32 $0xA00;
	s9 =	sadd.s32 $0x900000, s1;
	v1 =	vmov s21;
	s21 =	sadd.s32 $0xD14000, s1;
	[tilespmem:$0x1FFB0] =	vst v0;
	v0 =	vmov s11  }
0x36: {  	s11 =	sadd.s32 $0x96C000, s1;
	v63 =	vmov s9;
	s9 =	sadd.s32 $0xC60000, s1;
	v29 =	vmov s21;
	s21 =	simm.s32 $0x300;
	[tilespmem:$0x1FFC0] =	vst v0;
	v0 =	vmov s19  }
0x37: {  	s19 =	sadd.s32 $0x990000, s1;
	v2 =	vmov s11;
	s11 =	sadd.s32 $0xCCC000, s1;
	v24 =	vmov s9;
	[tilespmem:$0x1FFD0] =	vst v0;
	v0 =	vmov s22;
	s22 =	sadd.s32 $0x9B4000, s1  }
0x38: {  	v3 =	vmov s19;
	s19 =	sadd.s32 $0xD38000, s1;
	[tilespmem:$0x1FFE0] =	vst v0;
	v0 =	vmov s23;
	s23 =	sadd.s32 $0x9FC000, s1;
	v4 =	vmov s22;
	s22 =	simm.s32 $0xD80  }
0x39: {  	v27 =	vmov s11;
	v30 =	vmov s19;
	s19 =	simm.s32 $0x280;
	[tilespmem:$0x1FFF0] =	vst v0;
	v0 =	vmov s20;
	s20 =	sadd.s32 $0xCF0000, s1;
	s1 =	sadd.s32 $0xD5C000, s1  }
0x3a: {  	v7 =	vmov s23;
	s23 =	simm.s32 $0x600;
	v28 =	vmov s20;
	s20 =	simm.s32 $0xA80;
	v31 =	vmov s1;
	s1 =	simm.s32 $0x1380  }
.LBB2_1:
0x3b: {  	s9 =	rddreg [dreg:$0x3]  }
0x3c: {  	[tilespmem:s2], [sflag:$0x2] =	stream.linear.gather [hbm4b:s9+s2], $0x10, $0x38;
	[tilespmem:$0x1480] =	vst v63  }
0x3d: {  	_ =	swait.ge [sflag:s5], $0x10  }
0x3e: {  	[sflag:s5] =	ssyncset.done $0x0  }
0x3f: {  	[sflag:s5] =	ssyncadd.s32 $0xFFFFFFF0  }
0x40: {  	v33 =	vld [tilespmem:$0x0]  }
0x41: {  	v43 =	vld [tilespmem:$0x1FD40]  }
0x42: {  	v36 =	vld [tilespmem:$0x1FD50]  }
0x43: {  	v37 =	vld [tilespmem:$0x1FD60]  }
0x44: {  	v38 =	vld [tilespmem:$0x1FD70]  }
0x45: {  	v39 =	vld [tilespmem:$0x1FD80];
	v34 =	vadd.s32 v5, v33  }
0x46: {  	v40 =	vld [tilespmem:$0x1FD90];
	[tilespmem:$0x80] =	vst v34;
	v34 =	vadd.s32 v43, v33  }
0x47: {  	v41 =	vld [tilespmem:$0x1FDA0];
	[tilespmem:$0x90] =	vst v34;
	v34 =	vadd.s32 v36, v33  }
0x48: {  	v42 =	vld [tilespmem:$0x1FDB0];
	[tilespmem:$0xA0] =	vst v34;
	v34 =	vadd.s32 v37, v33  }
0x49: {  	v43 =	vld [tilespmem:$0x1FDC0];
	[tilespmem:$0xB0] =	vst v34;
	v34 =	vadd.s32 v38, v33  }
0x4a: {  	v36 =	vld [tilespmem:$0x1FDD0];
	[tilespmem:$0xC0] =	vst v34;
	v34 =	vadd.s32 v39, v33  }
0x4b: {  	v37 =	vld [tilespmem:$0x1FDE0];
	[tilespmem:$0xD0] =	vst v34;
	v34 =	vadd.s32 v40, v33  }
0x4c: {  	v38 =	vld [tilespmem:$0x1FDF0];
	[tilespmem:$0xE0] =	vst v34;
	v34 =	vadd.s32 v41, v33  }
0x4d: {  	v39 =	vld [tilespmem:$0x1FE00];
	[tilespmem:$0xF0] =	vst v34;
	v34 =	vadd.s32 v42, v33  }
0x4e: {  	v40 =	vld [tilespmem:$0x1FE10];
	[tilespmem:$0x100] =	vst v34;
	v34 =	vadd.s32 v43, v33  }
0x4f: {  	v41 =	vld [tilespmem:$0x1FE20];
	[tilespmem:$0x110] =	vst v34;
	v34 =	vadd.s32 v36, v33  }
0x50: {  	v42 =	vld [tilespmem:$0x1FE30];
	[tilespmem:$0x120] =	vst v34;
	v34 =	vadd.s32 v37, v33  }
0x51: {  	v43 =	vld [tilespmem:$0x1FE40];
	[tilespmem:$0x130] =	vst v34;
	v34 =	vadd.s32 v38, v33  }
0x52: {  	v36 =	vld [tilespmem:$0x1FE50];
	[tilespmem:$0x140] =	vst v34;
	v34 =	vadd.s32 v39, v33  }
0x53: {  	v37 =	vld [tilespmem:$0x1FE60];
	[tilespmem:$0x150] =	vst v34;
	v34 =	vadd.s32 v40, v33  }
0x54: {  	v38 =	vld [tilespmem:$0x1FE70];
	[tilespmem:$0x160] =	vst v34;
	v34 =	vadd.s32 v41, v33  }
0x55: {  	v39 =	vld [tilespmem:$0x1FE80];
	[tilespmem:$0x170] =	vst v34;
	v34 =	vadd.s32 v42, v33  }
0x56: {  	v40 =	vld [tilespmem:$0x1FE90];
	[tilespmem:$0x180] =	vst v34;
	v34 =	vadd.s32 v43, v33  }
0x57: {  	v41 =	vld [tilespmem:$0x1FEA0];
	[tilespmem:$0x190] =	vst v34;
	v34 =	vadd.s32 v36, v33  }
0x58: {  	v42 =	vld [tilespmem:$0x1FEB0];
	[tilespmem:$0x1A0] =	vst v34;
	v34 =	vadd.s32 v37, v33  }
0x59: {  	v43 =	vld [tilespmem:$0x1FEC0];
	[tilespmem:$0x1B0] =	vst v34;
	v34 =	vadd.s32 v38, v33  }
0x5a: {  	v36 =	vld [tilespmem:$0x1FED0];
	[tilespmem:$0x1C0] =	vst v34;
	v34 =	vadd.s32 v39, v33  }
0x5b: {  	v37 =	vld [tilespmem:$0x1FEE0];
	[tilespmem:$0x1D0] =	vst v34;
	v34 =	vadd.s32 v40, v33  }
0x5c: {  	v38 =	vld [tilespmem:$0x1FEF0];
	[tilespmem:$0x1E0] =	vst v34;
	v34 =	vadd.s32 v41, v33  }
0x5d: {  	v39 =	vld [tilespmem:$0x1FF00];
	[tilespmem:$0x1F0] =	vst v34;
	v34 =	vadd.s32 v42, v33  }
0x5e: {  	v40 =	vld [tilespmem:$0x1FF10];
	[tilespmem:$0x200] =	vst v34;
	v34 =	vadd.s32 v43, v33  }
0x5f: {  	v41 =	vld [tilespmem:$0x1FF20];
	[tilespmem:$0x210] =	vst v34;
	v34 =	vadd.s32 v36, v33  }
0x60: {  	v42 =	vld [tilespmem:$0x1FF30];
	[tilespmem:$0x220] =	vst v34;
	v34 =	vadd.s32 v37, v33  }
0x61: {  	v43 =	vld [tilespmem:$0x1FF40];
	[tilespmem:$0x230] =	vst v34;
	v34 =	vadd.s32 v38, v33  }
0x62: {  	v36 =	vld [tilespmem:$0x1FF50];
	[tilespmem:$0x240] =	vst v34;
	v34 =	vadd.s32 v39, v33  }
0x63: {  	v37 =	vld [tilespmem:$0x1FF60];
	[tilespmem:$0x250] =	vst v34;
	v34 =	vadd.s32 v40, v33  }
0x64: {  	v38 =	vld [tilespmem:$0x1FF70];
	[tilespmem:$0x260] =	vst v34;
	v34 =	vadd.s32 v41, v33  }
0x65: {  	v39 =	vld [tilespmem:$0x1FF80];
	[tilespmem:$0x270] =	vst v34;
	v34 =	vadd.s32 v42, v33  }
0x66: {  	[tilespmem:$0x280] =	vst v34;
	v34 =	vadd.s32 v43, v33  }
0x67: {  	v40 =	vld [tilespmem:$0x1FF90];
	[tilespmem:$0x290] =	vst v34;
	v34 =	vadd.s32 v36, v33  }
0x68: {  	[tilespmem:$0x2A0] =	vst v34;
	v34 =	vadd.s32 v37, v33  }
0x69: {  	[tilespmem:$0x2B0] =	vst v34;
	v34 =	vadd.s32 v38, v33  }
0x6a: {  	v41 =	vld [tilespmem:$0x1FFA0];
	[tilespmem:$0x2C0] =	vst v34;
	v34 =	vadd.s32 v39, v33  }
0x6b: {  	v39 =	vadd.s32 v44, v33;
	[tilespmem:$0x2D0] =	vst v34  }
0x6c: {  	v34 =	vadd.s32 v40, v33;
	[tilespmem:$0x350] =	vst v39  }
0x6d: {  	v40 =	vadd.s32 v45, v33;
	[tilespmem:$0x2E0] =	vst v34  }
0x6e: {  	v42 =	vld [tilespmem:$0x1FFB0];
	v39 =	vadd.s32 v52, v33;
	[tilespmem:$0x360] =	vst v40  }
0x6f: {  	v34 =	vadd.s32 v41, v33;
	[tilespmem:$0x3D0] =	vst v39  }
0x70: {  	v41 =	vadd.s32 v46, v33;
	[tilespmem:$0x2F0] =	vst v34  }
0x71: {  	v40 =	vadd.s32 v53, v33;
	[tilespmem:$0x370] =	vst v41  }
0x72: {  	v39 =	vadd.s32 v60, v33;
	[tilespmem:$0x3E0] =	vst v40  }
0x73: {  	v43 =	vld [tilespmem:$0x1FFC0];
	v34 =	vadd.s32 v42, v33;
	[tilespmem:$0x450] =	vst v39  }
0x74: {  	v42 =	vadd.s32 v47, v33;
	[tilespmem:$0x300] =	vst v34  }
0x75: {  	v41 =	vadd.s32 v54, v33;
	[tilespmem:$0x380] =	vst v42  }
0x76: {  	v40 =	vadd.s32 v61, v33;
	[tilespmem:$0x3F0] =	vst v41  }
0x77: {  	v39 =	vadd.s32 v4, v33;
	[tilespmem:$0x460] =	vst v40  }
0x78: {  	v34 =	vadd.s32 v43, v33;
	[tilespmem:$0x4D0] =	vst v39  }
0x79: {  	v36 =	vld [tilespmem:$0x1FFD0];
	v43 =	vadd.s32 v48, v33;
	[tilespmem:$0x310] =	vst v34  }
0x7a: {  	v42 =	vadd.s32 v55, v33;
	[tilespmem:$0x390] =	vst v43  }
0x7b: {  	v41 =	vadd.s32 v62, v33;
	[tilespmem:$0x400] =	vst v42  }
0x7c: {  	v40 =	vadd.s32 v6, v33;
	[tilespmem:$0x470] =	vst v41  }
0x7d: {  	v39 =	vadd.s32 v13, v33;
	[tilespmem:$0x4E0] =	vst v40  }
0x7e: {  	v34 =	vadd.s32 v36, v33;
	[tilespmem:$0x550] =	vst v39  }
0x7f: {  	v36 =	vadd.s32 v49, v33;
	[tilespmem:$0x320] =	vst v34  }
0x80: {  	v37 =	vld [tilespmem:$0x1FFE0];
	v43 =	vadd.s32 v56, v33;
	[tilespmem:$0x3A0] =	vst v36  }
0x81: {  	v42 =	vadd.s32 v63, v33;
	[tilespmem:$0x410] =	vst v43  }
0x82: {  	v41 =	vadd.s32 v7, v33;
	[tilespmem:$0x480] =	vst v42  }
0x83: {  	v40 =	vadd.s32 v14, v33;
	[tilespmem:$0x4F0] =	vst v41  }
0x84: {  	v39 =	vadd.s32 v21, v33;
	[tilespmem:$0x560] =	vst v40  }
0x85: {  	v34 =	vadd.s32 v37, v33;
	[tilespmem:$0x5D0] =	vst v39  }
0x86: {  	v37 =	vadd.s32 v50, v33;
	[tilespmem:$0x330] =	vst v34  }
0x87: {  	v36 =	vadd.s32 v57, v33;
	[tilespmem:$0x3B0] =	vst v37  }
0x88: {  	v38 =	vld [tilespmem:$0x1FFF0];
	v43 =	vadd.s32 v0, v33;
	[tilespmem:$0x420] =	vst v36  }
0x89: {  	v42 =	vadd.s32 v8, v33;
	[tilespmem:$0x490] =	vst v43  }
0x8a: {  	v41 =	vadd.s32 v15, v33;
	[tilespmem:$0x500] =	vst v42  }
0x8b: {  	v40 =	vadd.s32 v22, v33;
	[tilespmem:$0x570] =	vst v41  }
0x8c: {  	v39 =	vadd.s32 v29, v33;
	[tilespmem:$0x5E0] =	vst v40  }
0x8d: {  	v34 =	vadd.s32 v38, v33;
	[tilespmem:$0x650] =	vst v39  }
0x8e: {  	v38 =	vadd.s32 v51, v33;
	[tilespmem:$0x340] =	vst v34  }
0x8f: {  	v37 =	vadd.s32 v58, v33;
	[tilespmem:$0x3C0] =	vst v38  }
0x90: {  	v36 =	vadd.s32 v1, v33;
	[tilespmem:$0x430] =	vst v37  }
0x91: {  	v43 =	vadd.s32 v9, v33;
	[tilespmem:$0x4A0] =	vst v36  }
0x92: {  	v42 =	vadd.s32 v16, v33;
	[tilespmem:$0x510] =	vst v43  }
0x93: {  	v41 =	vadd.s32 v23, v33;
	[tilespmem:$0x580] =	vst v42  }
0x94: {  	v40 =	vadd.s32 v30, v33;
	[tilespmem:$0x5F0] =	vst v41  }
0x95: {  	v38 =	vadd.s32 v59, v33;
	[tilespmem:$0x660] =	vst v40  }
0x96: {  	v37 =	vadd.s32 v2, v33;
	[tilespmem:$0x440] =	vst v38  }
0x97: {  	v36 =	vadd.s32 v10, v33;
	[tilespmem:$0x4B0] =	vst v37  }
0x98: {  	v43 =	vadd.s32 v17, v33;
	[tilespmem:$0x520] =	vst v36  }
0x99: {  	v42 =	vadd.s32 v24, v33;
	[tilespmem:$0x590] =	vst v43  }
0x9a: {  	v38 =	vadd.s32 v3, v33;
	[tilespmem:$0x600] =	vst v42  }
0x9b: {  	v37 =	vadd.s32 v11, v33;
	[tilespmem:$0x4C0] =	vst v38  }
0x9c: {  	v36 =	vadd.s32 v18, v33;
	[tilespmem:$0x530] =	vst v37  }
0x9d: {  	v43 =	vadd.s32 v25, v33;
	[tilespmem:$0x5A0] =	vst v36  }
0x9e: {  	v38 =	vadd.s32 v12, v33;
	[tilespmem:$0x610] =	vst v43  }
0x9f: {  	v37 =	vadd.s32 v19, v33;
	[tilespmem:$0x540] =	vst v38  }
0xa0: {  	v36 =	vadd.s32 v26, v33;
	[tilespmem:$0x5B0] =	vst v37  }
0xa1: {  	v38 =	vadd.s32 v20, v33;
	[tilespmem:$0x620] =	vst v36  }
0xa2: {  	v37 =	vadd.s32 v27, v33;
	[tilespmem:$0x5C0] =	vst v38  }
0xa3: {  	s16 =	rddreg [dreg:$0xa];
	[tilespmem:$0x630] =	vst v37;
	v38 =	vadd.s32 v28, v33  }
0xa4: {  	s9 =	rddreg [dreg:$0xb];
	v33 =	vadd.s32 v31, v33;
	[tilespmem:$0x640] =	vst v38  }
0xa5: {  	s11 =	rddreg [dreg:$0xc];
	[tilespmem:$0x670] =	vst v33  }
0xa6: {  	[tilespmem:s16], [sflag:$0x1] =	stream.indirect.gather [hbm4b:s3+s6], $0x1, s6, s6, $0xb8;
	[tilespmem:$0x1480] =	vst v63  }
0xa7: {  	s15 =	rddreg [dreg:$0xd]  }
0xa8: {  	[tilespmem:s11], [sflag:$0x1] =	stream.indirect.gather [hbm4b:s3+s6], $0x1, s9, s6, $0xb8;
	[tilespmem:$0x1480] =	vst v63  }
0xa9: {  	s16 =	rddreg [dreg:$0xe]  }
0xaa: {  	[tilespmem:s16], [sflag:$0x1] =	stream.indirect.gather [hbm4b:s3+s6], $0x1, s15, s6, $0xb8;
	[tilespmem:$0x1480] =	vst v63  }
0xab: {  	_ = 	snop  }
0xac: {  	[tilespmem:s18], [sflag:$0x1] =	stream.indirect.gather [hbm4b:s3+s6], $0x1, s17, s6, $0xb8;
	[tilespmem:$0x1480] =	vst v63  }
0xad: {  	_ = 	snop  }
0xae: {  	[tilespmem:s20], [sflag:$0x1] =	stream.indirect.gather [hbm4b:s3+s6], $0x1, s19, s6, $0xb8;
	[tilespmem:$0x1480] =	vst v63  }
0xaf: {  	s11 =	simm.s32 $0xB00  }
0xb0: {  	[tilespmem:s11], [sflag:$0x1] =	stream.indirect.gather [hbm4b:s3+s6], $0x1, s21, s6, $0xb8;
	[tilespmem:$0x1480] =	vst v63  }
0xb1: {  	s15 =	simm.s32 $0x380;
	s16 =	simm.s32 $0xB80  }
0xb2: {  	[tilespmem:s16], [sflag:$0x1] =	stream.indirect.gather [hbm4b:s3+s6], $0x1, s15, s6, $0xb8;
	[tilespmem:$0x1480] =	vst v63  }
0xb3: {  	_ = 	snop  }
0xb4: {  	[tilespmem:s8], [sflag:$0x1] =	stream.indirect.gather [hbm4b:s3+s6], $0x1, s0, s6, $0xb8;
	[tilespmem:$0x1480] =	vst v63  }
0xb5: {  	_ = 	snop  }
0xb6: {  	[tilespmem:s12], [sflag:$0x1] =	stream.indirect.gather [hbm4b:s3+s6], $0x1, s7, s6, $0xb8;
	[tilespmem:$0x1480] =	vst v63  }
0xb7: {  	_ = 	snop  }
0xb8: {  	[tilespmem:s13], [sflag:$0x1] =	stream.indirect.gather [hbm4b:s3+s6], $0x1, s10, s6, $0xb8;
	[tilespmem:$0x1480] =	vst v63  }
0xb9: {  	_ = 	snop  }
0xba: {  	[tilespmem:s22], [sflag:$0x1] =	stream.indirect.gather [hbm4b:s3+s6], $0x1, s14, s6, $0xb8;
	[tilespmem:$0x1480] =	vst v63  }
0xbb: {  	_ = 	snop  }
0xbc: {  	[tilespmem:s24], [sflag:$0x1] =	stream.indirect.gather [hbm4b:s3+s6], $0x1, s23, s6, $0xb8;
	[tilespmem:$0x1480] =	vst v63  }
0xbd: {  	_ =	swait.ge [sflag:s25], $0x80  }
0xbe: {  	[sflag:s25] =	ssyncset.done $0x0  }
0xbf: {  	[sflag:s25] =	ssyncadd.s32 $0xFFFFFF80  }
0xc0: {  	_ =	swait.ge [sflag:s25], $0x80  }
0xc1: {  	[sflag:s25] =	ssyncset.done $0x0  }
0xc2: {  	[sflag:s25] =	ssyncadd.s32 $0xFFFFFF80  }
0xc3: {  	_ =	swait.ge [sflag:s25], $0x80  }
0xc4: {  	[sflag:s25] =	ssyncset.done $0x0  }
0xc5: {  	[sflag:s25] =	ssyncadd.s32 $0xFFFFFF80  }
0xc6: {  	_ =	swait.ge [sflag:s25], $0x80  }
0xc7: {  	[sflag:s25] =	ssyncset.done $0x0  }
0xc8: {  	[sflag:s25] =	ssyncadd.s32 $0xFFFFFF80  }
0xc9: {  	_ =	swait.ge [sflag:s25], $0x80  }
0xca: {  	[sflag:s25] =	ssyncset.done $0x0  }
0xcb: {  	[sflag:s25] =	ssyncadd.s32 $0xFFFFFF80  }
0xcc: {  	_ =	swait.ge [sflag:s25], $0x80  }
0xcd: {  	[sflag:s25] =	ssyncset.done $0x0  }
0xce: {  	[sflag:s25] =	ssyncadd.s32 $0xFFFFFF80  }
0xcf: {  	_ =	swait.ge [sflag:s25], $0x80  }
0xd0: {  	[sflag:s25] =	ssyncset.done $0x0  }
0xd1: {  	[sflag:s25] =	ssyncadd.s32 $0xFFFFFF80  }
0xd2: {  	_ =	swait.ge [sflag:s25], $0x80  }
0xd3: {  	[sflag:s25] =	ssyncset.done $0x0  }
0xd4: {  	[sflag:s25] =	ssyncadd.s32 $0xFFFFFF80  }
0xd5: {  	_ =	swait.ge [sflag:s25], $0x80  }
0xd6: {  	[sflag:s25] =	ssyncset.done $0x0  }
0xd7: {  	[sflag:s25] =	ssyncadd.s32 $0xFFFFFF80  }
0xd8: {  	_ =	swait.ge [sflag:s25], $0x80  }
0xd9: {  	[sflag:s25] =	ssyncset.done $0x0  }
0xda: {  	[sflag:s25] =	ssyncadd.s32 $0xFFFFFF80  }
0xdb: {  	_ =	swait.ge [sflag:s25], $0x80  }
0xdc: {  	[sflag:s25] =	ssyncset.done $0x0  }
0xdd: {  	[sflag:s25] =	ssyncadd.s32 $0xFFFFFF80  }
0xde: {  	_ =	swait.ge [sflag:s25], $0x80  }
0xdf: {  	[sflag:s25] =	ssyncset.done $0x0  }
0xe0: {  	[sflag:s25] =	ssyncadd.s32 $0xFFFFFF80  }
0xe1: {  	v41 =	vld [tilespmem:$0x880]  }
0xe2: {  	v42 =	vld [tilespmem:$0x890]  }
0xe3: {  	v35 =	vld [tilespmem:$0x8A0];
	_ =	sdelay $0x2  }
0xe4: {  	vm0 =	vgt.f32 v41, $-Inf  }
0xe5: {  	vm1 =	vlt.f32 v42, $-Inf;
	v33 =	vnsel vm0, $0xFF800000, v41  }
0xe6: {  	vm2 =	vgt.f32 v42, $-Inf;
	vm14 =	vlt.f32 v35, $-Inf;
	vm0 =	vgt.f32 v42, v33  }
0xe7: {  	vm15 =	vgt.f32 v35, $-Inf;
	vm1 =	vmor vm2, vm1;
	vm3 =	vmneg vm0  }
0xe8: {  	v34 =	vld [tilespmem:$0x8B0];
	v39 =	vsel vm0, $0x1, v32;
	v36 =	vsel vm3, v42, v33;
	vm2 =	vmand vm1, vm3  }
0xe9: {  	v33 =	vsel vm3, v33, v42;
	v36 =	vnsel vm1, $0xFF800000, v36;
	v37 =	vsel vm2, $0x1, v32  }
0xea: {  	vm2 =	vmor vm15, vm14;
	vm6 =	vgt.f32 v35, v33;
	vm1 =	vgt.f32 v35, v36  }
0xeb: {  	v40 =	vsel vm6, v33, v35;
	v33 =	vsel vm6, v35, v33;
	v38 =	vsel vm1, v36, v35  }
0xec: {  	v41 =	vnsel vm1, $0x2, v37;
	v36 =	vsel vm1, v40, v36;
	v40 =	vnsel vm6, $0x2, v39  }
0xed: {  	v39 =	vsel vm6, $0x2, v39;
	vm9 =	vgt.f32 v34, v33;
	v37 =	vsel vm1, v40, v37;
	v40 =	vld [tilespmem:$0x8C0]  }
0xee: {  	v38 =	vnsel vm2, $0xFF800000, v38;
	v41 =	vnsel vm2, $0x0, v41;
	vm7 =	vgt.f32 v34, v36  }
0xef: {  	v42 =	vsel vm9, v33, v34;
	v33 =	vsel vm9, v34, v33;
	vm8 =	vgt.f32 v34, v38  }
0xf0: {  	v43 =	vsel vm7, v36, v34;
	v36 =	vsel vm7, v42, v36;
	v34 =	vsel vm9, $0x3, v39  }
0xf1: {  	v35 =	vsel vm8, v43, v38;
	v38 =	vnsel vm7, $0x3, v37;
	v43 =	vnsel vm9, $0x3, v39  }
0xf2: {  	v38 =	vsel vm8, v38, v41;
	v37 =	vsel vm7, v43, v37;
	v41 =	vld [tilespmem:$0x8D0];
	vm10 =	vgt.f32 v40, v36  }
0xf3: {  	vm11 =	vgt.f32 v40, v33;
	vm12 =	vgt.f32 v40, v35;
	v42 =	vsel vm10, v36, v40  }
0xf4: {  	v39 =	vnsel vm10, $0x4, v37;
	v35 =	vsel vm12, v42, v35;
	v42 =	vsel vm11, v33, v40  }
0xf5: {  	v38 =	vsel vm12, v39, v38;
	v39 =	vnsel vm11, $0x4, v34;
	v33 =	vsel vm11, v40, v33  }
0xf6: {  	v34 =	vsel vm11, $0x4, v34;
	v36 =	vsel vm10, v42, v36;
	v42 =	vld [tilespmem:$0x8E0];
	v37 =	vsel vm10, v39, v37  }
0xf7: {  	vm14 =	vgt.f32 v41, v33;
	vm15 =	vgt.f32 v41, v35;
	vm13 =	vgt.f32 v41, v36  }
0xf8: {  	v39 =	vsel vm14, v33, v41;
	v33 =	vsel vm14, v41, v33;
	v43 =	vsel vm13, v36, v41  }
0xf9: {  	v40 =	vnsel vm13, $0x5, v37;
	v36 =	vsel vm13, v39, v36;
	v35 =	vsel vm15, v43, v35  }
0xfa: {  	v39 =	vld [tilespmem:$0x8F0];
	v43 =	vnsel vm14, $0x5, v34;
	v38 =	vsel vm15, v40, v38;
	v34 =	vsel vm14, $0x5, v34  }
0xfb: {  	v37 =	vsel vm13, v43, v37;
	vm5 =	vgt.f32 v42, v36;
	vm7 =	vgt.f32 v42, v33  }
0xfc: {  	vm6 =	vgt.f32 v42, v35;
	v40 =	vsel vm5, v36, v42;
	v41 =	vsel vm7, v33, v42  }
0xfd: {  	v43 =	vnsel vm7, $0x6, v34;
	v33 =	vsel vm7, v42, v33;
	v34 =	vsel vm7, $0x6, v34  }
0xfe: {  	v35 =	vsel vm6, v40, v35;
	v40 =	vnsel vm5, $0x6, v37;
	v36 =	vsel vm5, v41, v36  }
0xff: {  	v37 =	vsel vm5, v43, v37;
	v38 =	vsel vm6, v40, v38;
	v40 =	vld [tilespmem:$0x900];
	vm8 =	vgt.f32 v39, v36  }
0x100: {  	vm9 =	vgt.f32 v39, v33;
	vm10 =	vgt.f32 v39, v35;
	v41 =	vsel vm8, v36, v39  }
0x101: {  	v42 =	vsel vm9, v33, v39;
	v35 =	vsel vm10, v41, v35;
	v41 =	vnsel vm8, $0x7, v37  }
0x102: {  	v33 =	vsel vm9, v39, v33;
	v38 =	vsel vm10, v41, v38;
	v41 =	vnsel vm9, $0x7, v34  }
0x103: {  	v36 =	vsel vm8, v42, v36;
	v42 =	vld [tilespmem:$0x910];
	v34 =	vsel vm9, $0x7, v34;
	v37 =	vsel vm8, v41, v37  }
0x104: {  	vm11 =	vgt.f32 v40, v36;
	vm12 =	vgt.f32 v40, v33;
	vm13 =	vgt.f32 v40, v35  }
0x105: {  	v43 =	vsel vm11, v36, v40;
	v39 =	vsel vm12, v33, v40;
	v41 =	vnsel vm11, $0x8, v37  }
0x106: {  	v33 =	vsel vm12, v40, v33;
	v35 =	vsel vm13, v43, v35;
	v36 =	vsel vm11, v39, v36  }
0x107: {  	v43 =	vnsel vm12, $0x8, v34;
	v38 =	vsel vm13, v41, v38;
	v39 =	vld [tilespmem:$0x920];
	v34 =	vsel vm12, $0x8, v34  }
0x108: {  	vm4 =	vgt.f32 v42, v33;
	v37 =	vsel vm11, v43, v37;
	vm14 =	vgt.f32 v42, v36  }
0x109: {  	vm15 =	vgt.f32 v42, v35;
	v41 =	vsel vm4, v33, v42;
	v43 =	vnsel vm4, $0x9, v34  }
0x10a: {  	v33 =	vsel vm4, v42, v33;
	v34 =	vsel vm4, $0x9, v34;
	v40 =	vsel vm14, v36, v42  }
0x10b: {  	v36 =	vsel vm14, v41, v36;
	v35 =	vsel vm15, v40, v35;
	v40 =	vnsel vm14, $0x9, v37  }
0x10c: {  	v37 =	vsel vm14, v43, v37;
	v38 =	vsel vm15, v40, v38;
	v40 =	vld [tilespmem:$0x930];
	vm5 =	vgt.f32 v39, v36  }
0x10d: {  	vm6 =	vgt.f32 v39, v33;
	vm7 =	vgt.f32 v39, v35;
	v41 =	vsel vm5, v36, v39  }
0x10e: {  	v42 =	vsel vm6, v33, v39;
	v35 =	vsel vm7, v41, v35;
	v41 =	vnsel vm5, $0xA, v37  }
0x10f: {  	v33 =	vsel vm6, v39, v33;
	v38 =	vsel vm7, v41, v38;
	v41 =	vnsel vm6, $0xA, v34  }
0x110: {  	v36 =	vsel vm5, v42, v36;
	v42 =	vld [tilespmem:$0x940];
	v34 =	vsel vm6, $0xA, v34;
	v37 =	vsel vm5, v41, v37  }
0x111: {  	vm8 =	vgt.f32 v40, v36;
	vm9 =	vgt.f32 v40, v33;
	vm10 =	vgt.f32 v40, v35  }
0x112: {  	v43 =	vsel vm8, v36, v40;
	v39 =	vsel vm9, v33, v40;
	v41 =	vnsel vm8, $0xB, v37  }
0x113: {  	v33 =	vsel vm9, v40, v33;
	v35 =	vsel vm10, v43, v35;
	v36 =	vsel vm8, v39, v36  }
0x114: {  	v43 =	vnsel vm9, $0xB, v34;
	v38 =	vsel vm10, v41, v38;
	v39 =	vld [tilespmem:$0x950];
	v34 =	vsel vm9, $0xB, v34  }
0x115: {  	v37 =	vsel vm8, v43, v37;
	vm11 =	vgt.f32 v42, v36;
	vm13 =	vgt.f32 v42, v33  }
0x116: {  	vm12 =	vgt.f32 v42, v35;
	v40 =	vsel vm11, v36, v42;
	v41 =	vsel vm13, v33, v42  }
0x117: {  	v43 =	vnsel vm13, $0xC, v34;
	v33 =	vsel vm13, v42, v33;
	v34 =	vsel vm13, $0xC, v34  }
0x118: {  	v35 =	vsel vm12, v40, v35;
	v40 =	vnsel vm11, $0xC, v37;
	v36 =	vsel vm11, v41, v36  }
0x119: {  	v37 =	vsel vm11, v43, v37;
	v38 =	vsel vm12, v40, v38;
	v40 =	vld [tilespmem:$0x960];
	vm14 =	vgt.f32 v39, v36  }
0x11a: {  	vm15 =	vgt.f32 v39, v33;
	vm5 =	vgt.f32 v39, v35;
	v41 =	vsel vm14, v36, v39  }
0x11b: {  	v42 =	vsel vm15, v33, v39;
	v35 =	vsel vm5, v41, v35;
	v41 =	vnsel vm14, $0xD, v37  }
0x11c: {  	v33 =	vsel vm15, v39, v33;
	v38 =	vsel vm5, v41, v38;
	v41 =	vnsel vm15, $0xD, v34  }
0x11d: {  	v36 =	vsel vm14, v42, v36;
	v42 =	vld [tilespmem:$0x970];
	v34 =	vsel vm15, $0xD, v34;
	v37 =	vsel vm14, v41, v37  }
0x11e: {  	vm6 =	vgt.f32 v40, v36;
	vm7 =	vgt.f32 v40, v33;
	vm8 =	vgt.f32 v40, v35  }
0x11f: {  	v43 =	vsel vm6, v36, v40;
	v39 =	vsel vm7, v33, v40;
	v41 =	vnsel vm6, $0xE, v37  }
0x120: {  	v33 =	vsel vm7, v40, v33;
	v35 =	vsel vm8, v43, v35;
	v36 =	vsel vm6, v39, v36  }
0x121: {  	v43 =	vnsel vm7, $0xE, v34;
	v38 =	vsel vm8, v41, v38;
	v39 =	vld [tilespmem:$0x980];
	v34 =	vsel vm7, $0xE, v34  }
0x122: {  	v37 =	vsel vm6, v43, v37;
	vm9 =	vgt.f32 v42, v36;
	vm11 =	vgt.f32 v42, v33  }
0x123: {  	vm10 =	vgt.f32 v42, v35;
	v40 =	vsel vm9, v36, v42;
	v41 =	vsel vm11, v33, v42  }
0x124: {  	v43 =	vnsel vm11, $0xF, v34;
	v33 =	vsel vm11, v42, v33;
	v34 =	vsel vm11, $0xF, v34  }
0x125: {  	v35 =	vsel vm10, v40, v35;
	v40 =	vnsel vm9, $0xF, v37;
	v36 =	vsel vm9, v41, v36  }
0x126: {  	v37 =	vsel vm9, v43, v37;
	v38 =	vsel vm10, v40, v38;
	v40 =	vld [tilespmem:$0x990];
	vm12 =	vgt.f32 v39, v36  }
0x127: {  	vm13 =	vgt.f32 v39, v33;
	vm14 =	vgt.f32 v39, v35;
	v41 =	vsel vm12, v36, v39  }
0x128: {  	v42 =	vsel vm13, v33, v39;
	v35 =	vsel vm14, v41, v35;
	v41 =	vnsel vm12, $0x10, v37  }
0x129: {  	v33 =	vsel vm13, v39, v33;
	v38 =	vsel vm14, v41, v38;
	v41 =	vnsel vm13, $0x10, v34  }
0x12a: {  	v36 =	vsel vm12, v42, v36;
	v42 =	vld [tilespmem:$0x9A0];
	v34 =	vsel vm13, $0x10, v34;
	v37 =	vsel vm12, v41, v37  }
0x12b: {  	vm15 =	vgt.f32 v40, v36;
	vm6 =	vgt.f32 v40, v33;
	vm7 =	vgt.f32 v40, v35  }
0x12c: {  	v43 =	vsel vm15, v36, v40;
	v39 =	vsel vm6, v33, v40;
	v41 =	vnsel vm15, $0x11, v37  }
0x12d: {  	v33 =	vsel vm6, v40, v33;
	v35 =	vsel vm7, v43, v35;
	v36 =	vsel vm15, v39, v36  }
0x12e: {  	v43 =	vnsel vm6, $0x11, v34;
	v38 =	vsel vm7, v41, v38;
	v39 =	vld [tilespmem:$0x9B0];
	v34 =	vsel vm6, $0x11, v34  }
0x12f: {  	v37 =	vsel vm15, v43, v37;
	vm8 =	vgt.f32 v42, v36;
	vm10 =	vgt.f32 v42, v33  }
0x130: {  	vm9 =	vgt.f32 v42, v35;
	v40 =	vsel vm8, v36, v42;
	v41 =	vsel vm10, v33, v42  }
0x131: {  	v43 =	vnsel vm10, $0x12, v34;
	v33 =	vsel vm10, v42, v33;
	v34 =	vsel vm10, $0x12, v34  }
0x132: {  	v35 =	vsel vm9, v40, v35;
	v40 =	vnsel vm8, $0x12, v37;
	v36 =	vsel vm8, v41, v36  }
0x133: {  	v37 =	vsel vm8, v43, v37;
	v38 =	vsel vm9, v40, v38;
	v40 =	vld [tilespmem:$0x9C0];
	vm11 =	vgt.f32 v39, v36  }
0x134: {  	vm12 =	vgt.f32 v39, v33;
	vm13 =	vgt.f32 v39, v35;
	v41 =	vsel vm11, v36, v39  }
0x135: {  	v42 =	vsel vm12, v33, v39;
	v35 =	vsel vm13, v41, v35;
	v41 =	vnsel vm11, $0x13, v37  }
0x136: {  	v33 =	vsel vm12, v39, v33;
	v38 =	vsel vm13, v41, v38;
	v41 =	vnsel vm12, $0x13, v34  }
0x137: {  	v36 =	vsel vm11, v42, v36;
	v42 =	vld [tilespmem:$0x9D0];
	v34 =	vsel vm12, $0x13, v34;
	v37 =	vsel vm11, v41, v37  }
0x138: {  	vm14 =	vgt.f32 v40, v36;
	vm15 =	vgt.f32 v40, v33;
	vm6 =	vgt.f32 v40, v35  }
0x139: {  	v43 =	vsel vm14, v36, v40;
	v39 =	vsel vm15, v33, v40;
	v41 =	vnsel vm14, $0x14, v37  }
0x13a: {  	v33 =	vsel vm15, v40, v33;
	v35 =	vsel vm6, v43, v35;
	v36 =	vsel vm14, v39, v36  }
0x13b: {  	v43 =	vnsel vm15, $0x14, v34;
	v38 =	vsel vm6, v41, v38;
	v39 =	vld [tilespmem:$0x9E0];
	v34 =	vsel vm15, $0x14, v34  }
0x13c: {  	v37 =	vsel vm14, v43, v37;
	vm7 =	vgt.f32 v42, v36;
	vm9 =	vgt.f32 v42, v33  }
0x13d: {  	vm8 =	vgt.f32 v42, v35;
	v40 =	vsel vm7, v36, v42;
	v41 =	vsel vm9, v33, v42  }
0x13e: {  	v43 =	vnsel vm9, $0x15, v34;
	v33 =	vsel vm9, v42, v33;
	v34 =	vsel vm9, $0x15, v34  }
0x13f: {  	v35 =	vsel vm8, v40, v35;
	v40 =	vnsel vm7, $0x15, v37;
	v36 =	vsel vm7, v41, v36  }
0x140: {  	v37 =	vsel vm7, v43, v37;
	v38 =	vsel vm8, v40, v38;
	v40 =	vld [tilespmem:$0x9F0];
	vm10 =	vgt.f32 v39, v36  }
0x141: {  	vm11 =	vgt.f32 v39, v33;
	vm12 =	vgt.f32 v39, v35;
	v41 =	vsel vm10, v36, v39  }
0x142: {  	v42 =	vsel vm11, v33, v39;
	v35 =	vsel vm12, v41, v35;
	v41 =	vnsel vm10, $0x16, v37  }
0x143: {  	v33 =	vsel vm11, v39, v33;
	v38 =	vsel vm12, v41, v38;
	v41 =	vnsel vm11, $0x16, v34  }
0x144: {  	v36 =	vsel vm10, v42, v36;
	v42 =	vld [tilespmem:$0xA00];
	v34 =	vsel vm11, $0x16, v34;
	v37 =	vsel vm10, v41, v37  }
0x145: {  	vm13 =	vgt.f32 v40, v36;
	vm14 =	vgt.f32 v40, v33;
	vm15 =	vgt.f32 v40, v35  }
0x146: {  	v43 =	vsel vm13, v36, v40;
	v39 =	vsel vm14, v33, v40;
	v41 =	vnsel vm13, $0x17, v37  }
0x147: {  	v33 =	vsel vm14, v40, v33;
	v35 =	vsel vm15, v43, v35;
	v36 =	vsel vm13, v39, v36  }
0x148: {  	v43 =	vnsel vm14, $0x17, v34;
	v38 =	vsel vm15, v41, v38;
	v39 =	vld [tilespmem:$0xA10];
	v34 =	vsel vm14, $0x17, v34  }
0x149: {  	v37 =	vsel vm13, v43, v37;
	vm5 =	vgt.f32 v42, v36;
	vm7 =	vgt.f32 v42, v33  }
0x14a: {  	vm6 =	vgt.f32 v42, v35;
	v40 =	vsel vm5, v36, v42;
	v41 =	vsel vm7, v33, v42  }
0x14b: {  	v43 =	vnsel vm7, $0x18, v34;
	v33 =	vsel vm7, v42, v33;
	v34 =	vsel vm7, $0x18, v34  }
0x14c: {  	v35 =	vsel vm6, v40, v35;
	v40 =	vnsel vm5, $0x18, v37;
	v36 =	vsel vm5, v41, v36  }
0x14d: {  	v37 =	vsel vm5, v43, v37;
	v38 =	vsel vm6, v40, v38;
	v40 =	vld [tilespmem:$0xA20];
	vm8 =	vgt.f32 v39, v36  }
0x14e: {  	vm9 =	vgt.f32 v39, v33;
	vm10 =	vgt.f32 v39, v35;
	v41 =	vsel vm8, v36, v39  }
0x14f: {  	v42 =	vsel vm9, v33, v39;
	v35 =	vsel vm10, v41, v35;
	v41 =	vnsel vm8, $0x19, v37  }
0x150: {  	v33 =	vsel vm9, v39, v33;
	v38 =	vsel vm10, v41, v38;
	v41 =	vnsel vm9, $0x19, v34  }
0x151: {  	v36 =	vsel vm8, v42, v36;
	v42 =	vld [tilespmem:$0xA30];
	v34 =	vsel vm9, $0x19, v34;
	v37 =	vsel vm8, v41, v37  }
0x152: {  	vm11 =	vgt.f32 v40, v36;
	vm12 =	vgt.f32 v40, v33;
	vm13 =	vgt.f32 v40, v35  }
0x153: {  	v43 =	vsel vm11, v36, v40;
	v39 =	vsel vm12, v33, v40;
	v41 =	vnsel vm11, $0x1A, v37  }
0x154: {  	v33 =	vsel vm12, v40, v33;
	v35 =	vsel vm13, v43, v35;
	v36 =	vsel vm11, v39, v36  }
0x155: {  	v43 =	vnsel vm12, $0x1A, v34;
	v38 =	vsel vm13, v41, v38;
	v39 =	vld [tilespmem:$0xA40];
	v34 =	vsel vm12, $0x1A, v34  }
0x156: {  	v37 =	vsel vm11, v43, v37;
	vm14 =	vgt.f32 v42, v36;
	vm4 =	vgt.f32 v42, v33  }
0x157: {  	vm15 =	vgt.f32 v42, v35;
	v40 =	vsel vm14, v36, v42;
	v41 =	vsel vm4, v33, v42  }
0x158: {  	v43 =	vnsel vm4, $0x1B, v34;
	v33 =	vsel vm4, v42, v33;
	v34 =	vsel vm4, $0x1B, v34  }
0x159: {  	v35 =	vsel vm15, v40, v35;
	v40 =	vnsel vm14, $0x1B, v37;
	v36 =	vsel vm14, v41, v36  }
0x15a: {  	v37 =	vsel vm14, v43, v37;
	v38 =	vsel vm15, v40, v38;
	v40 =	vld [tilespmem:$0xA50];
	vm5 =	vgt.f32 v39, v36  }
0x15b: {  	vm6 =	vgt.f32 v39, v33;
	vm7 =	vgt.f32 v39, v35;
	v41 =	vsel vm5, v36, v39  }
0x15c: {  	v42 =	vsel vm6, v33, v39;
	v35 =	vsel vm7, v41, v35;
	v41 =	vnsel vm5, $0x1C, v37  }
0x15d: {  	v33 =	vsel vm6, v39, v33;
	v38 =	vsel vm7, v41, v38;
	v41 =	vnsel vm6, $0x1C, v34  }
0x15e: {  	v36 =	vsel vm5, v42, v36;
	v42 =	vld [tilespmem:$0xA60];
	v34 =	vsel vm6, $0x1C, v34;
	v37 =	vsel vm5, v41, v37  }
0x15f: {  	vm8 =	vgt.f32 v40, v36;
	vm9 =	vgt.f32 v40, v33;
	vm10 =	vgt.f32 v40, v35  }
0x160: {  	v43 =	vsel vm8, v36, v40;
	v39 =	vsel vm9, v33, v40;
	v41 =	vnsel vm8, $0x1D, v37  }
0x161: {  	v33 =	vsel vm9, v40, v33;
	v35 =	vsel vm10, v43, v35;
	v36 =	vsel vm8, v39, v36  }
0x162: {  	v43 =	vnsel vm9, $0x1D, v34;
	v38 =	vsel vm10, v41, v38;
	v39 =	vld [tilespmem:$0xA70];
	v34 =	vsel vm9, $0x1D, v34  }
0x163: {  	v37 =	vsel vm8, v43, v37;
	vm11 =	vgt.f32 v42, v36;
	vm13 =	vgt.f32 v42, v33  }
0x164: {  	vm12 =	vgt.f32 v42, v35;
	v40 =	vsel vm11, v36, v42;
	v41 =	vsel vm13, v33, v42  }
0x165: {  	v43 =	vnsel vm13, $0x1E, v34;
	v33 =	vsel vm13, v42, v33;
	v34 =	vsel vm13, $0x1E, v34  }
0x166: {  	v35 =	vsel vm12, v40, v35;
	v40 =	vnsel vm11, $0x1E, v37;
	v36 =	vsel vm11, v41, v36  }
0x167: {  	v37 =	vsel vm11, v43, v37;
	v38 =	vsel vm12, v40, v38;
	v40 =	vld [tilespmem:$0xA80];
	vm14 =	vgt.f32 v39, v36  }
0x168: {  	vm15 =	vgt.f32 v39, v33;
	vm5 =	vgt.f32 v39, v35;
	v41 =	vsel vm14, v36, v39  }
0x169: {  	v42 =	vsel vm15, v33, v39;
	v35 =	vsel vm5, v41, v35;
	v41 =	vnsel vm14, $0x1F, v37  }
0x16a: {  	v33 =	vsel vm15, v39, v33;
	v38 =	vsel vm5, v41, v38;
	v41 =	vnsel vm15, $0x1F, v34  }
0x16b: {  	v36 =	vsel vm14, v42, v36;
	v42 =	vld [tilespmem:$0xA90];
	v34 =	vsel vm15, $0x1F, v34;
	v37 =	vsel vm14, v41, v37  }
0x16c: {  	vm6 =	vgt.f32 v40, v36;
	vm7 =	vgt.f32 v40, v33;
	vm8 =	vgt.f32 v40, v35  }
0x16d: {  	v43 =	vsel vm6, v36, v40;
	v39 =	vsel vm7, v33, v40;
	v41 =	vnsel vm6, $0x20, v37  }
0x16e: {  	v33 =	vsel vm7, v40, v33;
	v35 =	vsel vm8, v43, v35;
	v36 =	vsel vm6, v39, v36  }
0x16f: {  	v43 =	vnsel vm7, $0x20, v34;
	v38 =	vsel vm8, v41, v38;
	v39 =	vld [tilespmem:$0xAA0];
	v34 =	vsel vm7, $0x20, v34  }
0x170: {  	v37 =	vsel vm6, v43, v37;
	vm9 =	vgt.f32 v42, v36;
	vm11 =	vgt.f32 v42, v33  }
0x171: {  	vm10 =	vgt.f32 v42, v35;
	v40 =	vsel vm9, v36, v42;
	v41 =	vsel vm11, v33, v42  }
0x172: {  	v43 =	vnsel vm11, $0x21, v34;
	v33 =	vsel vm11, v42, v33;
	v34 =	vsel vm11, $0x21, v34  }
0x173: {  	v35 =	vsel vm10, v40, v35;
	v40 =	vnsel vm9, $0x21, v37;
	v36 =	vsel vm9, v41, v36  }
0x174: {  	v37 =	vsel vm9, v43, v37;
	v38 =	vsel vm10, v40, v38;
	v40 =	vld [tilespmem:$0xAB0];
	vm12 =	vgt.f32 v39, v36  }
0x175: {  	vm13 =	vgt.f32 v39, v33;
	vm14 =	vgt.f32 v39, v35;
	v41 =	vsel vm12, v36, v39  }
0x176: {  	v42 =	vsel vm13, v33, v39;
	v35 =	vsel vm14, v41, v35;
	v41 =	vnsel vm12, $0x22, v37  }
0x177: {  	v33 =	vsel vm13, v39, v33;
	v38 =	vsel vm14, v41, v38;
	v41 =	vnsel vm13, $0x22, v34  }
0x178: {  	v36 =	vsel vm12, v42, v36;
	v42 =	vld [tilespmem:$0xAC0];
	v34 =	vsel vm13, $0x22, v34;
	v37 =	vsel vm12, v41, v37  }
0x179: {  	vm15 =	vgt.f32 v40, v36;
	vm6 =	vgt.f32 v40, v33;
	vm7 =	vgt.f32 v40, v35  }
0x17a: {  	v43 =	vsel vm15, v36, v40;
	v39 =	vsel vm6, v33, v40;
	v41 =	vnsel vm15, $0x23, v37  }
0x17b: {  	v33 =	vsel vm6, v40, v33;
	v35 =	vsel vm7, v43, v35;
	v36 =	vsel vm15, v39, v36  }
0x17c: {  	v43 =	vnsel vm6, $0x23, v34;
	v38 =	vsel vm7, v41, v38;
	v39 =	vld [tilespmem:$0xAD0];
	v34 =	vsel vm6, $0x23, v34  }
0x17d: {  	v37 =	vsel vm15, v43, v37;
	vm8 =	vgt.f32 v42, v36;
	vm10 =	vgt.f32 v42, v33  }
0x17e: {  	vm9 =	vgt.f32 v42, v35;
	v40 =	vsel vm8, v36, v42;
	v41 =	vsel vm10, v33, v42  }
0x17f: {  	v43 =	vnsel vm10, $0x24, v34;
	v33 =	vsel vm10, v42, v33;
	v34 =	vsel vm10, $0x24, v34  }
0x180: {  	v35 =	vsel vm9, v40, v35;
	v40 =	vnsel vm8, $0x24, v37;
	v36 =	vsel vm8, v41, v36  }
0x181: {  	v37 =	vsel vm8, v43, v37;
	v38 =	vsel vm9, v40, v38;
	v40 =	vld [tilespmem:$0xAE0];
	vm11 =	vgt.f32 v39, v36  }
0x182: {  	vm12 =	vgt.f32 v39, v33;
	vm13 =	vgt.f32 v39, v35;
	v41 =	vsel vm11, v36, v39  }
0x183: {  	v42 =	vsel vm12, v33, v39;
	v35 =	vsel vm13, v41, v35;
	v41 =	vnsel vm11, $0x25, v37  }
0x184: {  	v33 =	vsel vm12, v39, v33;
	v38 =	vsel vm13, v41, v38;
	v41 =	vnsel vm12, $0x25, v34  }
0x185: {  	v36 =	vsel vm11, v42, v36;
	v42 =	vld [tilespmem:$0xAF0];
	v34 =	vsel vm12, $0x25, v34;
	v37 =	vsel vm11, v41, v37  }
0x186: {  	vm14 =	vgt.f32 v40, v36;
	vm15 =	vgt.f32 v40, v33;
	vm6 =	vgt.f32 v40, v35  }
0x187: {  	v43 =	vsel vm14, v36, v40;
	v39 =	vsel vm15, v33, v40;
	v41 =	vnsel vm14, $0x26, v37  }
0x188: {  	v33 =	vsel vm15, v40, v33;
	v35 =	vsel vm6, v43, v35;
	v36 =	vsel vm14, v39, v36  }
0x189: {  	v43 =	vnsel vm15, $0x26, v34;
	v38 =	vsel vm6, v41, v38;
	v39 =	vld [tilespmem:$0xB00];
	v34 =	vsel vm15, $0x26, v34  }
0x18a: {  	v37 =	vsel vm14, v43, v37;
	vm7 =	vgt.f32 v42, v36;
	vm9 =	vgt.f32 v42, v33  }
0x18b: {  	vm8 =	vgt.f32 v42, v35;
	v40 =	vsel vm7, v36, v42;
	v41 =	vsel vm9, v33, v42  }
0x18c: {  	v43 =	vnsel vm9, $0x27, v34;
	v33 =	vsel vm9, v42, v33;
	v34 =	vsel vm9, $0x27, v34  }
0x18d: {  	v35 =	vsel vm8, v40, v35;
	v40 =	vnsel vm7, $0x27, v37;
	v36 =	vsel vm7, v41, v36  }
0x18e: {  	v37 =	vsel vm7, v43, v37;
	v38 =	vsel vm8, v40, v38;
	v40 =	vld [tilespmem:$0xB10];
	vm10 =	vgt.f32 v39, v36  }
0x18f: {  	vm11 =	vgt.f32 v39, v33;
	vm12 =	vgt.f32 v39, v35;
	v41 =	vsel vm10, v36, v39  }
0x190: {  	v42 =	vsel vm11, v33, v39;
	v35 =	vsel vm12, v41, v35;
	v41 =	vnsel vm10, $0x28, v37  }
0x191: {  	v33 =	vsel vm11, v39, v33;
	v38 =	vsel vm12, v41, v38;
	v41 =	vnsel vm11, $0x28, v34  }
0x192: {  	v36 =	vsel vm10, v42, v36;
	v42 =	vld [tilespmem:$0xB20];
	v34 =	vsel vm11, $0x28, v34;
	v37 =	vsel vm10, v41, v37  }
0x193: {  	vm13 =	vgt.f32 v40, v36;
	vm14 =	vgt.f32 v40, v33;
	vm15 =	vgt.f32 v40, v35  }
0x194: {  	v43 =	vsel vm13, v36, v40;
	v39 =	vsel vm14, v33, v40;
	v41 =	vnsel vm13, $0x29, v37  }
0x195: {  	v33 =	vsel vm14, v40, v33;
	v35 =	vsel vm15, v43, v35;
	v36 =	vsel vm13, v39, v36  }
0x196: {  	v43 =	vnsel vm14, $0x29, v34;
	v38 =	vsel vm15, v41, v38;
	v39 =	vld [tilespmem:$0xB30];
	v34 =	vsel vm14, $0x29, v34  }
0x197: {  	v37 =	vsel vm13, v43, v37;
	vm5 =	vgt.f32 v42, v36;
	vm7 =	vgt.f32 v42, v33  }
0x198: {  	vm6 =	vgt.f32 v42, v35;
	v40 =	vsel vm5, v36, v42;
	v41 =	vsel vm7, v33, v42  }
0x199: {  	v43 =	vnsel vm7, $0x2A, v34;
	v33 =	vsel vm7, v42, v33;
	v34 =	vsel vm7, $0x2A, v34  }
0x19a: {  	v35 =	vsel vm6, v40, v35;
	v40 =	vnsel vm5, $0x2A, v37;
	v36 =	vsel vm5, v41, v36  }
0x19b: {  	v37 =	vsel vm5, v43, v37;
	v38 =	vsel vm6, v40, v38;
	v40 =	vld [tilespmem:$0xB40];
	vm8 =	vgt.f32 v39, v36  }
0x19c: {  	vm9 =	vgt.f32 v39, v33;
	vm10 =	vgt.f32 v39, v35;
	v41 =	vsel vm8, v36, v39  }
0x19d: {  	v42 =	vsel vm9, v33, v39;
	v35 =	vsel vm10, v41, v35;
	v41 =	vnsel vm8, $0x2B, v37  }
0x19e: {  	v33 =	vsel vm9, v39, v33;
	v38 =	vsel vm10, v41, v38;
	v41 =	vnsel vm9, $0x2B, v34  }
0x19f: {  	v36 =	vsel vm8, v42, v36;
	v42 =	vld [tilespmem:$0xB50];
	v34 =	vsel vm9, $0x2B, v34;
	v37 =	vsel vm8, v41, v37  }
0x1a0: {  	vm11 =	vgt.f32 v40, v36;
	vm12 =	vgt.f32 v40, v33;
	vm13 =	vgt.f32 v40, v35  }
0x1a1: {  	v43 =	vsel vm11, v36, v40;
	v39 =	vsel vm12, v33, v40;
	v41 =	vnsel vm11, $0x2C, v37  }
0x1a2: {  	v33 =	vsel vm12, v40, v33;
	v35 =	vsel vm13, v43, v35;
	v36 =	vsel vm11, v39, v36  }
0x1a3: {  	v43 =	vnsel vm12, $0x2C, v34;
	v38 =	vsel vm13, v41, v38;
	v39 =	vld [tilespmem:$0xB60];
	v34 =	vsel vm12, $0x2C, v34  }
0x1a4: {  	v37 =	vsel vm11, v43, v37;
	vm14 =	vgt.f32 v42, v36;
	vm4 =	vgt.f32 v42, v33  }
0x1a5: {  	vm15 =	vgt.f32 v42, v35;
	v40 =	vsel vm14, v36, v42;
	v41 =	vsel vm4, v33, v42  }
0x1a6: {  	v43 =	vnsel vm4, $0x2D, v34;
	v33 =	vsel vm4, v42, v33;
	v34 =	vsel vm4, $0x2D, v34  }
0x1a7: {  	v35 =	vsel vm15, v40, v35;
	v40 =	vnsel vm14, $0x2D, v37;
	v36 =	vsel vm14, v41, v36  }
0x1a8: {  	v37 =	vsel vm14, v43, v37;
	v38 =	vsel vm15, v40, v38;
	v40 =	vld [tilespmem:$0xB70];
	vm5 =	vgt.f32 v39, v36  }
0x1a9: {  	vm6 =	vgt.f32 v39, v33;
	vm7 =	vgt.f32 v39, v35;
	v41 =	vsel vm5, v36, v39  }
0x1aa: {  	v42 =	vsel vm6, v33, v39;
	v35 =	vsel vm7, v41, v35;
	v41 =	vnsel vm5, $0x2E, v37  }
0x1ab: {  	v33 =	vsel vm6, v39, v33;
	v38 =	vsel vm7, v41, v38;
	v41 =	vnsel vm6, $0x2E, v34  }
0x1ac: {  	v36 =	vsel vm5, v42, v36;
	v42 =	vld [tilespmem:$0xB80];
	v34 =	vsel vm6, $0x2E, v34;
	v37 =	vsel vm5, v41, v37  }
0x1ad: {  	vm8 =	vgt.f32 v40, v36;
	vm9 =	vgt.f32 v40, v33;
	vm10 =	vgt.f32 v40, v35  }
0x1ae: {  	v43 =	vsel vm8, v36, v40;
	v39 =	vsel vm9, v33, v40;
	v41 =	vnsel vm8, $0x2F, v37  }
0x1af: {  	v33 =	vsel vm9, v40, v33;
	v35 =	vsel vm10, v43, v35;
	v36 =	vsel vm8, v39, v36  }
0x1b0: {  	v43 =	vnsel vm9, $0x2F, v34;
	v38 =	vsel vm10, v41, v38;
	v39 =	vld [tilespmem:$0xB90];
	v34 =	vsel vm9, $0x2F, v34  }
0x1b1: {  	v37 =	vsel vm8, v43, v37;
	vm11 =	vgt.f32 v42, v36;
	vm13 =	vgt.f32 v42, v33  }
0x1b2: {  	vm12 =	vgt.f32 v42, v35;
	v40 =	vsel vm11, v36, v42;
	v41 =	vsel vm13, v33, v42  }
0x1b3: {  	v43 =	vnsel vm13, $0x30, v34;
	v33 =	vsel vm13, v42, v33;
	v34 =	vsel vm13, $0x30, v34  }
0x1b4: {  	v35 =	vsel vm12, v40, v35;
	v40 =	vnsel vm11, $0x30, v37;
	v36 =	vsel vm11, v41, v36  }
0x1b5: {  	v37 =	vsel vm11, v43, v37;
	v38 =	vsel vm12, v40, v38;
	v40 =	vld [tilespmem:$0xBA0];
	vm14 =	vgt.f32 v39, v36  }
0x1b6: {  	vm15 =	vgt.f32 v39, v33;
	vm5 =	vgt.f32 v39, v35;
	v41 =	vsel vm14, v36, v39  }
0x1b7: {  	v42 =	vsel vm15, v33, v39;
	v35 =	vsel vm5, v41, v35;
	v41 =	vnsel vm14, $0x31, v37  }
0x1b8: {  	v33 =	vsel vm15, v39, v33;
	v38 =	vsel vm5, v41, v38;
	v41 =	vnsel vm15, $0x31, v34  }
0x1b9: {  	v36 =	vsel vm14, v42, v36;
	v42 =	vld [tilespmem:$0xBB0];
	v34 =	vsel vm15, $0x31, v34;
	v37 =	vsel vm14, v41, v37  }
0x1ba: {  	vm6 =	vgt.f32 v40, v36;
	vm7 =	vgt.f32 v40, v33;
	vm8 =	vgt.f32 v40, v35  }
0x1bb: {  	v43 =	vsel vm6, v36, v40;
	v39 =	vsel vm7, v33, v40;
	v41 =	vnsel vm6, $0x32, v37  }
0x1bc: {  	v33 =	vsel vm7, v40, v33;
	v35 =	vsel vm8, v43, v35;
	v36 =	vsel vm6, v39, v36  }
0x1bd: {  	v43 =	vnsel vm7, $0x32, v34;
	v38 =	vsel vm8, v41, v38;
	v39 =	vld [tilespmem:$0xBC0];
	v34 =	vsel vm7, $0x32, v34  }
0x1be: {  	v37 =	vsel vm6, v43, v37;
	vm9 =	vgt.f32 v42, v36;
	vm11 =	vgt.f32 v42, v33  }
0x1bf: {  	vm10 =	vgt.f32 v42, v35;
	v40 =	vsel vm9, v36, v42;
	v41 =	vsel vm11, v33, v42  }
0x1c0: {  	v43 =	vnsel vm11, $0x33, v34;
	v33 =	vsel vm11, v42, v33;
	v34 =	vsel vm11, $0x33, v34  }
0x1c1: {  	v35 =	vsel vm10, v40, v35;
	v40 =	vnsel vm9, $0x33, v37;
	v36 =	vsel vm9, v41, v36  }
0x1c2: {  	v37 =	vsel vm9, v43, v37;
	v38 =	vsel vm10, v40, v38;
	v40 =	vld [tilespmem:$0xBD0];
	vm12 =	vgt.f32 v39, v36  }
0x1c3: {  	vm13 =	vgt.f32 v39, v33;
	vm14 =	vgt.f32 v39, v35;
	v41 =	vsel vm12, v36, v39  }
0x1c4: {  	v42 =	vsel vm13, v33, v39;
	v35 =	vsel vm14, v41, v35;
	v41 =	vnsel vm12, $0x34, v37  }
0x1c5: {  	v33 =	vsel vm13, v39, v33;
	v38 =	vsel vm14, v41, v38;
	v41 =	vnsel vm13, $0x34, v34  }
0x1c6: {  	v36 =	vsel vm12, v42, v36;
	v42 =	vld [tilespmem:$0xBE0];
	v34 =	vsel vm13, $0x34, v34;
	v37 =	vsel vm12, v41, v37  }
0x1c7: {  	vm15 =	vgt.f32 v40, v36;
	vm6 =	vgt.f32 v40, v33;
	vm7 =	vgt.f32 v40, v35  }
0x1c8: {  	v43 =	vsel vm15, v36, v40;
	v39 =	vsel vm6, v33, v40;
	v41 =	vnsel vm15, $0x35, v37  }
0x1c9: {  	v33 =	vsel vm6, v40, v33;
	v35 =	vsel vm7, v43, v35;
	v36 =	vsel vm15, v39, v36  }
0x1ca: {  	v43 =	vnsel vm6, $0x35, v34;
	v38 =	vsel vm7, v41, v38;
	v39 =	vld [tilespmem:$0xBF0];
	v34 =	vsel vm6, $0x35, v34  }
0x1cb: {  	v37 =	vsel vm15, v43, v37;
	vm8 =	vgt.f32 v42, v36;
	vm10 =	vgt.f32 v42, v33  }
0x1cc: {  	vm9 =	vgt.f32 v42, v35;
	v40 =	vsel vm8, v36, v42;
	v41 =	vsel vm10, v33, v42  }
0x1cd: {  	v43 =	vnsel vm10, $0x36, v34;
	v33 =	vsel vm10, v42, v33;
	v34 =	vsel vm10, $0x36, v34  }
0x1ce: {  	v35 =	vsel vm9, v40, v35;
	v40 =	vnsel vm8, $0x36, v37;
	v36 =	vsel vm8, v41, v36  }
0x1cf: {  	v37 =	vsel vm8, v43, v37;
	v38 =	vsel vm9, v40, v38;
	v40 =	vld [tilespmem:$0xC00];
	vm11 =	vgt.f32 v39, v36  }
0x1d0: {  	vm12 =	vgt.f32 v39, v33;
	vm13 =	vgt.f32 v39, v35;
	v41 =	vsel vm11, v36, v39  }
0x1d1: {  	v42 =	vsel vm12, v33, v39;
	v35 =	vsel vm13, v41, v35;
	v41 =	vnsel vm11, $0x37, v37  }
0x1d2: {  	v33 =	vsel vm12, v39, v33;
	v38 =	vsel vm13, v41, v38;
	v41 =	vnsel vm12, $0x37, v34  }
0x1d3: {  	v36 =	vsel vm11, v42, v36;
	v42 =	vld [tilespmem:$0xC10];
	v34 =	vsel vm12, $0x37, v34;
	v37 =	vsel vm11, v41, v37  }
0x1d4: {  	vm14 =	vgt.f32 v40, v36;
	vm15 =	vgt.f32 v40, v33;
	vm6 =	vgt.f32 v40, v35  }
0x1d5: {  	v43 =	vsel vm14, v36, v40;
	v39 =	vsel vm15, v33, v40;
	v41 =	vnsel vm14, $0x38, v37  }
0x1d6: {  	v33 =	vsel vm15, v40, v33;
	v35 =	vsel vm6, v43, v35;
	v36 =	vsel vm14, v39, v36  }
0x1d7: {  	v43 =	vnsel vm15, $0x38, v34;
	v38 =	vsel vm6, v41, v38;
	v39 =	vld [tilespmem:$0xC20];
	v34 =	vsel vm15, $0x38, v34  }
0x1d8: {  	v37 =	vsel vm14, v43, v37;
	vm7 =	vgt.f32 v42, v36;
	vm9 =	vgt.f32 v42, v33  }
0x1d9: {  	vm8 =	vgt.f32 v42, v35;
	v40 =	vsel vm7, v36, v42;
	v41 =	vsel vm9, v33, v42  }
0x1da: {  	v43 =	vnsel vm9, $0x39, v34;
	v33 =	vsel vm9, v42, v33;
	v34 =	vsel vm9, $0x39, v34  }
0x1db: {  	v35 =	vsel vm8, v40, v35;
	v40 =	vnsel vm7, $0x39, v37;
	v36 =	vsel vm7, v41, v36  }
0x1dc: {  	v37 =	vsel vm7, v43, v37;
	v38 =	vsel vm8, v40, v38;
	v40 =	vld [tilespmem:$0xC30];
	vm10 =	vgt.f32 v39, v36  }
0x1dd: {  	vm11 =	vgt.f32 v39, v33;
	vm12 =	vgt.f32 v39, v35;
	v41 =	vsel vm10, v36, v39  }
0x1de: {  	v42 =	vsel vm11, v33, v39;
	v35 =	vsel vm12, v41, v35;
	v41 =	vnsel vm10, $0x3A, v37  }
0x1df: {  	v33 =	vsel vm11, v39, v33;
	v38 =	vsel vm12, v41, v38;
	v41 =	vnsel vm11, $0x3A, v34  }
0x1e0: {  	v36 =	vsel vm10, v42, v36;
	v42 =	vld [tilespmem:$0xC40];
	v34 =	vsel vm11, $0x3A, v34;
	v37 =	vsel vm10, v41, v37  }
0x1e1: {  	vm13 =	vgt.f32 v40, v36;
	vm14 =	vgt.f32 v40, v33;
	vm15 =	vgt.f32 v40, v35  }
0x1e2: {  	v43 =	vsel vm13, v36, v40;
	v39 =	vsel vm14, v33, v40;
	v41 =	vnsel vm13, $0x3B, v37  }
0x1e3: {  	v33 =	vsel vm14, v40, v33;
	v35 =	vsel vm15, v43, v35;
	v36 =	vsel vm13, v39, v36  }
0x1e4: {  	v43 =	vnsel vm14, $0x3B, v34;
	v38 =	vsel vm15, v41, v38;
	v39 =	vld [tilespmem:$0xC50];
	v34 =	vsel vm14, $0x3B, v34  }
0x1e5: {  	v37 =	vsel vm13, v43, v37;
	vm5 =	vgt.f32 v42, v36;
	vm7 =	vgt.f32 v42, v33  }
0x1e6: {  	vm6 =	vgt.f32 v42, v35;
	v40 =	vsel vm5, v36, v42;
	v41 =	vsel vm7, v33, v42  }
0x1e7: {  	v43 =	vnsel vm7, $0x3C, v34;
	v33 =	vsel vm7, v42, v33;
	v34 =	vsel vm7, $0x3C, v34  }
0x1e8: {  	v35 =	vsel vm6, v40, v35;
	v40 =	vnsel vm5, $0x3C, v37;
	v36 =	vsel vm5, v41, v36  }
0x1e9: {  	v37 =	vsel vm5, v43, v37;
	v38 =	vsel vm6, v40, v38;
	v40 =	vld [tilespmem:$0xC60];
	vm8 =	vgt.f32 v39, v36  }
0x1ea: {  	vm9 =	vgt.f32 v39, v33;
	vm10 =	vgt.f32 v39, v35;
	v41 =	vsel vm8, v36, v39  }
0x1eb: {  	v42 =	vsel vm9, v33, v39;
	v35 =	vsel vm10, v41, v35;
	v41 =	vnsel vm8, $0x3D, v37  }
0x1ec: {  	v33 =	vsel vm9, v39, v33;
	v38 =	vsel vm10, v41, v38;
	v41 =	vnsel vm9, $0x3D, v34  }
0x1ed: {  	v36 =	vsel vm8, v42, v36;
	v42 =	vld [tilespmem:$0xC70];
	v34 =	vsel vm9, $0x3D, v34;
	v37 =	vsel vm8, v41, v37  }
0x1ee: {  	vm11 =	vgt.f32 v40, v36;
	vm12 =	vgt.f32 v40, v33;
	vm13 =	vgt.f32 v40, v35  }
0x1ef: {  	v43 =	vsel vm11, v36, v40;
	v39 =	vsel vm12, v33, v40;
	v41 =	vnsel vm11, $0x3E, v37  }
0x1f0: {  	v33 =	vsel vm12, v40, v33;
	v35 =	vsel vm13, v43, v35;
	v36 =	vsel vm11, v39, v36  }
0x1f1: {  	v43 =	vnsel vm12, $0x3E, v34;
	v38 =	vsel vm13, v41, v38;
	v39 =	vld [tilespmem:$0xC80];
	v34 =	vsel vm12, $0x3E, v34  }
0x1f2: {  	v37 =	vsel vm11, v43, v37;
	vm14 =	vgt.f32 v42, v36;
	vm4 =	vgt.f32 v42, v33  }
0x1f3: {  	vm15 =	vgt.f32 v42, v35;
	v40 =	vsel vm14, v36, v42;
	v41 =	vsel vm4, v33, v42  }
0x1f4: {  	v43 =	vnsel vm4, $0x3F, v34;
	v33 =	vsel vm4, v42, v33;
	v34 =	vsel vm4, $0x3F, v34  }
0x1f5: {  	v35 =	vsel vm15, v40, v35;
	v40 =	vnsel vm14, $0x3F, v37;
	v36 =	vsel vm14, v41, v36  }
0x1f6: {  	v37 =	vsel vm14, v43, v37;
	v38 =	vsel vm15, v40, v38;
	v40 =	vld [tilespmem:$0xC90];
	vm5 =	vgt.f32 v39, v36  }
0x1f7: {  	vm6 =	vgt.f32 v39, v33;
	vm7 =	vgt.f32 v39, v35;
	v41 =	vsel vm5, v36, v39  }
0x1f8: {  	v42 =	vsel vm6, v33, v39;
	v35 =	vsel vm7, v41, v35;
	v41 =	vnsel vm5, $0x40, v37  }
0x1f9: {  	v33 =	vsel vm6, v39, v33;
	v38 =	vsel vm7, v41, v38;
	v41 =	vnsel vm6, $0x40, v34  }
0x1fa: {  	v36 =	vsel vm5, v42, v36;
	v42 =	vld [tilespmem:$0xCA0];
	v34 =	vsel vm6, $0x40, v34;
	v37 =	vsel vm5, v41, v37  }
0x1fb: {  	vm8 =	vgt.f32 v40, v36;
	vm9 =	vgt.f32 v40, v33;
	vm10 =	vgt.f32 v40, v35  }
0x1fc: {  	v43 =	vsel vm8, v36, v40;
	v39 =	vsel vm9, v33, v40;
	v41 =	vnsel vm8, $0x41, v37  }
0x1fd: {  	v33 =	vsel vm9, v40, v33;
	v35 =	vsel vm10, v43, v35;
	v36 =	vsel vm8, v39, v36  }
0x1fe: {  	v43 =	vnsel vm9, $0x41, v34;
	v38 =	vsel vm10, v41, v38;
	v39 =	vld [tilespmem:$0xCB0];
	v34 =	vsel vm9, $0x41, v34  }
0x1ff: {  	v37 =	vsel vm8, v43, v37;
	vm11 =	vgt.f32 v42, v36;
	vm13 =	vgt.f32 v42, v33  }
0x200: {  	vm12 =	vgt.f32 v42, v35;
	v40 =	vsel vm11, v36, v42;
	v41 =	vsel vm13, v33, v42  }
0x201: {  	v43 =	vnsel vm13, $0x42, v34;
	v33 =	vsel vm13, v42, v33;
	v34 =	vsel vm13, $0x42, v34  }
0x202: {  	v35 =	vsel vm12, v40, v35;
	v40 =	vnsel vm11, $0x42, v37;
	v36 =	vsel vm11, v41, v36  }
0x203: {  	v37 =	vsel vm11, v43, v37;
	v38 =	vsel vm12, v40, v38;
	v40 =	vld [tilespmem:$0xCC0];
	vm14 =	vgt.f32 v39, v36  }
0x204: {  	vm15 =	vgt.f32 v39, v33;
	vm5 =	vgt.f32 v39, v35;
	v41 =	vsel vm14, v36, v39  }
0x205: {  	v42 =	vsel vm15, v33, v39;
	v35 =	vsel vm5, v41, v35;
	v41 =	vnsel vm14, $0x43, v37  }
0x206: {  	v33 =	vsel vm15, v39, v33;
	v38 =	vsel vm5, v41, v38;
	v41 =	vnsel vm15, $0x43, v34  }
0x207: {  	v36 =	vsel vm14, v42, v36;
	v42 =	vld [tilespmem:$0xCD0];
	v34 =	vsel vm15, $0x43, v34;
	v37 =	vsel vm14, v41, v37  }
0x208: {  	vm6 =	vgt.f32 v40, v36;
	vm7 =	vgt.f32 v40, v33;
	vm8 =	vgt.f32 v40, v35  }
0x209: {  	v43 =	vsel vm6, v36, v40;
	v39 =	vsel vm7, v33, v40;
	v41 =	vnsel vm6, $0x44, v37  }
0x20a: {  	v33 =	vsel vm7, v40, v33;
	v35 =	vsel vm8, v43, v35;
	v36 =	vsel vm6, v39, v36  }
0x20b: {  	v43 =	vnsel vm7, $0x44, v34;
	v38 =	vsel vm8, v41, v38;
	v39 =	vld [tilespmem:$0xCE0];
	v34 =	vsel vm7, $0x44, v34  }
0x20c: {  	v37 =	vsel vm6, v43, v37;
	vm9 =	vgt.f32 v42, v36;
	vm11 =	vgt.f32 v42, v33  }
0x20d: {  	vm10 =	vgt.f32 v42, v35;
	v40 =	vsel vm9, v36, v42;
	v41 =	vsel vm11, v33, v42  }
0x20e: {  	v43 =	vnsel vm11, $0x45, v34;
	v33 =	vsel vm11, v42, v33;
	v34 =	vsel vm11, $0x45, v34  }
0x20f: {  	v35 =	vsel vm10, v40, v35;
	v40 =	vnsel vm9, $0x45, v37;
	v36 =	vsel vm9, v41, v36  }
0x210: {  	v37 =	vsel vm9, v43, v37;
	v38 =	vsel vm10, v40, v38;
	v40 =	vld [tilespmem:$0xCF0];
	vm12 =	vgt.f32 v39, v36  }
0x211: {  	vm13 =	vgt.f32 v39, v33;
	vm14 =	vgt.f32 v39, v35;
	v41 =	vsel vm12, v36, v39  }
0x212: {  	v42 =	vsel vm13, v33, v39;
	v35 =	vsel vm14, v41, v35;
	v41 =	vnsel vm12, $0x46, v37  }
0x213: {  	v33 =	vsel vm13, v39, v33;
	v38 =	vsel vm14, v41, v38;
	v41 =	vnsel vm13, $0x46, v34  }
0x214: {  	v36 =	vsel vm12, v42, v36;
	v42 =	vld [tilespmem:$0xD00];
	v34 =	vsel vm13, $0x46, v34;
	v37 =	vsel vm12, v41, v37  }
0x215: {  	vm15 =	vgt.f32 v40, v36;
	vm6 =	vgt.f32 v40, v33;
	vm7 =	vgt.f32 v40, v35  }
0x216: {  	v43 =	vsel vm15, v36, v40;
	v39 =	vsel vm6, v33, v40;
	v41 =	vnsel vm15, $0x47, v37  }
0x217: {  	v33 =	vsel vm6, v40, v33;
	v35 =	vsel vm7, v43, v35;
	v36 =	vsel vm15, v39, v36  }
0x218: {  	v43 =	vnsel vm6, $0x47, v34;
	v38 =	vsel vm7, v41, v38;
	v39 =	vld [tilespmem:$0xD10];
	v34 =	vsel vm6, $0x47, v34  }
0x219: {  	v37 =	vsel vm15, v43, v37;
	vm8 =	vgt.f32 v42, v36;
	vm10 =	vgt.f32 v42, v33  }
0x21a: {  	vm9 =	vgt.f32 v42, v35;
	v40 =	vsel vm8, v36, v42;
	v41 =	vsel vm10, v33, v42  }
0x21b: {  	v43 =	vnsel vm10, $0x48, v34;
	v33 =	vsel vm10, v42, v33;
	v34 =	vsel vm10, $0x48, v34  }
0x21c: {  	v35 =	vsel vm9, v40, v35;
	v40 =	vnsel vm8, $0x48, v37;
	v36 =	vsel vm8, v41, v36  }
0x21d: {  	v37 =	vsel vm8, v43, v37;
	v38 =	vsel vm9, v40, v38;
	v40 =	vld [tilespmem:$0xD20];
	vm11 =	vgt.f32 v39, v36  }
0x21e: {  	vm12 =	vgt.f32 v39, v33;
	vm13 =	vgt.f32 v39, v35;
	v41 =	vsel vm11, v36, v39  }
0x21f: {  	v42 =	vsel vm12, v33, v39;
	v35 =	vsel vm13, v41, v35;
	v41 =	vnsel vm11, $0x49, v37  }
0x220: {  	v33 =	vsel vm12, v39, v33;
	v38 =	vsel vm13, v41, v38;
	v41 =	vnsel vm12, $0x49, v34  }
0x221: {  	v36 =	vsel vm11, v42, v36;
	v42 =	vld [tilespmem:$0xD30];
	v34 =	vsel vm12, $0x49, v34;
	v37 =	vsel vm11, v41, v37  }
0x222: {  	vm14 =	vgt.f32 v40, v36;
	vm15 =	vgt.f32 v40, v33;
	vm6 =	vgt.f32 v40, v35  }
0x223: {  	v43 =	vsel vm14, v36, v40;
	v39 =	vsel vm15, v33, v40;
	v41 =	vnsel vm14, $0x4A, v37  }
0x224: {  	v33 =	vsel vm15, v40, v33;
	v35 =	vsel vm6, v43, v35;
	v36 =	vsel vm14, v39, v36  }
0x225: {  	v43 =	vnsel vm15, $0x4A, v34;
	v38 =	vsel vm6, v41, v38;
	v39 =	vld [tilespmem:$0xD40];
	v34 =	vsel vm15, $0x4A, v34  }
0x226: {  	v37 =	vsel vm14, v43, v37;
	vm7 =	vgt.f32 v42, v36;
	vm9 =	vgt.f32 v42, v33  }
0x227: {  	vm8 =	vgt.f32 v42, v35;
	v40 =	vsel vm7, v36, v42;
	v41 =	vsel vm9, v33, v42  }
0x228: {  	v43 =	vnsel vm9, $0x4B, v34;
	v33 =	vsel vm9, v42, v33;
	v34 =	vsel vm9, $0x4B, v34  }
0x229: {  	v35 =	vsel vm8, v40, v35;
	v40 =	vnsel vm7, $0x4B, v37;
	v36 =	vsel vm7, v41, v36  }
0x22a: {  	v37 =	vsel vm7, v43, v37;
	v38 =	vsel vm8, v40, v38;
	v40 =	vld [tilespmem:$0xD50];
	vm10 =	vgt.f32 v39, v36  }
0x22b: {  	vm11 =	vgt.f32 v39, v33;
	vm12 =	vgt.f32 v39, v35;
	v41 =	vsel vm10, v36, v39  }
0x22c: {  	v42 =	vsel vm11, v33, v39;
	v35 =	vsel vm12, v41, v35;
	v41 =	vnsel vm10, $0x4C, v37  }
0x22d: {  	v33 =	vsel vm11, v39, v33;
	v38 =	vsel vm12, v41, v38;
	v41 =	vnsel vm11, $0x4C, v34  }
0x22e: {  	v36 =	vsel vm10, v42, v36;
	v42 =	vld [tilespmem:$0xD60];
	v34 =	vsel vm11, $0x4C, v34;
	v37 =	vsel vm10, v41, v37  }
0x22f: {  	vm13 =	vgt.f32 v40, v36;
	vm14 =	vgt.f32 v40, v33;
	vm15 =	vgt.f32 v40, v35  }
0x230: {  	v43 =	vsel vm13, v36, v40;
	v39 =	vsel vm14, v33, v40;
	v41 =	vnsel vm13, $0x4D, v37  }
0x231: {  	v33 =	vsel vm14, v40, v33;
	v35 =	vsel vm15, v43, v35;
	v36 =	vsel vm13, v39, v36  }
0x232: {  	v43 =	vnsel vm14, $0x4D, v34;
	v38 =	vsel vm15, v41, v38;
	v39 =	vld [tilespmem:$0xD70];
	v34 =	vsel vm14, $0x4D, v34  }
0x233: {  	v37 =	vsel vm13, v43, v37;
	vm5 =	vgt.f32 v42, v36;
	vm7 =	vgt.f32 v42, v33  }
0x234: {  	vm6 =	vgt.f32 v42, v35;
	v40 =	vsel vm5, v36, v42;
	v41 =	vsel vm7, v33, v42  }
0x235: {  	v43 =	vnsel vm7, $0x4E, v34;
	v33 =	vsel vm7, v42, v33;
	v34 =	vsel vm7, $0x4E, v34  }
0x236: {  	v35 =	vsel vm6, v40, v35;
	v40 =	vnsel vm5, $0x4E, v37;
	v36 =	vsel vm5, v41, v36  }
0x237: {  	v37 =	vsel vm5, v43, v37;
	v38 =	vsel vm6, v40, v38;
	v40 =	vld [tilespmem:$0xD80];
	vm8 =	vgt.f32 v39, v36  }
0x238: {  	vm9 =	vgt.f32 v39, v33;
	vm10 =	vgt.f32 v39, v35;
	v41 =	vsel vm8, v36, v39  }
0x239: {  	v42 =	vsel vm9, v33, v39;
	v35 =	vsel vm10, v41, v35;
	v41 =	vnsel vm8, $0x4F, v37  }
0x23a: {  	v33 =	vsel vm9, v39, v33;
	v38 =	vsel vm10, v41, v38;
	v41 =	vnsel vm9, $0x4F, v34  }
0x23b: {  	v36 =	vsel vm8, v42, v36;
	v42 =	vld [tilespmem:$0xD90];
	v34 =	vsel vm9, $0x4F, v34;
	v37 =	vsel vm8, v41, v37  }
0x23c: {  	vm11 =	vgt.f32 v40, v36;
	vm12 =	vgt.f32 v40, v33;
	vm13 =	vgt.f32 v40, v35  }
0x23d: {  	v43 =	vsel vm11, v36, v40;
	v39 =	vsel vm12, v33, v40;
	v41 =	vnsel vm11, $0x50, v37  }
0x23e: {  	v33 =	vsel vm12, v40, v33;
	v35 =	vsel vm13, v43, v35;
	v36 =	vsel vm11, v39, v36  }
0x23f: {  	v43 =	vnsel vm12, $0x50, v34;
	v38 =	vsel vm13, v41, v38;
	v39 =	vld [tilespmem:$0xDA0];
	v34 =	vsel vm12, $0x50, v34  }
0x240: {  	v37 =	vsel vm11, v43, v37;
	vm14 =	vgt.f32 v42, v36;
	vm4 =	vgt.f32 v42, v33  }
0x241: {  	vm15 =	vgt.f32 v42, v35;
	v40 =	vsel vm14, v36, v42;
	v41 =	vsel vm4, v33, v42  }
0x242: {  	v43 =	vnsel vm4, $0x51, v34;
	v33 =	vsel vm4, v42, v33;
	v34 =	vsel vm4, $0x51, v34  }
0x243: {  	v35 =	vsel vm15, v40, v35;
	v40 =	vnsel vm14, $0x51, v37;
	v36 =	vsel vm14, v41, v36  }
0x244: {  	v37 =	vsel vm14, v43, v37;
	v38 =	vsel vm15, v40, v38;
	v40 =	vld [tilespmem:$0xDB0];
	vm5 =	vgt.f32 v39, v36  }
0x245: {  	vm6 =	vgt.f32 v39, v33;
	vm7 =	vgt.f32 v39, v35;
	v41 =	vsel vm5, v36, v39  }
0x246: {  	v42 =	vsel vm6, v33, v39;
	v35 =	vsel vm7, v41, v35;
	v41 =	vnsel vm5, $0x52, v37  }
0x247: {  	v33 =	vsel vm6, v39, v33;
	v38 =	vsel vm7, v41, v38;
	v41 =	vnsel vm6, $0x52, v34  }
0x248: {  	v36 =	vsel vm5, v42, v36;
	v42 =	vld [tilespmem:$0xDC0];
	v34 =	vsel vm6, $0x52, v34;
	v37 =	vsel vm5, v41, v37  }
0x249: {  	vm8 =	vgt.f32 v40, v36;
	vm9 =	vgt.f32 v40, v33;
	vm10 =	vgt.f32 v40, v35  }
0x24a: {  	v43 =	vsel vm8, v36, v40;
	v39 =	vsel vm9, v33, v40;
	v41 =	vnsel vm8, $0x53, v37  }
0x24b: {  	v33 =	vsel vm9, v40, v33;
	v35 =	vsel vm10, v43, v35;
	v36 =	vsel vm8, v39, v36  }
0x24c: {  	v43 =	vnsel vm9, $0x53, v34;
	v38 =	vsel vm10, v41, v38;
	v39 =	vld [tilespmem:$0xDD0];
	v34 =	vsel vm9, $0x53, v34  }
0x24d: {  	v37 =	vsel vm8, v43, v37;
	vm11 =	vgt.f32 v42, v36;
	vm13 =	vgt.f32 v42, v33  }
0x24e: {  	vm12 =	vgt.f32 v42, v35;
	v40 =	vsel vm11, v36, v42;
	v41 =	vsel vm13, v33, v42  }
0x24f: {  	v43 =	vnsel vm13, $0x54, v34;
	v33 =	vsel vm13, v42, v33;
	v34 =	vsel vm13, $0x54, v34  }
0x250: {  	v35 =	vsel vm12, v40, v35;
	v40 =	vnsel vm11, $0x54, v37;
	v36 =	vsel vm11, v41, v36  }
0x251: {  	v37 =	vsel vm11, v43, v37;
	v38 =	vsel vm12, v40, v38;
	v40 =	vld [tilespmem:$0xDE0];
	vm14 =	vgt.f32 v39, v36  }
0x252: {  	vm15 =	vgt.f32 v39, v33;
	vm5 =	vgt.f32 v39, v35;
	v41 =	vsel vm14, v36, v39  }
0x253: {  	v42 =	vsel vm15, v33, v39;
	v35 =	vsel vm5, v41, v35;
	v41 =	vnsel vm14, $0x55, v37  }
0x254: {  	v33 =	vsel vm15, v39, v33;
	v38 =	vsel vm5, v41, v38;
	v41 =	vnsel vm15, $0x55, v34  }
0x255: {  	v36 =	vsel vm14, v42, v36;
	v42 =	vld [tilespmem:$0xDF0];
	v34 =	vsel vm15, $0x55, v34;
	v37 =	vsel vm14, v41, v37  }
0x256: {  	vm6 =	vgt.f32 v40, v36;
	vm7 =	vgt.f32 v40, v33;
	vm8 =	vgt.f32 v40, v35  }
0x257: {  	v43 =	vsel vm6, v36, v40;
	v39 =	vsel vm7, v33, v40;
	v41 =	vnsel vm6, $0x56, v37  }
0x258: {  	v33 =	vsel vm7, v40, v33;
	v35 =	vsel vm8, v43, v35;
	v36 =	vsel vm6, v39, v36  }
0x259: {  	v43 =	vnsel vm7, $0x56, v34;
	v38 =	vsel vm8, v41, v38;
	v39 =	vld [tilespmem:$0xE00];
	v34 =	vsel vm7, $0x56, v34  }
0x25a: {  	v37 =	vsel vm6, v43, v37;
	vm9 =	vgt.f32 v42, v36;
	vm11 =	vgt.f32 v42, v33  }
0x25b: {  	vm10 =	vgt.f32 v42, v35;
	v40 =	vsel vm9, v36, v42;
	v41 =	vsel vm11, v33, v42  }
0x25c: {  	v43 =	vnsel vm11, $0x57, v34;
	v33 =	vsel vm11, v42, v33;
	v34 =	vsel vm11, $0x57, v34  }
0x25d: {  	v35 =	vsel vm10, v40, v35;
	v40 =	vnsel vm9, $0x57, v37;
	v36 =	vsel vm9, v41, v36  }
0x25e: {  	v37 =	vsel vm9, v43, v37;
	v38 =	vsel vm10, v40, v38;
	v40 =	vld [tilespmem:$0xE10];
	vm12 =	vgt.f32 v39, v36  }
0x25f: {  	vm13 =	vgt.f32 v39, v33;
	vm14 =	vgt.f32 v39, v35;
	v41 =	vsel vm12, v36, v39  }
0x260: {  	v42 =	vsel vm13, v33, v39;
	v35 =	vsel vm14, v41, v35;
	v41 =	vnsel vm12, $0x58, v37  }
0x261: {  	v33 =	vsel vm13, v39, v33;
	v38 =	vsel vm14, v41, v38;
	v41 =	vnsel vm13, $0x58, v34  }
0x262: {  	v36 =	vsel vm12, v42, v36;
	v42 =	vld [tilespmem:$0xE20];
	v34 =	vsel vm13, $0x58, v34;
	v37 =	vsel vm12, v41, v37  }
0x263: {  	vm15 =	vgt.f32 v40, v36;
	vm6 =	vgt.f32 v40, v33;
	vm7 =	vgt.f32 v40, v35  }
0x264: {  	v43 =	vsel vm15, v36, v40;
	v39 =	vsel vm6, v33, v40;
	v41 =	vnsel vm15, $0x59, v37  }
0x265: {  	v33 =	vsel vm6, v40, v33;
	v35 =	vsel vm7, v43, v35;
	v36 =	vsel vm15, v39, v36  }
0x266: {  	v43 =	vnsel vm6, $0x59, v34;
	v38 =	vsel vm7, v41, v38;
	v39 =	vld [tilespmem:$0xE30];
	v34 =	vsel vm6, $0x59, v34  }
0x267: {  	v37 =	vsel vm15, v43, v37;
	vm8 =	vgt.f32 v42, v36;
	vm10 =	vgt.f32 v42, v33  }
0x268: {  	vm9 =	vgt.f32 v42, v35;
	v40 =	vsel vm8, v36, v42;
	v41 =	vsel vm10, v33, v42  }
0x269: {  	v43 =	vnsel vm10, $0x5A, v34;
	v33 =	vsel vm10, v42, v33;
	v34 =	vsel vm10, $0x5A, v34  }
0x26a: {  	v35 =	vsel vm9, v40, v35;
	v40 =	vnsel vm8, $0x5A, v37;
	v36 =	vsel vm8, v41, v36  }
0x26b: {  	v37 =	vsel vm8, v43, v37;
	v38 =	vsel vm9, v40, v38;
	v40 =	vld [tilespmem:$0xE40];
	vm11 =	vgt.f32 v39, v36  }
0x26c: {  	vm12 =	vgt.f32 v39, v33;
	vm13 =	vgt.f32 v39, v35;
	v41 =	vsel vm11, v36, v39  }
0x26d: {  	v42 =	vsel vm12, v33, v39;
	v35 =	vsel vm13, v41, v35;
	v41 =	vnsel vm11, $0x5B, v37  }
0x26e: {  	v33 =	vsel vm12, v39, v33;
	v38 =	vsel vm13, v41, v38;
	v41 =	vnsel vm12, $0x5B, v34  }
0x26f: {  	v36 =	vsel vm11, v42, v36;
	v42 =	vld [tilespmem:$0xE50];
	v34 =	vsel vm12, $0x5B, v34;
	v37 =	vsel vm11, v41, v37  }
0x270: {  	vm14 =	vgt.f32 v40, v36;
	vm15 =	vgt.f32 v40, v33;
	vm6 =	vgt.f32 v40, v35  }
0x271: {  	v43 =	vsel vm14, v36, v40;
	v39 =	vsel vm15, v33, v40;
	v41 =	vnsel vm14, $0x5C, v37  }
0x272: {  	v33 =	vsel vm15, v40, v33;
	v35 =	vsel vm6, v43, v35;
	v36 =	vsel vm14, v39, v36  }
0x273: {  	v43 =	vnsel vm15, $0x5C, v34;
	v38 =	vsel vm6, v41, v38;
	v39 =	vld [tilespmem:$0xE60];
	v34 =	vsel vm15, $0x5C, v34  }
0x274: {  	v37 =	vsel vm14, v43, v37;
	vm7 =	vgt.f32 v42, v36;
	vm9 =	vgt.f32 v42, v33  }
0x275: {  	vm8 =	vgt.f32 v42, v35;
	v40 =	vsel vm7, v36, v42;
	v41 =	vsel vm9, v33, v42  }
0x276: {  	v43 =	vnsel vm9, $0x5D, v34;
	v33 =	vsel vm9, v42, v33;
	v34 =	vsel vm9, $0x5D, v34  }
0x277: {  	v35 =	vsel vm8, v40, v35;
	v40 =	vnsel vm7, $0x5D, v37;
	v36 =	vsel vm7, v41, v36  }
0x278: {  	v37 =	vsel vm7, v43, v37;
	v38 =	vsel vm8, v40, v38;
	v40 =	vld [tilespmem:$0xE70];
	vm10 =	vgt.f32 v39, v36  }
0x279: {  	vm11 =	vgt.f32 v39, v33;
	vm12 =	vgt.f32 v39, v35;
	v41 =	vsel vm10, v36, v39  }
0x27a: {  	v42 =	vsel vm11, v33, v39;
	v35 =	vsel vm12, v41, v35;
	v41 =	vnsel vm10, $0x5E, v37  }
0x27b: {  	v33 =	vsel vm11, v39, v33;
	v38 =	vsel vm12, v41, v38;
	v41 =	vnsel vm11, $0x5E, v34  }
0x27c: {  	v36 =	vsel vm10, v42, v36;
	v34 =	vsel vm11, $0x5E, v34;
	v37 =	vsel vm10, v41, v37  }
0x27d: {  	vm13 =	vgt.f32 v40, v33;
	vm14 =	vgt.f32 v40, v36;
	vm15 =	vgt.f32 v40, v35  }
0x27e: {  	v39 =	vsel vm13, v33, v40;
	v33 =	vsel vm13, v40, v33;
	v40 =	vsel vm14, v36, v40  }
0x27f: {  	v41 =	vnsel vm13, $0x5F, v34;
	v34 =	vcvt.s32.f32 v34;
	v36 =	vsel vm14, v39, v36;
	[tilespmem:$0x1080] =	vst v33  }
0x280: {  	v42 =	vnsel vm14, $0x5F, v37;
	v35 =	vsel vm15, v40, v35;
	v33 =	vsel vm14, v41, v37;
	[tilespmem:$0x1100] =	vst v36  }
0x281: {  	v36 =	vsel vm15, v42, v38;
	[tilespmem:$0x1180] =	vst v35;
	v34 =	vsel vm13, $0x42BE0000, v34;
	v33 =	vcvt.s32.f32 v33  }
0x282: {  	[tilespmem:$0x1280] =	vst v34;
	v43 =	vcvt.s32.f32 v36  }
0x283: {  	[tilespmem:$0x1300] =	vst v33  }
0x284: {  	s11 =	rddreg [dreg:$0x4];
	[tilespmem:$0x1380] =	vst v43  }
0x285: {  	[hbm4b:s11+s2] =	stream.linear.scatter [tilespmem:s26], [sflag:$0x2], $0x10, $0x38;
	[tilespmem:$0x1480] =	vst v63  }
0x286: {  	_ =	swait.ge [sflag:s5], $0x10  }
0x287: {  	[sflag:s5] =	ssyncset.done $0x0  }
0x288: {  	s15 =	rddreg [dreg:$0x5];
	[sflag:s5] =	ssyncadd.s32 $0xFFFFFFF0  }
0x289: {  	[hbm4b:s15+s2] =	stream.linear.scatter [tilespmem:s28], [sflag:$0x2], $0x10, $0x38;
	[tilespmem:$0x1480] =	vst v63  }
0x28a: {  	_ =	swait.ge [sflag:s5], $0x10  }
0x28b: {  	[sflag:s5] =	ssyncset.done $0x0  }
0x28c: {  	s16 =	rddreg [dreg:$0x6];
	[sflag:s5] =	ssyncadd.s32 $0xFFFFFFF0  }
0x28d: {  	[hbm4b:s16+s2] =	stream.linear.scatter [tilespmem:s29], [sflag:$0x2], $0x10, $0x38;
	[tilespmem:$0x1480] =	vst v63  }
0x28e: {  	_ =	swait.ge [sflag:s5], $0x10  }
0x28f: {  	[sflag:s5] =	ssyncset.done $0x0  }
0x290: {  	s11 =	rddreg [dreg:$0x7];
	[sflag:s5] =	ssyncadd.s32 $0xFFFFFFF0  }
0x291: {  	[hbm4b:s11+s2] =	stream.linear.scatter [tilespmem:s30], [sflag:$0x2], $0x10, $0x38;
	[tilespmem:$0x1480] =	vst v63  }
0x292: {  	_ =	swait.ge [sflag:s5], $0x10  }
0x293: {  	[sflag:s5] =	ssyncset.done $0x0  }
0x294: {  	s15 =	rddreg [dreg:$0x8];
	[sflag:s5] =	ssyncadd.s32 $0xFFFFFFF0  }
0x295: {  	[hbm4b:s15+s2] =	stream.linear.scatter [tilespmem:s31], [sflag:$0x2], $0x10, $0x38;
	[tilespmem:$0x1480] =	vst v63  }
0x296: {  	_ =	swait.ge [sflag:s5], $0x10  }
0x297: {  	p0 =	sne.s32 s4, $0x1;
	[sflag:s5] =	ssyncset.done $0x0  }
.Ltmp0:
0x298: {  	s16 =	rddreg [dreg:$0x9];
	[sflag:s5] =	ssyncadd.s32 $0xFFFFFFF0;
	(pc) =	sbr.rel @p0 .LBB2_1-.Ltmp0, $4  }
0x299: {  	[hbm4b:s16+s2] =	stream.linear.scatter [tilespmem:s1], [sflag:$0x2], $0x10, $0x38;
	[tilespmem:$0x1480] =	vst v63  }
0x29a: {  	_ =	swait.ge [sflag:s5], $0x10  }
0x29b: {  	[sflag:s5] =	ssyncset.done $0x0  }
0x29c: {  	s4 =	sadd.s32 $0xFFFFFFFF, s4;
	[sflag:s5] =	ssyncadd.s32 $0xFFFFFFF0  }
0x29d: {  	_ =	sfence.sel $0x180000  }
0x29e: {  	[bflag:$0x0] =	sbarrier.arrive $0xFFFF  }
0x29f: {  	_ =	strace $0x90000047  }
0x2a0: {  	s0 =	stileid.u32;
	[bflag:$0x2] =	sbarrier.arrive $0xFFFF  }
0x2a1: {  	p0 =	sne.s32 s0, $0x0;
	s0 =	rddreg [dreg:$0x2]  }
0x2a2: {  	s0 =	sadd.s32 @!p0 $0x100000, s0  }
0x2a3: {  	[sflag:s0] =	ssyncadd.tile.s32 @!p0 $0x1;
	_ =	shalt  }
.Lfunc_end2:
_tile_overlayer_lowered:
.L_overlay_start_2:
0x2a4: {  	(tag) =	ssettag $0x2  }
0x2a5: {  	s0 =	rddreg [dreg:$0x0];
	s2 =	stileid.u32  }
0x2a6: {  	s1 =	rddreg [dreg:$0x1];
	p0 =	sne.s32 s2, $0x0  }
0x2a7: {  	s3 =	rddreg [dreg:$0x2];
	[bflag:$0x3] =	sbarrier.arrive $0xFFFF;
	s2 =	simm.s32 @!p0 $0x1C02  }
0x2a8: {  	[timem:s3], [sflag:s2] =	dma.local @!p0 [hbm:s0], s1  }
0x2a9: {  	s0 =	simm.s32 @!p0 $0x2  }
0x2aa: {  	_ =	swait.ge @!p0 [sflag:s0], s1  }
0x2ab: {  	s1 =	ssub.s32 @!p0 $0x0, s1;
	[sflag:s0] =	ssyncset.done @!p0 $0x0  }
0x2ac: {  	[sflag:s0] =	ssyncadd.s32 @!p0 s1  }
0x2ad: {  	[bflag:$0x3] =	sbarrier.arrive $0xFFFF  }
0x2ae: {  	_ =	shalt  }

</sc_bundles>
